<compile_context>
chip_gen: v7x
topology: tpu7x:2x2x1
jax: 0.10.2.dev20260603
libtpu: 0.0.44.dev20260713+nightly
codegen_flags: <defaults>
</compile_context>

<pallas_src>
import dataclasses
import functools

import jax
import jax.numpy as jnp
from jax import lax
from jax.experimental import pallas as pl
from jax.experimental.pallas import tpu as pltpu
from jax.experimental.pallas import tpu_sc as plsc

N = 10000
E = 320000
D = 128
EB = 128
N_CORES = 2
N_SUB = 16
NTILES = N_CORES * N_SUB
BPT = 80
E_PAD = NTILES * BPT * EB
NB = E_PAD // EB
N_PAD = 10240
ROWS_PER_SUB = N_PAD // N_SUB
G = 8
CH = BPT // G
BPT0 = 112
BPT1 = 48

_mesh = plsc.VectorSubcoreMesh(core_axis_name="c", subcore_axis_name="s")

_sc_params = pltpu.CompilerParams()
if "needs_layout_passes" in pltpu.CompilerParams.__dataclass_fields__:
    _sc_params = dataclasses.replace(_sc_params, needs_layout_passes=False)


def _full16(v):
    return jnp.full((16,), v, jnp.int32)


@functools.partial(
    pl.kernel,
    out_type=jax.ShapeDtypeStruct((NTILES * N,), jnp.float32),
    mesh=_mesh,
    scratch_types=[
        pltpu.VMEM((BPT * 3, EB), jnp.int32),
        pltpu.VMEM((N,), jnp.float32),
    ],
    compiler_params=_sc_params,
)
def _deg_sc(pk_hbm, deg_out, pbuf, deg_l):
    wid = lax.axis_index("c") * N_SUB + lax.axis_index("s")
    base = wid * BPT * 3
    pltpu.sync_copy(pk_hbm.at[pl.ds(base, BPT * 3)], pbuf)
    zero16 = jnp.zeros((16,), jnp.float32)

    @pl.loop(0, N // 16)
    def _(i):
        deg_l[pl.ds(i * 16, 16)] = zero16

    @pl.loop(0, BPT)
    def _(b):
        for k in range(EB // 16):
            sl = pl.ds(k * 16, 16)
            w16 = plsc.bitcast(pbuf[3 * b + 2, sl], jnp.float32)
            plsc.addupdate_scatter(deg_l, [pbuf[3 * b + 1, sl]], w16)

    pltpu.sync_copy(deg_l, deg_out.at[pl.ds(wid * N, N)])


@functools.partial(
    pl.kernel,
    out_type=jax.ShapeDtypeStruct((N_CORES, N_PAD, D), jnp.float32),
    mesh=_mesh,
    scratch_types=[
        pltpu.VMEM((G * 3, EB), jnp.int32),
        pltpu.VMEM((G * 3, EB), jnp.int32),
        pltpu.VMEM((EB,), jnp.int32),
        pltpu.VMEM((EB, D), jnp.float32),
        pltpu.VMEM((EB, D), jnp.float32),
        pltpu.VMEM_SHARED((N_PAD, D), jnp.float32),
        pltpu.SemaphoreType.DMA,
        pltpu.SemaphoreType.DMA,
        pltpu.SemaphoreType.DMA,
        pltpu.SemaphoreType.DMA,
    ],
    compiler_params=_sc_params,
)
def _agg_sc(y_hbm, pk_hbm, out_hbm,
            pb0, pb1, qidx, r0, r1, acc, g0, g1, i0, i1):
    cid = lax.axis_index("c")
    sid = lax.axis_index("s")
    is0 = cid == 0
    base_b = jnp.where(is0, sid * BPT0, N_SUB * BPT0 + sid * BPT1)
    npairs = jnp.where(is0, BPT0 // (2 * G), BPT1 // (2 * G))
    rbase = sid * ROWS_PER_SUB
    rows = (r0, r1)
    gsem = (g0, g1)

    zero16 = jnp.zeros((16,), jnp.float32)

    @pl.loop(0, EB)
    def _(e):
        for k in range(D // 16):
            r0[e, pl.ds(k * 16, 16)] = zero16

    def set_qidx(q):
        first = rbase + q * EB

        @pl.loop(0, EB // 16)
        def _(t):
            qidx[pl.ds(t * 16, 16)] = _full16(first + t * 16) + lax.iota(
                jnp.int32, 16)

    for q in range(ROWS_PER_SUB // EB):
        set_qidx(q)
        pltpu.sync_copy(r0, acc.at[qidx])
    plsc.subcore_barrier()

    def issue(pb, b, r):
        pltpu.async_copy(y_hbm.at[pb.at[3 * b]], rows[r], gsem[r])

    def do_batch(pb, b, r):
        pltpu.make_async_copy(y_hbm.at[pb.at[3 * b]], rows[r], gsem[r]).wait()

        @pl.loop(0, EB // 2)
        def _(ep):
            for dd in range(2):
                e = ep * 2 + dd
                spl = plsc.bitcast(
                    plsc.load_gather(pb, [_full16(3 * b + 2), _full16(e)]),
                    jnp.float32)
                for k in range(D // 16):
                    sl = pl.ds(k * 16, 16)
                    rows[r][e, sl] = rows[r][e, sl] * spl

        pltpu.sync_copy(rows[r], acc.at[pb.at[3 * b + 1]], add=True)

    @pl.loop(0, npairs)
    def _(p):
        cb = (base_b + 2 * p * G) * 3
        cp0 = pltpu.make_async_copy(pk_hbm.at[pl.ds(cb, G * 3)], pb0, i0)
        cp1 = pltpu.make_async_copy(pk_hbm.at[pl.ds(cb + G * 3, G * 3)], pb1, i1)
        cp0.start()
        cp1.start()
        cp0.wait()
        issue(pb0, 0, 0)
        issue(pb0, 1, 1)

        @pl.loop(0, G // 2 - 1)
        def _(bp):
            b0 = 2 * bp
            do_batch(pb0, b0, 0)
            issue(pb0, b0 + 2, 0)
            do_batch(pb0, b0 + 1, 1)
            issue(pb0, b0 + 3, 1)

        cp1.wait()
        do_batch(pb0, G - 2, 0)
        issue(pb1, 0, 0)
        do_batch(pb0, G - 1, 1)
        issue(pb1, 1, 1)

        @pl.loop(0, G // 2 - 1)
        def _(bp):
            b0 = 2 * bp
            do_batch(pb1, b0, 0)
            issue(pb1, b0 + 2, 0)
            do_batch(pb1, b0 + 1, 1)
            issue(pb1, b0 + 3, 1)

        do_batch(pb1, G - 2, 0)
        do_batch(pb1, G - 1, 1)

    plsc.subcore_barrier()

    nq = ROWS_PER_SUB // EB
    for q in range(nq):
        r = rows[q % 2]
        if q >= 2:
            pltpu.make_async_copy(
                r, out_hbm.at[cid, pl.ds(rbase + (q - 2) * EB, EB)],
                gsem[q % 2]).wait()
        set_qidx(q)
        pltpu.sync_copy(acc.at[qidx], r)
        pltpu.async_copy(r, out_hbm.at[cid, pl.ds(rbase + q * EB, EB)],
                         gsem[q % 2])
    for q in range(nq - 2, nq):
        pltpu.make_async_copy(
            rows[q % 2], out_hbm.at[cid, pl.ds(rbase + q * EB, EB)],
            gsem[q % 2]).wait()


def _lin_body(deg_ref, x_ref, w_ref, y_ref, dis_ref):
    deg = jnp.sum(deg_ref[...], axis=0) + 1.0
    dis = jnp.where(deg > 0, lax.rsqrt(deg), 0.0)
    y_ref[...] = jnp.dot(x_ref[...], w_ref[...],
                         preferred_element_type=jnp.float32) * dis[:, None]
    dis_ref[...] = dis[:, None]


def _linear(deg_parts, x, W):
    return pl.pallas_call(
        _lin_body,
        out_shape=[jax.ShapeDtypeStruct((N, D), jnp.float32),
                   jax.ShapeDtypeStruct((N, 1), jnp.float32)],
    )(deg_parts, x, W)


def _epi_body(x_ref, y_ref, acc_ref, dis_ref, b_ref, o_ref):
    a = acc_ref[0] + acc_ref[1] + y_ref[...]
    pre = dis_ref[...] * a + b_ref[...]
    o_ref[...] = x_ref[...] + jnp.maximum(pre, 0.0)


def _epilogue(x, y, acc, dis, b2):
    blk = 1000
    grid = N // blk
    return pl.pallas_call(
        _epi_body,
        grid=(grid,),
        in_specs=[
            pl.BlockSpec((blk, D), lambda i: (i, 0)),
            pl.BlockSpec((blk, D), lambda i: (i, 0)),
            pl.BlockSpec((N_CORES, blk, D), lambda i: (0, i, 0)),
            pl.BlockSpec((blk, 1), lambda i: (i, 0)),
            pl.BlockSpec((1, D), lambda i: (0, 0)),
        ],
        out_specs=pl.BlockSpec((blk, D), lambda i: (i, 0)),
        out_shape=jax.ShapeDtypeStruct((N, D), jnp.float32),
    )(x, y, acc, dis, b2)


def kernel(x, edge_index, edge_attr, W, b):
    pad = E_PAD - E
    src = jnp.concatenate([edge_index[0].astype(jnp.int32),
                           jnp.zeros((pad,), jnp.int32)]).reshape(NB, EB)
    dst = jnp.concatenate([edge_index[1].astype(jnp.int32),
                           jnp.zeros((pad,), jnp.int32)]).reshape(NB, EB)
    ewb = lax.bitcast_convert_type(
        jnp.concatenate([edge_attr.astype(jnp.float32),
                         jnp.zeros((pad,), jnp.float32)]),
        jnp.int32).reshape(NB, EB)
    packed = jnp.stack([src, dst, ewb], axis=1).reshape(NB * 3, EB)

    deg_parts = _deg_sc(packed).reshape(NTILES, N)
    y, dis = _linear(deg_parts, x, W)
    acc = _agg_sc(y, packed)
    return _epilogue(x, y, acc, dis, b.reshape(1, D))

# --- scband reference (transcript-rebuilt; emitter-appended) ---
"""Pipeline reference for scband-gnnmodel-62921270886996 (READ-ONLY COPY).

The authoritative reference and input builder live on the scoring server;
editing this copy changes nothing except your own understanding.
"""

import jax, jax.numpy as jnp
import numpy as np

N_NODES = 10000
N_EDGES = 320000
D_FEAT = 128
DIM = 128


def setup_inputs(seed: int = 0) -> dict:
    key = jax.random.key(seed)
    k1, k2, k3, k4, k5 = jax.random.split(key, 5)
    x = jax.random.normal(k1, (N_NODES, D_FEAT), dtype=jnp.float32)
    edge_index = jax.random.randint(k2, (2, N_EDGES), 0, N_NODES, dtype=jnp.int64)
    edge_attr = jax.random.uniform(k3, (N_EDGES,), dtype=jnp.float32)
    # GCNConv parameters (glorot init for weight, zeros for bias, as in PyG)
    limit = float(np.sqrt(6.0 / (D_FEAT + DIM)))
    W = jax.random.uniform(k4, (D_FEAT, DIM), dtype=jnp.float32, minval=-limit, maxval=limit)
    b = jnp.zeros((DIM,), dtype=jnp.float32)
    return {"x": x, "edge_index": edge_index, "edge_attr": edge_attr, "W": W, "b": b}


def _gcn_conv(x, edge_index, edge_weight, W, b):
    # Faithful GCNConv (PyG semantics): add self-loops with weight 1,
    # symmetric normalization D^{-1/2} A_hat D^{-1/2}, linear transform, scatter-add aggregation.
    n = x.shape[0]
    x_lin = x @ W
    src = edge_index[0]
    dst = edge_index[1]
    loop = jnp.arange(n, dtype=edge_index.dtype)
    src = jnp.concatenate([src, loop])
    dst = jnp.concatenate([dst, loop])
    ew = jnp.concatenate([edge_weight, jnp.ones((n,), dtype=edge_weight.dtype)])
    deg = jnp.zeros((n,), dtype=x_lin.dtype).at[dst].add(ew)
    deg_inv_sqrt = jnp.where(deg > 0, 1.0 / jnp.sqrt(deg), 0.0)
    norm = deg_inv_sqrt[src] * ew * deg_inv_sqrt[dst]
    msg = x_lin[src] * norm[:, None]
    out = jnp.zeros_like(x_lin).at[dst].add(msg)
    return out + b


def reference(x, edge_index, edge_attr, W, b):
    x1 = jax.nn.relu(_gcn_conv(x, edge_index, edge_attr, W, b))
    return x + x1

if __name__ == "__main__":
    import jax
    _d = setup_inputs()
    print(jax.jit(kernel)(*tuple(_d.values())))

</pallas_src>

<mosaic_0001>
#map = affine_map<(d0, d1) -> (0, 0)>
#map1 = affine_map<(d0, d1) -> (0)>
module attributes {stable_mosaic.version = 14 : i64} {
  func.func @_deg_sc(%arg0: i32, %arg1: i32, %arg2: memref<7680x128xi32, #tpu.memory_space<hbm>>, %arg3: memref<320000xf32, #tpu.memory_space<hbm>>, %arg4: memref<240x128xi32, #tpu.memory_space<vmem>>, %arg5: memref<10000xf32, #tpu.memory_space<vmem>>) attributes {dimension_semantics = [#tpu.dimension_semantics<core_parallel>, #tpu.dimension_semantics<subcore_parallel>], iteration_bounds = array<i64: 2, 16>, scalar_prefetch = 0 : i64, scratch_operands = 2 : i64, tpu.core_type = #tpu.core_type<sc_vector_subcore>, window_params = [{transform_indices = #map}, {transform_indices = #map1}]} {
    %mul3A = arith.constant 16 : i32
    %mul3A_0 = arith.muli %arg0, %mul3A : i32
    %add3A = arith.addi %mul3A_0, %arg1 : i32
    %mul3A_1 = arith.constant 80 : i32
    %mul3A_2 = arith.muli %add3A, %mul3A_1 : i32
    %mul3A_3 = arith.constant 3 : i32
    %mul3A_4 = arith.muli %mul3A_2, %mul3A_3 : i32
    "tpu.region"() ({
      %run_scoped3A = tpu.sem_alloc : memref<!tpu.dma_semaphore, #tpu.memory_space<semaphore_mem>>
      %dma_start3A = arith.constant 0 : i32
      %dma_start3A_17 = tpu.memref_slice %arg2[%mul3A_4, %dma_start3A] : memref<7680x128xi32, #tpu.memory_space<hbm>> -> memref<240x128xi32, #tpu.memory_space<hbm>>
      %dma_start3A_18 = arith.constant 0 : i32
      %dma_start3A_19 = tpu.memref_slice %arg2[%mul3A_4, %dma_start3A_18] : memref<7680x128xi32, #tpu.memory_space<hbm>> -> memref<240x128xi32, #tpu.memory_space<hbm>>
      tpu.enqueue_dma source(%dma_start3A_19 : memref<240x128xi32, #tpu.memory_space<hbm>>) target(%arg4 : memref<240x128xi32, #tpu.memory_space<vmem>>) target_semaphore(%run_scoped3A : memref<!tpu.dma_semaphore, #tpu.memory_space<semaphore_mem>>)
      %dma_wait3A = arith.constant 0 : i32
      %dma_wait3A_20 = tpu.memref_slice %arg2[%mul3A_4, %dma_wait3A] : memref<7680x128xi32, #tpu.memory_space<hbm>> -> memref<240x128xi32, #tpu.memory_space<hbm>>
      %dma_wait3A_21 = arith.constant 0 : i32
      %dma_wait3A_22 = tpu.memref_slice %arg2[%mul3A_4, %dma_wait3A_21] : memref<7680x128xi32, #tpu.memory_space<hbm>> -> memref<240x128xi32, #tpu.memory_space<hbm>>
      tpu.wait_dma2 semaphore(%run_scoped3A : memref<!tpu.dma_semaphore, #tpu.memory_space<semaphore_mem>>) src(%dma_wait3A_22 : memref<240x128xi32, #tpu.memory_space<hbm>>) dst(%arg4 : memref<240x128xi32, #tpu.memory_space<vmem>>)
      tpu.yield
    }) : () -> ()
    %broadcast_in_dim3A = arith.constant 0.000000e+00 : f32
    %broadcast_in_dim3A_5 = vector.broadcast %broadcast_in_dim3A : f32 to vector<16xf32>
    %scan3A = arith.constant 0 : i32
    %scan3A_6 = arith.constant 625 : i32
    %scan3A_7 = arith.addi %scan3A, %scan3A_6 : i32
    %scan3A_8 = arith.constant 1 : i32
    scf.for %scan3A_17 = %scan3A to %scan3A_7 step %scan3A_8  : i32 {
      %mul3A_18 = arith.constant 1 : i32
      %mul3A_19 = arith.muli %scan3A_17, %mul3A_18 : i32
      %add3A_20 = arith.constant 0 : i32
      %add3A_21 = arith.addi %add3A_20, %mul3A_19 : i32
      %mul3A_22 = arith.constant 16 : i32
      %mul3A_23 = arith.muli %add3A_21, %mul3A_22 : i32
      %swap3A = arith.index_cast %mul3A_23 : i32 to index
      %swap3A_24 = tpu.vector_load %arg5[%swap3A] {strides = array<i32>} : memref<10000xf32, #tpu.memory_space<vmem>>, vector<16xf32>,
      tpu.vector_store %arg5[%swap3A], %broadcast_in_dim3A_5 {strides = array<i32>} : memref<10000xf32, #tpu.memory_space<vmem>>, vector<16xf32>,
    }
    %scan3A_9 = arith.constant 625 : i32
    %scan3A_10 = arith.constant 0 : i32
    %scan3A_11 = arith.constant 80 : i32
    %scan3A_12 = arith.addi %scan3A_10, %scan3A_11 : i32
    %scan3A_13 = arith.constant 1 : i32
    scf.for %scan3A_17 = %scan3A_10 to %scan3A_12 step %scan3A_13  : i32 {
      %mul3A_18 = arith.constant 1 : i32
      %mul3A_19 = arith.muli %scan3A_17, %mul3A_18 : i32
      %add3A_20 = arith.constant 0 : i32
      %add3A_21 = arith.addi %add3A_20, %mul3A_19 : i32
      %mul3A_22 = arith.constant 3 : i32
      %mul3A_23 = arith.muli %mul3A_22, %add3A_21 : i32
      %add3A_24 = arith.constant 2 : i32
      %add3A_25 = arith.addi %mul3A_23, %add3A_24 : i32
      %get3A = arith.index_cast %add3A_25 : i32 to index
      %get3A_26 = arith.constant 0 : index
      %get3A_27 = tpu.vector_load %arg4[%get3A, %get3A_26] {strides = array<i32>} : memref<240x128xi32, #tpu.memory_space<vmem>>, vector<16xi32>,
      %bitcast3A = vector.bitcast %get3A_27 : vector<16xi32> to vector<16xf32>
      %mul3A_28 = arith.constant 3 : i32
      %mul3A_29 = arith.muli %mul3A_28, %add3A_21 : i32
      %add3A_30 = arith.constant 1 : i32
      %add3A_31 = arith.addi %mul3A_29, %add3A_30 : i32
      %get3A_32 = arith.index_cast %add3A_31 : i32 to index
      %get3A_33 = arith.constant 0 : index
      %get3A_34 = tpu.vector_load %arg4[%get3A_32, %get3A_33] {strides = array<i32>} : memref<240x128xi32, #tpu.memory_space<vmem>>, vector<16xi32>,
      tpu.vector_store_idx %arg5[%get3A_34], %bitcast3A {add = true} : memref<10000xf32, #tpu.memory_space<vmem>>[vector<16xi32>], vector<16xf32>,
      %mul3A_35 = arith.constant 3 : i32
      %mul3A_36 = arith.muli %mul3A_35, %add3A_21 : i32
      %add3A_37 = arith.constant 2 : i32
      %add3A_38 = arith.addi %mul3A_36, %add3A_37 : i32
      %get3A_39 = arith.index_cast %add3A_38 : i32 to index
      %get3A_40 = arith.constant 16 : index
      %get3A_41 = tpu.vector_load %arg4[%get3A_39, %get3A_40] {strides = array<i32>} : memref<240x128xi32, #tpu.memory_space<vmem>>, vector<16xi32>,
      %bitcast3A_42 = vector.bitcast %get3A_41 : vector<16xi32> to vector<16xf32>
      %mul3A_43 = arith.constant 3 : i32
      %mul3A_44 = arith.muli %mul3A_43, %add3A_21 : i32
      %add3A_45 = arith.constant 1 : i32
      %add3A_46 = arith.addi %mul3A_44, %add3A_45 : i32
      %get3A_47 = arith.index_cast %add3A_46 : i32 to index
      %get3A_48 = arith.constant 16 : index
      %get3A_49 = tpu.vector_load %arg4[%get3A_47, %get3A_48] {strides = array<i32>} : memref<240x128xi32, #tpu.memory_space<vmem>>, vector<16xi32>,
      tpu.vector_store_idx %arg5[%get3A_49], %bitcast3A_42 {add = true} : memref<10000xf32, #tpu.memory_space<vmem>>[vector<16xi32>], vector<16xf32>,
      %mul3A_50 = arith.constant 3 : i32
      %mul3A_51 = arith.muli %mul3A_50, %add3A_21 : i32
      %add3A_52 = arith.constant 2 : i32
      %add3A_53 = arith.addi %mul3A_51, %add3A_52 : i32
      %get3A_54 = arith.index_cast %add3A_53 : i32 to index
      %get3A_55 = arith.constant 32 : index
      %get3A_56 = tpu.vector_load %arg4[%get3A_54, %get3A_55] {strides = array<i32>} : memref<240x128xi32, #tpu.memory_space<vmem>>, vector<16xi32>,
      %bitcast3A_57 = vector.bitcast %get3A_56 : vector<16xi32> to vector<16xf32>
      %mul3A_58 = arith.constant 3 : i32
      %mul3A_59 = arith.muli %mul3A_58, %add3A_21 : i32
      %add3A_60 = arith.constant 1 : i32
      %add3A_61 = arith.addi %mul3A_59, %add3A_60 : i32
      %get3A_62 = arith.index_cast %add3A_61 : i32 to index
      %get3A_63 = arith.constant 32 : index
      %get3A_64 = tpu.vector_load %arg4[%get3A_62, %get3A_63] {strides = array<i32>} : memref<240x128xi32, #tpu.memory_space<vmem>>, vector<16xi32>,
      tpu.vector_store_idx %arg5[%get3A_64], %bitcast3A_57 {add = true} : memref<10000xf32, #tpu.memory_space<vmem>>[vector<16xi32>], vector<16xf32>,
      %mul3A_65 = arith.constant 3 : i32
      %mul3A_66 = arith.muli %mul3A_65, %add3A_21 : i32
      %add3A_67 = arith.constant 2 : i32
      %add3A_68 = arith.addi %mul3A_66, %add3A_67 : i32
      %get3A_69 = arith.index_cast %add3A_68 : i32 to index
      %get3A_70 = arith.constant 48 : index
      %get3A_71 = tpu.vector_load %arg4[%get3A_69, %get3A_70] {strides = array<i32>} : memref<240x128xi32, #tpu.memory_space<vmem>>, vector<16xi32>,
      %bitcast3A_72 = vector.bitcast %get3A_71 : vector<16xi32> to vector<16xf32>
      %mul3A_73 = arith.constant 3 : i32
      %mul3A_74 = arith.muli %mul3A_73, %add3A_21 : i32
      %add3A_75 = arith.constant 1 : i32
      %add3A_76 = arith.addi %mul3A_74, %add3A_75 : i32
      %get3A_77 = arith.index_cast %add3A_76 : i32 to index
      %get3A_78 = arith.constant 48 : index
      %get3A_79 = tpu.vector_load %arg4[%get3A_77, %get3A_78] {strides = array<i32>} : memref<240x128xi32, #tpu.memory_space<vmem>>, vector<16xi32>,
      tpu.vector_store_idx %arg5[%get3A_79], %bitcast3A_72 {add = true} : memref<10000xf32, #tpu.memory_space<vmem>>[vector<16xi32>], vector<16xf32>,
      %mul3A_80 = arith.constant 3 : i32
      %mul3A_81 = arith.muli %mul3A_80, %add3A_21 : i32
      %add3A_82 = arith.constant 2 : i32
      %add3A_83 = arith.addi %mul3A_81, %add3A_82 : i32
      %get3A_84 = arith.index_cast %add3A_83 : i32 to index
      %get3A_85 = arith.constant 64 : index
      %get3A_86 = tpu.vector_load %arg4[%get3A_84, %get3A_85] {strides = array<i32>} : memref<240x128xi32, #tpu.memory_space<vmem>>, vector<16xi32>,
      %bitcast3A_87 = vector.bitcast %get3A_86 : vector<16xi32> to vector<16xf32>
      %mul3A_88 = arith.constant 3 : i32
      %mul3A_89 = arith.muli %mul3A_88, %add3A_21 : i32
      %add3A_90 = arith.constant 1 : i32
      %add3A_91 = arith.addi %mul3A_89, %add3A_90 : i32
      %get3A_92 = arith.index_cast %add3A_91 : i32 to index
      %get3A_93 = arith.constant 64 : index
      %get3A_94 = tpu.vector_load %arg4[%get3A_92, %get3A_93] {strides = array<i32>} : memref<240x128xi32, #tpu.memory_space<vmem>>, vector<16xi32>,
      tpu.vector_store_idx %arg5[%get3A_94], %bitcast3A_87 {add = true} : memref<10000xf32, #tpu.memory_space<vmem>>[vector<16xi32>], vector<16xf32>,
      %mul3A_95 = arith.constant 3 : i32
      %mul3A_96 = arith.muli %mul3A_95, %add3A_21 : i32
      %add3A_97 = arith.constant 2 : i32
      %add3A_98 = arith.addi %mul3A_96, %add3A_97 : i32
      %get3A_99 = arith.index_cast %add3A_98 : i32 to index
      %get3A_100 = arith.constant 80 : index
      %get3A_101 = tpu.vector_load %arg4[%get3A_99, %get3A_100] {strides = array<i32>} : memref<240x128xi32, #tpu.memory_space<vmem>>, vector<16xi32>,
      %bitcast3A_102 = vector.bitcast %get3A_101 : vector<16xi32> to vector<16xf32>
      %mul3A_103 = arith.constant 3 : i32
      %mul3A_104 = arith.muli %mul3A_103, %add3A_21 : i32
      %add3A_105 = arith.constant 1 : i32
      %add3A_106 = arith.addi %mul3A_104, %add3A_105 : i32
      %get3A_107 = arith.index_cast %add3A_106 : i32 to index
      %get3A_108 = arith.constant 80 : index
      %get3A_109 = tpu.vector_load %arg4[%get3A_107, %get3A_108] {strides = array<i32>} : memref<240x128xi32, #tpu.memory_space<vmem>>, vector<16xi32>,
      tpu.vector_store_idx %arg5[%get3A_109], %bitcast3A_102 {add = true} : memref<10000xf32, #tpu.memory_space<vmem>>[vector<16xi32>], vector<16xf32>,
      %mul3A_110 = arith.constant 3 : i32
      %mul3A_111 = arith.muli %mul3A_110, %add3A_21 : i32
      %add3A_112 = arith.constant 2 : i32
      %add3A_113 = arith.addi %mul3A_111, %add3A_112 : i32
      %get3A_114 = arith.index_cast %add3A_113 : i32 to index
      %get3A_115 = arith.constant 96 : index
      %get3A_116 = tpu.vector_load %arg4[%get3A_114, %get3A_115] {strides = array<i32>} : memref<240x128xi32, #tpu.memory_space<vmem>>, vector<16xi32>,
      %bitcast3A_117 = vector.bitcast %get3A_116 : vector<16xi32> to vector<16xf32>
      %mul3A_118 = arith.constant 3 : i32
      %mul3A_119 = arith.muli %mul3A_118, %add3A_21 : i32
      %add3A_120 = arith.constant 1 : i32
      %add3A_121 = arith.addi %mul3A_119, %add3A_120 : i32
      %get3A_122 = arith.index_cast %add3A_121 : i32 to index
      %get3A_123 = arith.constant 96 : index
      %get3A_124 = tpu.vector_load %arg4[%get3A_122, %get3A_123] {strides = array<i32>} : memref<240x128xi32, #tpu.memory_space<vmem>>, vector<16xi32>,
      tpu.vector_store_idx %arg5[%get3A_124], %bitcast3A_117 {add = true} : memref<10000xf32, #tpu.memory_space<vmem>>[vector<16xi32>], vector<16xf32>,
      %mul3A_125 = arith.constant 3 : i32
      %mul3A_126 = arith.muli %mul3A_125, %add3A_21 : i32
      %add3A_127 = arith.constant 2 : i32
      %add3A_128 = arith.addi %mul3A_126, %add3A_127 : i32
      %get3A_129 = arith.index_cast %add3A_128 : i32 to index
      %get3A_130 = arith.constant 112 : index
      %get3A_131 = tpu.vector_load %arg4[%get3A_129, %get3A_130] {strides = array<i32>} : memref<240x128xi32, #tpu.memory_space<vmem>>, vector<16xi32>,
      %bitcast3A_132 = vector.bitcast %get3A_131 : vector<16xi32> to vector<16xf32>
      %mul3A_133 = arith.constant 3 : i32
      %mul3A_134 = arith.muli %mul3A_133, %add3A_21 : i32
      %add3A_135 = arith.constant 1 : i32
      %add3A_136 = arith.addi %mul3A_134, %add3A_135 : i32
      %get3A_137 = arith.index_cast %add3A_136 : i32 to index
      %get3A_138 = arith.constant 112 : index
      %get3A_139 = tpu.vector_load %arg4[%get3A_137, %get3A_138] {strides = array<i32>} : memref<240x128xi32, #tpu.memory_space<vmem>>, vector<16xi32>,
      tpu.vector_store_idx %arg5[%get3A_139], %bitcast3A_132 {add = true} : memref<10000xf32, #tpu.memory_space<vmem>>[vector<16xi32>], vector<16xf32>,
    }
    %scan3A_14 = arith.constant 80 : i32
    %mul3A_15 = arith.constant 10000 : i32
    %mul3A_16 = arith.muli %add3A, %mul3A_15 : i32
    "tpu.region"() ({
      %run_scoped3A = tpu.sem_alloc : memref<!tpu.dma_semaphore, #tpu.memory_space<semaphore_mem>>
      %dma_start3A = tpu.memref_slice %arg3[%mul3A_16] : memref<320000xf32, #tpu.memory_space<hbm>> -> memref<10000xf32, #tpu.memory_space<hbm>>
      %dma_start3A_17 = tpu.memref_slice %arg3[%mul3A_16] : memref<320000xf32, #tpu.memory_space<hbm>> -> memref<10000xf32, #tpu.memory_space<hbm>>
      tpu.enqueue_dma source(%arg5 : memref<10000xf32, #tpu.memory_space<vmem>>) target(%dma_start3A_17 : memref<10000xf32, #tpu.memory_space<hbm>>) target_semaphore(%run_scoped3A : memref<!tpu.dma_semaphore, #tpu.memory_space<semaphore_mem>>)
      %dma_wait3A = tpu.memref_slice %arg3[%mul3A_16] : memref<320000xf32, #tpu.memory_space<hbm>> -> memref<10000xf32, #tpu.memory_space<hbm>>
      %dma_wait3A_18 = tpu.memref_slice %arg3[%mul3A_16] : memref<320000xf32, #tpu.memory_space<hbm>> -> memref<10000xf32, #tpu.memory_space<hbm>>
      tpu.wait_dma2 semaphore(%run_scoped3A : memref<!tpu.dma_semaphore, #tpu.memory_space<semaphore_mem>>) src(%arg5 : memref<10000xf32, #tpu.memory_space<vmem>>) dst(%dma_wait3A_18 : memref<10000xf32, #tpu.memory_space<hbm>>)
      tpu.yield
    }) : () -> ()
    return
  }
}

#map = affine_map<(d0, d1) -> (0, 0)>
#map1 = affine_map<(d0, d1) -> (0, 0, 0)>
module attributes {stable_mosaic.version = 14 : i64} {
  func.func @_agg_sc(%arg0: i32, %arg1: i32, %arg2: memref<10000x128xf32, #tpu.memory_space<hbm>>, %arg3: memref<7680x128xi32, #tpu.memory_space<hbm>>, %arg4: memref<2x10240x128xf32, #tpu.memory_space<hbm>>, %arg5: memref<24x128xi32, #tpu.memory_space<vmem>>, %arg6: memref<24x128xi32, #tpu.memory_space<vmem>>, %arg7: memref<128xi32, #tpu.memory_space<vmem>>, %arg8: memref<128x128xf32, #tpu.memory_space<vmem>>, %arg9: memref<128x128xf32, #tpu.memory_space<vmem>>, %arg10: memref<10240x128xf32, #tpu.memory_space<vmem_shared>>, %arg11: memref<!tpu.dma_semaphore, #tpu.memory_space<semaphore_mem>>, %arg12: memref<!tpu.dma_semaphore, #tpu.memory_space<semaphore_mem>>, %arg13: memref<!tpu.dma_semaphore, #tpu.memory_space<semaphore_mem>>, %arg14: memref<!tpu.dma_semaphore, #tpu.memory_space<semaphore_mem>>) attributes {dimension_semantics = [#tpu.dimension_semantics<core_parallel>, #tpu.dimension_semantics<subcore_parallel>], iteration_bounds = array<i64: 2, 16>, scalar_prefetch = 0 : i64, scratch_operands = 10 : i64, tpu.core_type = #tpu.core_type<sc_vector_subcore>, window_params = [{transform_indices = #map}, {transform_indices = #map}, {transform_indices = #map1}]} {
    %eq3A = arith.constant 0 : i32
    %eq3A_0 = arith.cmpi eq, %arg0, %eq3A : i32
    %mul3A = arith.constant 112 : i32
    %mul3A_1 = arith.muli %arg1, %mul3A : i32
    %mul3A_2 = arith.constant 48 : i32
    %mul3A_3 = arith.muli %arg1, %mul3A_2 : i32
    %add3A = arith.constant 1792 : i32
    %add3A_4 = arith.addi %add3A, %mul3A_3 : i32
    %select_n3A = arith.select %eq3A_0, %mul3A_1, %add3A_4 : i32
    %jit3A = arith.constant 7 : i32
    %jit3A_5 = arith.constant 3 : i32
    %select_n3A_6 = arith.select %eq3A_0, %jit3A, %jit3A_5 : i32
    %mul3A_7 = arith.constant 640 : i32
    %mul3A_8 = arith.muli %arg1, %mul3A_7 : i32
    %broadcast_in_dim3A = arith.constant 0.000000e+00 : f32
    %broadcast_in_dim3A_9 = vector.broadcast %broadcast_in_dim3A : f32 to vector<16xf32>
    %scan3A = arith.constant 0 : i32
    %scan3A_10 = arith.constant 128 : i32
    %scan3A_11 = arith.addi %scan3A, %scan3A_10 : i32
    %scan3A_12 = arith.constant 1 : i32
    scf.for %scan3A_179 = %scan3A to %scan3A_11 step %scan3A_12  : i32 {
      %mul3A_180 = arith.constant 1 : i32
      %mul3A_181 = arith.muli %scan3A_179, %mul3A_180 : i32
      %add3A_182 = arith.constant 0 : i32
      %add3A_183 = arith.addi %add3A_182, %mul3A_181 : i32
      %swap3A = arith.index_cast %add3A_183 : i32 to index
      %swap3A_184 = arith.constant 0 : index
      %swap3A_185 = tpu.vector_load %arg8[%swap3A, %swap3A_184] {strides = array<i32>} : memref<128x128xf32, #tpu.memory_space<vmem>>, vector<16xf32>,
      tpu.vector_store %arg8[%swap3A, %swap3A_184], %broadcast_in_dim3A_9 {strides = array<i32>} : memref<128x128xf32, #tpu.memory_space<vmem>>, vector<16xf32>,
      %swap3A_186 = arith.index_cast %add3A_183 : i32 to index
      %swap3A_187 = arith.constant 16 : index
      %swap3A_188 = tpu.vector_load %arg8[%swap3A_186, %swap3A_187] {strides = array<i32>} : memref<128x128xf32, #tpu.memory_space<vmem>>, vector<16xf32>,
      tpu.vector_store %arg8[%swap3A_186, %swap3A_187], %broadcast_in_dim3A_9 {strides = array<i32>} : memref<128x128xf32, #tpu.memory_space<vmem>>, vector<16xf32>,
      %swap3A_189 = arith.index_cast %add3A_183 : i32 to index
      %swap3A_190 = arith.constant 32 : index
      %swap3A_191 = tpu.vector_load %arg8[%swap3A_189, %swap3A_190] {strides = array<i32>} : memref<128x128xf32, #tpu.memory_space<vmem>>, vector<16xf32>,
      tpu.vector_store %arg8[%swap3A_189, %swap3A_190], %broadcast_in_dim3A_9 {strides = array<i32>} : memref<128x128xf32, #tpu.memory_space<vmem>>, vector<16xf32>,
      %swap3A_192 = arith.index_cast %add3A_183 : i32 to index
      %swap3A_193 = arith.constant 48 : index
      %swap3A_194 = tpu.vector_load %arg8[%swap3A_192, %swap3A_193] {strides = array<i32>} : memref<128x128xf32, #tpu.memory_space<vmem>>, vector<16xf32>,
      tpu.vector_store %arg8[%swap3A_192, %swap3A_193], %broadcast_in_dim3A_9 {strides = array<i32>} : memref<128x128xf32, #tpu.memory_space<vmem>>, vector<16xf32>,
      %swap3A_195 = arith.index_cast %add3A_183 : i32 to index
      %swap3A_196 = arith.constant 64 : index
      %swap3A_197 = tpu.vector_load %arg8[%swap3A_195, %swap3A_196] {strides = array<i32>} : memref<128x128xf32, #tpu.memory_space<vmem>>, vector<16xf32>,
      tpu.vector_store %arg8[%swap3A_195, %swap3A_196], %broadcast_in_dim3A_9 {strides = array<i32>} : memref<128x128xf32, #tpu.memory_space<vmem>>, vector<16xf32>,
      %swap3A_198 = arith.index_cast %add3A_183 : i32 to index
      %swap3A_199 = arith.constant 80 : index
      %swap3A_200 = tpu.vector_load %arg8[%swap3A_198, %swap3A_199] {strides = array<i32>} : memref<128x128xf32, #tpu.memory_space<vmem>>, vector<16xf32>,
      tpu.vector_store %arg8[%swap3A_198, %swap3A_199], %broadcast_in_dim3A_9 {strides = array<i32>} : memref<128x128xf32, #tpu.memory_space<vmem>>, vector<16xf32>,
      %swap3A_201 = arith.index_cast %add3A_183 : i32 to index
      %swap3A_202 = arith.constant 96 : index
      %swap3A_203 = tpu.vector_load %arg8[%swap3A_201, %swap3A_202] {strides = array<i32>} : memref<128x128xf32, #tpu.memory_space<vmem>>, vector<16xf32>,
      tpu.vector_store %arg8[%swap3A_201, %swap3A_202], %broadcast_in_dim3A_9 {strides = array<i32>} : memref<128x128xf32, #tpu.memory_space<vmem>>, vector<16xf32>,
      %swap3A_204 = arith.index_cast %add3A_183 : i32 to index
      %swap3A_205 = arith.constant 112 : index
      %swap3A_206 = tpu.vector_load %arg8[%swap3A_204, %swap3A_205] {strides = array<i32>} : memref<128x128xf32, #tpu.memory_space<vmem>>, vector<16xf32>,
      tpu.vector_store %arg8[%swap3A_204, %swap3A_205], %broadcast_in_dim3A_9 {strides = array<i32>} : memref<128x128xf32, #tpu.memory_space<vmem>>, vector<16xf32>,
    }
    %scan3A_13 = arith.constant 128 : i32
    %add3A_14 = arith.constant 0 : i32
    %add3A_15 = arith.addi %mul3A_8, %add3A_14 : i32
    %scan3A_16 = arith.constant 0 : i32
    %scan3A_17 = arith.constant 8 : i32
    %scan3A_18 = arith.addi %scan3A_16, %scan3A_17 : i32
    %scan3A_19 = arith.constant 1 : i32
    scf.for %scan3A_179 = %scan3A_16 to %scan3A_18 step %scan3A_19  : i32 {
      %mul3A_180 = arith.constant 1 : i32
      %mul3A_181 = arith.muli %scan3A_179, %mul3A_180 : i32
      %add3A_182 = arith.constant 0 : i32
      %add3A_183 = arith.addi %add3A_182, %mul3A_181 : i32
      %mul3A_184 = arith.constant 16 : i32
      %mul3A_185 = arith.muli %add3A_183, %mul3A_184 : i32
      %add3A_186 = arith.addi %add3A_15, %mul3A_185 : i32
      %broadcast_in_dim3A_187 = vector.broadcast %add3A_186 : i32 to vector<16xi32>
      %iota3A = tpu.iota {dimensions = array<i32: 0>} : vector<16xi32>
      %add3A_188 = arith.addi %broadcast_in_dim3A_187, %iota3A : vector<16xi32>
      %mul3A_189 = arith.constant 16 : i32
      %mul3A_190 = arith.muli %add3A_183, %mul3A_189 : i32
      %swap3A = arith.index_cast %mul3A_190 : i32 to index
      %swap3A_191 = tpu.vector_load %arg7[%swap3A] {strides = array<i32>} : memref<128xi32, #tpu.memory_space<vmem>>, vector<16xi32>,
      tpu.vector_store %arg7[%swap3A], %add3A_188 {strides = array<i32>} : memref<128xi32, #tpu.memory_space<vmem>>, vector<16xi32>,
    }
    %scan3A_20 = arith.constant 8 : i32
    "tpu.region"() ({
      %run_scoped3A = tpu.sem_alloc : memref<!tpu.dma_semaphore, #tpu.memory_space<semaphore_mem>>
      %dma_start3A_179 = arith.constant 0 : i32
      %dma_start3A_180 = arith.constant 0 : i32
      %dma_start3A_181 = tpu.memref_slice %arg10[%dma_start3A_179, %dma_start3A_180] : memref<10240x128xf32, #tpu.memory_space<vmem_shared>> -> memref<10240x128xf32, #tpu.memory_space<vmem_shared>>
      tpu.enqueue_indirect_dma source(%arg8 : memref<128x128xf32, #tpu.memory_space<vmem>>) target(%dma_start3A_181 : memref<10240x128xf32, #tpu.memory_space<vmem_shared>>) offsets(%arg7 : memref<128xi32, #tpu.memory_space<vmem>>) semaphore(%run_scoped3A : memref<!tpu.dma_semaphore, #tpu.memory_space<semaphore_mem>>)
      %dma_wait3A_182 = arith.constant 0 : i32
      %dma_wait3A_183 = arith.constant 0 : i32
      %dma_wait3A_184 = tpu.memref_slice %arg10[%dma_wait3A_182, %dma_wait3A_183] : memref<10240x128xf32, #tpu.memory_space<vmem_shared>> -> memref<10240x128xf32, #tpu.memory_space<vmem_shared>>
      tpu.wait_indirect_dma semaphore(%run_scoped3A : memref<!tpu.dma_semaphore, #tpu.memory_space<semaphore_mem>>) src(%arg8 : memref<128x128xf32, #tpu.memory_space<vmem>>) dst(%dma_wait3A_184 : memref<10240x128xf32, #tpu.memory_space<vmem_shared>>)
      tpu.yield
    }) : () -> ()
    %add3A_21 = arith.constant 128 : i32
    %add3A_22 = arith.addi %mul3A_8, %add3A_21 : i32
    %scan3A_23 = arith.constant 0 : i32
    %scan3A_24 = arith.constant 8 : i32
    %scan3A_25 = arith.addi %scan3A_23, %scan3A_24 : i32
    %scan3A_26 = arith.constant 1 : i32
    scf.for %scan3A_179 = %scan3A_23 to %scan3A_25 step %scan3A_26  : i32 {
      %mul3A_180 = arith.constant 1 : i32
      %mul3A_181 = arith.muli %scan3A_179, %mul3A_180 : i32
      %add3A_182 = arith.constant 0 : i32
      %add3A_183 = arith.addi %add3A_182, %mul3A_181 : i32
      %mul3A_184 = arith.constant 16 : i32
      %mul3A_185 = arith.muli %add3A_183, %mul3A_184 : i32
      %add3A_186 = arith.addi %add3A_22, %mul3A_185 : i32
      %broadcast_in_dim3A_187 = vector.broadcast %add3A_186 : i32 to vector<16xi32>
      %iota3A = tpu.iota {dimensions = array<i32: 0>} : vector<16xi32>
      %add3A_188 = arith.addi %broadcast_in_dim3A_187, %iota3A : vector<16xi32>
      %mul3A_189 = arith.constant 16 : i32
      %mul3A_190 = arith.muli %add3A_183, %mul3A_189 : i32
      %swap3A = arith.index_cast %mul3A_190 : i32 to index
      %swap3A_191 = tpu.vector_load %arg7[%swap3A] {strides = array<i32>} : memref<128xi32, #tpu.memory_space<vmem>>, vector<16xi32>,
      tpu.vector_store %arg7[%swap3A], %add3A_188 {strides = array<i32>} : memref<128xi32, #tpu.memory_space<vmem>>, vector<16xi32>,
    }
    %scan3A_27 = arith.constant 8 : i32
    "tpu.region"() ({
      %run_scoped3A = tpu.sem_alloc : memref<!tpu.dma_semaphore, #tpu.memory_space<semaphore_mem>>
      %dma_start3A_179 = arith.constant 0 : i32
      %dma_start3A_180 = arith.constant 0 : i32
      %dma_start3A_181 = tpu.memref_slice %arg10[%dma_start3A_179, %dma_start3A_180] : memref<10240x128xf32, #tpu.memory_space<vmem_shared>> -> memref<10240x128xf32, #tpu.memory_space<vmem_shared>>
      tpu.enqueue_indirect_dma source(%arg8 : memref<128x128xf32, #tpu.memory_space<vmem>>) target(%dma_start3A_181 : memref<10240x128xf32, #tpu.memory_space<vmem_shared>>) offsets(%arg7 : memref<128xi32, #tpu.memory_space<vmem>>) semaphore(%run_scoped3A : memref<!tpu.dma_semaphore, #tpu.memory_space<semaphore_mem>>)
      %dma_wait3A_182 = arith.constant 0 : i32
      %dma_wait3A_183 = arith.constant 0 : i32
      %dma_wait3A_184 = tpu.memref_slice %arg10[%dma_wait3A_182, %dma_wait3A_183] : memref<10240x128xf32, #tpu.memory_space<vmem_shared>> -> memref<10240x128xf32, #tpu.memory_space<vmem_shared>>
      tpu.wait_indirect_dma semaphore(%run_scoped3A : memref<!tpu.dma_semaphore, #tpu.memory_space<semaphore_mem>>) src(%arg8 : memref<128x128xf32, #tpu.memory_space<vmem>>) dst(%dma_wait3A_184 : memref<10240x128xf32, #tpu.memory_space<vmem_shared>>)
      tpu.yield
    }) : () -> ()
    %add3A_28 = arith.constant 256 : i32
    %add3A_29 = arith.addi %mul3A_8, %add3A_28 : i32
    %scan3A_30 = arith.constant 0 : i32
    %scan3A_31 = arith.constant 8 : i32
    %scan3A_32 = arith.addi %scan3A_30, %scan3A_31 : i32
    %scan3A_33 = arith.constant 1 : i32
    scf.for %scan3A_179 = %scan3A_30 to %scan3A_32 step %scan3A_33  : i32 {
      %mul3A_180 = arith.constant 1 : i32
      %mul3A_181 = arith.muli %scan3A_179, %mul3A_180 : i32
      %add3A_182 = arith.constant 0 : i32
      %add3A_183 = arith.addi %add3A_182, %mul3A_181 : i32
      %mul3A_184 = arith.constant 16 : i32
      %mul3A_185 = arith.muli %add3A_183, %mul3A_184 : i32
      %add3A_186 = arith.addi %add3A_29, %mul3A_185 : i32
      %broadcast_in_dim3A_187 = vector.broadcast %add3A_186 : i32 to vector<16xi32>
      %iota3A = tpu.iota {dimensions = array<i32: 0>} : vector<16xi32>
      %add3A_188 = arith.addi %broadcast_in_dim3A_187, %iota3A : vector<16xi32>
      %mul3A_189 = arith.constant 16 : i32
      %mul3A_190 = arith.muli %add3A_183, %mul3A_189 : i32
      %swap3A = arith.index_cast %mul3A_190 : i32 to index
      %swap3A_191 = tpu.vector_load %arg7[%swap3A] {strides = array<i32>} : memref<128xi32, #tpu.memory_space<vmem>>, vector<16xi32>,
      tpu.vector_store %arg7[%swap3A], %add3A_188 {strides = array<i32>} : memref<128xi32, #tpu.memory_space<vmem>>, vector<16xi32>,
    }
    %scan3A_34 = arith.constant 8 : i32
    "tpu.region"() ({
      %run_scoped3A = tpu.sem_alloc : memref<!tpu.dma_semaphore, #tpu.memory_space<semaphore_mem>>
      %dma_start3A_179 = arith.constant 0 : i32
      %dma_start3A_180 = arith.constant 0 : i32
      %dma_start3A_181 = tpu.memref_slice %arg10[%dma_start3A_179, %dma_start3A_180] : memref<10240x128xf32, #tpu.memory_space<vmem_shared>> -> memref<10240x128xf32, #tpu.memory_space<vmem_shared>>
      tpu.enqueue_indirect_dma source(%arg8 : memref<128x128xf32, #tpu.memory_space<vmem>>) target(%dma_start3A_181 : memref<10240x128xf32, #tpu.memory_space<vmem_shared>>) offsets(%arg7 : memref<128xi32, #tpu.memory_space<vmem>>) semaphore(%run_scoped3A : memref<!tpu.dma_semaphore, #tpu.memory_space<semaphore_mem>>)
      %dma_wait3A_182 = arith.constant 0 : i32
      %dma_wait3A_183 = arith.constant 0 : i32
      %dma_wait3A_184 = tpu.memref_slice %arg10[%dma_wait3A_182, %dma_wait3A_183] : memref<10240x128xf32, #tpu.memory_space<vmem_shared>> -> memref<10240x128xf32, #tpu.memory_space<vmem_shared>>
      tpu.wait_indirect_dma semaphore(%run_scoped3A : memref<!tpu.dma_semaphore, #tpu.memory_space<semaphore_mem>>) src(%arg8 : memref<128x128xf32, #tpu.memory_space<vmem>>) dst(%dma_wait3A_184 : memref<10240x128xf32, #tpu.memory_space<vmem_shared>>)
      tpu.yield
    }) : () -> ()
    %add3A_35 = arith.constant 384 : i32
    %add3A_36 = arith.addi %mul3A_8, %add3A_35 : i32
    %scan3A_37 = arith.constant 0 : i32
    %scan3A_38 = arith.constant 8 : i32
    %scan3A_39 = arith.addi %scan3A_37, %scan3A_38 : i32
    %scan3A_40 = arith.constant 1 : i32
    scf.for %scan3A_179 = %scan3A_37 to %scan3A_39 step %scan3A_40  : i32 {
      %mul3A_180 = arith.constant 1 : i32
      %mul3A_181 = arith.muli %scan3A_179, %mul3A_180 : i32
      %add3A_182 = arith.constant 0 : i32
      %add3A_183 = arith.addi %add3A_182, %mul3A_181 : i32
      %mul3A_184 = arith.constant 16 : i32
      %mul3A_185 = arith.muli %add3A_183, %mul3A_184 : i32
      %add3A_186 = arith.addi %add3A_36, %mul3A_185 : i32
      %broadcast_in_dim3A_187 = vector.broadcast %add3A_186 : i32 to vector<16xi32>
      %iota3A = tpu.iota {dimensions = array<i32: 0>} : vector<16xi32>
      %add3A_188 = arith.addi %broadcast_in_dim3A_187, %iota3A : vector<16xi32>
      %mul3A_189 = arith.constant 16 : i32
      %mul3A_190 = arith.muli %add3A_183, %mul3A_189 : i32
      %swap3A = arith.index_cast %mul3A_190 : i32 to index
      %swap3A_191 = tpu.vector_load %arg7[%swap3A] {strides = array<i32>} : memref<128xi32, #tpu.memory_space<vmem>>, vector<16xi32>,
      tpu.vector_store %arg7[%swap3A], %add3A_188 {strides = array<i32>} : memref<128xi32, #tpu.memory_space<vmem>>, vector<16xi32>,
    }
    %scan3A_41 = arith.constant 8 : i32
    "tpu.region"() ({
      %run_scoped3A = tpu.sem_alloc : memref<!tpu.dma_semaphore, #tpu.memory_space<semaphore_mem>>
      %dma_start3A_179 = arith.constant 0 : i32
      %dma_start3A_180 = arith.constant 0 : i32
      %dma_start3A_181 = tpu.memref_slice %arg10[%dma_start3A_179, %dma_start3A_180] : memref<10240x128xf32, #tpu.memory_space<vmem_shared>> -> memref<10240x128xf32, #tpu.memory_space<vmem_shared>>
      tpu.enqueue_indirect_dma source(%arg8 : memref<128x128xf32, #tpu.memory_space<vmem>>) target(%dma_start3A_181 : memref<10240x128xf32, #tpu.memory_space<vmem_shared>>) offsets(%arg7 : memref<128xi32, #tpu.memory_space<vmem>>) semaphore(%run_scoped3A : memref<!tpu.dma_semaphore, #tpu.memory_space<semaphore_mem>>)
      %dma_wait3A_182 = arith.constant 0 : i32
      %dma_wait3A_183 = arith.constant 0 : i32
      %dma_wait3A_184 = tpu.memref_slice %arg10[%dma_wait3A_182, %dma_wait3A_183] : memref<10240x128xf32, #tpu.memory_space<vmem_shared>> -> memref<10240x128xf32, #tpu.memory_space<vmem_shared>>
      tpu.wait_indirect_dma semaphore(%run_scoped3A : memref<!tpu.dma_semaphore, #tpu.memory_space<semaphore_mem>>) src(%arg8 : memref<128x128xf32, #tpu.memory_space<vmem>>) dst(%dma_wait3A_184 : memref<10240x128xf32, #tpu.memory_space<vmem_shared>>)
      tpu.yield
    }) : () -> ()
    %add3A_42 = arith.constant 512 : i32
    %add3A_43 = arith.addi %mul3A_8, %add3A_42 : i32
    %scan3A_44 = arith.constant 0 : i32
    %scan3A_45 = arith.constant 8 : i32
    %scan3A_46 = arith.addi %scan3A_44, %scan3A_45 : i32
    %scan3A_47 = arith.constant 1 : i32
    scf.for %scan3A_179 = %scan3A_44 to %scan3A_46 step %scan3A_47  : i32 {
      %mul3A_180 = arith.constant 1 : i32
      %mul3A_181 = arith.muli %scan3A_179, %mul3A_180 : i32
      %add3A_182 = arith.constant 0 : i32
      %add3A_183 = arith.addi %add3A_182, %mul3A_181 : i32
      %mul3A_184 = arith.constant 16 : i32
      %mul3A_185 = arith.muli %add3A_183, %mul3A_184 : i32
      %add3A_186 = arith.addi %add3A_43, %mul3A_185 : i32
      %broadcast_in_dim3A_187 = vector.broadcast %add3A_186 : i32 to vector<16xi32>
      %iota3A = tpu.iota {dimensions = array<i32: 0>} : vector<16xi32>
      %add3A_188 = arith.addi %broadcast_in_dim3A_187, %iota3A : vector<16xi32>
      %mul3A_189 = arith.constant 16 : i32
      %mul3A_190 = arith.muli %add3A_183, %mul3A_189 : i32
      %swap3A = arith.index_cast %mul3A_190 : i32 to index
      %swap3A_191 = tpu.vector_load %arg7[%swap3A] {strides = array<i32>} : memref<128xi32, #tpu.memory_space<vmem>>, vector<16xi32>,
      tpu.vector_store %arg7[%swap3A], %add3A_188 {strides = array<i32>} : memref<128xi32, #tpu.memory_space<vmem>>, vector<16xi32>,
    }
    %scan3A_48 = arith.constant 8 : i32
    "tpu.region"() ({
      %run_scoped3A = tpu.sem_alloc : memref<!tpu.dma_semaphore, #tpu.memory_space<semaphore_mem>>
      %dma_start3A_179 = arith.constant 0 : i32
      %dma_start3A_180 = arith.constant 0 : i32
      %dma_start3A_181 = tpu.memref_slice %arg10[%dma_start3A_179, %dma_start3A_180] : memref<10240x128xf32, #tpu.memory_space<vmem_shared>> -> memref<10240x128xf32, #tpu.memory_space<vmem_shared>>
      tpu.enqueue_indirect_dma source(%arg8 : memref<128x128xf32, #tpu.memory_space<vmem>>) target(%dma_start3A_181 : memref<10240x128xf32, #tpu.memory_space<vmem_shared>>) offsets(%arg7 : memref<128xi32, #tpu.memory_space<vmem>>) semaphore(%run_scoped3A : memref<!tpu.dma_semaphore, #tpu.memory_space<semaphore_mem>>)
      %dma_wait3A_182 = arith.constant 0 : i32
      %dma_wait3A_183 = arith.constant 0 : i32
      %dma_wait3A_184 = tpu.memref_slice %arg10[%dma_wait3A_182, %dma_wait3A_183] : memref<10240x128xf32, #tpu.memory_space<vmem_shared>> -> memref<10240x128xf32, #tpu.memory_space<vmem_shared>>
      tpu.wait_indirect_dma semaphore(%run_scoped3A : memref<!tpu.dma_semaphore, #tpu.memory_space<semaphore_mem>>) src(%arg8 : memref<128x128xf32, #tpu.memory_space<vmem>>) dst(%dma_wait3A_184 : memref<10240x128xf32, #tpu.memory_space<vmem_shared>>)
      tpu.yield
    }) : () -> ()
    %barrier3A = arith.constant 0 : index
    tpu.barrier barrier_id(%barrier3A)
    %sub3A = arith.constant 0 : i32
    %sub3A_49 = arith.subi %select_n3A_6, %sub3A : i32
    %sub3A_50 = arith.constant 1 : i32
    %sub3A_51 = arith.constant 1 : i32
    %sub3A_52 = arith.subi %sub3A_50, %sub3A_51 : i32
    %add3A_53 = arith.addi %sub3A_49, %sub3A_52 : i32
    %div3A = arith.constant 1 : i32
    %div3A_54 = arith.divsi %add3A_53, %div3A : i32
    %while3A = arith.constant 1 : i32
    %while3A_55 = arith.constant 0 : i32
    %while3A_56 = arith.constant 0 : i32
    %while3A_57 = arith.subi %div3A_54, %while3A_56 : i32
    %while3A_58 = arith.addi %while3A_56, %while3A_57 : i32
    %while3A_59 = arith.constant 1 : i32
    %while3A_60 = arith.divsi %while3A_57, %while3A_59 : i32
    %while3A_61 = arith.muli %while3A_60, %while3A_59 : i32
    %while3A_62 = arith.addi %while3A_56, %while3A_61 : i32
    %while3A_63 = arith.constant 1 : i32
    scf.for %while3A_179 = %while3A_56 to %while3A_62 step %while3A_63  : i32 {
      %mul3A_180 = arith.muli %while3A_179, %while3A : i32
      %add3A_181 = arith.addi %while3A_55, %mul3A_180 : i32
      %mul3A_182 = arith.constant 2 : i32
      %mul3A_183 = arith.muli %mul3A_182, %add3A_181 : i32
      %mul3A_184 = arith.constant 8 : i32
      %mul3A_185 = arith.muli %mul3A_183, %mul3A_184 : i32
      %add3A_186 = arith.addi %select_n3A, %mul3A_185 : i32
      %mul3A_187 = arith.constant 3 : i32
      %mul3A_188 = arith.muli %add3A_186, %mul3A_187 : i32
      %add3A_189 = arith.constant 24 : i32
      %add3A_190 = arith.addi %mul3A_188, %add3A_189 : i32
      %dma_start3A_191 = arith.constant 0 : i32
      %dma_start3A_192 = tpu.memref_slice %arg3[%mul3A_188, %dma_start3A_191] : memref<7680x128xi32, #tpu.memory_space<hbm>> -> memref<24x128xi32, #tpu.memory_space<hbm>>
      %dma_start3A_193 = arith.constant 0 : i32
      %dma_start3A_194 = tpu.memref_slice %arg3[%mul3A_188, %dma_start3A_193] : memref<7680x128xi32, #tpu.memory_space<hbm>> -> memref<24x128xi32, #tpu.memory_space<hbm>>
      tpu.enqueue_dma source(%dma_start3A_194 : memref<24x128xi32, #tpu.memory_space<hbm>>) target(%arg5 : memref<24x128xi32, #tpu.memory_space<vmem>>) target_semaphore(%arg13 : memref<!tpu.dma_semaphore, #tpu.memory_space<semaphore_mem>>)
      %dma_start3A_195 = arith.constant 0 : i32
      %dma_start3A_196 = tpu.memref_slice %arg3[%add3A_190, %dma_start3A_195] : memref<7680x128xi32, #tpu.memory_space<hbm>> -> memref<24x128xi32, #tpu.memory_space<hbm>>
      %dma_start3A_197 = arith.constant 0 : i32
      %dma_start3A_198 = tpu.memref_slice %arg3[%add3A_190, %dma_start3A_197] : memref<7680x128xi32, #tpu.memory_space<hbm>> -> memref<24x128xi32, #tpu.memory_space<hbm>>
      tpu.enqueue_dma source(%dma_start3A_198 : memref<24x128xi32, #tpu.memory_space<hbm>>) target(%arg6 : memref<24x128xi32, #tpu.memory_space<vmem>>) target_semaphore(%arg14 : memref<!tpu.dma_semaphore, #tpu.memory_space<semaphore_mem>>)
      %dma_wait3A_199 = arith.constant 0 : i32
      %dma_wait3A_200 = tpu.memref_slice %arg3[%mul3A_188, %dma_wait3A_199] : memref<7680x128xi32, #tpu.memory_space<hbm>> -> memref<24x128xi32, #tpu.memory_space<hbm>>
      %dma_wait3A_201 = arith.constant 0 : i32
      %dma_wait3A_202 = tpu.memref_slice %arg3[%mul3A_188, %dma_wait3A_201] : memref<7680x128xi32, #tpu.memory_space<hbm>> -> memref<24x128xi32, #tpu.memory_space<hbm>>
      tpu.wait_dma2 semaphore(%arg13 : memref<!tpu.dma_semaphore, #tpu.memory_space<semaphore_mem>>) src(%dma_wait3A_202 : memref<24x128xi32, #tpu.memory_space<hbm>>) dst(%arg5 : memref<24x128xi32, #tpu.memory_space<vmem>>)
      %dma_start3A_203 = arith.constant 0 : i32
      %dma_start3A_204 = arith.constant 0 : i32
      %dma_start3A_205 = tpu.memref_slice %arg5[%dma_start3A_203, %dma_start3A_204] : memref<24x128xi32, #tpu.memory_space<vmem>> -> memref<1x128xi32, #tpu.memory_space<vmem>>
      %dma_start3A_206 = tpu.memref_squeeze %dma_start3A_205 : memref<1x128xi32, #tpu.memory_space<vmem>> -> memref<128xi32, #tpu.memory_space<vmem>>
      %dma_start3A_207 = arith.constant 0 : i32
      %dma_start3A_208 = arith.constant 0 : i32
      %dma_start3A_209 = tpu.memref_slice %arg2[%dma_start3A_207, %dma_start3A_208] : memref<10000x128xf32, #tpu.memory_space<hbm>> -> memref<10000x128xf32, #tpu.memory_space<hbm>>
      tpu.enqueue_indirect_dma source(%dma_start3A_209 : memref<10000x128xf32, #tpu.memory_space<hbm>>) target(%arg8 : memref<128x128xf32, #tpu.memory_space<vmem>>) offsets(%dma_start3A_206 : memref<128xi32, #tpu.memory_space<vmem>>) semaphore(%arg11 : memref<!tpu.dma_semaphore, #tpu.memory_space<semaphore_mem>>)
      %dma_start3A_210 = arith.constant 3 : i32
      %dma_start3A_211 = arith.constant 0 : i32
      %dma_start3A_212 = tpu.memref_slice %arg5[%dma_start3A_210, %dma_start3A_211] : memref<24x128xi32, #tpu.memory_space<vmem>> -> memref<1x128xi32, #tpu.memory_space<vmem>>
      %dma_start3A_213 = tpu.memref_squeeze %dma_start3A_212 : memref<1x128xi32, #tpu.memory_space<vmem>> -> memref<128xi32, #tpu.memory_space<vmem>>
      %dma_start3A_214 = arith.constant 0 : i32
      %dma_start3A_215 = arith.constant 0 : i32
      %dma_start3A_216 = tpu.memref_slice %arg2[%dma_start3A_214, %dma_start3A_215] : memref<10000x128xf32, #tpu.memory_space<hbm>> -> memref<10000x128xf32, #tpu.memory_space<hbm>>
      tpu.enqueue_indirect_dma source(%dma_start3A_216 : memref<10000x128xf32, #tpu.memory_space<hbm>>) target(%arg9 : memref<128x128xf32, #tpu.memory_space<vmem>>) offsets(%dma_start3A_213 : memref<128xi32, #tpu.memory_space<vmem>>) semaphore(%arg12 : memref<!tpu.dma_semaphore, #tpu.memory_space<semaphore_mem>>)
      %scan3A_217 = arith.constant 0 : i32
      %scan3A_218 = arith.constant 3 : i32
      %scan3A_219 = arith.addi %scan3A_217, %scan3A_218 : i32
      %scan3A_220 = arith.constant 1 : i32
      scf.for %scan3A_296 = %scan3A_217 to %scan3A_219 step %scan3A_220  : i32 {
        %mul3A_297 = arith.constant 1 : i32
        %mul3A_298 = arith.muli %scan3A_296, %mul3A_297 : i32
        %add3A_299 = arith.constant 0 : i32
        %add3A_300 = arith.addi %add3A_299, %mul3A_298 : i32
        %mul3A_301 = arith.constant 2 : i32
        %mul3A_302 = arith.muli %mul3A_301, %add3A_300 : i32
        %mul3A_303 = arith.constant 3 : i32
        %mul3A_304 = arith.muli %mul3A_303, %mul3A_302 : i32
        %dma_wait3A_305 = arith.constant 0 : i32
        %dma_wait3A_306 = tpu.memref_slice %arg5[%mul3A_304, %dma_wait3A_305] : memref<24x128xi32, #tpu.memory_space<vmem>> -> memref<1x128xi32, #tpu.memory_space<vmem>>
        %dma_wait3A_307 = tpu.memref_squeeze %dma_wait3A_306 : memref<1x128xi32, #tpu.memory_space<vmem>> -> memref<128xi32, #tpu.memory_space<vmem>>
        %dma_wait3A_308 = arith.constant 0 : i32
        %dma_wait3A_309 = arith.constant 0 : i32
        %dma_wait3A_310 = tpu.memref_slice %arg2[%dma_wait3A_308, %dma_wait3A_309] : memref<10000x128xf32, #tpu.memory_space<hbm>> -> memref<10000x128xf32, #tpu.memory_space<hbm>>
        tpu.wait_indirect_dma semaphore(%arg11 : memref<!tpu.dma_semaphore, #tpu.memory_space<semaphore_mem>>) src(%dma_wait3A_310 : memref<10000x128xf32, #tpu.memory_space<hbm>>) dst(%arg8 : memref<128x128xf32, #tpu.memory_space<vmem>>)
        %scan3A_311 = arith.constant 0 : i32
        %scan3A_312 = arith.constant 64 : i32
        %scan3A_313 = arith.addi %scan3A_311, %scan3A_312 : i32
        %scan3A_314 = arith.constant 1 : i32
        scf.for %scan3A_359 = %scan3A_311 to %scan3A_313 step %scan3A_314  : i32 {
          %mul3A_360 = arith.constant 1 : i32
          %mul3A_361 = arith.muli %scan3A_359, %mul3A_360 : i32
          %add3A_362 = arith.constant 0 : i32
          %add3A_363 = arith.addi %add3A_362, %mul3A_361 : i32
          %mul3A_364 = arith.constant 2 : i32
          %mul3A_365 = arith.muli %add3A_363, %mul3A_364 : i32
          %add3A_366 = arith.constant 0 : i32
          %add3A_367 = arith.addi %mul3A_365, %add3A_366 : i32
          %mul3A_368 = arith.constant 3 : i32
          %mul3A_369 = arith.muli %mul3A_368, %mul3A_302 : i32
          %add3A_370 = arith.constant 2 : i32
          %add3A_371 = arith.addi %mul3A_369, %add3A_370 : i32
          %broadcast_in_dim3A_372 = vector.broadcast %add3A_371 : i32 to vector<16xi32>
          %broadcast_in_dim3A_373 = vector.broadcast %add3A_367 : i32 to vector<16xi32>
          %gather3A = tpu.vector_load_idx %arg5[%broadcast_in_dim3A_372, %broadcast_in_dim3A_373] : memref<24x128xi32, #tpu.memory_space<vmem>>[vector<16xi32>, vector<16xi32>], vector<16xi32>,
          %bitcast3A = vector.bitcast %gather3A : vector<16xi32> to vector<16xf32>
          %get3A = arith.index_cast %add3A_367 : i32 to index
          %get3A_374 = arith.constant 0 : index
          %get3A_375 = tpu.vector_load %arg8[%get3A, %get3A_374] {strides = array<i32>} : memref<128x128xf32, #tpu.memory_space<vmem>>, vector<16xf32>,
          %mul3A_376 = arith.mulf %get3A_375, %bitcast3A : vector<16xf32>
          %swap3A = arith.index_cast %add3A_367 : i32 to index
          %swap3A_377 = arith.constant 0 : index
          %swap3A_378 = tpu.vector_load %arg8[%swap3A, %swap3A_377] {strides = array<i32>} : memref<128x128xf32, #tpu.memory_space<vmem>>, vector<16xf32>,
          tpu.vector_store %arg8[%swap3A, %swap3A_377], %mul3A_376 {strides = array<i32>} : memref<128x128xf32, #tpu.memory_space<vmem>>, vector<16xf32>,
          %get3A_379 = arith.index_cast %add3A_367 : i32 to index
          %get3A_380 = arith.constant 16 : index
          %get3A_381 = tpu.vector_load %arg8[%get3A_379, %get3A_380] {strides = array<i32>} : memref<128x128xf32, #tpu.memory_space<vmem>>, vector<16xf32>,
          %mul3A_382 = arith.mulf %get3A_381, %bitcast3A : vector<16xf32>
          %swap3A_383 = arith.index_cast %add3A_367 : i32 to index
          %swap3A_384 = arith.constant 16 : index
          %swap3A_385 = tpu.vector_load %arg8[%swap3A_383, %swap3A_384] {strides = array<i32>} : memref<128x128xf32, #tpu.memory_space<vmem>>, vector<16xf32>,
          tpu.vector_store %arg8[%swap3A_383, %swap3A_384], %mul3A_382 {strides = array<i32>} : memref<128x128xf32, #tpu.memory_space<vmem>>, vector<16xf32>,
          %get3A_386 = arith.index_cast %add3A_367 : i32 to index
          %get3A_387 = arith.constant 32 : index
          %get3A_388 = tpu.vector_load %arg8[%get3A_386, %get3A_387] {strides = array<i32>} : memref<128x128xf32, #tpu.memory_space<vmem>>, vector<16xf32>,
          %mul3A_389 = arith.mulf %get3A_388, %bitcast3A : vector<16xf32>
          %swap3A_390 = arith.index_cast %add3A_367 : i32 to index
          %swap3A_391 = arith.constant 32 : index
          %swap3A_392 = tpu.vector_load %arg8[%swap3A_390, %swap3A_391] {strides = array<i32>} : memref<128x128xf32, #tpu.memory_space<vmem>>, vector<16xf32>,
          tpu.vector_store %arg8[%swap3A_390, %swap3A_391], %mul3A_389 {strides = array<i32>} : memref<128x128xf32, #tpu.memory_space<vmem>>, vector<16xf32>,
          %get3A_393 = arith.index_cast %add3A_367 : i32 to index
          %get3A_394 = arith.constant 48 : index
          %get3A_395 = tpu.vector_load %arg8[%get3A_393, %get3A_394] {strides = array<i32>} : memref<128x128xf32, #tpu.memory_space<vmem>>, vector<16xf32>,
          %mul3A_396 = arith.mulf %get3A_395, %bitcast3A : vector<16xf32>
          %swap3A_397 = arith.index_cast %add3A_367 : i32 to index
          %swap3A_398 = arith.constant 48 : index
          %swap3A_399 = tpu.vector_load %arg8[%swap3A_397, %swap3A_398] {strides = array<i32>} : memref<128x128xf32, #tpu.memory_space<vmem>>, vector<16xf32>,
          tpu.vector_store %arg8[%swap3A_397, %swap3A_398], %mul3A_396 {strides = array<i32>} : memref<128x128xf32, #tpu.memory_space<vmem>>, vector<16xf32>,
          %get3A_400 = arith.index_cast %add3A_367 : i32 to index
          %get3A_401 = arith.constant 64 : index
          %get3A_402 = tpu.vector_load %arg8[%get3A_400, %get3A_401] {strides = array<i32>} : memref<128x128xf32, #tpu.memory_space<vmem>>, vector<16xf32>,
          %mul3A_403 = arith.mulf %get3A_402, %bitcast3A : vector<16xf32>
          %swap3A_404 = arith.index_cast %add3A_367 : i32 to index
          %swap3A_405 = arith.constant 64 : index
          %swap3A_406 = tpu.vector_load %arg8[%swap3A_404, %swap3A_405] {strides = array<i32>} : memref<128x128xf32, #tpu.memory_space<vmem>>, vector<16xf32>,
          tpu.vector_store %arg8[%swap3A_404, %swap3A_405], %mul3A_403 {strides = array<i32>} : memref<128x128xf32, #tpu.memory_space<vmem>>, vector<16xf32>,
          %get3A_407 = arith.index_cast %add3A_367 : i32 to index
          %get3A_408 = arith.constant 80 : index
          %get3A_409 = tpu.vector_load %arg8[%get3A_407, %get3A_408] {strides = array<i32>} : memref<128x128xf32, #tpu.memory_space<vmem>>, vector<16xf32>,
          %mul3A_410 = arith.mulf %get3A_409, %bitcast3A : vector<16xf32>
          %swap3A_411 = arith.index_cast %add3A_367 : i32 to index
          %swap3A_412 = arith.constant 80 : index
          %swap3A_413 = tpu.vector_load %arg8[%swap3A_411, %swap3A_412] {strides = array<i32>} : memref<128x128xf32, #tpu.memory_space<vmem>>, vector<16xf32>,
          tpu.vector_store %arg8[%swap3A_411, %swap3A_412], %mul3A_410 {strides = array<i32>} : memref<128x128xf32, #tpu.memory_space<vmem>>, vector<16xf32>,
          %get3A_414 = arith.index_cast %add3A_367 : i32 to index
          %get3A_415 = arith.constant 96 : index
          %get3A_416 = tpu.vector_load %arg8[%get3A_414, %get3A_415] {strides = array<i32>} : memref<128x128xf32, #tpu.memory_space<vmem>>, vector<16xf32>,
          %mul3A_417 = arith.mulf %get3A_416, %bitcast3A : vector<16xf32>
          %swap3A_418 = arith.index_cast %add3A_367 : i32 to index
          %swap3A_419 = arith.constant 96 : index
          %swap3A_420 = tpu.vector_load %arg8[%swap3A_418, %swap3A_419] {strides = array<i32>} : memref<128x128xf32, #tpu.memory_space<vmem>>, vector<16xf32>,
          tpu.vector_store %arg8[%swap3A_418, %swap3A_419], %mul3A_417 {strides = array<i32>} : memref<128x128xf32, #tpu.memory_space<vmem>>, vector<16xf32>,
          %get3A_421 = arith.index_cast %add3A_367 : i32 to index
          %get3A_422 = arith.constant 112 : index
          %get3A_423 = tpu.vector_load %arg8[%get3A_421, %get3A_422] {strides = array<i32>} : memref<128x128xf32, #tpu.memory_space<vmem>>, vector<16xf32>,
          %mul3A_424 = arith.mulf %get3A_423, %bitcast3A : vector<16xf32>
          %swap3A_425 = arith.index_cast %add3A_367 : i32 to index
          %swap3A_426 = arith.constant 112 : index
          %swap3A_427 = tpu.vector_load %arg8[%swap3A_425, %swap3A_426] {strides = array<i32>} : memref<128x128xf32, #tpu.memory_space<vmem>>, vector<16xf32>,
          tpu.vector_store %arg8[%swap3A_425, %swap3A_426], %mul3A_424 {strides = array<i32>} : memref<128x128xf32, #tpu.memory_space<vmem>>, vector<16xf32>,
          %mul3A_428 = arith.constant 2 : i32
          %mul3A_429 = arith.muli %add3A_363, %mul3A_428 : i32
          %add3A_430 = arith.constant 1 : i32
          %add3A_431 = arith.addi %mul3A_429, %add3A_430 : i32
          %mul3A_432 = arith.constant 3 : i32
          %mul3A_433 = arith.muli %mul3A_432, %mul3A_302 : i32
          %add3A_434 = arith.constant 2 : i32
          %add3A_435 = arith.addi %mul3A_433, %add3A_434 : i32
          %broadcast_in_dim3A_436 = vector.broadcast %add3A_435 : i32 to vector<16xi32>
          %broadcast_in_dim3A_437 = vector.broadcast %add3A_431 : i32 to vector<16xi32>
          %gather3A_438 = tpu.vector_load_idx %arg5[%broadcast_in_dim3A_436, %broadcast_in_dim3A_437] : memref<24x128xi32, #tpu.memory_space<vmem>>[vector<16xi32>, vector<16xi32>], vector<16xi32>,
          %bitcast3A_439 = vector.bitcast %gather3A_438 : vector<16xi32> to vector<16xf32>
          %get3A_440 = arith.index_cast %add3A_431 : i32 to index
          %get3A_441 = arith.constant 0 : index
          %get3A_442 = tpu.vector_load %arg8[%get3A_440, %get3A_441] {strides = array<i32>} : memref<128x128xf32, #tpu.memory_space<vmem>>, vector<16xf32>,
          %mul3A_443 = arith.mulf %get3A_442, %bitcast3A_439 : vector<16xf32>
          %swap3A_444 = arith.index_cast %add3A_431 : i32 to index
          %swap3A_445 = arith.constant 0 : index
          %swap3A_446 = tpu.vector_load %arg8[%swap3A_444, %swap3A_445] {strides = array<i32>} : memref<128x128xf32, #tpu.memory_space<vmem>>, vector<16xf32>,
          tpu.vector_store %arg8[%swap3A_444, %swap3A_445], %mul3A_443 {strides = array<i32>} : memref<128x128xf32, #tpu.memory_space<vmem>>, vector<16xf32>,
          %get3A_447 = arith.index_cast %add3A_431 : i32 to index
          %get3A_448 = arith.constant 16 : index
          %get3A_449 = tpu.vector_load %arg8[%get3A_447, %get3A_448] {strides = array<i32>} : memref<128x128xf32, #tpu.memory_space<vmem>>, vector<16xf32>,
          %mul3A_450 = arith.mulf %get3A_449, %bitcast3A_439 : vector<16xf32>
          %swap3A_451 = arith.index_cast %add3A_431 : i32 to index
          %swap3A_452 = arith.constant 16 : index
          %swap3A_453 = tpu.vector_load %arg8[%swap3A_451, %swap3A_452] {strides = array<i32>} : memref<128x128xf32, #tpu.memory_space<vmem>>, vector<16xf32>,
          tpu.vector_store %arg8[%swap3A_451, %swap3A_452], %mul3A_450 {strides = array<i32>} : memref<128x128xf32, #tpu.memory_space<vmem>>, vector<16xf32>,
          %get3A_454 = arith.index_cast %add3A_431 : i32 to index
          %get3A_455 = arith.constant 32 : index
          %get3A_456 = tpu.vector_load %arg8[%get3A_454, %get3A_455] {strides = array<i32>} : memref<128x128xf32, #tpu.memory_space<vmem>>, vector<16xf32>,
          %mul3A_457 = arith.mulf %get3A_456, %bitcast3A_439 : vector<16xf32>
          %swap3A_458 = arith.index_cast %add3A_431 : i32 to index
          %swap3A_459 = arith.constant 32 : index
          %swap3A_460 = tpu.vector_load %arg8[%swap3A_458, %swap3A_459] {strides = array<i32>} : memref<128x128xf32, #tpu.memory_space<vmem>>, vector<16xf32>,
          tpu.vector_store %arg8[%swap3A_458, %swap3A_459], %mul3A_457 {strides = array<i32>} : memref<128x128xf32, #tpu.memory_space<vmem>>, vector<16xf32>,
          %get3A_461 = arith.index_cast %add3A_431 : i32 to index
          %get3A_462 = arith.constant 48 : index
          %get3A_463 = tpu.vector_load %arg8[%get3A_461, %get3A_462] {strides = array<i32>} : memref<128x128xf32, #tpu.memory_space<vmem>>, vector<16xf32>,
          %mul3A_464 = arith.mulf %get3A_463, %bitcast3A_439 : vector<16xf32>
          %swap3A_465 = arith.index_cast %add3A_431 : i32 to index
          %swap3A_466 = arith.constant 48 : index
          %swap3A_467 = tpu.vector_load %arg8[%swap3A_465, %swap3A_466] {strides = array<i32>} : memref<128x128xf32, #tpu.memory_space<vmem>>, vector<16xf32>,
          tpu.vector_store %arg8[%swap3A_465, %swap3A_466], %mul3A_464 {strides = array<i32>} : memref<128x128xf32, #tpu.memory_space<vmem>>, vector<16xf32>,
          %get3A_468 = arith.index_cast %add3A_431 : i32 to index
          %get3A_469 = arith.constant 64 : index
          %get3A_470 = tpu.vector_load %arg8[%get3A_468, %get3A_469] {strides = array<i32>} : memref<128x128xf32, #tpu.memory_space<vmem>>, vector<16xf32>,
          %mul3A_471 = arith.mulf %get3A_470, %bitcast3A_439 : vector<16xf32>
          %swap3A_472 = arith.index_cast %add3A_431 : i32 to index
          %swap3A_473 = arith.constant 64 : index
          %swap3A_474 = tpu.vector_load %arg8[%swap3A_472, %swap3A_473] {strides = array<i32>} : memref<128x128xf32, #tpu.memory_space<vmem>>, vector<16xf32>,
          tpu.vector_store %arg8[%swap3A_472, %swap3A_473], %mul3A_471 {strides = array<i32>} : memref<128x128xf32, #tpu.memory_space<vmem>>, vector<16xf32>,
          %get3A_475 = arith.index_cast %add3A_431 : i32 to index
          %get3A_476 = arith.constant 80 : index
          %get3A_477 = tpu.vector_load %arg8[%get3A_475, %get3A_476] {strides = array<i32>} : memref<128x128xf32, #tpu.memory_space<vmem>>, vector<16xf32>,
          %mul3A_478 = arith.mulf %get3A_477, %bitcast3A_439 : vector<16xf32>
          %swap3A_479 = arith.index_cast %add3A_431 : i32 to index
          %swap3A_480 = arith.constant 80 : index
          %swap3A_481 = tpu.vector_load %arg8[%swap3A_479, %swap3A_480] {strides = array<i32>} : memref<128x128xf32, #tpu.memory_space<vmem>>, vector<16xf32>,
          tpu.vector_store %arg8[%swap3A_479, %swap3A_480], %mul3A_478 {strides = array<i32>} : memref<128x128xf32, #tpu.memory_space<vmem>>, vector<16xf32>,
          %get3A_482 = arith.index_cast %add3A_431 : i32 to index
          %get3A_483 = arith.constant 96 : index
          %get3A_484 = tpu.vector_load %arg8[%get3A_482, %get3A_483] {strides = array<i32>} : memref<128x128xf32, #tpu.memory_space<vmem>>, vector<16xf32>,
          %mul3A_485 = arith.mulf %get3A_484, %bitcast3A_439 : vector<16xf32>
          %swap3A_486 = arith.index_cast %add3A_431 : i32 to index
          %swap3A_487 = arith.constant 96 : index
          %swap3A_488 = tpu.vector_load %arg8[%swap3A_486, %swap3A_487] {strides = array<i32>} : memref<128x128xf32, #tpu.memory_space<vmem>>, vector<16xf32>,
          tpu.vector_store %arg8[%swap3A_486, %swap3A_487], %mul3A_485 {strides = array<i32>} : memref<128x128xf32, #tpu.memory_space<vmem>>, vector<16xf32>,
          %get3A_489 = arith.index_cast %add3A_431 : i32 to index
          %get3A_490 = arith.constant 112 : index
          %get3A_491 = tpu.vector_load %arg8[%get3A_489, %get3A_490] {strides = array<i32>} : memref<128x128xf32, #tpu.memory_space<vmem>>, vector<16xf32>,
          %mul3A_492 = arith.mulf %get3A_491, %bitcast3A_439 : vector<16xf32>
          %swap3A_493 = arith.index_cast %add3A_431 : i32 to index
          %swap3A_494 = arith.constant 112 : index
          %swap3A_495 = tpu.vector_load %arg8[%swap3A_493, %swap3A_494] {strides = array<i32>} : memref<128x128xf32, #tpu.memory_space<vmem>>, vector<16xf32>,
          tpu.vector_store %arg8[%swap3A_493, %swap3A_494], %mul3A_492 {strides = array<i32>} : memref<128x128xf32, #tpu.memory_space<vmem>>, vector<16xf32>,
        }
        %scan3A_315 = arith.constant 64 : i32
        %mul3A_316 = arith.constant 3 : i32
        %mul3A_317 = arith.muli %mul3A_316, %mul3A_302 : i32
        %add3A_318 = arith.constant 1 : i32
        %add3A_319 = arith.addi %mul3A_317, %add3A_318 : i32
        "tpu.region"() ({
          %run_scoped3A_359 = tpu.sem_alloc : memref<!tpu.dma_semaphore, #tpu.memory_space<semaphore_mem>>
          %dma_start3A_360 = arith.constant 0 : i32
          %dma_start3A_361 = tpu.memref_slice %arg5[%add3A_319, %dma_start3A_360] : memref<24x128xi32, #tpu.memory_space<vmem>> -> memref<1x128xi32, #tpu.memory_space<vmem>>
          %dma_start3A_362 = tpu.memref_squeeze %dma_start3A_361 : memref<1x128xi32, #tpu.memory_space<vmem>> -> memref<128xi32, #tpu.memory_space<vmem>>
          %dma_start3A_363 = arith.constant 0 : i32
          %dma_start3A_364 = arith.constant 0 : i32
          %dma_start3A_365 = tpu.memref_slice %arg10[%dma_start3A_363, %dma_start3A_364] : memref<10240x128xf32, #tpu.memory_space<vmem_shared>> -> memref<10240x128xf32, #tpu.memory_space<vmem_shared>>
          tpu.enqueue_indirect_dma source(%arg8 : memref<128x128xf32, #tpu.memory_space<vmem>>) target(%dma_start3A_365 : memref<10240x128xf32, #tpu.memory_space<vmem_shared>>) offsets(%dma_start3A_362 : memref<128xi32, #tpu.memory_space<vmem>>) semaphore(%run_scoped3A_359 : memref<!tpu.dma_semaphore, #tpu.memory_space<semaphore_mem>>) {add = true}
          %dma_wait3A_366 = arith.constant 0 : i32
          %dma_wait3A_367 = tpu.memref_slice %arg5[%add3A_319, %dma_wait3A_366] : memref<24x128xi32, #tpu.memory_space<vmem>> -> memref<1x128xi32, #tpu.memory_space<vmem>>
          %dma_wait3A_368 = tpu.memref_squeeze %dma_wait3A_367 : memref<1x128xi32, #tpu.memory_space<vmem>> -> memref<128xi32, #tpu.memory_space<vmem>>
          %dma_wait3A_369 = arith.constant 0 : i32
          %dma_wait3A_370 = arith.constant 0 : i32
          %dma_wait3A_371 = tpu.memref_slice %arg10[%dma_wait3A_369, %dma_wait3A_370] : memref<10240x128xf32, #tpu.memory_space<vmem_shared>> -> memref<10240x128xf32, #tpu.memory_space<vmem_shared>>
          tpu.wait_indirect_dma semaphore(%run_scoped3A_359 : memref<!tpu.dma_semaphore, #tpu.memory_space<semaphore_mem>>) src(%arg8 : memref<128x128xf32, #tpu.memory_space<vmem>>) dst(%dma_wait3A_371 : memref<10240x128xf32, #tpu.memory_space<vmem_shared>>)
          tpu.yield
        }) : () -> ()
        %add3A_320 = arith.constant 2 : i32
        %add3A_321 = arith.addi %mul3A_302, %add3A_320 : i32
        %mul3A_322 = arith.constant 3 : i32
        %mul3A_323 = arith.muli %mul3A_322, %add3A_321 : i32
        %dma_start3A_324 = arith.constant 0 : i32
        %dma_start3A_325 = tpu.memref_slice %arg5[%mul3A_323, %dma_start3A_324] : memref<24x128xi32, #tpu.memory_space<vmem>> -> memref<1x128xi32, #tpu.memory_space<vmem>>
        %dma_start3A_326 = tpu.memref_squeeze %dma_start3A_325 : memref<1x128xi32, #tpu.memory_space<vmem>> -> memref<128xi32, #tpu.memory_space<vmem>>
        %dma_start3A_327 = arith.constant 0 : i32
        %dma_start3A_328 = arith.constant 0 : i32
        %dma_start3A_329 = tpu.memref_slice %arg2[%dma_start3A_327, %dma_start3A_328] : memref<10000x128xf32, #tpu.memory_space<hbm>> -> memref<10000x128xf32, #tpu.memory_space<hbm>>
        tpu.enqueue_indirect_dma source(%dma_start3A_329 : memref<10000x128xf32, #tpu.memory_space<hbm>>) target(%arg8 : memref<128x128xf32, #tpu.memory_space<vmem>>) offsets(%dma_start3A_326 : memref<128xi32, #tpu.memory_space<vmem>>) semaphore(%arg11 : memref<!tpu.dma_semaphore, #tpu.memory_space<semaphore_mem>>)
        %add3A_330 = arith.constant 1 : i32
        %add3A_331 = arith.addi %mul3A_302, %add3A_330 : i32
        %mul3A_332 = arith.constant 3 : i32
        %mul3A_333 = arith.muli %mul3A_332, %add3A_331 : i32
        %dma_wait3A_334 = arith.constant 0 : i32
        %dma_wait3A_335 = tpu.memref_slice %arg5[%mul3A_333, %dma_wait3A_334] : memref<24x128xi32, #tpu.memory_space<vmem>> -> memref<1x128xi32, #tpu.memory_space<vmem>>
        %dma_wait3A_336 = tpu.memref_squeeze %dma_wait3A_335 : memref<1x128xi32, #tpu.memory_space<vmem>> -> memref<128xi32, #tpu.memory_space<vmem>>
        %dma_wait3A_337 = arith.constant 0 : i32
        %dma_wait3A_338 = arith.constant 0 : i32
        %dma_wait3A_339 = tpu.memref_slice %arg2[%dma_wait3A_337, %dma_wait3A_338] : memref<10000x128xf32, #tpu.memory_space<hbm>> -> memref<10000x128xf32, #tpu.memory_space<hbm>>
        tpu.wait_indirect_dma semaphore(%arg12 : memref<!tpu.dma_semaphore, #tpu.memory_space<semaphore_mem>>) src(%dma_wait3A_339 : memref<10000x128xf32, #tpu.memory_space<hbm>>) dst(%arg9 : memref<128x128xf32, #tpu.memory_space<vmem>>)
        %scan3A_340 = arith.constant 0 : i32
        %scan3A_341 = arith.constant 64 : i32
        %scan3A_342 = arith.addi %scan3A_340, %scan3A_341 : i32
        %scan3A_343 = arith.constant 1 : i32
        scf.for %scan3A_359 = %scan3A_340 to %scan3A_342 step %scan3A_343  : i32 {
          %mul3A_360 = arith.constant 1 : i32
          %mul3A_361 = arith.muli %scan3A_359, %mul3A_360 : i32
          %add3A_362 = arith.constant 0 : i32
          %add3A_363 = arith.addi %add3A_362, %mul3A_361 : i32
          %mul3A_364 = arith.constant 2 : i32
          %mul3A_365 = arith.muli %add3A_363, %mul3A_364 : i32
          %add3A_366 = arith.constant 0 : i32
          %add3A_367 = arith.addi %mul3A_365, %add3A_366 : i32
          %mul3A_368 = arith.constant 3 : i32
          %mul3A_369 = arith.muli %mul3A_368, %add3A_331 : i32
          %add3A_370 = arith.constant 2 : i32
          %add3A_371 = arith.addi %mul3A_369, %add3A_370 : i32
          %broadcast_in_dim3A_372 = vector.broadcast %add3A_371 : i32 to vector<16xi32>
          %broadcast_in_dim3A_373 = vector.broadcast %add3A_367 : i32 to vector<16xi32>
          %gather3A = tpu.vector_load_idx %arg5[%broadcast_in_dim3A_372, %broadcast_in_dim3A_373] : memref<24x128xi32, #tpu.memory_space<vmem>>[vector<16xi32>, vector<16xi32>], vector<16xi32>,
          %bitcast3A = vector.bitcast %gather3A : vector<16xi32> to vector<16xf32>
          %get3A = arith.index_cast %add3A_367 : i32 to index
          %get3A_374 = arith.constant 0 : index
          %get3A_375 = tpu.vector_load %arg9[%get3A, %get3A_374] {strides = array<i32>} : memref<128x128xf32, #tpu.memory_space<vmem>>, vector<16xf32>,
          %mul3A_376 = arith.mulf %get3A_375, %bitcast3A : vector<16xf32>
          %swap3A = arith.index_cast %add3A_367 : i32 to index
          %swap3A_377 = arith.constant 0 : index
          %swap3A_378 = tpu.vector_load %arg9[%swap3A, %swap3A_377] {strides = array<i32>} : memref<128x128xf32, #tpu.memory_space<vmem>>, vector<16xf32>,
          tpu.vector_store %arg9[%swap3A, %swap3A_377], %mul3A_376 {strides = array<i32>} : memref<128x128xf32, #tpu.memory_space<vmem>>, vector<16xf32>,
          %get3A_379 = arith.index_cast %add3A_367 : i32 to index
          %get3A_380 = arith.constant 16 : index
          %get3A_381 = tpu.vector_load %arg9[%get3A_379, %get3A_380] {strides = array<i32>} : memref<128x128xf32, #tpu.memory_space<vmem>>, vector<16xf32>,
          %mul3A_382 = arith.mulf %get3A_381, %bitcast3A : vector<16xf32>
          %swap3A_383 = arith.index_cast %add3A_367 : i32 to index
          %swap3A_384 = arith.constant 16 : index
          %swap3A_385 = tpu.vector_load %arg9[%swap3A_383, %swap3A_384] {strides = array<i32>} : memref<128x128xf32, #tpu.memory_space<vmem>>, vector<16xf32>,
          tpu.vector_store %arg9[%swap3A_383, %swap3A_384], %mul3A_382 {strides = array<i32>} : memref<128x128xf32, #tpu.memory_space<vmem>>, vector<16xf32>,
          %get3A_386 = arith.index_cast %add3A_367 : i32 to index
          %get3A_387 = arith.constant 32 : index
          %get3A_388 = tpu.vector_load %arg9[%get3A_386, %get3A_387] {strides = array<i32>} : memref<128x128xf32, #tpu.memory_space<vmem>>, vector<16xf32>,
          %mul3A_389 = arith.mulf %get3A_388, %bitcast3A : vector<16xf32>
          %swap3A_390 = arith.index_cast %add3A_367 : i32 to index
          %swap3A_391 = arith.constant 32 : index
          %swap3A_392 = tpu.vector_load %arg9[%swap3A_390, %swap3A_391] {strides = array<i32>} : memref<128x128xf32, #tpu.memory_space<vmem>>, vector<16xf32>,
          tpu.vector_store %arg9[%swap3A_390, %swap3A_391], %mul3A_389 {strides = array<i32>} : memref<128x128xf32, #tpu.memory_space<vmem>>, vector<16xf32>,
          %get3A_393 = arith.index_cast %add3A_367 : i32 to index
          %get3A_394 = arith.constant 48 : index
          %get3A_395 = tpu.vector_load %arg9[%get3A_393, %get3A_394] {strides = array<i32>} : memref<128x128xf32, #tpu.memory_space<vmem>>, vector<16xf32>,
          %mul3A_396 = arith.mulf %get3A_395, %bitcast3A : vector<16xf32>
          %swap3A_397 = arith.index_cast %add3A_367 : i32 to index
          %swap3A_398 = arith.constant 48 : index
          %swap3A_399 = tpu.vector_load %arg9[%swap3A_397, %swap3A_398] {strides = array<i32>} : memref<128x128xf32, #tpu.memory_space<vmem>>, vector<16xf32>,
          tpu.vector_store %arg9[%swap3A_397, %swap3A_398], %mul3A_396 {strides = array<i32>} : memref<128x128xf32, #tpu.memory_space<vmem>>, vector<16xf32>,
          %get3A_400 = arith.index_cast %add3A_367 : i32 to index
          %get3A_401 = arith.constant 64 : index
          %get3A_402 = tpu.vector_load %arg9[%get3A_400, %get3A_401] {strides = array<i32>} : memref<128x128xf32, #tpu.memory_space<vmem>>, vector<16xf32>,
          %mul3A_403 = arith.mulf %get3A_402, %bitcast3A : vector<16xf32>
          %swap3A_404 = arith.index_cast %add3A_367 : i32 to index
          %swap3A_405 = arith.constant 64 : index
          %swap3A_406 = tpu.vector_load %arg9[%swap3A_404, %swap3A_405] {strides = array<i32>} : memref<128x128xf32, #tpu.memory_space<vmem>>, vector<16xf32>,
          tpu.vector_store %arg9[%swap3A_404, %swap3A_405], %mul3A_403 {strides = array<i32>} : memref<128x128xf32, #tpu.memory_space<vmem>>, vector<16xf32>,
          %get3A_407 = arith.index_cast %add3A_367 : i32 to index
          %get3A_408 = arith.constant 80 : index
          %get3A_409 = tpu.vector_load %arg9[%get3A_407, %get3A_408] {strides = array<i32>} : memref<128x128xf32, #tpu.memory_space<vmem>>, vector<16xf32>,
          %mul3A_410 = arith.mulf %get3A_409, %bitcast3A : vector<16xf32>
          %swap3A_411 = arith.index_cast %add3A_367 : i32 to index
          %swap3A_412 = arith.constant 80 : index
          %swap3A_413 = tpu.vector_load %arg9[%swap3A_411, %swap3A_412] {strides = array<i32>} : memref<128x128xf32, #tpu.memory_space<vmem>>, vector<16xf32>,
          tpu.vector_store %arg9[%swap3A_411, %swap3A_412], %mul3A_410 {strides = array<i32>} : memref<128x128xf32, #tpu.memory_space<vmem>>, vector<16xf32>,
          %get3A_414 = arith.index_cast %add3A_367 : i32 to index
          %get3A_415 = arith.constant 96 : index
          %get3A_416 = tpu.vector_load %arg9[%get3A_414, %get3A_415] {strides = array<i32>} : memref<128x128xf32, #tpu.memory_space<vmem>>, vector<16xf32>,
          %mul3A_417 = arith.mulf %get3A_416, %bitcast3A : vector<16xf32>
          %swap3A_418 = arith.index_cast %add3A_367 : i32 to index
          %swap3A_419 = arith.constant 96 : index
          %swap3A_420 = tpu.vector_load %arg9[%swap3A_418, %swap3A_419] {strides = array<i32>} : memref<128x128xf32, #tpu.memory_space<vmem>>, vector<16xf32>,
          tpu.vector_store %arg9[%swap3A_418, %swap3A_419], %mul3A_417 {strides = array<i32>} : memref<128x128xf32, #tpu.memory_space<vmem>>, vector<16xf32>,
          %get3A_421 = arith.index_cast %add3A_367 : i32 to index
          %get3A_422 = arith.constant 112 : index
          %get3A_423 = tpu.vector_load %arg9[%get3A_421, %get3A_422] {strides = array<i32>} : memref<128x128xf32, #tpu.memory_space<vmem>>, vector<16xf32>,
          %mul3A_424 = arith.mulf %get3A_423, %bitcast3A : vector<16xf32>
          %swap3A_425 = arith.index_cast %add3A_367 : i32 to index
          %swap3A_426 = arith.constant 112 : index
          %swap3A_427 = tpu.vector_load %arg9[%swap3A_425, %swap3A_426] {strides = array<i32>} : memref<128x128xf32, #tpu.memory_space<vmem>>, vector<16xf32>,
          tpu.vector_store %arg9[%swap3A_425, %swap3A_426], %mul3A_424 {strides = array<i32>} : memref<128x128xf32, #tpu.memory_space<vmem>>, vector<16xf32>,
          %mul3A_428 = arith.constant 2 : i32
          %mul3A_429 = arith.muli %add3A_363, %mul3A_428 : i32
          %add3A_430 = arith.constant 1 : i32
          %add3A_431 = arith.addi %mul3A_429, %add3A_430 : i32
          %mul3A_432 = arith.constant 3 : i32
          %mul3A_433 = arith.muli %mul3A_432, %add3A_331 : i32
          %add3A_434 = arith.constant 2 : i32
          %add3A_435 = arith.addi %mul3A_433, %add3A_434 : i32
          %broadcast_in_dim3A_436 = vector.broadcast %add3A_435 : i32 to vector<16xi32>
          %broadcast_in_dim3A_437 = vector.broadcast %add3A_431 : i32 to vector<16xi32>
          %gather3A_438 = tpu.vector_load_idx %arg5[%broadcast_in_dim3A_436, %broadcast_in_dim3A_437] : memref<24x128xi32, #tpu.memory_space<vmem>>[vector<16xi32>, vector<16xi32>], vector<16xi32>,
          %bitcast3A_439 = vector.bitcast %gather3A_438 : vector<16xi32> to vector<16xf32>
          %get3A_440 = arith.index_cast %add3A_431 : i32 to index
          %get3A_441 = arith.constant 0 : index
          %get3A_442 = tpu.vector_load %arg9[%get3A_440, %get3A_441] {strides = array<i32>} : memref<128x128xf32, #tpu.memory_space<vmem>>, vector<16xf32>,
          %mul3A_443 = arith.mulf %get3A_442, %bitcast3A_439 : vector<16xf32>
          %swap3A_444 = arith.index_cast %add3A_431 : i32 to index
          %swap3A_445 = arith.constant 0 : index
          %swap3A_446 = tpu.vector_load %arg9[%swap3A_444, %swap3A_445] {strides = array<i32>} : memref<128x128xf32, #tpu.memory_space<vmem>>, vector<16xf32>,
          tpu.vector_store %arg9[%swap3A_444, %swap3A_445], %mul3A_443 {strides = array<i32>} : memref<128x128xf32, #tpu.memory_space<vmem>>, vector<16xf32>,
          %get3A_447 = arith.index_cast %add3A_431 : i32 to index
          %get3A_448 = arith.constant 16 : index
          %get3A_449 = tpu.vector_load %arg9[%get3A_447, %get3A_448] {strides = array<i32>} : memref<128x128xf32, #tpu.memory_space<vmem>>, vector<16xf32>,
          %mul3A_450 = arith.mulf %get3A_449, %bitcast3A_439 : vector<16xf32>
          %swap3A_451 = arith.index_cast %add3A_431 : i32 to index
          %swap3A_452 = arith.constant 16 : index
          %swap3A_453 = tpu.vector_load %arg9[%swap3A_451, %swap3A_452] {strides = array<i32>} : memref<128x128xf32, #tpu.memory_space<vmem>>, vector<16xf32>,
          tpu.vector_store %arg9[%swap3A_451, %swap3A_452], %mul3A_450 {strides = array<i32>} : memref<128x128xf32, #tpu.memory_space<vmem>>, vector<16xf32>,
          %get3A_454 = arith.index_cast %add3A_431 : i32 to index
          %get3A_455 = arith.constant 32 : index
          %get3A_456 = tpu.vector_load %arg9[%get3A_454, %get3A_455] {strides = array<i32>} : memref<128x128xf32, #tpu.memory_space<vmem>>, vector<16xf32>,
          %mul3A_457 = arith.mulf %get3A_456, %bitcast3A_439 : vector<16xf32>
          %swap3A_458 = arith.index_cast %add3A_431 : i32 to index
          %swap3A_459 = arith.constant 32 : index
          %swap3A_460 = tpu.vector_load %arg9[%swap3A_458, %swap3A_459] {strides = array<i32>} : memref<128x128xf32, #tpu.memory_space<vmem>>, vector<16xf32>,
          tpu.vector_store %arg9[%swap3A_458, %swap3A_459], %mul3A_457 {strides = array<i32>} : memref<128x128xf32, #tpu.memory_space<vmem>>, vector<16xf32>,
          %get3A_461 = arith.index_cast %add3A_431 : i32 to index
          %get3A_462 = arith.constant 48 : index
          %get3A_463 = tpu.vector_load %arg9[%get3A_461, %get3A_462] {strides = array<i32>} : memref<128x128xf32, #tpu.memory_space<vmem>>, vector<16xf32>,
          %mul3A_464 = arith.mulf %get3A_463, %bitcast3A_439 : vector<16xf32>
          %swap3A_465 = arith.index_cast %add3A_431 : i32 to index
          %swap3A_466 = arith.constant 48 : index
          %swap3A_467 = tpu.vector_load %arg9[%swap3A_465, %swap3A_466] {strides = array<i32>} : memref<128x128xf32, #tpu.memory_space<vmem>>, vector<16xf32>,
          tpu.vector_store %arg9[%swap3A_465, %swap3A_466], %mul3A_464 {strides = array<i32>} : memref<128x128xf32, #tpu.memory_space<vmem>>, vector<16xf32>,
          %get3A_468 = arith.index_cast %add3A_431 : i32 to index
          %get3A_469 = arith.constant 64 : index
          %get3A_470 = tpu.vector_load %arg9[%get3A_468, %get3A_469] {strides = array<i32>} : memref<128x128xf32, #tpu.memory_space<vmem>>, vector<16xf32>,
          %mul3A_471 = arith.mulf %get3A_470, %bitcast3A_439 : vector<16xf32>
          %swap3A_472 = arith.index_cast %add3A_431 : i32 to index
          %swap3A_473 = arith.constant 64 : index
          %swap3A_474 = tpu.vector_load %arg9[%swap3A_472, %swap3A_473] {strides = array<i32>} : memref<128x128xf32, #tpu.memory_space<vmem>>, vector<16xf32>,
          tpu.vector_store %arg9[%swap3A_472, %swap3A_473], %mul3A_471 {strides = array<i32>} : memref<128x128xf32, #tpu.memory_space<vmem>>, vector<16xf32>,
          %get3A_475 = arith.index_cast %add3A_431 : i32 to index
          %get3A_476 = arith.constant 80 : index
          %get3A_477 = tpu.vector_load %arg9[%get3A_475, %get3A_476] {strides = array<i32>} : memref<128x128xf32, #tpu.memory_space<vmem>>, vector<16xf32>,
          %mul3A_478 = arith.mulf %get3A_477, %bitcast3A_439 : vector<16xf32>
          %swap3A_479 = arith.index_cast %add3A_431 : i32 to index
          %swap3A_480 = arith.constant 80 : index
          %swap3A_481 = tpu.vector_load %arg9[%swap3A_479, %swap3A_480] {strides = array<i32>} : memref<128x128xf32, #tpu.memory_space<vmem>>, vector<16xf32>,
          tpu.vector_store %arg9[%swap3A_479, %swap3A_480], %mul3A_478 {strides = array<i32>} : memref<128x128xf32, #tpu.memory_space<vmem>>, vector<16xf32>,
          %get3A_482 = arith.index_cast %add3A_431 : i32 to index
          %get3A_483 = arith.constant 96 : index
          %get3A_484 = tpu.vector_load %arg9[%get3A_482, %get3A_483] {strides = array<i32>} : memref<128x128xf32, #tpu.memory_space<vmem>>, vector<16xf32>,
          %mul3A_485 = arith.mulf %get3A_484, %bitcast3A_439 : vector<16xf32>
          %swap3A_486 = arith.index_cast %add3A_431 : i32 to index
          %swap3A_487 = arith.constant 96 : index
          %swap3A_488 = tpu.vector_load %arg9[%swap3A_486, %swap3A_487] {strides = array<i32>} : memref<128x128xf32, #tpu.memory_space<vmem>>, vector<16xf32>,
          tpu.vector_store %arg9[%swap3A_486, %swap3A_487], %mul3A_485 {strides = array<i32>} : memref<128x128xf32, #tpu.memory_space<vmem>>, vector<16xf32>,
          %get3A_489 = arith.index_cast %add3A_431 : i32 to index
          %get3A_490 = arith.constant 112 : index
          %get3A_491 = tpu.vector_load %arg9[%get3A_489, %get3A_490] {strides = array<i32>} : memref<128x128xf32, #tpu.memory_space<vmem>>, vector<16xf32>,
          %mul3A_492 = arith.mulf %get3A_491, %bitcast3A_439 : vector<16xf32>
          %swap3A_493 = arith.index_cast %add3A_431 : i32 to index
          %swap3A_494 = arith.constant 112 : index
          %swap3A_495 = tpu.vector_load %arg9[%swap3A_493, %swap3A_494] {strides = array<i32>} : memref<128x128xf32, #tpu.memory_space<vmem>>, vector<16xf32>,
          tpu.vector_store %arg9[%swap3A_493, %swap3A_494], %mul3A_492 {strides = array<i32>} : memref<128x128xf32, #tpu.memory_space<vmem>>, vector<16xf32>,
        }
        %scan3A_344 = arith.constant 64 : i32
        %mul3A_345 = arith.constant 3 : i32
        %mul3A_346 = arith.muli %mul3A_345, %add3A_331 : i32
        %add3A_347 = arith.constant 1 : i32
        %add3A_348 = arith.addi %mul3A_346, %add3A_347 : i32
        "tpu.region"() ({
          %run_scoped3A_359 = tpu.sem_alloc : memref<!tpu.dma_semaphore, #tpu.memory_space<semaphore_mem>>
          %dma_start3A_360 = arith.constant 0 : i32
          %dma_start3A_361 = tpu.memref_slice %arg5[%add3A_348, %dma_start3A_360] : memref<24x128xi32, #tpu.memory_space<vmem>> -> memref<1x128xi32, #tpu.memory_space<vmem>>
          %dma_start3A_362 = tpu.memref_squeeze %dma_start3A_361 : memref<1x128xi32, #tpu.memory_space<vmem>> -> memref<128xi32, #tpu.memory_space<vmem>>
          %dma_start3A_363 = arith.constant 0 : i32
          %dma_start3A_364 = arith.constant 0 : i32
          %dma_start3A_365 = tpu.memref_slice %arg10[%dma_start3A_363, %dma_start3A_364] : memref<10240x128xf32, #tpu.memory_space<vmem_shared>> -> memref<10240x128xf32, #tpu.memory_space<vmem_shared>>
          tpu.enqueue_indirect_dma source(%arg9 : memref<128x128xf32, #tpu.memory_space<vmem>>) target(%dma_start3A_365 : memref<10240x128xf32, #tpu.memory_space<vmem_shared>>) offsets(%dma_start3A_362 : memref<128xi32, #tpu.memory_space<vmem>>) semaphore(%run_scoped3A_359 : memref<!tpu.dma_semaphore, #tpu.memory_space<semaphore_mem>>) {add = true}
          %dma_wait3A_366 = arith.constant 0 : i32
          %dma_wait3A_367 = tpu.memref_slice %arg5[%add3A_348, %dma_wait3A_366] : memref<24x128xi32, #tpu.memory_space<vmem>> -> memref<1x128xi32, #tpu.memory_space<vmem>>
          %dma_wait3A_368 = tpu.memref_squeeze %dma_wait3A_367 : memref<1x128xi32, #tpu.memory_space<vmem>> -> memref<128xi32, #tpu.memory_space<vmem>>
          %dma_wait3A_369 = arith.constant 0 : i32
          %dma_wait3A_370 = arith.constant 0 : i32
          %dma_wait3A_371 = tpu.memref_slice %arg10[%dma_wait3A_369, %dma_wait3A_370] : memref<10240x128xf32, #tpu.memory_space<vmem_shared>> -> memref<10240x128xf32, #tpu.memory_space<vmem_shared>>
          tpu.wait_indirect_dma semaphore(%run_scoped3A_359 : memref<!tpu.dma_semaphore, #tpu.memory_space<semaphore_mem>>) src(%arg9 : memref<128x128xf32, #tpu.memory_space<vmem>>) dst(%dma_wait3A_371 : memref<10240x128xf32, #tpu.memory_space<vmem_shared>>)
          tpu.yield
        }) : () -> ()
        %add3A_349 = arith.constant 3 : i32
        %add3A_350 = arith.addi %mul3A_302, %add3A_349 : i32
        %mul3A_351 = arith.constant 3 : i32
        %mul3A_352 = arith.muli %mul3A_351, %add3A_350 : i32
        %dma_start3A_353 = arith.constant 0 : i32
        %dma_start3A_354 = tpu.memref_slice %arg5[%mul3A_352, %dma_start3A_353] : memref<24x128xi32, #tpu.memory_space<vmem>> -> memref<1x128xi32, #tpu.memory_space<vmem>>
        %dma_start3A_355 = tpu.memref_squeeze %dma_start3A_354 : memref<1x128xi32, #tpu.memory_space<vmem>> -> memref<128xi32, #tpu.memory_space<vmem>>
        %dma_start3A_356 = arith.constant 0 : i32
        %dma_start3A_357 = arith.constant 0 : i32
        %dma_start3A_358 = tpu.memref_slice %arg2[%dma_start3A_356, %dma_start3A_357] : memref<10000x128xf32, #tpu.memory_space<hbm>> -> memref<10000x128xf32, #tpu.memory_space<hbm>>
        tpu.enqueue_indirect_dma source(%dma_start3A_358 : memref<10000x128xf32, #tpu.memory_space<hbm>>) target(%arg9 : memref<128x128xf32, #tpu.memory_space<vmem>>) offsets(%dma_start3A_355 : memref<128xi32, #tpu.memory_space<vmem>>) semaphore(%arg12 : memref<!tpu.dma_semaphore, #tpu.memory_space<semaphore_mem>>)
      }
      %scan3A_221 = arith.constant 3 : i32
      %dma_wait3A_222 = arith.constant 0 : i32
      %dma_wait3A_223 = tpu.memref_slice %arg3[%add3A_190, %dma_wait3A_222] : memref<7680x128xi32, #tpu.memory_space<hbm>> -> memref<24x128xi32, #tpu.memory_space<hbm>>
      %dma_wait3A_224 = arith.constant 0 : i32
      %dma_wait3A_225 = tpu.memref_slice %arg3[%add3A_190, %dma_wait3A_224] : memref<7680x128xi32, #tpu.memory_space<hbm>> -> memref<24x128xi32, #tpu.memory_space<hbm>>
      tpu.wait_dma2 semaphore(%arg14 : memref<!tpu.dma_semaphore, #tpu.memory_space<semaphore_mem>>) src(%dma_wait3A_225 : memref<24x128xi32, #tpu.memory_space<hbm>>) dst(%arg6 : memref<24x128xi32, #tpu.memory_space<vmem>>)
      %dma_wait3A_226 = arith.constant 18 : i32
      %dma_wait3A_227 = arith.constant 0 : i32
      %dma_wait3A_228 = tpu.memref_slice %arg5[%dma_wait3A_226, %dma_wait3A_227] : memref<24x128xi32, #tpu.memory_space<vmem>> -> memref<1x128xi32, #tpu.memory_space<vmem>>
      %dma_wait3A_229 = tpu.memref_squeeze %dma_wait3A_228 : memref<1x128xi32, #tpu.memory_space<vmem>> -> memref<128xi32, #tpu.memory_space<vmem>>
      %dma_wait3A_230 = arith.constant 0 : i32
      %dma_wait3A_231 = arith.constant 0 : i32
      %dma_wait3A_232 = tpu.memref_slice %arg2[%dma_wait3A_230, %dma_wait3A_231] : memref<10000x128xf32, #tpu.memory_space<hbm>> -> memref<10000x128xf32, #tpu.memory_space<hbm>>
      tpu.wait_indirect_dma semaphore(%arg11 : memref<!tpu.dma_semaphore, #tpu.memory_space<semaphore_mem>>) src(%dma_wait3A_232 : memref<10000x128xf32, #tpu.memory_space<hbm>>) dst(%arg8 : memref<128x128xf32, #tpu.memory_space<vmem>>)
      %scan3A_233 = arith.constant 0 : i32
      %scan3A_234 = arith.constant 64 : i32
      %scan3A_235 = arith.addi %scan3A_233, %scan3A_234 : i32
      %scan3A_236 = arith.constant 1 : i32
      scf.for %scan3A_296 = %scan3A_233 to %scan3A_235 step %scan3A_236  : i32 {
        %mul3A_297 = arith.constant 1 : i32
        %mul3A_298 = arith.muli %scan3A_296, %mul3A_297 : i32
        %add3A_299 = arith.constant 0 : i32
        %add3A_300 = arith.addi %add3A_299, %mul3A_298 : i32
        %mul3A_301 = arith.constant 2 : i32
        %mul3A_302 = arith.muli %add3A_300, %mul3A_301 : i32
        %add3A_303 = arith.constant 0 : i32
        %add3A_304 = arith.addi %mul3A_302, %add3A_303 : i32
        %broadcast_in_dim3A_305 = arith.constant 20 : i32
        %broadcast_in_dim3A_306 = vector.broadcast %broadcast_in_dim3A_305 : i32 to vector<16xi32>
        %broadcast_in_dim3A_307 = vector.broadcast %add3A_304 : i32 to vector<16xi32>
        %gather3A = tpu.vector_load_idx %arg5[%broadcast_in_dim3A_306, %broadcast_in_dim3A_307] : memref<24x128xi32, #tpu.memory_space<vmem>>[vector<16xi32>, vector<16xi32>], vector<16xi32>,
        %bitcast3A = vector.bitcast %gather3A : vector<16xi32> to vector<16xf32>
        %get3A = arith.index_cast %add3A_304 : i32 to index
        %get3A_308 = arith.constant 0 : index
        %get3A_309 = tpu.vector_load %arg8[%get3A, %get3A_308] {strides = array<i32>} : memref<128x128xf32, #tpu.memory_space<vmem>>, vector<16xf32>,
        %mul3A_310 = arith.mulf %get3A_309, %bitcast3A : vector<16xf32>
        %swap3A = arith.index_cast %add3A_304 : i32 to index
        %swap3A_311 = arith.constant 0 : index
        %swap3A_312 = tpu.vector_load %arg8[%swap3A, %swap3A_311] {strides = array<i32>} : memref<128x128xf32, #tpu.memory_space<vmem>>, vector<16xf32>,
        tpu.vector_store %arg8[%swap3A, %swap3A_311], %mul3A_310 {strides = array<i32>} : memref<128x128xf32, #tpu.memory_space<vmem>>, vector<16xf32>,
        %get3A_313 = arith.index_cast %add3A_304 : i32 to index
        %get3A_314 = arith.constant 16 : index
        %get3A_315 = tpu.vector_load %arg8[%get3A_313, %get3A_314] {strides = array<i32>} : memref<128x128xf32, #tpu.memory_space<vmem>>, vector<16xf32>,
        %mul3A_316 = arith.mulf %get3A_315, %bitcast3A : vector<16xf32>
        %swap3A_317 = arith.index_cast %add3A_304 : i32 to index
        %swap3A_318 = arith.constant 16 : index
        %swap3A_319 = tpu.vector_load %arg8[%swap3A_317, %swap3A_318] {strides = array<i32>} : memref<128x128xf32, #tpu.memory_space<vmem>>, vector<16xf32>,
        tpu.vector_store %arg8[%swap3A_317, %swap3A_318], %mul3A_316 {strides = array<i32>} : memref<128x128xf32, #tpu.memory_space<vmem>>, vector<16xf32>,
        %get3A_320 = arith.index_cast %add3A_304 : i32 to index
        %get3A_321 = arith.constant 32 : index
        %get3A_322 = tpu.vector_load %arg8[%get3A_320, %get3A_321] {strides = array<i32>} : memref<128x128xf32, #tpu.memory_space<vmem>>, vector<16xf32>,
        %mul3A_323 = arith.mulf %get3A_322, %bitcast3A : vector<16xf32>
        %swap3A_324 = arith.index_cast %add3A_304 : i32 to index
        %swap3A_325 = arith.constant 32 : index
        %swap3A_326 = tpu.vector_load %arg8[%swap3A_324, %swap3A_325] {strides = array<i32>} : memref<128x128xf32, #tpu.memory_space<vmem>>, vector<16xf32>,
        tpu.vector_store %arg8[%swap3A_324, %swap3A_325], %mul3A_323 {strides = array<i32>} : memref<128x128xf32, #tpu.memory_space<vmem>>, vector<16xf32>,
        %get3A_327 = arith.index_cast %add3A_304 : i32 to index
        %get3A_328 = arith.constant 48 : index
        %get3A_329 = tpu.vector_load %arg8[%get3A_327, %get3A_328] {strides = array<i32>} : memref<128x128xf32, #tpu.memory_space<vmem>>, vector<16xf32>,
        %mul3A_330 = arith.mulf %get3A_329, %bitcast3A : vector<16xf32>
        %swap3A_331 = arith.index_cast %add3A_304 : i32 to index
        %swap3A_332 = arith.constant 48 : index
        %swap3A_333 = tpu.vector_load %arg8[%swap3A_331, %swap3A_332] {strides = array<i32>} : memref<128x128xf32, #tpu.memory_space<vmem>>, vector<16xf32>,
        tpu.vector_store %arg8[%swap3A_331, %swap3A_332], %mul3A_330 {strides = array<i32>} : memref<128x128xf32, #tpu.memory_space<vmem>>, vector<16xf32>,
        %get3A_334 = arith.index_cast %add3A_304 : i32 to index
        %get3A_335 = arith.constant 64 : index
        %get3A_336 = tpu.vector_load %arg8[%get3A_334, %get3A_335] {strides = array<i32>} : memref<128x128xf32, #tpu.memory_space<vmem>>, vector<16xf32>,
        %mul3A_337 = arith.mulf %get3A_336, %bitcast3A : vector<16xf32>
        %swap3A_338 = arith.index_cast %add3A_304 : i32 to index
        %swap3A_339 = arith.constant 64 : index
        %swap3A_340 = tpu.vector_load %arg8[%swap3A_338, %swap3A_339] {strides = array<i32>} : memref<128x128xf32, #tpu.memory_space<vmem>>, vector<16xf32>,
        tpu.vector_store %arg8[%swap3A_338, %swap3A_339], %mul3A_337 {strides = array<i32>} : memref<128x128xf32, #tpu.memory_space<vmem>>, vector<16xf32>,
        %get3A_341 = arith.index_cast %add3A_304 : i32 to index
        %get3A_342 = arith.constant 80 : index
        %get3A_343 = tpu.vector_load %arg8[%get3A_341, %get3A_342] {strides = array<i32>} : memref<128x128xf32, #tpu.memory_space<vmem>>, vector<16xf32>,
        %mul3A_344 = arith.mulf %get3A_343, %bitcast3A : vector<16xf32>
        %swap3A_345 = arith.index_cast %add3A_304 : i32 to index
        %swap3A_346 = arith.constant 80 : index
        %swap3A_347 = tpu.vector_load %arg8[%swap3A_345, %swap3A_346] {strides = array<i32>} : memref<128x128xf32, #tpu.memory_space<vmem>>, vector<16xf32>,
        tpu.vector_store %arg8[%swap3A_345, %swap3A_346], %mul3A_344 {strides = array<i32>} : memref<128x128xf32, #tpu.memory_space<vmem>>, vector<16xf32>,
        %get3A_348 = arith.index_cast %add3A_304 : i32 to index
        %get3A_349 = arith.constant 96 : index
        %get3A_350 = tpu.vector_load %arg8[%get3A_348, %get3A_349] {strides = array<i32>} : memref<128x128xf32, #tpu.memory_space<vmem>>, vector<16xf32>,
        %mul3A_351 = arith.mulf %get3A_350, %bitcast3A : vector<16xf32>
        %swap3A_352 = arith.index_cast %add3A_304 : i32 to index
        %swap3A_353 = arith.constant 96 : index
        %swap3A_354 = tpu.vector_load %arg8[%swap3A_352, %swap3A_353] {strides = array<i32>} : memref<128x128xf32, #tpu.memory_space<vmem>>, vector<16xf32>,
        tpu.vector_store %arg8[%swap3A_352, %swap3A_353], %mul3A_351 {strides = array<i32>} : memref<128x128xf32, #tpu.memory_space<vmem>>, vector<16xf32>,
        %get3A_355 = arith.index_cast %add3A_304 : i32 to index
        %get3A_356 = arith.constant 112 : index
        %get3A_357 = tpu.vector_load %arg8[%get3A_355, %get3A_356] {strides = array<i32>} : memref<128x128xf32, #tpu.memory_space<vmem>>, vector<16xf32>,
        %mul3A_358 = arith.mulf %get3A_357, %bitcast3A : vector<16xf32>
        %swap3A_359 = arith.index_cast %add3A_304 : i32 to index
        %swap3A_360 = arith.constant 112 : index
        %swap3A_361 = tpu.vector_load %arg8[%swap3A_359, %swap3A_360] {strides = array<i32>} : memref<128x128xf32, #tpu.memory_space<vmem>>, vector<16xf32>,
        tpu.vector_store %arg8[%swap3A_359, %swap3A_360], %mul3A_358 {strides = array<i32>} : memref<128x128xf32, #tpu.memory_space<vmem>>, vector<16xf32>,
        %mul3A_362 = arith.constant 2 : i32
        %mul3A_363 = arith.muli %add3A_300, %mul3A_362 : i32
        %add3A_364 = arith.constant 1 : i32
        %add3A_365 = arith.addi %mul3A_363, %add3A_364 : i32
        %broadcast_in_dim3A_366 = arith.constant 20 : i32
        %broadcast_in_dim3A_367 = vector.broadcast %broadcast_in_dim3A_366 : i32 to vector<16xi32>
        %broadcast_in_dim3A_368 = vector.broadcast %add3A_365 : i32 to vector<16xi32>
        %gather3A_369 = tpu.vector_load_idx %arg5[%broadcast_in_dim3A_367, %broadcast_in_dim3A_368] : memref<24x128xi32, #tpu.memory_space<vmem>>[vector<16xi32>, vector<16xi32>], vector<16xi32>,
        %bitcast3A_370 = vector.bitcast %gather3A_369 : vector<16xi32> to vector<16xf32>
        %get3A_371 = arith.index_cast %add3A_365 : i32 to index
        %get3A_372 = arith.constant 0 : index
        %get3A_373 = tpu.vector_load %arg8[%get3A_371, %get3A_372] {strides = array<i32>} : memref<128x128xf32, #tpu.memory_space<vmem>>, vector<16xf32>,
        %mul3A_374 = arith.mulf %get3A_373, %bitcast3A_370 : vector<16xf32>
        %swap3A_375 = arith.index_cast %add3A_365 : i32 to index
        %swap3A_376 = arith.constant 0 : index
        %swap3A_377 = tpu.vector_load %arg8[%swap3A_375, %swap3A_376] {strides = array<i32>} : memref<128x128xf32, #tpu.memory_space<vmem>>, vector<16xf32>,
        tpu.vector_store %arg8[%swap3A_375, %swap3A_376], %mul3A_374 {strides = array<i32>} : memref<128x128xf32, #tpu.memory_space<vmem>>, vector<16xf32>,
        %get3A_378 = arith.index_cast %add3A_365 : i32 to index
        %get3A_379 = arith.constant 16 : index
        %get3A_380 = tpu.vector_load %arg8[%get3A_378, %get3A_379] {strides = array<i32>} : memref<128x128xf32, #tpu.memory_space<vmem>>, vector<16xf32>,
        %mul3A_381 = arith.mulf %get3A_380, %bitcast3A_370 : vector<16xf32>
        %swap3A_382 = arith.index_cast %add3A_365 : i32 to index
        %swap3A_383 = arith.constant 16 : index
        %swap3A_384 = tpu.vector_load %arg8[%swap3A_382, %swap3A_383] {strides = array<i32>} : memref<128x128xf32, #tpu.memory_space<vmem>>, vector<16xf32>,
        tpu.vector_store %arg8[%swap3A_382, %swap3A_383], %mul3A_381 {strides = array<i32>} : memref<128x128xf32, #tpu.memory_space<vmem>>, vector<16xf32>,
        %get3A_385 = arith.index_cast %add3A_365 : i32 to index
        %get3A_386 = arith.constant 32 : index
        %get3A_387 = tpu.vector_load %arg8[%get3A_385, %get3A_386] {strides = array<i32>} : memref<128x128xf32, #tpu.memory_space<vmem>>, vector<16xf32>,
        %mul3A_388 = arith.mulf %get3A_387, %bitcast3A_370 : vector<16xf32>
        %swap3A_389 = arith.index_cast %add3A_365 : i32 to index
        %swap3A_390 = arith.constant 32 : index
        %swap3A_391 = tpu.vector_load %arg8[%swap3A_389, %swap3A_390] {strides = array<i32>} : memref<128x128xf32, #tpu.memory_space<vmem>>, vector<16xf32>,
        tpu.vector_store %arg8[%swap3A_389, %swap3A_390], %mul3A_388 {strides = array<i32>} : memref<128x128xf32, #tpu.memory_space<vmem>>, vector<16xf32>,
        %get3A_392 = arith.index_cast %add3A_365 : i32 to index
        %get3A_393 = arith.constant 48 : index
        %get3A_394 = tpu.vector_load %arg8[%get3A_392, %get3A_393] {strides = array<i32>} : memref<128x128xf32, #tpu.memory_space<vmem>>, vector<16xf32>,
        %mul3A_395 = arith.mulf %get3A_394, %bitcast3A_370 : vector<16xf32>
        %swap3A_396 = arith.index_cast %add3A_365 : i32 to index
        %swap3A_397 = arith.constant 48 : index
        %swap3A_398 = tpu.vector_load %arg8[%swap3A_396, %swap3A_397] {strides = array<i32>} : memref<128x128xf32, #tpu.memory_space<vmem>>, vector<16xf32>,
        tpu.vector_store %arg8[%swap3A_396, %swap3A_397], %mul3A_395 {strides = array<i32>} : memref<128x128xf32, #tpu.memory_space<vmem>>, vector<16xf32>,
        %get3A_399 = arith.index_cast %add3A_365 : i32 to index
        %get3A_400 = arith.constant 64 : index
        %get3A_401 = tpu.vector_load %arg8[%get3A_399, %get3A_400] {strides = array<i32>} : memref<128x128xf32, #tpu.memory_space<vmem>>, vector<16xf32>,
        %mul3A_402 = arith.mulf %get3A_401, %bitcast3A_370 : vector<16xf32>
        %swap3A_403 = arith.index_cast %add3A_365 : i32 to index
        %swap3A_404 = arith.constant 64 : index
        %swap3A_405 = tpu.vector_load %arg8[%swap3A_403, %swap3A_404] {strides = array<i32>} : memref<128x128xf32, #tpu.memory_space<vmem>>, vector<16xf32>,
        tpu.vector_store %arg8[%swap3A_403, %swap3A_404], %mul3A_402 {strides = array<i32>} : memref<128x128xf32, #tpu.memory_space<vmem>>, vector<16xf32>,
        %get3A_406 = arith.index_cast %add3A_365 : i32 to index
        %get3A_407 = arith.constant 80 : index
        %get3A_408 = tpu.vector_load %arg8[%get3A_406, %get3A_407] {strides = array<i32>} : memref<128x128xf32, #tpu.memory_space<vmem>>, vector<16xf32>,
        %mul3A_409 = arith.mulf %get3A_408, %bitcast3A_370 : vector<16xf32>
        %swap3A_410 = arith.index_cast %add3A_365 : i32 to index
        %swap3A_411 = arith.constant 80 : index
        %swap3A_412 = tpu.vector_load %arg8[%swap3A_410, %swap3A_411] {strides = array<i32>} : memref<128x128xf32, #tpu.memory_space<vmem>>, vector<16xf32>,
        tpu.vector_store %arg8[%swap3A_410, %swap3A_411], %mul3A_409 {strides = array<i32>} : memref<128x128xf32, #tpu.memory_space<vmem>>, vector<16xf32>,
        %get3A_413 = arith.index_cast %add3A_365 : i32 to index
        %get3A_414 = arith.constant 96 : index
        %get3A_415 = tpu.vector_load %arg8[%get3A_413, %get3A_414] {strides = array<i32>} : memref<128x128xf32, #tpu.memory_space<vmem>>, vector<16xf32>,
        %mul3A_416 = arith.mulf %get3A_415, %bitcast3A_370 : vector<16xf32>
        %swap3A_417 = arith.index_cast %add3A_365 : i32 to index
        %swap3A_418 = arith.constant 96 : index
        %swap3A_419 = tpu.vector_load %arg8[%swap3A_417, %swap3A_418] {strides = array<i32>} : memref<128x128xf32, #tpu.memory_space<vmem>>, vector<16xf32>,
        tpu.vector_store %arg8[%swap3A_417, %swap3A_418], %mul3A_416 {strides = array<i32>} : memref<128x128xf32, #tpu.memory_space<vmem>>, vector<16xf32>,
        %get3A_420 = arith.index_cast %add3A_365 : i32 to index
        %get3A_421 = arith.constant 112 : index
        %get3A_422 = tpu.vector_load %arg8[%get3A_420, %get3A_421] {strides = array<i32>} : memref<128x128xf32, #tpu.memory_space<vmem>>, vector<16xf32>,
        %mul3A_423 = arith.mulf %get3A_422, %bitcast3A_370 : vector<16xf32>
        %swap3A_424 = arith.index_cast %add3A_365 : i32 to index
        %swap3A_425 = arith.constant 112 : index
        %swap3A_426 = tpu.vector_load %arg8[%swap3A_424, %swap3A_425] {strides = array<i32>} : memref<128x128xf32, #tpu.memory_space<vmem>>, vector<16xf32>,
        tpu.vector_store %arg8[%swap3A_424, %swap3A_425], %mul3A_423 {strides = array<i32>} : memref<128x128xf32, #tpu.memory_space<vmem>>, vector<16xf32>,
      }
      %scan3A_237 = arith.constant 64 : i32
      %run_scoped3A = arith.constant 19 : i32
      "tpu.region"() ({
        %run_scoped3A_296 = tpu.sem_alloc : memref<!tpu.dma_semaphore, #tpu.memory_space<semaphore_mem>>
        %dma_start3A_297 = arith.constant 0 : i32
        %dma_start3A_298 = tpu.memref_slice %arg5[%run_scoped3A, %dma_start3A_297] : memref<24x128xi32, #tpu.memory_space<vmem>> -> memref<1x128xi32, #tpu.memory_space<vmem>>
        %dma_start3A_299 = tpu.memref_squeeze %dma_start3A_298 : memref<1x128xi32, #tpu.memory_space<vmem>> -> memref<128xi32, #tpu.memory_space<vmem>>
        %dma_start3A_300 = arith.constant 0 : i32
        %dma_start3A_301 = arith.constant 0 : i32
        %dma_start3A_302 = tpu.memref_slice %arg10[%dma_start3A_300, %dma_start3A_301] : memref<10240x128xf32, #tpu.memory_space<vmem_shared>> -> memref<10240x128xf32, #tpu.memory_space<vmem_shared>>
        tpu.enqueue_indirect_dma source(%arg8 : memref<128x128xf32, #tpu.memory_space<vmem>>) target(%dma_start3A_302 : memref<10240x128xf32, #tpu.memory_space<vmem_shared>>) offsets(%dma_start3A_299 : memref<128xi32, #tpu.memory_space<vmem>>) semaphore(%run_scoped3A_296 : memref<!tpu.dma_semaphore, #tpu.memory_space<semaphore_mem>>) {add = true}
        %dma_wait3A_303 = arith.constant 0 : i32
        %dma_wait3A_304 = tpu.memref_slice %arg5[%run_scoped3A, %dma_wait3A_303] : memref<24x128xi32, #tpu.memory_space<vmem>> -> memref<1x128xi32, #tpu.memory_space<vmem>>
        %dma_wait3A_305 = tpu.memref_squeeze %dma_wait3A_304 : memref<1x128xi32, #tpu.memory_space<vmem>> -> memref<128xi32, #tpu.memory_space<vmem>>
        %dma_wait3A_306 = arith.constant 0 : i32
        %dma_wait3A_307 = arith.constant 0 : i32
        %dma_wait3A_308 = tpu.memref_slice %arg10[%dma_wait3A_306, %dma_wait3A_307] : memref<10240x128xf32, #tpu.memory_space<vmem_shared>> -> memref<10240x128xf32, #tpu.memory_space<vmem_shared>>
        tpu.wait_indirect_dma semaphore(%run_scoped3A_296 : memref<!tpu.dma_semaphore, #tpu.memory_space<semaphore_mem>>) src(%arg8 : memref<128x128xf32, #tpu.memory_space<vmem>>) dst(%dma_wait3A_308 : memref<10240x128xf32, #tpu.memory_space<vmem_shared>>)
        tpu.yield
      }) : () -> ()
      %dma_start3A_238 = arith.constant 0 : i32
      %dma_start3A_239 = arith.constant 0 : i32
      %dma_start3A_240 = tpu.memref_slice %arg6[%dma_start3A_238, %dma_start3A_239] : memref<24x128xi32, #tpu.memory_space<vmem>> -> memref<1x128xi32, #tpu.memory_space<vmem>>
      %dma_start3A_241 = tpu.memref_squeeze %dma_start3A_240 : memref<1x128xi32, #tpu.memory_space<vmem>> -> memref<128xi32, #tpu.memory_space<vmem>>
      %dma_start3A_242 = arith.constant 0 : i32
      %dma_start3A_243 = arith.constant 0 : i32
      %dma_start3A_244 = tpu.memref_slice %arg2[%dma_start3A_242, %dma_start3A_243] : memref<10000x128xf32, #tpu.memory_space<hbm>> -> memref<10000x128xf32, #tpu.memory_space<hbm>>
      tpu.enqueue_indirect_dma source(%dma_start3A_244 : memref<10000x128xf32, #tpu.memory_space<hbm>>) target(%arg8 : memref<128x128xf32, #tpu.memory_space<vmem>>) offsets(%dma_start3A_241 : memref<128xi32, #tpu.memory_space<vmem>>) semaphore(%arg11 : memref<!tpu.dma_semaphore, #tpu.memory_space<semaphore_mem>>)
      %dma_wait3A_245 = arith.constant 21 : i32
      %dma_wait3A_246 = arith.constant 0 : i32
      %dma_wait3A_247 = tpu.memref_slice %arg5[%dma_wait3A_245, %dma_wait3A_246] : memref<24x128xi32, #tpu.memory_space<vmem>> -> memref<1x128xi32, #tpu.memory_space<vmem>>
      %dma_wait3A_248 = tpu.memref_squeeze %dma_wait3A_247 : memref<1x128xi32, #tpu.memory_space<vmem>> -> memref<128xi32, #tpu.memory_space<vmem>>
      %dma_wait3A_249 = arith.constant 0 : i32
      %dma_wait3A_250 = arith.constant 0 : i32
      %dma_wait3A_251 = tpu.memref_slice %arg2[%dma_wait3A_249, %dma_wait3A_250] : memref<10000x128xf32, #tpu.memory_space<hbm>> -> memref<10000x128xf32, #tpu.memory_space<hbm>>
      tpu.wait_indirect_dma semaphore(%arg12 : memref<!tpu.dma_semaphore, #tpu.memory_space<semaphore_mem>>) src(%dma_wait3A_251 : memref<10000x128xf32, #tpu.memory_space<hbm>>) dst(%arg9 : memref<128x128xf32, #tpu.memory_space<vmem>>)
      %scan3A_252 = arith.constant 0 : i32
      %scan3A_253 = arith.constant 64 : i32
      %scan3A_254 = arith.addi %scan3A_252, %scan3A_253 : i32
      %scan3A_255 = arith.constant 1 : i32
      scf.for %scan3A_296 = %scan3A_252 to %scan3A_254 step %scan3A_255  : i32 {
        %mul3A_297 = arith.constant 1 : i32
        %mul3A_298 = arith.muli %scan3A_296, %mul3A_297 : i32
        %add3A_299 = arith.constant 0 : i32
        %add3A_300 = arith.addi %add3A_299, %mul3A_298 : i32
        %mul3A_301 = arith.constant 2 : i32
        %mul3A_302 = arith.muli %add3A_300, %mul3A_301 : i32
        %add3A_303 = arith.constant 0 : i32
        %add3A_304 = arith.addi %mul3A_302, %add3A_303 : i32
        %broadcast_in_dim3A_305 = arith.constant 23 : i32
        %broadcast_in_dim3A_306 = vector.broadcast %broadcast_in_dim3A_305 : i32 to vector<16xi32>
        %broadcast_in_dim3A_307 = vector.broadcast %add3A_304 : i32 to vector<16xi32>
        %gather3A = tpu.vector_load_idx %arg5[%broadcast_in_dim3A_306, %broadcast_in_dim3A_307] : memref<24x128xi32, #tpu.memory_space<vmem>>[vector<16xi32>, vector<16xi32>], vector<16xi32>,
        %bitcast3A = vector.bitcast %gather3A : vector<16xi32> to vector<16xf32>
        %get3A = arith.index_cast %add3A_304 : i32 to index
        %get3A_308 = arith.constant 0 : index
        %get3A_309 = tpu.vector_load %arg9[%get3A, %get3A_308] {strides = array<i32>} : memref<128x128xf32, #tpu.memory_space<vmem>>, vector<16xf32>,
        %mul3A_310 = arith.mulf %get3A_309, %bitcast3A : vector<16xf32>
        %swap3A = arith.index_cast %add3A_304 : i32 to index
        %swap3A_311 = arith.constant 0 : index
        %swap3A_312 = tpu.vector_load %arg9[%swap3A, %swap3A_311] {strides = array<i32>} : memref<128x128xf32, #tpu.memory_space<vmem>>, vector<16xf32>,
        tpu.vector_store %arg9[%swap3A, %swap3A_311], %mul3A_310 {strides = array<i32>} : memref<128x128xf32, #tpu.memory_space<vmem>>, vector<16xf32>,
        %get3A_313 = arith.index_cast %add3A_304 : i32 to index
        %get3A_314 = arith.constant 16 : index
        %get3A_315 = tpu.vector_load %arg9[%get3A_313, %get3A_314] {strides = array<i32>} : memref<128x128xf32, #tpu.memory_space<vmem>>, vector<16xf32>,
        %mul3A_316 = arith.mulf %get3A_315, %bitcast3A : vector<16xf32>
        %swap3A_317 = arith.index_cast %add3A_304 : i32 to index
        %swap3A_318 = arith.constant 16 : index
        %swap3A_319 = tpu.vector_load %arg9[%swap3A_317, %swap3A_318] {strides = array<i32>} : memref<128x128xf32, #tpu.memory_space<vmem>>, vector<16xf32>,
        tpu.vector_store %arg9[%swap3A_317, %swap3A_318], %mul3A_316 {strides = array<i32>} : memref<128x128xf32, #tpu.memory_space<vmem>>, vector<16xf32>,
        %get3A_320 = arith.index_cast %add3A_304 : i32 to index
        %get3A_321 = arith.constant 32 : index
        %get3A_322 = tpu.vector_load %arg9[%get3A_320, %get3A_321] {strides = array<i32>} : memref<128x128xf32, #tpu.memory_space<vmem>>, vector<16xf32>,
        %mul3A_323 = arith.mulf %get3A_322, %bitcast3A : vector<16xf32>
        %swap3A_324 = arith.index_cast %add3A_304 : i32 to index
        %swap3A_325 = arith.constant 32 : index
        %swap3A_326 = tpu.vector_load %arg9[%swap3A_324, %swap3A_325] {strides = array<i32>} : memref<128x128xf32, #tpu.memory_space<vmem>>, vector<16xf32>,
        tpu.vector_store %arg9[%swap3A_324, %swap3A_325], %mul3A_323 {strides = array<i32>} : memref<128x128xf32, #tpu.memory_space<vmem>>, vector<16xf32>,
        %get3A_327 = arith.index_cast %add3A_304 : i32 to index
        %get3A_328 = arith.constant 48 : index
        %get3A_329 = tpu.vector_load %arg9[%get3A_327, %get3A_328] {strides = array<i32>} : memref<128x128xf32, #tpu.memory_space<vmem>>, vector<16xf32>,
        %mul3A_330 = arith.mulf %get3A_329, %bitcast3A : vector<16xf32>
        %swap3A_331 = arith.index_cast %add3A_304 : i32 to index
        %swap3A_332 = arith.constant 48 : index
        %swap3A_333 = tpu.vector_load %arg9[%swap3A_331, %swap3A_332] {strides = array<i32>} : memref<128x128xf32, #tpu.memory_space<vmem>>, vector<16xf32>,
        tpu.vector_store %arg9[%swap3A_331, %swap3A_332], %mul3A_330 {strides = array<i32>} : memref<128x128xf32, #tpu.memory_space<vmem>>, vector<16xf32>,
        %get3A_334 = arith.index_cast %add3A_304 : i32 to index
        %get3A_335 = arith.constant 64 : index
        %get3A_336 = tpu.vector_load %arg9[%get3A_334, %get3A_335] {strides = array<i32>} : memref<128x128xf32, #tpu.memory_space<vmem>>, vector<16xf32>,
        %mul3A_337 = arith.mulf %get3A_336, %bitcast3A : vector<16xf32>
        %swap3A_338 = arith.index_cast %add3A_304 : i32 to index
        %swap3A_339 = arith.constant 64 : index
        %swap3A_340 = tpu.vector_load %arg9[%swap3A_338, %swap3A_339] {strides = array<i32>} : memref<128x128xf32, #tpu.memory_space<vmem>>, vector<16xf32>,
        tpu.vector_store %arg9[%swap3A_338, %swap3A_339], %mul3A_337 {strides = array<i32>} : memref<128x128xf32, #tpu.memory_space<vmem>>, vector<16xf32>,
        %get3A_341 = arith.index_cast %add3A_304 : i32 to index
        %get3A_342 = arith.constant 80 : index
        %get3A_343 = tpu.vector_load %arg9[%get3A_341, %get3A_342] {strides = array<i32>} : memref<128x128xf32, #tpu.memory_space<vmem>>, vector<16xf32>,
        %mul3A_344 = arith.mulf %get3A_343, %bitcast3A : vector<16xf32>
        %swap3A_345 = arith.index_cast %add3A_304 : i32 to index
        %swap3A_346 = arith.constant 80 : index
        %swap3A_347 = tpu.vector_load %arg9[%swap3A_345, %swap3A_346] {strides = array<i32>} : memref<128x128xf32, #tpu.memory_space<vmem>>, vector<16xf32>,
        tpu.vector_store %arg9[%swap3A_345, %swap3A_346], %mul3A_344 {strides = array<i32>} : memref<128x128xf32, #tpu.memory_space<vmem>>, vector<16xf32>,
        %get3A_348 = arith.index_cast %add3A_304 : i32 to index
        %get3A_349 = arith.constant 96 : index
        %get3A_350 = tpu.vector_load %arg9[%get3A_348, %get3A_349] {strides = array<i32>} : memref<128x128xf32, #tpu.memory_space<vmem>>, vector<16xf32>,
        %mul3A_351 = arith.mulf %get3A_350, %bitcast3A : vector<16xf32>
        %swap3A_352 = arith.index_cast %add3A_304 : i32 to index
        %swap3A_353 = arith.constant 96 : index
        %swap3A_354 = tpu.vector_load %arg9[%swap3A_352, %swap3A_353] {strides = array<i32>} : memref<128x128xf32, #tpu.memory_space<vmem>>, vector<16xf32>,
        tpu.vector_store %arg9[%swap3A_352, %swap3A_353], %mul3A_351 {strides = array<i32>} : memref<128x128xf32, #tpu.memory_space<vmem>>, vector<16xf32>,
        %get3A_355 = arith.index_cast %add3A_304 : i32 to index
        %get3A_356 = arith.constant 112 : index
        %get3A_357 = tpu.vector_load %arg9[%get3A_355, %get3A_356] {strides = array<i32>} : memref<128x128xf32, #tpu.memory_space<vmem>>, vector<16xf32>,
        %mul3A_358 = arith.mulf %get3A_357, %bitcast3A : vector<16xf32>
        %swap3A_359 = arith.index_cast %add3A_304 : i32 to index
        %swap3A_360 = arith.constant 112 : index
        %swap3A_361 = tpu.vector_load %arg9[%swap3A_359, %swap3A_360] {strides = array<i32>} : memref<128x128xf32, #tpu.memory_space<vmem>>, vector<16xf32>,
        tpu.vector_store %arg9[%swap3A_359, %swap3A_360], %mul3A_358 {strides = array<i32>} : memref<128x128xf32, #tpu.memory_space<vmem>>, vector<16xf32>,
        %mul3A_362 = arith.constant 2 : i32
        %mul3A_363 = arith.muli %add3A_300, %mul3A_362 : i32
        %add3A_364 = arith.constant 1 : i32
        %add3A_365 = arith.addi %mul3A_363, %add3A_364 : i32
        %broadcast_in_dim3A_366 = arith.constant 23 : i32
        %broadcast_in_dim3A_367 = vector.broadcast %broadcast_in_dim3A_366 : i32 to vector<16xi32>
        %broadcast_in_dim3A_368 = vector.broadcast %add3A_365 : i32 to vector<16xi32>
        %gather3A_369 = tpu.vector_load_idx %arg5[%broadcast_in_dim3A_367, %broadcast_in_dim3A_368] : memref<24x128xi32, #tpu.memory_space<vmem>>[vector<16xi32>, vector<16xi32>], vector<16xi32>,
        %bitcast3A_370 = vector.bitcast %gather3A_369 : vector<16xi32> to vector<16xf32>
        %get3A_371 = arith.index_cast %add3A_365 : i32 to index
        %get3A_372 = arith.constant 0 : index
        %get3A_373 = tpu.vector_load %arg9[%get3A_371, %get3A_372] {strides = array<i32>} : memref<128x128xf32, #tpu.memory_space<vmem>>, vector<16xf32>,
        %mul3A_374 = arith.mulf %get3A_373, %bitcast3A_370 : vector<16xf32>
        %swap3A_375 = arith.index_cast %add3A_365 : i32 to index
        %swap3A_376 = arith.constant 0 : index
        %swap3A_377 = tpu.vector_load %arg9[%swap3A_375, %swap3A_376] {strides = array<i32>} : memref<128x128xf32, #tpu.memory_space<vmem>>, vector<16xf32>,
        tpu.vector_store %arg9[%swap3A_375, %swap3A_376], %mul3A_374 {strides = array<i32>} : memref<128x128xf32, #tpu.memory_space<vmem>>, vector<16xf32>,
        %get3A_378 = arith.index_cast %add3A_365 : i32 to index
        %get3A_379 = arith.constant 16 : index
        %get3A_380 = tpu.vector_load %arg9[%get3A_378, %get3A_379] {strides = array<i32>} : memref<128x128xf32, #tpu.memory_space<vmem>>, vector<16xf32>,
        %mul3A_381 = arith.mulf %get3A_380, %bitcast3A_370 : vector<16xf32>
        %swap3A_382 = arith.index_cast %add3A_365 : i32 to index
        %swap3A_383 = arith.constant 16 : index
        %swap3A_384 = tpu.vector_load %arg9[%swap3A_382, %swap3A_383] {strides = array<i32>} : memref<128x128xf32, #tpu.memory_space<vmem>>, vector<16xf32>,
        tpu.vector_store %arg9[%swap3A_382, %swap3A_383], %mul3A_381 {strides = array<i32>} : memref<128x128xf32, #tpu.memory_space<vmem>>, vector<16xf32>,
        %get3A_385 = arith.index_cast %add3A_365 : i32 to index
        %get3A_386 = arith.constant 32 : index
        %get3A_387 = tpu.vector_load %arg9[%get3A_385, %get3A_386] {strides = array<i32>} : memref<128x128xf32, #tpu.memory_space<vmem>>, vector<16xf32>,
        %mul3A_388 = arith.mulf %get3A_387, %bitcast3A_370 : vector<16xf32>
        %swap3A_389 = arith.index_cast %add3A_365 : i32 to index
        %swap3A_390 = arith.constant 32 : index
        %swap3A_391 = tpu.vector_load %arg9[%swap3A_389, %swap3A_390] {strides = array<i32>} : memref<128x128xf32, #tpu.memory_space<vmem>>, vector<16xf32>,
        tpu.vector_store %arg9[%swap3A_389, %swap3A_390], %mul3A_388 {strides = array<i32>} : memref<128x128xf32, #tpu.memory_space<vmem>>, vector<16xf32>,
        %get3A_392 = arith.index_cast %add3A_365 : i32 to index
        %get3A_393 = arith.constant 48 : index
        %get3A_394 = tpu.vector_load %arg9[%get3A_392, %get3A_393] {strides = array<i32>} : memref<128x128xf32, #tpu.memory_space<vmem>>, vector<16xf32>,
        %mul3A_395 = arith.mulf %get3A_394, %bitcast3A_370 : vector<16xf32>
        %swap3A_396 = arith.index_cast %add3A_365 : i32 to index
        %swap3A_397 = arith.constant 48 : index
        %swap3A_398 = tpu.vector_load %arg9[%swap3A_396, %swap3A_397] {strides = array<i32>} : memref<128x128xf32, #tpu.memory_space<vmem>>, vector<16xf32>,
        tpu.vector_store %arg9[%swap3A_396, %swap3A_397], %mul3A_395 {strides = array<i32>} : memref<128x128xf32, #tpu.memory_space<vmem>>, vector<16xf32>,
        %get3A_399 = arith.index_cast %add3A_365 : i32 to index
        %get3A_400 = arith.constant 64 : index
        %get3A_401 = tpu.vector_load %arg9[%get3A_399, %get3A_400] {strides = array<i32>} : memref<128x128xf32, #tpu.memory_space<vmem>>, vector<16xf32>,
        %mul3A_402 = arith.mulf %get3A_401, %bitcast3A_370 : vector<16xf32>
        %swap3A_403 = arith.index_cast %add3A_365 : i32 to index
        %swap3A_404 = arith.constant 64 : index
        %swap3A_405 = tpu.vector_load %arg9[%swap3A_403, %swap3A_404] {strides = array<i32>} : memref<128x128xf32, #tpu.memory_space<vmem>>, vector<16xf32>,
        tpu.vector_store %arg9[%swap3A_403, %swap3A_404], %mul3A_402 {strides = array<i32>} : memref<128x128xf32, #tpu.memory_space<vmem>>, vector<16xf32>,
        %get3A_406 = arith.index_cast %add3A_365 : i32 to index
        %get3A_407 = arith.constant 80 : index
        %get3A_408 = tpu.vector_load %arg9[%get3A_406, %get3A_407] {strides = array<i32>} : memref<128x128xf32, #tpu.memory_space<vmem>>, vector<16xf32>,
        %mul3A_409 = arith.mulf %get3A_408, %bitcast3A_370 : vector<16xf32>
        %swap3A_410 = arith.index_cast %add3A_365 : i32 to index
        %swap3A_411 = arith.constant 80 : index
        %swap3A_412 = tpu.vector_load %arg9[%swap3A_410, %swap3A_411] {strides = array<i32>} : memref<128x128xf32, #tpu.memory_space<vmem>>, vector<16xf32>,
        tpu.vector_store %arg9[%swap3A_410, %swap3A_411], %mul3A_409 {strides = array<i32>} : memref<128x128xf32, #tpu.memory_space<vmem>>, vector<16xf32>,
        %get3A_413 = arith.index_cast %add3A_365 : i32 to index
        %get3A_414 = arith.constant 96 : index
        %get3A_415 = tpu.vector_load %arg9[%get3A_413, %get3A_414] {strides = array<i32>} : memref<128x128xf32, #tpu.memory_space<vmem>>, vector<16xf32>,
        %mul3A_416 = arith.mulf %get3A_415, %bitcast3A_370 : vector<16xf32>
        %swap3A_417 = arith.index_cast %add3A_365 : i32 to index
        %swap3A_418 = arith.constant 96 : index
        %swap3A_419 = tpu.vector_load %arg9[%swap3A_417, %swap3A_418] {strides = array<i32>} : memref<128x128xf32, #tpu.memory_space<vmem>>, vector<16xf32>,
        tpu.vector_store %arg9[%swap3A_417, %swap3A_418], %mul3A_416 {strides = array<i32>} : memref<128x128xf32, #tpu.memory_space<vmem>>, vector<16xf32>,
        %get3A_420 = arith.index_cast %add3A_365 : i32 to index
        %get3A_421 = arith.constant 112 : index
        %get3A_422 = tpu.vector_load %arg9[%get3A_420, %get3A_421] {strides = array<i32>} : memref<128x128xf32, #tpu.memory_space<vmem>>, vector<16xf32>,
        %mul3A_423 = arith.mulf %get3A_422, %bitcast3A_370 : vector<16xf32>
        %swap3A_424 = arith.index_cast %add3A_365 : i32 to index
        %swap3A_425 = arith.constant 112 : index
        %swap3A_426 = tpu.vector_load %arg9[%swap3A_424, %swap3A_425] {strides = array<i32>} : memref<128x128xf32, #tpu.memory_space<vmem>>, vector<16xf32>,
        tpu.vector_store %arg9[%swap3A_424, %swap3A_425], %mul3A_423 {strides = array<i32>} : memref<128x128xf32, #tpu.memory_space<vmem>>, vector<16xf32>,
      }
      %scan3A_256 = arith.constant 64 : i32
      %run_scoped3A_257 = arith.constant 22 : i32
      "tpu.region"() ({
        %run_scoped3A_296 = tpu.sem_alloc : memref<!tpu.dma_semaphore, #tpu.memory_space<semaphore_mem>>
        %dma_start3A_297 = arith.constant 0 : i32
        %dma_start3A_298 = tpu.memref_slice %arg5[%run_scoped3A_257, %dma_start3A_297] : memref<24x128xi32, #tpu.memory_space<vmem>> -> memref<1x128xi32, #tpu.memory_space<vmem>>
        %dma_start3A_299 = tpu.memref_squeeze %dma_start3A_298 : memref<1x128xi32, #tpu.memory_space<vmem>> -> memref<128xi32, #tpu.memory_space<vmem>>
        %dma_start3A_300 = arith.constant 0 : i32
        %dma_start3A_301 = arith.constant 0 : i32
        %dma_start3A_302 = tpu.memref_slice %arg10[%dma_start3A_300, %dma_start3A_301] : memref<10240x128xf32, #tpu.memory_space<vmem_shared>> -> memref<10240x128xf32, #tpu.memory_space<vmem_shared>>
        tpu.enqueue_indirect_dma source(%arg9 : memref<128x128xf32, #tpu.memory_space<vmem>>) target(%dma_start3A_302 : memref<10240x128xf32, #tpu.memory_space<vmem_shared>>) offsets(%dma_start3A_299 : memref<128xi32, #tpu.memory_space<vmem>>) semaphore(%run_scoped3A_296 : memref<!tpu.dma_semaphore, #tpu.memory_space<semaphore_mem>>) {add = true}
        %dma_wait3A_303 = arith.constant 0 : i32
        %dma_wait3A_304 = tpu.memref_slice %arg5[%run_scoped3A_257, %dma_wait3A_303] : memref<24x128xi32, #tpu.memory_space<vmem>> -> memref<1x128xi32, #tpu.memory_space<vmem>>
        %dma_wait3A_305 = tpu.memref_squeeze %dma_wait3A_304 : memref<1x128xi32, #tpu.memory_space<vmem>> -> memref<128xi32, #tpu.memory_space<vmem>>
        %dma_wait3A_306 = arith.constant 0 : i32
        %dma_wait3A_307 = arith.constant 0 : i32
        %dma_wait3A_308 = tpu.memref_slice %arg10[%dma_wait3A_306, %dma_wait3A_307] : memref<10240x128xf32, #tpu.memory_space<vmem_shared>> -> memref<10240x128xf32, #tpu.memory_space<vmem_shared>>
        tpu.wait_indirect_dma semaphore(%run_scoped3A_296 : memref<!tpu.dma_semaphore, #tpu.memory_space<semaphore_mem>>) src(%arg9 : memref<128x128xf32, #tpu.memory_space<vmem>>) dst(%dma_wait3A_308 : memref<10240x128xf32, #tpu.memory_space<vmem_shared>>)
        tpu.yield
      }) : () -> ()
      %dma_start3A_258 = arith.constant 3 : i32
      %dma_start3A_259 = arith.constant 0 : i32
      %dma_start3A_260 = tpu.memref_slice %arg6[%dma_start3A_258, %dma_start3A_259] : memref<24x128xi32, #tpu.memory_space<vmem>> -> memref<1x128xi32, #tpu.memory_space<vmem>>
      %dma_start3A_261 = tpu.memref_squeeze %dma_start3A_260 : memref<1x128xi32, #tpu.memory_space<vmem>> -> memref<128xi32, #tpu.memory_space<vmem>>
      %dma_start3A_262 = arith.constant 0 : i32
      %dma_start3A_263 = arith.constant 0 : i32
      %dma_start3A_264 = tpu.memref_slice %arg2[%dma_start3A_262, %dma_start3A_263] : memref<10000x128xf32, #tpu.memory_space<hbm>> -> memref<10000x128xf32, #tpu.memory_space<hbm>>
      tpu.enqueue_indirect_dma source(%dma_start3A_264 : memref<10000x128xf32, #tpu.memory_space<hbm>>) target(%arg9 : memref<128x128xf32, #tpu.memory_space<vmem>>) offsets(%dma_start3A_261 : memref<128xi32, #tpu.memory_space<vmem>>) semaphore(%arg12 : memref<!tpu.dma_semaphore, #tpu.memory_space<semaphore_mem>>)
      %scan3A_265 = arith.constant 0 : i32
      %scan3A_266 = arith.constant 3 : i32
      %scan3A_267 = arith.addi %scan3A_265, %scan3A_266 : i32
      %scan3A_268 = arith.constant 1 : i32
      scf.for %scan3A_296 = %scan3A_265 to %scan3A_267 step %scan3A_268  : i32 {
        %mul3A_297 = arith.constant 1 : i32
        %mul3A_298 = arith.muli %scan3A_296, %mul3A_297 : i32
        %add3A_299 = arith.constant 0 : i32
        %add3A_300 = arith.addi %add3A_299, %mul3A_298 : i32
        %mul3A_301 = arith.constant 2 : i32
        %mul3A_302 = arith.muli %mul3A_301, %add3A_300 : i32
        %mul3A_303 = arith.constant 3 : i32
        %mul3A_304 = arith.muli %mul3A_303, %mul3A_302 : i32
        %dma_wait3A_305 = arith.constant 0 : i32
        %dma_wait3A_306 = tpu.memref_slice %arg6[%mul3A_304, %dma_wait3A_305] : memref<24x128xi32, #tpu.memory_space<vmem>> -> memref<1x128xi32, #tpu.memory_space<vmem>>
        %dma_wait3A_307 = tpu.memref_squeeze %dma_wait3A_306 : memref<1x128xi32, #tpu.memory_space<vmem>> -> memref<128xi32, #tpu.memory_space<vmem>>
        %dma_wait3A_308 = arith.constant 0 : i32
        %dma_wait3A_309 = arith.constant 0 : i32
        %dma_wait3A_310 = tpu.memref_slice %arg2[%dma_wait3A_308, %dma_wait3A_309] : memref<10000x128xf32, #tpu.memory_space<hbm>> -> memref<10000x128xf32, #tpu.memory_space<hbm>>
        tpu.wait_indirect_dma semaphore(%arg11 : memref<!tpu.dma_semaphore, #tpu.memory_space<semaphore_mem>>) src(%dma_wait3A_310 : memref<10000x128xf32, #tpu.memory_space<hbm>>) dst(%arg8 : memref<128x128xf32, #tpu.memory_space<vmem>>)
        %scan3A_311 = arith.constant 0 : i32
        %scan3A_312 = arith.constant 64 : i32
        %scan3A_313 = arith.addi %scan3A_311, %scan3A_312 : i32
        %scan3A_314 = arith.constant 1 : i32
        scf.for %scan3A_359 = %scan3A_311 to %scan3A_313 step %scan3A_314  : i32 {
          %mul3A_360 = arith.constant 1 : i32
          %mul3A_361 = arith.muli %scan3A_359, %mul3A_360 : i32
          %add3A_362 = arith.constant 0 : i32
          %add3A_363 = arith.addi %add3A_362, %mul3A_361 : i32
          %mul3A_364 = arith.constant 2 : i32
          %mul3A_365 = arith.muli %add3A_363, %mul3A_364 : i32
          %add3A_366 = arith.constant 0 : i32
          %add3A_367 = arith.addi %mul3A_365, %add3A_366 : i32
          %mul3A_368 = arith.constant 3 : i32
          %mul3A_369 = arith.muli %mul3A_368, %mul3A_302 : i32
          %add3A_370 = arith.constant 2 : i32
          %add3A_371 = arith.addi %mul3A_369, %add3A_370 : i32
          %broadcast_in_dim3A_372 = vector.broadcast %add3A_371 : i32 to vector<16xi32>
          %broadcast_in_dim3A_373 = vector.broadcast %add3A_367 : i32 to vector<16xi32>
          %gather3A = tpu.vector_load_idx %arg6[%broadcast_in_dim3A_372, %broadcast_in_dim3A_373] : memref<24x128xi32, #tpu.memory_space<vmem>>[vector<16xi32>, vector<16xi32>], vector<16xi32>,
          %bitcast3A = vector.bitcast %gather3A : vector<16xi32> to vector<16xf32>
          %get3A = arith.index_cast %add3A_367 : i32 to index
          %get3A_374 = arith.constant 0 : index
          %get3A_375 = tpu.vector_load %arg8[%get3A, %get3A_374] {strides = array<i32>} : memref<128x128xf32, #tpu.memory_space<vmem>>, vector<16xf32>,
          %mul3A_376 = arith.mulf %get3A_375, %bitcast3A : vector<16xf32>
          %swap3A = arith.index_cast %add3A_367 : i32 to index
          %swap3A_377 = arith.constant 0 : index
          %swap3A_378 = tpu.vector_load %arg8[%swap3A, %swap3A_377] {strides = array<i32>} : memref<128x128xf32, #tpu.memory_space<vmem>>, vector<16xf32>,
          tpu.vector_store %arg8[%swap3A, %swap3A_377], %mul3A_376 {strides = array<i32>} : memref<128x128xf32, #tpu.memory_space<vmem>>, vector<16xf32>,
          %get3A_379 = arith.index_cast %add3A_367 : i32 to index
          %get3A_380 = arith.constant 16 : index
          %get3A_381 = tpu.vector_load %arg8[%get3A_379, %get3A_380] {strides = array<i32>} : memref<128x128xf32, #tpu.memory_space<vmem>>, vector<16xf32>,
          %mul3A_382 = arith.mulf %get3A_381, %bitcast3A : vector<16xf32>
          %swap3A_383 = arith.index_cast %add3A_367 : i32 to index
          %swap3A_384 = arith.constant 16 : index
          %swap3A_385 = tpu.vector_load %arg8[%swap3A_383, %swap3A_384] {strides = array<i32>} : memref<128x128xf32, #tpu.memory_space<vmem>>, vector<16xf32>,
          tpu.vector_store %arg8[%swap3A_383, %swap3A_384], %mul3A_382 {strides = array<i32>} : memref<128x128xf32, #tpu.memory_space<vmem>>, vector<16xf32>,
          %get3A_386 = arith.index_cast %add3A_367 : i32 to index
          %get3A_387 = arith.constant 32 : index
          %get3A_388 = tpu.vector_load %arg8[%get3A_386, %get3A_387] {strides = array<i32>} : memref<128x128xf32, #tpu.memory_space<vmem>>, vector<16xf32>,
          %mul3A_389 = arith.mulf %get3A_388, %bitcast3A : vector<16xf32>
          %swap3A_390 = arith.index_cast %add3A_367 : i32 to index
          %swap3A_391 = arith.constant 32 : index
          %swap3A_392 = tpu.vector_load %arg8[%swap3A_390, %swap3A_391] {strides = array<i32>} : memref<128x128xf32, #tpu.memory_space<vmem>>, vector<16xf32>,
          tpu.vector_store %arg8[%swap3A_390, %swap3A_391], %mul3A_389 {strides = array<i32>} : memref<128x128xf32, #tpu.memory_space<vmem>>, vector<16xf32>,
          %get3A_393 = arith.index_cast %add3A_367 : i32 to index
          %get3A_394 = arith.constant 48 : index
          %get3A_395 = tpu.vector_load %arg8[%get3A_393, %get3A_394] {strides = array<i32>} : memref<128x128xf32, #tpu.memory_space<vmem>>, vector<16xf32>,
          %mul3A_396 = arith.mulf %get3A_395, %bitcast3A : vector<16xf32>
          %swap3A_397 = arith.index_cast %add3A_367 : i32 to index
          %swap3A_398 = arith.constant 48 : index
          %swap3A_399 = tpu.vector_load %arg8[%swap3A_397, %swap3A_398] {strides = array<i32>} : memref<128x128xf32, #tpu.memory_space<vmem>>, vector<16xf32>,
          tpu.vector_store %arg8[%swap3A_397, %swap3A_398], %mul3A_396 {strides = array<i32>} : memref<128x128xf32, #tpu.memory_space<vmem>>, vector<16xf32>,
          %get3A_400 = arith.index_cast %add3A_367 : i32 to index
          %get3A_401 = arith.constant 64 : index
          %get3A_402 = tpu.vector_load %arg8[%get3A_400, %get3A_401] {strides = array<i32>} : memref<128x128xf32, #tpu.memory_space<vmem>>, vector<16xf32>,
          %mul3A_403 = arith.mulf %get3A_402, %bitcast3A : vector<16xf32>
          %swap3A_404 = arith.index_cast %add3A_367 : i32 to index
          %swap3A_405 = arith.constant 64 : index
          %swap3A_406 = tpu.vector_load %arg8[%swap3A_404, %swap3A_405] {strides = array<i32>} : memref<128x128xf32, #tpu.memory_space<vmem>>, vector<16xf32>,
          tpu.vector_store %arg8[%swap3A_404, %swap3A_405], %mul3A_403 {strides = array<i32>} : memref<128x128xf32, #tpu.memory_space<vmem>>, vector<16xf32>,
          %get3A_407 = arith.index_cast %add3A_367 : i32 to index
          %get3A_408 = arith.constant 80 : index
          %get3A_409 = tpu.vector_load %arg8[%get3A_407, %get3A_408] {strides = array<i32>} : memref<128x128xf32, #tpu.memory_space<vmem>>, vector<16xf32>,
          %mul3A_410 = arith.mulf %get3A_409, %bitcast3A : vector<16xf32>
          %swap3A_411 = arith.index_cast %add3A_367 : i32 to index
          %swap3A_412 = arith.constant 80 : index
          %swap3A_413 = tpu.vector_load %arg8[%swap3A_411, %swap3A_412] {strides = array<i32>} : memref<128x128xf32, #tpu.memory_space<vmem>>, vector<16xf32>,
          tpu.vector_store %arg8[%swap3A_411, %swap3A_412], %mul3A_410 {strides = array<i32>} : memref<128x128xf32, #tpu.memory_space<vmem>>, vector<16xf32>,
          %get3A_414 = arith.index_cast %add3A_367 : i32 to index
          %get3A_415 = arith.constant 96 : index
          %get3A_416 = tpu.vector_load %arg8[%get3A_414, %get3A_415] {strides = array<i32>} : memref<128x128xf32, #tpu.memory_space<vmem>>, vector<16xf32>,
          %mul3A_417 = arith.mulf %get3A_416, %bitcast3A : vector<16xf32>
          %swap3A_418 = arith.index_cast %add3A_367 : i32 to index
          %swap3A_419 = arith.constant 96 : index
          %swap3A_420 = tpu.vector_load %arg8[%swap3A_418, %swap3A_419] {strides = array<i32>} : memref<128x128xf32, #tpu.memory_space<vmem>>, vector<16xf32>,
          tpu.vector_store %arg8[%swap3A_418, %swap3A_419], %mul3A_417 {strides = array<i32>} : memref<128x128xf32, #tpu.memory_space<vmem>>, vector<16xf32>,
          %get3A_421 = arith.index_cast %add3A_367 : i32 to index
          %get3A_422 = arith.constant 112 : index
          %get3A_423 = tpu.vector_load %arg8[%get3A_421, %get3A_422] {strides = array<i32>} : memref<128x128xf32, #tpu.memory_space<vmem>>, vector<16xf32>,
          %mul3A_424 = arith.mulf %get3A_423, %bitcast3A : vector<16xf32>
          %swap3A_425 = arith.index_cast %add3A_367 : i32 to index
          %swap3A_426 = arith.constant 112 : index
          %swap3A_427 = tpu.vector_load %arg8[%swap3A_425, %swap3A_426] {strides = array<i32>} : memref<128x128xf32, #tpu.memory_space<vmem>>, vector<16xf32>,
          tpu.vector_store %arg8[%swap3A_425, %swap3A_426], %mul3A_424 {strides = array<i32>} : memref<128x128xf32, #tpu.memory_space<vmem>>, vector<16xf32>,
          %mul3A_428 = arith.constant 2 : i32
          %mul3A_429 = arith.muli %add3A_363, %mul3A_428 : i32
          %add3A_430 = arith.constant 1 : i32
          %add3A_431 = arith.addi %mul3A_429, %add3A_430 : i32
          %mul3A_432 = arith.constant 3 : i32
          %mul3A_433 = arith.muli %mul3A_432, %mul3A_302 : i32
          %add3A_434 = arith.constant 2 : i32
          %add3A_435 = arith.addi %mul3A_433, %add3A_434 : i32
          %broadcast_in_dim3A_436 = vector.broadcast %add3A_435 : i32 to vector<16xi32>
          %broadcast_in_dim3A_437 = vector.broadcast %add3A_431 : i32 to vector<16xi32>
          %gather3A_438 = tpu.vector_load_idx %arg6[%broadcast_in_dim3A_436, %broadcast_in_dim3A_437] : memref<24x128xi32, #tpu.memory_space<vmem>>[vector<16xi32>, vector<16xi32>], vector<16xi32>,
          %bitcast3A_439 = vector.bitcast %gather3A_438 : vector<16xi32> to vector<16xf32>
          %get3A_440 = arith.index_cast %add3A_431 : i32 to index
          %get3A_441 = arith.constant 0 : index
          %get3A_442 = tpu.vector_load %arg8[%get3A_440, %get3A_441] {strides = array<i32>} : memref<128x128xf32, #tpu.memory_space<vmem>>, vector<16xf32>,
          %mul3A_443 = arith.mulf %get3A_442, %bitcast3A_439 : vector<16xf32>
          %swap3A_444 = arith.index_cast %add3A_431 : i32 to index
          %swap3A_445 = arith.constant 0 : index
          %swap3A_446 = tpu.vector_load %arg8[%swap3A_444, %swap3A_445] {strides = array<i32>} : memref<128x128xf32, #tpu.memory_space<vmem>>, vector<16xf32>,
          tpu.vector_store %arg8[%swap3A_444, %swap3A_445], %mul3A_443 {strides = array<i32>} : memref<128x128xf32, #tpu.memory_space<vmem>>, vector<16xf32>,
          %get3A_447 = arith.index_cast %add3A_431 : i32 to index
          %get3A_448 = arith.constant 16 : index
          %get3A_449 = tpu.vector_load %arg8[%get3A_447, %get3A_448] {strides = array<i32>} : memref<128x128xf32, #tpu.memory_space<vmem>>, vector<16xf32>,
          %mul3A_450 = arith.mulf %get3A_449, %bitcast3A_439 : vector<16xf32>
          %swap3A_451 = arith.index_cast %add3A_431 : i32 to index
          %swap3A_452 = arith.constant 16 : index
          %swap3A_453 = tpu.vector_load %arg8[%swap3A_451, %swap3A_452] {strides = array<i32>} : memref<128x128xf32, #tpu.memory_space<vmem>>, vector<16xf32>,
          tpu.vector_store %arg8[%swap3A_451, %swap3A_452], %mul3A_450 {strides = array<i32>} : memref<128x128xf32, #tpu.memory_space<vmem>>, vector<16xf32>,
          %get3A_454 = arith.index_cast %add3A_431 : i32 to index
          %get3A_455 = arith.constant 32 : index
          %get3A_456 = tpu.vector_load %arg8[%get3A_454, %get3A_455] {strides = array<i32>} : memref<128x128xf32, #tpu.memory_space<vmem>>, vector<16xf32>,
          %mul3A_457 = arith.mulf %get3A_456, %bitcast3A_439 : vector<16xf32>
          %swap3A_458 = arith.index_cast %add3A_431 : i32 to index
          %swap3A_459 = arith.constant 32 : index
          %swap3A_460 = tpu.vector_load %arg8[%swap3A_458, %swap3A_459] {strides = array<i32>} : memref<128x128xf32, #tpu.memory_space<vmem>>, vector<16xf32>,
          tpu.vector_store %arg8[%swap3A_458, %swap3A_459], %mul3A_457 {strides = array<i32>} : memref<128x128xf32, #tpu.memory_space<vmem>>, vector<16xf32>,
          %get3A_461 = arith.index_cast %add3A_431 : i32 to index
          %get3A_462 = arith.constant 48 : index
          %get3A_463 = tpu.vector_load %arg8[%get3A_461, %get3A_462] {strides = array<i32>} : memref<128x128xf32, #tpu.memory_space<vmem>>, vector<16xf32>,
          %mul3A_464 = arith.mulf %get3A_463, %bitcast3A_439 : vector<16xf32>
          %swap3A_465 = arith.index_cast %add3A_431 : i32 to index
          %swap3A_466 = arith.constant 48 : index
          %swap3A_467 = tpu.vector_load %arg8[%swap3A_465, %swap3A_466] {strides = array<i32>} : memref<128x128xf32, #tpu.memory_space<vmem>>, vector<16xf32>,
          tpu.vector_store %arg8[%swap3A_465, %swap3A_466], %mul3A_464 {strides = array<i32>} : memref<128x128xf32, #tpu.memory_space<vmem>>, vector<16xf32>,
          %get3A_468 = arith.index_cast %add3A_431 : i32 to index
          %get3A_469 = arith.constant 64 : index
          %get3A_470 = tpu.vector_load %arg8[%get3A_468, %get3A_469] {strides = array<i32>} : memref<128x128xf32, #tpu.memory_space<vmem>>, vector<16xf32>,
          %mul3A_471 = arith.mulf %get3A_470, %bitcast3A_439 : vector<16xf32>
          %swap3A_472 = arith.index_cast %add3A_431 : i32 to index
          %swap3A_473 = arith.constant 64 : index
          %swap3A_474 = tpu.vector_load %arg8[%swap3A_472, %swap3A_473] {strides = array<i32>} : memref<128x128xf32, #tpu.memory_space<vmem>>, vector<16xf32>,
          tpu.vector_store %arg8[%swap3A_472, %swap3A_473], %mul3A_471 {strides = array<i32>} : memref<128x128xf32, #tpu.memory_space<vmem>>, vector<16xf32>,
          %get3A_475 = arith.index_cast %add3A_431 : i32 to index
          %get3A_476 = arith.constant 80 : index
          %get3A_477 = tpu.vector_load %arg8[%get3A_475, %get3A_476] {strides = array<i32>} : memref<128x128xf32, #tpu.memory_space<vmem>>, vector<16xf32>,
          %mul3A_478 = arith.mulf %get3A_477, %bitcast3A_439 : vector<16xf32>
          %swap3A_479 = arith.index_cast %add3A_431 : i32 to index
          %swap3A_480 = arith.constant 80 : index
          %swap3A_481 = tpu.vector_load %arg8[%swap3A_479, %swap3A_480] {strides = array<i32>} : memref<128x128xf32, #tpu.memory_space<vmem>>, vector<16xf32>,
          tpu.vector_store %arg8[%swap3A_479, %swap3A_480], %mul3A_478 {strides = array<i32>} : memref<128x128xf32, #tpu.memory_space<vmem>>, vector<16xf32>,
          %get3A_482 = arith.index_cast %add3A_431 : i32 to index
          %get3A_483 = arith.constant 96 : index
          %get3A_484 = tpu.vector_load %arg8[%get3A_482, %get3A_483] {strides = array<i32>} : memref<128x128xf32, #tpu.memory_space<vmem>>, vector<16xf32>,
          %mul3A_485 = arith.mulf %get3A_484, %bitcast3A_439 : vector<16xf32>
          %swap3A_486 = arith.index_cast %add3A_431 : i32 to index
          %swap3A_487 = arith.constant 96 : index
          %swap3A_488 = tpu.vector_load %arg8[%swap3A_486, %swap3A_487] {strides = array<i32>} : memref<128x128xf32, #tpu.memory_space<vmem>>, vector<16xf32>,
          tpu.vector_store %arg8[%swap3A_486, %swap3A_487], %mul3A_485 {strides = array<i32>} : memref<128x128xf32, #tpu.memory_space<vmem>>, vector<16xf32>,
          %get3A_489 = arith.index_cast %add3A_431 : i32 to index
          %get3A_490 = arith.constant 112 : index
          %get3A_491 = tpu.vector_load %arg8[%get3A_489, %get3A_490] {strides = array<i32>} : memref<128x128xf32, #tpu.memory_space<vmem>>, vector<16xf32>,
          %mul3A_492 = arith.mulf %get3A_491, %bitcast3A_439 : vector<16xf32>
          %swap3A_493 = arith.index_cast %add3A_431 : i32 to index
          %swap3A_494 = arith.constant 112 : index
          %swap3A_495 = tpu.vector_load %arg8[%swap3A_493, %swap3A_494] {strides = array<i32>} : memref<128x128xf32, #tpu.memory_space<vmem>>, vector<16xf32>,
          tpu.vector_store %arg8[%swap3A_493, %swap3A_494], %mul3A_492 {strides = array<i32>} : memref<128x128xf32, #tpu.memory_space<vmem>>, vector<16xf32>,
        }
        %scan3A_315 = arith.constant 64 : i32
        %mul3A_316 = arith.constant 3 : i32
        %mul3A_317 = arith.muli %mul3A_316, %mul3A_302 : i32
        %add3A_318 = arith.constant 1 : i32
        %add3A_319 = arith.addi %mul3A_317, %add3A_318 : i32
        "tpu.region"() ({
          %run_scoped3A_359 = tpu.sem_alloc : memref<!tpu.dma_semaphore, #tpu.memory_space<semaphore_mem>>
          %dma_start3A_360 = arith.constant 0 : i32
          %dma_start3A_361 = tpu.memref_slice %arg6[%add3A_319, %dma_start3A_360] : memref<24x128xi32, #tpu.memory_space<vmem>> -> memref<1x128xi32, #tpu.memory_space<vmem>>
          %dma_start3A_362 = tpu.memref_squeeze %dma_start3A_361 : memref<1x128xi32, #tpu.memory_space<vmem>> -> memref<128xi32, #tpu.memory_space<vmem>>
          %dma_start3A_363 = arith.constant 0 : i32
          %dma_start3A_364 = arith.constant 0 : i32
          %dma_start3A_365 = tpu.memref_slice %arg10[%dma_start3A_363, %dma_start3A_364] : memref<10240x128xf32, #tpu.memory_space<vmem_shared>> -> memref<10240x128xf32, #tpu.memory_space<vmem_shared>>
          tpu.enqueue_indirect_dma source(%arg8 : memref<128x128xf32, #tpu.memory_space<vmem>>) target(%dma_start3A_365 : memref<10240x128xf32, #tpu.memory_space<vmem_shared>>) offsets(%dma_start3A_362 : memref<128xi32, #tpu.memory_space<vmem>>) semaphore(%run_scoped3A_359 : memref<!tpu.dma_semaphore, #tpu.memory_space<semaphore_mem>>) {add = true}
          %dma_wait3A_366 = arith.constant 0 : i32
          %dma_wait3A_367 = tpu.memref_slice %arg6[%add3A_319, %dma_wait3A_366] : memref<24x128xi32, #tpu.memory_space<vmem>> -> memref<1x128xi32, #tpu.memory_space<vmem>>
          %dma_wait3A_368 = tpu.memref_squeeze %dma_wait3A_367 : memref<1x128xi32, #tpu.memory_space<vmem>> -> memref<128xi32, #tpu.memory_space<vmem>>
          %dma_wait3A_369 = arith.constant 0 : i32
          %dma_wait3A_370 = arith.constant 0 : i32
          %dma_wait3A_371 = tpu.memref_slice %arg10[%dma_wait3A_369, %dma_wait3A_370] : memref<10240x128xf32, #tpu.memory_space<vmem_shared>> -> memref<10240x128xf32, #tpu.memory_space<vmem_shared>>
          tpu.wait_indirect_dma semaphore(%run_scoped3A_359 : memref<!tpu.dma_semaphore, #tpu.memory_space<semaphore_mem>>) src(%arg8 : memref<128x128xf32, #tpu.memory_space<vmem>>) dst(%dma_wait3A_371 : memref<10240x128xf32, #tpu.memory_space<vmem_shared>>)
          tpu.yield
        }) : () -> ()
        %add3A_320 = arith.constant 2 : i32
        %add3A_321 = arith.addi %mul3A_302, %add3A_320 : i32
        %mul3A_322 = arith.constant 3 : i32
        %mul3A_323 = arith.muli %mul3A_322, %add3A_321 : i32
        %dma_start3A_324 = arith.constant 0 : i32
        %dma_start3A_325 = tpu.memref_slice %arg6[%mul3A_323, %dma_start3A_324] : memref<24x128xi32, #tpu.memory_space<vmem>> -> memref<1x128xi32, #tpu.memory_space<vmem>>
        %dma_start3A_326 = tpu.memref_squeeze %dma_start3A_325 : memref<1x128xi32, #tpu.memory_space<vmem>> -> memref<128xi32, #tpu.memory_space<vmem>>
        %dma_start3A_327 = arith.constant 0 : i32
        %dma_start3A_328 = arith.constant 0 : i32
        %dma_start3A_329 = tpu.memref_slice %arg2[%dma_start3A_327, %dma_start3A_328] : memref<10000x128xf32, #tpu.memory_space<hbm>> -> memref<10000x128xf32, #tpu.memory_space<hbm>>
        tpu.enqueue_indirect_dma source(%dma_start3A_329 : memref<10000x128xf32, #tpu.memory_space<hbm>>) target(%arg8 : memref<128x128xf32, #tpu.memory_space<vmem>>) offsets(%dma_start3A_326 : memref<128xi32, #tpu.memory_space<vmem>>) semaphore(%arg11 : memref<!tpu.dma_semaphore, #tpu.memory_space<semaphore_mem>>)
        %add3A_330 = arith.constant 1 : i32
        %add3A_331 = arith.addi %mul3A_302, %add3A_330 : i32
        %mul3A_332 = arith.constant 3 : i32
        %mul3A_333 = arith.muli %mul3A_332, %add3A_331 : i32
        %dma_wait3A_334 = arith.constant 0 : i32
        %dma_wait3A_335 = tpu.memref_slice %arg6[%mul3A_333, %dma_wait3A_334] : memref<24x128xi32, #tpu.memory_space<vmem>> -> memref<1x128xi32, #tpu.memory_space<vmem>>
        %dma_wait3A_336 = tpu.memref_squeeze %dma_wait3A_335 : memref<1x128xi32, #tpu.memory_space<vmem>> -> memref<128xi32, #tpu.memory_space<vmem>>
        %dma_wait3A_337 = arith.constant 0 : i32
        %dma_wait3A_338 = arith.constant 0 : i32
        %dma_wait3A_339 = tpu.memref_slice %arg2[%dma_wait3A_337, %dma_wait3A_338] : memref<10000x128xf32, #tpu.memory_space<hbm>> -> memref<10000x128xf32, #tpu.memory_space<hbm>>
        tpu.wait_indirect_dma semaphore(%arg12 : memref<!tpu.dma_semaphore, #tpu.memory_space<semaphore_mem>>) src(%dma_wait3A_339 : memref<10000x128xf32, #tpu.memory_space<hbm>>) dst(%arg9 : memref<128x128xf32, #tpu.memory_space<vmem>>)
        %scan3A_340 = arith.constant 0 : i32
        %scan3A_341 = arith.constant 64 : i32
        %scan3A_342 = arith.addi %scan3A_340, %scan3A_341 : i32
        %scan3A_343 = arith.constant 1 : i32
        scf.for %scan3A_359 = %scan3A_340 to %scan3A_342 step %scan3A_343  : i32 {
          %mul3A_360 = arith.constant 1 : i32
          %mul3A_361 = arith.muli %scan3A_359, %mul3A_360 : i32
          %add3A_362 = arith.constant 0 : i32
          %add3A_363 = arith.addi %add3A_362, %mul3A_361 : i32
          %mul3A_364 = arith.constant 2 : i32
          %mul3A_365 = arith.muli %add3A_363, %mul3A_364 : i32
          %add3A_366 = arith.constant 0 : i32
          %add3A_367 = arith.addi %mul3A_365, %add3A_366 : i32
          %mul3A_368 = arith.constant 3 : i32
          %mul3A_369 = arith.muli %mul3A_368, %add3A_331 : i32
          %add3A_370 = arith.constant 2 : i32
          %add3A_371 = arith.addi %mul3A_369, %add3A_370 : i32
          %broadcast_in_dim3A_372 = vector.broadcast %add3A_371 : i32 to vector<16xi32>
          %broadcast_in_dim3A_373 = vector.broadcast %add3A_367 : i32 to vector<16xi32>
          %gather3A = tpu.vector_load_idx %arg6[%broadcast_in_dim3A_372, %broadcast_in_dim3A_373] : memref<24x128xi32, #tpu.memory_space<vmem>>[vector<16xi32>, vector<16xi32>], vector<16xi32>,
          %bitcast3A = vector.bitcast %gather3A : vector<16xi32> to vector<16xf32>
          %get3A = arith.index_cast %add3A_367 : i32 to index
          %get3A_374 = arith.constant 0 : index
          %get3A_375 = tpu.vector_load %arg9[%get3A, %get3A_374] {strides = array<i32>} : memref<128x128xf32, #tpu.memory_space<vmem>>, vector<16xf32>,
          %mul3A_376 = arith.mulf %get3A_375, %bitcast3A : vector<16xf32>
          %swap3A = arith.index_cast %add3A_367 : i32 to index
          %swap3A_377 = arith.constant 0 : index
          %swap3A_378 = tpu.vector_load %arg9[%swap3A, %swap3A_377] {strides = array<i32>} : memref<128x128xf32, #tpu.memory_space<vmem>>, vector<16xf32>,
          tpu.vector_store %arg9[%swap3A, %swap3A_377], %mul3A_376 {strides = array<i32>} : memref<128x128xf32, #tpu.memory_space<vmem>>, vector<16xf32>,
          %get3A_379 = arith.index_cast %add3A_367 : i32 to index
          %get3A_380 = arith.constant 16 : index
          %get3A_381 = tpu.vector_load %arg9[%get3A_379, %get3A_380] {strides = array<i32>} : memref<128x128xf32, #tpu.memory_space<vmem>>, vector<16xf32>,
          %mul3A_382 = arith.mulf %get3A_381, %bitcast3A : vector<16xf32>
          %swap3A_383 = arith.index_cast %add3A_367 : i32 to index
          %swap3A_384 = arith.constant 16 : index
          %swap3A_385 = tpu.vector_load %arg9[%swap3A_383, %swap3A_384] {strides = array<i32>} : memref<128x128xf32, #tpu.memory_space<vmem>>, vector<16xf32>,
          tpu.vector_store %arg9[%swap3A_383, %swap3A_384], %mul3A_382 {strides = array<i32>} : memref<128x128xf32, #tpu.memory_space<vmem>>, vector<16xf32>,
          %get3A_386 = arith.index_cast %add3A_367 : i32 to index
          %get3A_387 = arith.constant 32 : index
          %get3A_388 = tpu.vector_load %arg9[%get3A_386, %get3A_387] {strides = array<i32>} : memref<128x128xf32, #tpu.memory_space<vmem>>, vector<16xf32>,
          %mul3A_389 = arith.mulf %get3A_388, %bitcast3A : vector<16xf32>
          %swap3A_390 = arith.index_cast %add3A_367 : i32 to index
          %swap3A_391 = arith.constant 32 : index
          %swap3A_392 = tpu.vector_load %arg9[%swap3A_390, %swap3A_391] {strides = array<i32>} : memref<128x128xf32, #tpu.memory_space<vmem>>, vector<16xf32>,
          tpu.vector_store %arg9[%swap3A_390, %swap3A_391], %mul3A_389 {strides = array<i32>} : memref<128x128xf32, #tpu.memory_space<vmem>>, vector<16xf32>,
          %get3A_393 = arith.index_cast %add3A_367 : i32 to index
          %get3A_394 = arith.constant 48 : index
          %get3A_395 = tpu.vector_load %arg9[%get3A_393, %get3A_394] {strides = array<i32>} : memref<128x128xf32, #tpu.memory_space<vmem>>, vector<16xf32>,
          %mul3A_396 = arith.mulf %get3A_395, %bitcast3A : vector<16xf32>
          %swap3A_397 = arith.index_cast %add3A_367 : i32 to index
          %swap3A_398 = arith.constant 48 : index
          %swap3A_399 = tpu.vector_load %arg9[%swap3A_397, %swap3A_398] {strides = array<i32>} : memref<128x128xf32, #tpu.memory_space<vmem>>, vector<16xf32>,
          tpu.vector_store %arg9[%swap3A_397, %swap3A_398], %mul3A_396 {strides = array<i32>} : memref<128x128xf32, #tpu.memory_space<vmem>>, vector<16xf32>,
          %get3A_400 = arith.index_cast %add3A_367 : i32 to index
          %get3A_401 = arith.constant 64 : index
          %get3A_402 = tpu.vector_load %arg9[%get3A_400, %get3A_401] {strides = array<i32>} : memref<128x128xf32, #tpu.memory_space<vmem>>, vector<16xf32>,
          %mul3A_403 = arith.mulf %get3A_402, %bitcast3A : vector<16xf32>
          %swap3A_404 = arith.index_cast %add3A_367 : i32 to index
          %swap3A_405 = arith.constant 64 : index
          %swap3A_406 = tpu.vector_load %arg9[%swap3A_404, %swap3A_405] {strides = array<i32>} : memref<128x128xf32, #tpu.memory_space<vmem>>, vector<16xf32>,
          tpu.vector_store %arg9[%swap3A_404, %swap3A_405], %mul3A_403 {strides = array<i32>} : memref<128x128xf32, #tpu.memory_space<vmem>>, vector<16xf32>,
          %get3A_407 = arith.index_cast %add3A_367 : i32 to index
          %get3A_408 = arith.constant 80 : index
          %get3A_409 = tpu.vector_load %arg9[%get3A_407, %get3A_408] {strides = array<i32>} : memref<128x128xf32, #tpu.memory_space<vmem>>, vector<16xf32>,
          %mul3A_410 = arith.mulf %get3A_409, %bitcast3A : vector<16xf32>
          %swap3A_411 = arith.index_cast %add3A_367 : i32 to index
          %swap3A_412 = arith.constant 80 : index
          %swap3A_413 = tpu.vector_load %arg9[%swap3A_411, %swap3A_412] {strides = array<i32>} : memref<128x128xf32, #tpu.memory_space<vmem>>, vector<16xf32>,
          tpu.vector_store %arg9[%swap3A_411, %swap3A_412], %mul3A_410 {strides = array<i32>} : memref<128x128xf32, #tpu.memory_space<vmem>>, vector<16xf32>,
          %get3A_414 = arith.index_cast %add3A_367 : i32 to index
          %get3A_415 = arith.constant 96 : index
          %get3A_416 = tpu.vector_load %arg9[%get3A_414, %get3A_415] {strides = array<i32>} : memref<128x128xf32, #tpu.memory_space<vmem>>, vector<16xf32>,
          %mul3A_417 = arith.mulf %get3A_416, %bitcast3A : vector<16xf32>
          %swap3A_418 = arith.index_cast %add3A_367 : i32 to index
          %swap3A_419 = arith.constant 96 : index
          %swap3A_420 = tpu.vector_load %arg9[%swap3A_418, %swap3A_419] {strides = array<i32>} : memref<128x128xf32, #tpu.memory_space<vmem>>, vector<16xf32>,
          tpu.vector_store %arg9[%swap3A_418, %swap3A_419], %mul3A_417 {strides = array<i32>} : memref<128x128xf32, #tpu.memory_space<vmem>>, vector<16xf32>,
          %get3A_421 = arith.index_cast %add3A_367 : i32 to index
          %get3A_422 = arith.constant 112 : index
          %get3A_423 = tpu.vector_load %arg9[%get3A_421, %get3A_422] {strides = array<i32>} : memref<128x128xf32, #tpu.memory_space<vmem>>, vector<16xf32>,
          %mul3A_424 = arith.mulf %get3A_423, %bitcast3A : vector<16xf32>
          %swap3A_425 = arith.index_cast %add3A_367 : i32 to index
          %swap3A_426 = arith.constant 112 : index
          %swap3A_427 = tpu.vector_load %arg9[%swap3A_425, %swap3A_426] {strides = array<i32>} : memref<128x128xf32, #tpu.memory_space<vmem>>, vector<16xf32>,
          tpu.vector_store %arg9[%swap3A_425, %swap3A_426], %mul3A_424 {strides = array<i32>} : memref<128x128xf32, #tpu.memory_space<vmem>>, vector<16xf32>,
          %mul3A_428 = arith.constant 2 : i32
          %mul3A_429 = arith.muli %add3A_363, %mul3A_428 : i32
          %add3A_430 = arith.constant 1 : i32
          %add3A_431 = arith.addi %mul3A_429, %add3A_430 : i32
          %mul3A_432 = arith.constant 3 : i32
          %mul3A_433 = arith.muli %mul3A_432, %add3A_331 : i32
          %add3A_434 = arith.constant 2 : i32
          %add3A_435 = arith.addi %mul3A_433, %add3A_434 : i32
          %broadcast_in_dim3A_436 = vector.broadcast %add3A_435 : i32 to vector<16xi32>
          %broadcast_in_dim3A_437 = vector.broadcast %add3A_431 : i32 to vector<16xi32>
          %gather3A_438 = tpu.vector_load_idx %arg6[%broadcast_in_dim3A_436, %broadcast_in_dim3A_437] : memref<24x128xi32, #tpu.memory_space<vmem>>[vector<16xi32>, vector<16xi32>], vector<16xi32>,
          %bitcast3A_439 = vector.bitcast %gather3A_438 : vector<16xi32> to vector<16xf32>
          %get3A_440 = arith.index_cast %add3A_431 : i32 to index
          %get3A_441 = arith.constant 0 : index
          %get3A_442 = tpu.vector_load %arg9[%get3A_440, %get3A_441] {strides = array<i32>} : memref<128x128xf32, #tpu.memory_space<vmem>>, vector<16xf32>,
          %mul3A_443 = arith.mulf %get3A_442, %bitcast3A_439 : vector<16xf32>
          %swap3A_444 = arith.index_cast %add3A_431 : i32 to index
          %swap3A_445 = arith.constant 0 : index
          %swap3A_446 = tpu.vector_load %arg9[%swap3A_444, %swap3A_445] {strides = array<i32>} : memref<128x128xf32, #tpu.memory_space<vmem>>, vector<16xf32>,
          tpu.vector_store %arg9[%swap3A_444, %swap3A_445], %mul3A_443 {strides = array<i32>} : memref<128x128xf32, #tpu.memory_space<vmem>>, vector<16xf32>,
          %get3A_447 = arith.index_cast %add3A_431 : i32 to index
          %get3A_448 = arith.constant 16 : index
          %get3A_449 = tpu.vector_load %arg9[%get3A_447, %get3A_448] {strides = array<i32>} : memref<128x128xf32, #tpu.memory_space<vmem>>, vector<16xf32>,
          %mul3A_450 = arith.mulf %get3A_449, %bitcast3A_439 : vector<16xf32>
          %swap3A_451 = arith.index_cast %add3A_431 : i32 to index
          %swap3A_452 = arith.constant 16 : index
          %swap3A_453 = tpu.vector_load %arg9[%swap3A_451, %swap3A_452] {strides = array<i32>} : memref<128x128xf32, #tpu.memory_space<vmem>>, vector<16xf32>,
          tpu.vector_store %arg9[%swap3A_451, %swap3A_452], %mul3A_450 {strides = array<i32>} : memref<128x128xf32, #tpu.memory_space<vmem>>, vector<16xf32>,
          %get3A_454 = arith.index_cast %add3A_431 : i32 to index
          %get3A_455 = arith.constant 32 : index
          %get3A_456 = tpu.vector_load %arg9[%get3A_454, %get3A_455] {strides = array<i32>} : memref<128x128xf32, #tpu.memory_space<vmem>>, vector<16xf32>,
          %mul3A_457 = arith.mulf %get3A_456, %bitcast3A_439 : vector<16xf32>
          %swap3A_458 = arith.index_cast %add3A_431 : i32 to index
          %swap3A_459 = arith.constant 32 : index
          %swap3A_460 = tpu.vector_load %arg9[%swap3A_458, %swap3A_459] {strides = array<i32>} : memref<128x128xf32, #tpu.memory_space<vmem>>, vector<16xf32>,
          tpu.vector_store %arg9[%swap3A_458, %swap3A_459], %mul3A_457 {strides = array<i32>} : memref<128x128xf32, #tpu.memory_space<vmem>>, vector<16xf32>,
          %get3A_461 = arith.index_cast %add3A_431 : i32 to index
          %get3A_462 = arith.constant 48 : index
          %get3A_463 = tpu.vector_load %arg9[%get3A_461, %get3A_462] {strides = array<i32>} : memref<128x128xf32, #tpu.memory_space<vmem>>, vector<16xf32>,
          %mul3A_464 = arith.mulf %get3A_463, %bitcast3A_439 : vector<16xf32>
          %swap3A_465 = arith.index_cast %add3A_431 : i32 to index
          %swap3A_466 = arith.constant 48 : index
          %swap3A_467 = tpu.vector_load %arg9[%swap3A_465, %swap3A_466] {strides = array<i32>} : memref<128x128xf32, #tpu.memory_space<vmem>>, vector<16xf32>,
          tpu.vector_store %arg9[%swap3A_465, %swap3A_466], %mul3A_464 {strides = array<i32>} : memref<128x128xf32, #tpu.memory_space<vmem>>, vector<16xf32>,
          %get3A_468 = arith.index_cast %add3A_431 : i32 to index
          %get3A_469 = arith.constant 64 : index
          %get3A_470 = tpu.vector_load %arg9[%get3A_468, %get3A_469] {strides = array<i32>} : memref<128x128xf32, #tpu.memory_space<vmem>>, vector<16xf32>,
          %mul3A_471 = arith.mulf %get3A_470, %bitcast3A_439 : vector<16xf32>
          %swap3A_472 = arith.index_cast %add3A_431 : i32 to index
          %swap3A_473 = arith.constant 64 : index
          %swap3A_474 = tpu.vector_load %arg9[%swap3A_472, %swap3A_473] {strides = array<i32>} : memref<128x128xf32, #tpu.memory_space<vmem>>, vector<16xf32>,
          tpu.vector_store %arg9[%swap3A_472, %swap3A_473], %mul3A_471 {strides = array<i32>} : memref<128x128xf32, #tpu.memory_space<vmem>>, vector<16xf32>,
          %get3A_475 = arith.index_cast %add3A_431 : i32 to index
          %get3A_476 = arith.constant 80 : index
          %get3A_477 = tpu.vector_load %arg9[%get3A_475, %get3A_476] {strides = array<i32>} : memref<128x128xf32, #tpu.memory_space<vmem>>, vector<16xf32>,
          %mul3A_478 = arith.mulf %get3A_477, %bitcast3A_439 : vector<16xf32>
          %swap3A_479 = arith.index_cast %add3A_431 : i32 to index
          %swap3A_480 = arith.constant 80 : index
          %swap3A_481 = tpu.vector_load %arg9[%swap3A_479, %swap3A_480] {strides = array<i32>} : memref<128x128xf32, #tpu.memory_space<vmem>>, vector<16xf32>,
          tpu.vector_store %arg9[%swap3A_479, %swap3A_480], %mul3A_478 {strides = array<i32>} : memref<128x128xf32, #tpu.memory_space<vmem>>, vector<16xf32>,
          %get3A_482 = arith.index_cast %add3A_431 : i32 to index
          %get3A_483 = arith.constant 96 : index
          %get3A_484 = tpu.vector_load %arg9[%get3A_482, %get3A_483] {strides = array<i32>} : memref<128x128xf32, #tpu.memory_space<vmem>>, vector<16xf32>,
          %mul3A_485 = arith.mulf %get3A_484, %bitcast3A_439 : vector<16xf32>
          %swap3A_486 = arith.index_cast %add3A_431 : i32 to index
          %swap3A_487 = arith.constant 96 : index
          %swap3A_488 = tpu.vector_load %arg9[%swap3A_486, %swap3A_487] {strides = array<i32>} : memref<128x128xf32, #tpu.memory_space<vmem>>, vector<16xf32>,
          tpu.vector_store %arg9[%swap3A_486, %swap3A_487], %mul3A_485 {strides = array<i32>} : memref<128x128xf32, #tpu.memory_space<vmem>>, vector<16xf32>,
          %get3A_489 = arith.index_cast %add3A_431 : i32 to index
          %get3A_490 = arith.constant 112 : index
          %get3A_491 = tpu.vector_load %arg9[%get3A_489, %get3A_490] {strides = array<i32>} : memref<128x128xf32, #tpu.memory_space<vmem>>, vector<16xf32>,
          %mul3A_492 = arith.mulf %get3A_491, %bitcast3A_439 : vector<16xf32>
          %swap3A_493 = arith.index_cast %add3A_431 : i32 to index
          %swap3A_494 = arith.constant 112 : index
          %swap3A_495 = tpu.vector_load %arg9[%swap3A_493, %swap3A_494] {strides = array<i32>} : memref<128x128xf32, #tpu.memory_space<vmem>>, vector<16xf32>,
          tpu.vector_store %arg9[%swap3A_493, %swap3A_494], %mul3A_492 {strides = array<i32>} : memref<128x128xf32, #tpu.memory_space<vmem>>, vector<16xf32>,
        }
        %scan3A_344 = arith.constant 64 : i32
        %mul3A_345 = arith.constant 3 : i32
        %mul3A_346 = arith.muli %mul3A_345, %add3A_331 : i32
        %add3A_347 = arith.constant 1 : i32
        %add3A_348 = arith.addi %mul3A_346, %add3A_347 : i32
        "tpu.region"() ({
          %run_scoped3A_359 = tpu.sem_alloc : memref<!tpu.dma_semaphore, #tpu.memory_space<semaphore_mem>>
          %dma_start3A_360 = arith.constant 0 : i32
          %dma_start3A_361 = tpu.memref_slice %arg6[%add3A_348, %dma_start3A_360] : memref<24x128xi32, #tpu.memory_space<vmem>> -> memref<1x128xi32, #tpu.memory_space<vmem>>
          %dma_start3A_362 = tpu.memref_squeeze %dma_start3A_361 : memref<1x128xi32, #tpu.memory_space<vmem>> -> memref<128xi32, #tpu.memory_space<vmem>>
          %dma_start3A_363 = arith.constant 0 : i32
          %dma_start3A_364 = arith.constant 0 : i32
          %dma_start3A_365 = tpu.memref_slice %arg10[%dma_start3A_363, %dma_start3A_364] : memref<10240x128xf32, #tpu.memory_space<vmem_shared>> -> memref<10240x128xf32, #tpu.memory_space<vmem_shared>>
          tpu.enqueue_indirect_dma source(%arg9 : memref<128x128xf32, #tpu.memory_space<vmem>>) target(%dma_start3A_365 : memref<10240x128xf32, #tpu.memory_space<vmem_shared>>) offsets(%dma_start3A_362 : memref<128xi32, #tpu.memory_space<vmem>>) semaphore(%run_scoped3A_359 : memref<!tpu.dma_semaphore, #tpu.memory_space<semaphore_mem>>) {add = true}
          %dma_wait3A_366 = arith.constant 0 : i32
          %dma_wait3A_367 = tpu.memref_slice %arg6[%add3A_348, %dma_wait3A_366] : memref<24x128xi32, #tpu.memory_space<vmem>> -> memref<1x128xi32, #tpu.memory_space<vmem>>
          %dma_wait3A_368 = tpu.memref_squeeze %dma_wait3A_367 : memref<1x128xi32, #tpu.memory_space<vmem>> -> memref<128xi32, #tpu.memory_space<vmem>>
          %dma_wait3A_369 = arith.constant 0 : i32
          %dma_wait3A_370 = arith.constant 0 : i32
          %dma_wait3A_371 = tpu.memref_slice %arg10[%dma_wait3A_369, %dma_wait3A_370] : memref<10240x128xf32, #tpu.memory_space<vmem_shared>> -> memref<10240x128xf32, #tpu.memory_space<vmem_shared>>
          tpu.wait_indirect_dma semaphore(%run_scoped3A_359 : memref<!tpu.dma_semaphore, #tpu.memory_space<semaphore_mem>>) src(%arg9 : memref<128x128xf32, #tpu.memory_space<vmem>>) dst(%dma_wait3A_371 : memref<10240x128xf32, #tpu.memory_space<vmem_shared>>)
          tpu.yield
        }) : () -> ()
        %add3A_349 = arith.constant 3 : i32
        %add3A_350 = arith.addi %mul3A_302, %add3A_349 : i32
        %mul3A_351 = arith.constant 3 : i32
        %mul3A_352 = arith.muli %mul3A_351, %add3A_350 : i32
        %dma_start3A_353 = arith.constant 0 : i32
        %dma_start3A_354 = tpu.memref_slice %arg6[%mul3A_352, %dma_start3A_353] : memref<24x128xi32, #tpu.memory_space<vmem>> -> memref<1x128xi32, #tpu.memory_space<vmem>>
        %dma_start3A_355 = tpu.memref_squeeze %dma_start3A_354 : memref<1x128xi32, #tpu.memory_space<vmem>> -> memref<128xi32, #tpu.memory_space<vmem>>
        %dma_start3A_356 = arith.constant 0 : i32
        %dma_start3A_357 = arith.constant 0 : i32
        %dma_start3A_358 = tpu.memref_slice %arg2[%dma_start3A_356, %dma_start3A_357] : memref<10000x128xf32, #tpu.memory_space<hbm>> -> memref<10000x128xf32, #tpu.memory_space<hbm>>
        tpu.enqueue_indirect_dma source(%dma_start3A_358 : memref<10000x128xf32, #tpu.memory_space<hbm>>) target(%arg9 : memref<128x128xf32, #tpu.memory_space<vmem>>) offsets(%dma_start3A_355 : memref<128xi32, #tpu.memory_space<vmem>>) semaphore(%arg12 : memref<!tpu.dma_semaphore, #tpu.memory_space<semaphore_mem>>)
      }
      %scan3A_269 = arith.constant 3 : i32
      %dma_wait3A_270 = arith.constant 18 : i32
      %dma_wait3A_271 = arith.constant 0 : i32
      %dma_wait3A_272 = tpu.memref_slice %arg6[%dma_wait3A_270, %dma_wait3A_271] : memref<24x128xi32, #tpu.memory_space<vmem>> -> memref<1x128xi32, #tpu.memory_space<vmem>>
      %dma_wait3A_273 = tpu.memref_squeeze %dma_wait3A_272 : memref<1x128xi32, #tpu.memory_space<vmem>> -> memref<128xi32, #tpu.memory_space<vmem>>
      %dma_wait3A_274 = arith.constant 0 : i32
      %dma_wait3A_275 = arith.constant 0 : i32
      %dma_wait3A_276 = tpu.memref_slice %arg2[%dma_wait3A_274, %dma_wait3A_275] : memref<10000x128xf32, #tpu.memory_space<hbm>> -> memref<10000x128xf32, #tpu.memory_space<hbm>>
      tpu.wait_indirect_dma semaphore(%arg11 : memref<!tpu.dma_semaphore, #tpu.memory_space<semaphore_mem>>) src(%dma_wait3A_276 : memref<10000x128xf32, #tpu.memory_space<hbm>>) dst(%arg8 : memref<128x128xf32, #tpu.memory_space<vmem>>)
      %scan3A_277 = arith.constant 0 : i32
      %scan3A_278 = arith.constant 64 : i32
      %scan3A_279 = arith.addi %scan3A_277, %scan3A_278 : i32
      %scan3A_280 = arith.constant 1 : i32
      scf.for %scan3A_296 = %scan3A_277 to %scan3A_279 step %scan3A_280  : i32 {
        %mul3A_297 = arith.constant 1 : i32
        %mul3A_298 = arith.muli %scan3A_296, %mul3A_297 : i32
        %add3A_299 = arith.constant 0 : i32
        %add3A_300 = arith.addi %add3A_299, %mul3A_298 : i32
        %mul3A_301 = arith.constant 2 : i32
        %mul3A_302 = arith.muli %add3A_300, %mul3A_301 : i32
        %add3A_303 = arith.constant 0 : i32
        %add3A_304 = arith.addi %mul3A_302, %add3A_303 : i32
        %broadcast_in_dim3A_305 = arith.constant 20 : i32
        %broadcast_in_dim3A_306 = vector.broadcast %broadcast_in_dim3A_305 : i32 to vector<16xi32>
        %broadcast_in_dim3A_307 = vector.broadcast %add3A_304 : i32 to vector<16xi32>
        %gather3A = tpu.vector_load_idx %arg6[%broadcast_in_dim3A_306, %broadcast_in_dim3A_307] : memref<24x128xi32, #tpu.memory_space<vmem>>[vector<16xi32>, vector<16xi32>], vector<16xi32>,
        %bitcast3A = vector.bitcast %gather3A : vector<16xi32> to vector<16xf32>
        %get3A = arith.index_cast %add3A_304 : i32 to index
        %get3A_308 = arith.constant 0 : index
        %get3A_309 = tpu.vector_load %arg8[%get3A, %get3A_308] {strides = array<i32>} : memref<128x128xf32, #tpu.memory_space<vmem>>, vector<16xf32>,
        %mul3A_310 = arith.mulf %get3A_309, %bitcast3A : vector<16xf32>
        %swap3A = arith.index_cast %add3A_304 : i32 to index
        %swap3A_311 = arith.constant 0 : index
        %swap3A_312 = tpu.vector_load %arg8[%swap3A, %swap3A_311] {strides = array<i32>} : memref<128x128xf32, #tpu.memory_space<vmem>>, vector<16xf32>,
        tpu.vector_store %arg8[%swap3A, %swap3A_311], %mul3A_310 {strides = array<i32>} : memref<128x128xf32, #tpu.memory_space<vmem>>, vector<16xf32>,
        %get3A_313 = arith.index_cast %add3A_304 : i32 to index
        %get3A_314 = arith.constant 16 : index
        %get3A_315 = tpu.vector_load %arg8[%get3A_313, %get3A_314] {strides = array<i32>} : memref<128x128xf32, #tpu.memory_space<vmem>>, vector<16xf32>,
        %mul3A_316 = arith.mulf %get3A_315, %bitcast3A : vector<16xf32>
        %swap3A_317 = arith.index_cast %add3A_304 : i32 to index
        %swap3A_318 = arith.constant 16 : index
        %swap3A_319 = tpu.vector_load %arg8[%swap3A_317, %swap3A_318] {strides = array<i32>} : memref<128x128xf32, #tpu.memory_space<vmem>>, vector<16xf32>,
        tpu.vector_store %arg8[%swap3A_317, %swap3A_318], %mul3A_316 {strides = array<i32>} : memref<128x128xf32, #tpu.memory_space<vmem>>, vector<16xf32>,
        %get3A_320 = arith.index_cast %add3A_304 : i32 to index
        %get3A_321 = arith.constant 32 : index
        %get3A_322 = tpu.vector_load %arg8[%get3A_320, %get3A_321] {strides = array<i32>} : memref<128x128xf32, #tpu.memory_space<vmem>>, vector<16xf32>,
        %mul3A_323 = arith.mulf %get3A_322, %bitcast3A : vector<16xf32>
        %swap3A_324 = arith.index_cast %add3A_304 : i32 to index
        %swap3A_325 = arith.constant 32 : index
        %swap3A_326 = tpu.vector_load %arg8[%swap3A_324, %swap3A_325] {strides = array<i32>} : memref<128x128xf32, #tpu.memory_space<vmem>>, vector<16xf32>,
        tpu.vector_store %arg8[%swap3A_324, %swap3A_325], %mul3A_323 {strides = array<i32>} : memref<128x128xf32, #tpu.memory_space<vmem>>, vector<16xf32>,
        %get3A_327 = arith.index_cast %add3A_304 : i32 to index
        %get3A_328 = arith.constant 48 : index
        %get3A_329 = tpu.vector_load %arg8[%get3A_327, %get3A_328] {strides = array<i32>} : memref<128x128xf32, #tpu.memory_space<vmem>>, vector<16xf32>,
        %mul3A_330 = arith.mulf %get3A_329, %bitcast3A : vector<16xf32>
        %swap3A_331 = arith.index_cast %add3A_304 : i32 to index
        %swap3A_332 = arith.constant 48 : index
        %swap3A_333 = tpu.vector_load %arg8[%swap3A_331, %swap3A_332] {strides = array<i32>} : memref<128x128xf32, #tpu.memory_space<vmem>>, vector<16xf32>,
        tpu.vector_store %arg8[%swap3A_331, %swap3A_332], %mul3A_330 {strides = array<i32>} : memref<128x128xf32, #tpu.memory_space<vmem>>, vector<16xf32>,
        %get3A_334 = arith.index_cast %add3A_304 : i32 to index
        %get3A_335 = arith.constant 64 : index
        %get3A_336 = tpu.vector_load %arg8[%get3A_334, %get3A_335] {strides = array<i32>} : memref<128x128xf32, #tpu.memory_space<vmem>>, vector<16xf32>,
        %mul3A_337 = arith.mulf %get3A_336, %bitcast3A : vector<16xf32>
        %swap3A_338 = arith.index_cast %add3A_304 : i32 to index
        %swap3A_339 = arith.constant 64 : index
        %swap3A_340 = tpu.vector_load %arg8[%swap3A_338, %swap3A_339] {strides = array<i32>} : memref<128x128xf32, #tpu.memory_space<vmem>>, vector<16xf32>,
        tpu.vector_store %arg8[%swap3A_338, %swap3A_339], %mul3A_337 {strides = array<i32>} : memref<128x128xf32, #tpu.memory_space<vmem>>, vector<16xf32>,
        %get3A_341 = arith.index_cast %add3A_304 : i32 to index
        %get3A_342 = arith.constant 80 : index
        %get3A_343 = tpu.vector_load %arg8[%get3A_341, %get3A_342] {strides = array<i32>} : memref<128x128xf32, #tpu.memory_space<vmem>>, vector<16xf32>,
        %mul3A_344 = arith.mulf %get3A_343, %bitcast3A : vector<16xf32>
        %swap3A_345 = arith.index_cast %add3A_304 : i32 to index
        %swap3A_346 = arith.constant 80 : index
        %swap3A_347 = tpu.vector_load %arg8[%swap3A_345, %swap3A_346] {strides = array<i32>} : memref<128x128xf32, #tpu.memory_space<vmem>>, vector<16xf32>,
        tpu.vector_store %arg8[%swap3A_345, %swap3A_346], %mul3A_344 {strides = array<i32>} : memref<128x128xf32, #tpu.memory_space<vmem>>, vector<16xf32>,
        %get3A_348 = arith.index_cast %add3A_304 : i32 to index
        %get3A_349 = arith.constant 96 : index
        %get3A_350 = tpu.vector_load %arg8[%get3A_348, %get3A_349] {strides = array<i32>} : memref<128x128xf32, #tpu.memory_space<vmem>>, vector<16xf32>,
        %mul3A_351 = arith.mulf %get3A_350, %bitcast3A : vector<16xf32>
        %swap3A_352 = arith.index_cast %add3A_304 : i32 to index
        %swap3A_353 = arith.constant 96 : index
        %swap3A_354 = tpu.vector_load %arg8[%swap3A_352, %swap3A_353] {strides = array<i32>} : memref<128x128xf32, #tpu.memory_space<vmem>>, vector<16xf32>,
        tpu.vector_store %arg8[%swap3A_352, %swap3A_353], %mul3A_351 {strides = array<i32>} : memref<128x128xf32, #tpu.memory_space<vmem>>, vector<16xf32>,
        %get3A_355 = arith.index_cast %add3A_304 : i32 to index
        %get3A_356 = arith.constant 112 : index
        %get3A_357 = tpu.vector_load %arg8[%get3A_355, %get3A_356] {strides = array<i32>} : memref<128x128xf32, #tpu.memory_space<vmem>>, vector<16xf32>,
        %mul3A_358 = arith.mulf %get3A_357, %bitcast3A : vector<16xf32>
        %swap3A_359 = arith.index_cast %add3A_304 : i32 to index
        %swap3A_360 = arith.constant 112 : index
        %swap3A_361 = tpu.vector_load %arg8[%swap3A_359, %swap3A_360] {strides = array<i32>} : memref<128x128xf32, #tpu.memory_space<vmem>>, vector<16xf32>,
        tpu.vector_store %arg8[%swap3A_359, %swap3A_360], %mul3A_358 {strides = array<i32>} : memref<128x128xf32, #tpu.memory_space<vmem>>, vector<16xf32>,
        %mul3A_362 = arith.constant 2 : i32
        %mul3A_363 = arith.muli %add3A_300, %mul3A_362 : i32
        %add3A_364 = arith.constant 1 : i32
        %add3A_365 = arith.addi %mul3A_363, %add3A_364 : i32
        %broadcast_in_dim3A_366 = arith.constant 20 : i32
        %broadcast_in_dim3A_367 = vector.broadcast %broadcast_in_dim3A_366 : i32 to vector<16xi32>
        %broadcast_in_dim3A_368 = vector.broadcast %add3A_365 : i32 to vector<16xi32>
        %gather3A_369 = tpu.vector_load_idx %arg6[%broadcast_in_dim3A_367, %broadcast_in_dim3A_368] : memref<24x128xi32, #tpu.memory_space<vmem>>[vector<16xi32>, vector<16xi32>], vector<16xi32>,
        %bitcast3A_370 = vector.bitcast %gather3A_369 : vector<16xi32> to vector<16xf32>
        %get3A_371 = arith.index_cast %add3A_365 : i32 to index
        %get3A_372 = arith.constant 0 : index
        %get3A_373 = tpu.vector_load %arg8[%get3A_371, %get3A_372] {strides = array<i32>} : memref<128x128xf32, #tpu.memory_space<vmem>>, vector<16xf32>,
        %mul3A_374 = arith.mulf %get3A_373, %bitcast3A_370 : vector<16xf32>
        %swap3A_375 = arith.index_cast %add3A_365 : i32 to index
        %swap3A_376 = arith.constant 0 : index
        %swap3A_377 = tpu.vector_load %arg8[%swap3A_375, %swap3A_376] {strides = array<i32>} : memref<128x128xf32, #tpu.memory_space<vmem>>, vector<16xf32>,
        tpu.vector_store %arg8[%swap3A_375, %swap3A_376], %mul3A_374 {strides = array<i32>} : memref<128x128xf32, #tpu.memory_space<vmem>>, vector<16xf32>,
        %get3A_378 = arith.index_cast %add3A_365 : i32 to index
        %get3A_379 = arith.constant 16 : index
        %get3A_380 = tpu.vector_load %arg8[%get3A_378, %get3A_379] {strides = array<i32>} : memref<128x128xf32, #tpu.memory_space<vmem>>, vector<16xf32>,
        %mul3A_381 = arith.mulf %get3A_380, %bitcast3A_370 : vector<16xf32>
        %swap3A_382 = arith.index_cast %add3A_365 : i32 to index
        %swap3A_383 = arith.constant 16 : index
        %swap3A_384 = tpu.vector_load %arg8[%swap3A_382, %swap3A_383] {strides = array<i32>} : memref<128x128xf32, #tpu.memory_space<vmem>>, vector<16xf32>,
        tpu.vector_store %arg8[%swap3A_382, %swap3A_383], %mul3A_381 {strides = array<i32>} : memref<128x128xf32, #tpu.memory_space<vmem>>, vector<16xf32>,
        %get3A_385 = arith.index_cast %add3A_365 : i32 to index
        %get3A_386 = arith.constant 32 : index
        %get3A_387 = tpu.vector_load %arg8[%get3A_385, %get3A_386] {strides = array<i32>} : memref<128x128xf32, #tpu.memory_space<vmem>>, vector<16xf32>,
        %mul3A_388 = arith.mulf %get3A_387, %bitcast3A_370 : vector<16xf32>
        %swap3A_389 = arith.index_cast %add3A_365 : i32 to index
        %swap3A_390 = arith.constant 32 : index
        %swap3A_391 = tpu.vector_load %arg8[%swap3A_389, %swap3A_390] {strides = array<i32>} : memref<128x128xf32, #tpu.memory_space<vmem>>, vector<16xf32>,
        tpu.vector_store %arg8[%swap3A_389, %swap3A_390], %mul3A_388 {strides = array<i32>} : memref<128x128xf32, #tpu.memory_space<vmem>>, vector<16xf32>,
        %get3A_392 = arith.index_cast %add3A_365 : i32 to index
        %get3A_393 = arith.constant 48 : index
        %get3A_394 = tpu.vector_load %arg8[%get3A_392, %get3A_393] {strides = array<i32>} : memref<128x128xf32, #tpu.memory_space<vmem>>, vector<16xf32>,
        %mul3A_395 = arith.mulf %get3A_394, %bitcast3A_370 : vector<16xf32>
        %swap3A_396 = arith.index_cast %add3A_365 : i32 to index
        %swap3A_397 = arith.constant 48 : index
        %swap3A_398 = tpu.vector_load %arg8[%swap3A_396, %swap3A_397] {strides = array<i32>} : memref<128x128xf32, #tpu.memory_space<vmem>>, vector<16xf32>,
        tpu.vector_store %arg8[%swap3A_396, %swap3A_397], %mul3A_395 {strides = array<i32>} : memref<128x128xf32, #tpu.memory_space<vmem>>, vector<16xf32>,
        %get3A_399 = arith.index_cast %add3A_365 : i32 to index
        %get3A_400 = arith.constant 64 : index
        %get3A_401 = tpu.vector_load %arg8[%get3A_399, %get3A_400] {strides = array<i32>} : memref<128x128xf32, #tpu.memory_space<vmem>>, vector<16xf32>,
        %mul3A_402 = arith.mulf %get3A_401, %bitcast3A_370 : vector<16xf32>
        %swap3A_403 = arith.index_cast %add3A_365 : i32 to index
        %swap3A_404 = arith.constant 64 : index
        %swap3A_405 = tpu.vector_load %arg8[%swap3A_403, %swap3A_404] {strides = array<i32>} : memref<128x128xf32, #tpu.memory_space<vmem>>, vector<16xf32>,
        tpu.vector_store %arg8[%swap3A_403, %swap3A_404], %mul3A_402 {strides = array<i32>} : memref<128x128xf32, #tpu.memory_space<vmem>>, vector<16xf32>,
        %get3A_406 = arith.index_cast %add3A_365 : i32 to index
        %get3A_407 = arith.constant 80 : index
        %get3A_408 = tpu.vector_load %arg8[%get3A_406, %get3A_407] {strides = array<i32>} : memref<128x128xf32, #tpu.memory_space<vmem>>, vector<16xf32>,
        %mul3A_409 = arith.mulf %get3A_408, %bitcast3A_370 : vector<16xf32>
        %swap3A_410 = arith.index_cast %add3A_365 : i32 to index
        %swap3A_411 = arith.constant 80 : index
        %swap3A_412 = tpu.vector_load %arg8[%swap3A_410, %swap3A_411] {strides = array<i32>} : memref<128x128xf32, #tpu.memory_space<vmem>>, vector<16xf32>,
        tpu.vector_store %arg8[%swap3A_410, %swap3A_411], %mul3A_409 {strides = array<i32>} : memref<128x128xf32, #tpu.memory_space<vmem>>, vector<16xf32>,
        %get3A_413 = arith.index_cast %add3A_365 : i32 to index
        %get3A_414 = arith.constant 96 : index
        %get3A_415 = tpu.vector_load %arg8[%get3A_413, %get3A_414] {strides = array<i32>} : memref<128x128xf32, #tpu.memory_space<vmem>>, vector<16xf32>,
        %mul3A_416 = arith.mulf %get3A_415, %bitcast3A_370 : vector<16xf32>
        %swap3A_417 = arith.index_cast %add3A_365 : i32 to index
        %swap3A_418 = arith.constant 96 : index
        %swap3A_419 = tpu.vector_load %arg8[%swap3A_417, %swap3A_418] {strides = array<i32>} : memref<128x128xf32, #tpu.memory_space<vmem>>, vector<16xf32>,
        tpu.vector_store %arg8[%swap3A_417, %swap3A_418], %mul3A_416 {strides = array<i32>} : memref<128x128xf32, #tpu.memory_space<vmem>>, vector<16xf32>,
        %get3A_420 = arith.index_cast %add3A_365 : i32 to index
        %get3A_421 = arith.constant 112 : index
        %get3A_422 = tpu.vector_load %arg8[%get3A_420, %get3A_421] {strides = array<i32>} : memref<128x128xf32, #tpu.memory_space<vmem>>, vector<16xf32>,
        %mul3A_423 = arith.mulf %get3A_422, %bitcast3A_370 : vector<16xf32>
        %swap3A_424 = arith.index_cast %add3A_365 : i32 to index
        %swap3A_425 = arith.constant 112 : index
        %swap3A_426 = tpu.vector_load %arg8[%swap3A_424, %swap3A_425] {strides = array<i32>} : memref<128x128xf32, #tpu.memory_space<vmem>>, vector<16xf32>,
        tpu.vector_store %arg8[%swap3A_424, %swap3A_425], %mul3A_423 {strides = array<i32>} : memref<128x128xf32, #tpu.memory_space<vmem>>, vector<16xf32>,
      }
      %scan3A_281 = arith.constant 64 : i32
      %run_scoped3A_282 = arith.constant 19 : i32
      "tpu.region"() ({
        %run_scoped3A_296 = tpu.sem_alloc : memref<!tpu.dma_semaphore, #tpu.memory_space<semaphore_mem>>
        %dma_start3A_297 = arith.constant 0 : i32
        %dma_start3A_298 = tpu.memref_slice %arg6[%run_scoped3A_282, %dma_start3A_297] : memref<24x128xi32, #tpu.memory_space<vmem>> -> memref<1x128xi32, #tpu.memory_space<vmem>>
        %dma_start3A_299 = tpu.memref_squeeze %dma_start3A_298 : memref<1x128xi32, #tpu.memory_space<vmem>> -> memref<128xi32, #tpu.memory_space<vmem>>
        %dma_start3A_300 = arith.constant 0 : i32
        %dma_start3A_301 = arith.constant 0 : i32
        %dma_start3A_302 = tpu.memref_slice %arg10[%dma_start3A_300, %dma_start3A_301] : memref<10240x128xf32, #tpu.memory_space<vmem_shared>> -> memref<10240x128xf32, #tpu.memory_space<vmem_shared>>
        tpu.enqueue_indirect_dma source(%arg8 : memref<128x128xf32, #tpu.memory_space<vmem>>) target(%dma_start3A_302 : memref<10240x128xf32, #tpu.memory_space<vmem_shared>>) offsets(%dma_start3A_299 : memref<128xi32, #tpu.memory_space<vmem>>) semaphore(%run_scoped3A_296 : memref<!tpu.dma_semaphore, #tpu.memory_space<semaphore_mem>>) {add = true}
        %dma_wait3A_303 = arith.constant 0 : i32
        %dma_wait3A_304 = tpu.memref_slice %arg6[%run_scoped3A_282, %dma_wait3A_303] : memref<24x128xi32, #tpu.memory_space<vmem>> -> memref<1x128xi32, #tpu.memory_space<vmem>>
        %dma_wait3A_305 = tpu.memref_squeeze %dma_wait3A_304 : memref<1x128xi32, #tpu.memory_space<vmem>> -> memref<128xi32, #tpu.memory_space<vmem>>
        %dma_wait3A_306 = arith.constant 0 : i32
        %dma_wait3A_307 = arith.constant 0 : i32
        %dma_wait3A_308 = tpu.memref_slice %arg10[%dma_wait3A_306, %dma_wait3A_307] : memref<10240x128xf32, #tpu.memory_space<vmem_shared>> -> memref<10240x128xf32, #tpu.memory_space<vmem_shared>>
        tpu.wait_indirect_dma semaphore(%run_scoped3A_296 : memref<!tpu.dma_semaphore, #tpu.memory_space<semaphore_mem>>) src(%arg8 : memref<128x128xf32, #tpu.memory_space<vmem>>) dst(%dma_wait3A_308 : memref<10240x128xf32, #tpu.memory_space<vmem_shared>>)
        tpu.yield
      }) : () -> ()
      %dma_wait3A_283 = arith.constant 21 : i32
      %dma_wait3A_284 = arith.constant 0 : i32
      %dma_wait3A_285 = tpu.memref_slice %arg6[%dma_wait3A_283, %dma_wait3A_284] : memref<24x128xi32, #tpu.memory_space<vmem>> -> memref<1x128xi32, #tpu.memory_space<vmem>>
      %dma_wait3A_286 = tpu.memref_squeeze %dma_wait3A_285 : memref<1x128xi32, #tpu.memory_space<vmem>> -> memref<128xi32, #tpu.memory_space<vmem>>
      %dma_wait3A_287 = arith.constant 0 : i32
      %dma_wait3A_288 = arith.constant 0 : i32
      %dma_wait3A_289 = tpu.memref_slice %arg2[%dma_wait3A_287, %dma_wait3A_288] : memref<10000x128xf32, #tpu.memory_space<hbm>> -> memref<10000x128xf32, #tpu.memory_space<hbm>>
      tpu.wait_indirect_dma semaphore(%arg12 : memref<!tpu.dma_semaphore, #tpu.memory_space<semaphore_mem>>) src(%dma_wait3A_289 : memref<10000x128xf32, #tpu.memory_space<hbm>>) dst(%arg9 : memref<128x128xf32, #tpu.memory_space<vmem>>)
      %scan3A_290 = arith.constant 0 : i32
      %scan3A_291 = arith.constant 64 : i32
      %scan3A_292 = arith.addi %scan3A_290, %scan3A_291 : i32
      %scan3A_293 = arith.constant 1 : i32
      scf.for %scan3A_296 = %scan3A_290 to %scan3A_292 step %scan3A_293  : i32 {
        %mul3A_297 = arith.constant 1 : i32
        %mul3A_298 = arith.muli %scan3A_296, %mul3A_297 : i32
        %add3A_299 = arith.constant 0 : i32
        %add3A_300 = arith.addi %add3A_299, %mul3A_298 : i32
        %mul3A_301 = arith.constant 2 : i32
        %mul3A_302 = arith.muli %add3A_300, %mul3A_301 : i32
        %add3A_303 = arith.constant 0 : i32
        %add3A_304 = arith.addi %mul3A_302, %add3A_303 : i32
        %broadcast_in_dim3A_305 = arith.constant 23 : i32
        %broadcast_in_dim3A_306 = vector.broadcast %broadcast_in_dim3A_305 : i32 to vector<16xi32>
        %broadcast_in_dim3A_307 = vector.broadcast %add3A_304 : i32 to vector<16xi32>
        %gather3A = tpu.vector_load_idx %arg6[%broadcast_in_dim3A_306, %broadcast_in_dim3A_307] : memref<24x128xi32, #tpu.memory_space<vmem>>[vector<16xi32>, vector<16xi32>], vector<16xi32>,
        %bitcast3A = vector.bitcast %gather3A : vector<16xi32> to vector<16xf32>
        %get3A = arith.index_cast %add3A_304 : i32 to index
        %get3A_308 = arith.constant 0 : index
        %get3A_309 = tpu.vector_load %arg9[%get3A, %get3A_308] {strides = array<i32>} : memref<128x128xf32, #tpu.memory_space<vmem>>, vector<16xf32>,
        %mul3A_310 = arith.mulf %get3A_309, %bitcast3A : vector<16xf32>
        %swap3A = arith.index_cast %add3A_304 : i32 to index
        %swap3A_311 = arith.constant 0 : index
        %swap3A_312 = tpu.vector_load %arg9[%swap3A, %swap3A_311] {strides = array<i32>} : memref<128x128xf32, #tpu.memory_space<vmem>>, vector<16xf32>,
        tpu.vector_store %arg9[%swap3A, %swap3A_311], %mul3A_310 {strides = array<i32>} : memref<128x128xf32, #tpu.memory_space<vmem>>, vector<16xf32>,
        %get3A_313 = arith.index_cast %add3A_304 : i32 to index
        %get3A_314 = arith.constant 16 : index
        %get3A_315 = tpu.vector_load %arg9[%get3A_313, %get3A_314] {strides = array<i32>} : memref<128x128xf32, #tpu.memory_space<vmem>>, vector<16xf32>,
        %mul3A_316 = arith.mulf %get3A_315, %bitcast3A : vector<16xf32>
        %swap3A_317 = arith.index_cast %add3A_304 : i32 to index
        %swap3A_318 = arith.constant 16 : index
        %swap3A_319 = tpu.vector_load %arg9[%swap3A_317, %swap3A_318] {strides = array<i32>} : memref<128x128xf32, #tpu.memory_space<vmem>>, vector<16xf32>,
        tpu.vector_store %arg9[%swap3A_317, %swap3A_318], %mul3A_316 {strides = array<i32>} : memref<128x128xf32, #tpu.memory_space<vmem>>, vector<16xf32>,
        %get3A_320 = arith.index_cast %add3A_304 : i32 to index
        %get3A_321 = arith.constant 32 : index
        %get3A_322 = tpu.vector_load %arg9[%get3A_320, %get3A_321] {strides = array<i32>} : memref<128x128xf32, #tpu.memory_space<vmem>>, vector<16xf32>,
        %mul3A_323 = arith.mulf %get3A_322, %bitcast3A : vector<16xf32>
        %swap3A_324 = arith.index_cast %add3A_304 : i32 to index
        %swap3A_325 = arith.constant 32 : index
        %swap3A_326 = tpu.vector_load %arg9[%swap3A_324, %swap3A_325] {strides = array<i32>} : memref<128x128xf32, #tpu.memory_space<vmem>>, vector<16xf32>,
        tpu.vector_store %arg9[%swap3A_324, %swap3A_325], %mul3A_323 {strides = array<i32>} : memref<128x128xf32, #tpu.memory_space<vmem>>, vector<16xf32>,
        %get3A_327 = arith.index_cast %add3A_304 : i32 to index
        %get3A_328 = arith.constant 48 : index
        %get3A_329 = tpu.vector_load %arg9[%get3A_327, %get3A_328] {strides = array<i32>} : memref<128x128xf32, #tpu.memory_space<vmem>>, vector<16xf32>,
        %mul3A_330 = arith.mulf %get3A_329, %bitcast3A : vector<16xf32>
        %swap3A_331 = arith.index_cast %add3A_304 : i32 to index
        %swap3A_332 = arith.constant 48 : index
        %swap3A_333 = tpu.vector_load %arg9[%swap3A_331, %swap3A_332] {strides = array<i32>} : memref<128x128xf32, #tpu.memory_space<vmem>>, vector<16xf32>,
        tpu.vector_store %arg9[%swap3A_331, %swap3A_332], %mul3A_330 {strides = array<i32>} : memref<128x128xf32, #tpu.memory_space<vmem>>, vector<16xf32>,
        %get3A_334 = arith.index_cast %add3A_304 : i32 to index
        %get3A_335 = arith.constant 64 : index
        %get3A_336 = tpu.vector_load %arg9[%get3A_334, %get3A_335] {strides = array<i32>} : memref<128x128xf32, #tpu.memory_space<vmem>>, vector<16xf32>,
        %mul3A_337 = arith.mulf %get3A_336, %bitcast3A : vector<16xf32>
        %swap3A_338 = arith.index_cast %add3A_304 : i32 to index
        %swap3A_339 = arith.constant 64 : index
        %swap3A_340 = tpu.vector_load %arg9[%swap3A_338, %swap3A_339] {strides = array<i32>} : memref<128x128xf32, #tpu.memory_space<vmem>>, vector<16xf32>,
        tpu.vector_store %arg9[%swap3A_338, %swap3A_339], %mul3A_337 {strides = array<i32>} : memref<128x128xf32, #tpu.memory_space<vmem>>, vector<16xf32>,
        %get3A_341 = arith.index_cast %add3A_304 : i32 to index
        %get3A_342 = arith.constant 80 : index
        %get3A_343 = tpu.vector_load %arg9[%get3A_341, %get3A_342] {strides = array<i32>} : memref<128x128xf32, #tpu.memory_space<vmem>>, vector<16xf32>,
        %mul3A_344 = arith.mulf %get3A_343, %bitcast3A : vector<16xf32>
        %swap3A_345 = arith.index_cast %add3A_304 : i32 to index
        %swap3A_346 = arith.constant 80 : index
        %swap3A_347 = tpu.vector_load %arg9[%swap3A_345, %swap3A_346] {strides = array<i32>} : memref<128x128xf32, #tpu.memory_space<vmem>>, vector<16xf32>,
        tpu.vector_store %arg9[%swap3A_345, %swap3A_346], %mul3A_344 {strides = array<i32>} : memref<128x128xf32, #tpu.memory_space<vmem>>, vector<16xf32>,
        %get3A_348 = arith.index_cast %add3A_304 : i32 to index
        %get3A_349 = arith.constant 96 : index
        %get3A_350 = tpu.vector_load %arg9[%get3A_348, %get3A_349] {strides = array<i32>} : memref<128x128xf32, #tpu.memory_space<vmem>>, vector<16xf32>,
        %mul3A_351 = arith.mulf %get3A_350, %bitcast3A : vector<16xf32>
        %swap3A_352 = arith.index_cast %add3A_304 : i32 to index
        %swap3A_353 = arith.constant 96 : index
        %swap3A_354 = tpu.vector_load %arg9[%swap3A_352, %swap3A_353] {strides = array<i32>} : memref<128x128xf32, #tpu.memory_space<vmem>>, vector<16xf32>,
        tpu.vector_store %arg9[%swap3A_352, %swap3A_353], %mul3A_351 {strides = array<i32>} : memref<128x128xf32, #tpu.memory_space<vmem>>, vector<16xf32>,
        %get3A_355 = arith.index_cast %add3A_304 : i32 to index
        %get3A_356 = arith.constant 112 : index
        %get3A_357 = tpu.vector_load %arg9[%get3A_355, %get3A_356] {strides = array<i32>} : memref<128x128xf32, #tpu.memory_space<vmem>>, vector<16xf32>,
        %mul3A_358 = arith.mulf %get3A_357, %bitcast3A : vector<16xf32>
        %swap3A_359 = arith.index_cast %add3A_304 : i32 to index
        %swap3A_360 = arith.constant 112 : index
        %swap3A_361 = tpu.vector_load %arg9[%swap3A_359, %swap3A_360] {strides = array<i32>} : memref<128x128xf32, #tpu.memory_space<vmem>>, vector<16xf32>,
        tpu.vector_store %arg9[%swap3A_359, %swap3A_360], %mul3A_358 {strides = array<i32>} : memref<128x128xf32, #tpu.memory_space<vmem>>, vector<16xf32>,
        %mul3A_362 = arith.constant 2 : i32
        %mul3A_363 = arith.muli %add3A_300, %mul3A_362 : i32
        %add3A_364 = arith.constant 1 : i32
        %add3A_365 = arith.addi %mul3A_363, %add3A_364 : i32
        %broadcast_in_dim3A_366 = arith.constant 23 : i32
        %broadcast_in_dim3A_367 = vector.broadcast %broadcast_in_dim3A_366 : i32 to vector<16xi32>
        %broadcast_in_dim3A_368 = vector.broadcast %add3A_365 : i32 to vector<16xi32>
        %gather3A_369 = tpu.vector_load_idx %arg6[%broadcast_in_dim3A_367, %broadcast_in_dim3A_368] : memref<24x128xi32, #tpu.memory_space<vmem>>[vector<16xi32>, vector<16xi32>], vector<16xi32>,
        %bitcast3A_370 = vector.bitcast %gather3A_369 : vector<16xi32> to vector<16xf32>
        %get3A_371 = arith.index_cast %add3A_365 : i32 to index
        %get3A_372 = arith.constant 0 : index
        %get3A_373 = tpu.vector_load %arg9[%get3A_371, %get3A_372] {strides = array<i32>} : memref<128x128xf32, #tpu.memory_space<vmem>>, vector<16xf32>,
        %mul3A_374 = arith.mulf %get3A_373, %bitcast3A_370 : vector<16xf32>
        %swap3A_375 = arith.index_cast %add3A_365 : i32 to index
        %swap3A_376 = arith.constant 0 : index
        %swap3A_377 = tpu.vector_load %arg9[%swap3A_375, %swap3A_376] {strides = array<i32>} : memref<128x128xf32, #tpu.memory_space<vmem>>, vector<16xf32>,
        tpu.vector_store %arg9[%swap3A_375, %swap3A_376], %mul3A_374 {strides = array<i32>} : memref<128x128xf32, #tpu.memory_space<vmem>>, vector<16xf32>,
        %get3A_378 = arith.index_cast %add3A_365 : i32 to index
        %get3A_379 = arith.constant 16 : index
        %get3A_380 = tpu.vector_load %arg9[%get3A_378, %get3A_379] {strides = array<i32>} : memref<128x128xf32, #tpu.memory_space<vmem>>, vector<16xf32>,
        %mul3A_381 = arith.mulf %get3A_380, %bitcast3A_370 : vector<16xf32>
        %swap3A_382 = arith.index_cast %add3A_365 : i32 to index
        %swap3A_383 = arith.constant 16 : index
        %swap3A_384 = tpu.vector_load %arg9[%swap3A_382, %swap3A_383] {strides = array<i32>} : memref<128x128xf32, #tpu.memory_space<vmem>>, vector<16xf32>,
        tpu.vector_store %arg9[%swap3A_382, %swap3A_383], %mul3A_381 {strides = array<i32>} : memref<128x128xf32, #tpu.memory_space<vmem>>, vector<16xf32>,
        %get3A_385 = arith.index_cast %add3A_365 : i32 to index
        %get3A_386 = arith.constant 32 : index
        %get3A_387 = tpu.vector_load %arg9[%get3A_385, %get3A_386] {strides = array<i32>} : memref<128x128xf32, #tpu.memory_space<vmem>>, vector<16xf32>,
        %mul3A_388 = arith.mulf %get3A_387, %bitcast3A_370 : vector<16xf32>
        %swap3A_389 = arith.index_cast %add3A_365 : i32 to index
        %swap3A_390 = arith.constant 32 : index
        %swap3A_391 = tpu.vector_load %arg9[%swap3A_389, %swap3A_390] {strides = array<i32>} : memref<128x128xf32, #tpu.memory_space<vmem>>, vector<16xf32>,
        tpu.vector_store %arg9[%swap3A_389, %swap3A_390], %mul3A_388 {strides = array<i32>} : memref<128x128xf32, #tpu.memory_space<vmem>>, vector<16xf32>,
        %get3A_392 = arith.index_cast %add3A_365 : i32 to index
        %get3A_393 = arith.constant 48 : index
        %get3A_394 = tpu.vector_load %arg9[%get3A_392, %get3A_393] {strides = array<i32>} : memref<128x128xf32, #tpu.memory_space<vmem>>, vector<16xf32>,
        %mul3A_395 = arith.mulf %get3A_394, %bitcast3A_370 : vector<16xf32>
        %swap3A_396 = arith.index_cast %add3A_365 : i32 to index
        %swap3A_397 = arith.constant 48 : index
        %swap3A_398 = tpu.vector_load %arg9[%swap3A_396, %swap3A_397] {strides = array<i32>} : memref<128x128xf32, #tpu.memory_space<vmem>>, vector<16xf32>,
        tpu.vector_store %arg9[%swap3A_396, %swap3A_397], %mul3A_395 {strides = array<i32>} : memref<128x128xf32, #tpu.memory_space<vmem>>, vector<16xf32>,
        %get3A_399 = arith.index_cast %add3A_365 : i32 to index
        %get3A_400 = arith.constant 64 : index
        %get3A_401 = tpu.vector_load %arg9[%get3A_399, %get3A_400] {strides = array<i32>} : memref<128x128xf32, #tpu.memory_space<vmem>>, vector<16xf32>,
        %mul3A_402 = arith.mulf %get3A_401, %bitcast3A_370 : vector<16xf32>
        %swap3A_403 = arith.index_cast %add3A_365 : i32 to index
        %swap3A_404 = arith.constant 64 : index
        %swap3A_405 = tpu.vector_load %arg9[%swap3A_403, %swap3A_404] {strides = array<i32>} : memref<128x128xf32, #tpu.memory_space<vmem>>, vector<16xf32>,
        tpu.vector_store %arg9[%swap3A_403, %swap3A_404], %mul3A_402 {strides = array<i32>} : memref<128x128xf32, #tpu.memory_space<vmem>>, vector<16xf32>,
        %get3A_406 = arith.index_cast %add3A_365 : i32 to index
        %get3A_407 = arith.constant 80 : index
        %get3A_408 = tpu.vector_load %arg9[%get3A_406, %get3A_407] {strides = array<i32>} : memref<128x128xf32, #tpu.memory_space<vmem>>, vector<16xf32>,
        %mul3A_409 = arith.mulf %get3A_408, %bitcast3A_370 : vector<16xf32>
        %swap3A_410 = arith.index_cast %add3A_365 : i32 to index
        %swap3A_411 = arith.constant 80 : index
        %swap3A_412 = tpu.vector_load %arg9[%swap3A_410, %swap3A_411] {strides = array<i32>} : memref<128x128xf32, #tpu.memory_space<vmem>>, vector<16xf32>,
        tpu.vector_store %arg9[%swap3A_410, %swap3A_411], %mul3A_409 {strides = array<i32>} : memref<128x128xf32, #tpu.memory_space<vmem>>, vector<16xf32>,
        %get3A_413 = arith.index_cast %add3A_365 : i32 to index
        %get3A_414 = arith.constant 96 : index
        %get3A_415 = tpu.vector_load %arg9[%get3A_413, %get3A_414] {strides = array<i32>} : memref<128x128xf32, #tpu.memory_space<vmem>>, vector<16xf32>,
        %mul3A_416 = arith.mulf %get3A_415, %bitcast3A_370 : vector<16xf32>
        %swap3A_417 = arith.index_cast %add3A_365 : i32 to index
        %swap3A_418 = arith.constant 96 : index
        %swap3A_419 = tpu.vector_load %arg9[%swap3A_417, %swap3A_418] {strides = array<i32>} : memref<128x128xf32, #tpu.memory_space<vmem>>, vector<16xf32>,
        tpu.vector_store %arg9[%swap3A_417, %swap3A_418], %mul3A_416 {strides = array<i32>} : memref<128x128xf32, #tpu.memory_space<vmem>>, vector<16xf32>,
        %get3A_420 = arith.index_cast %add3A_365 : i32 to index
        %get3A_421 = arith.constant 112 : index
        %get3A_422 = tpu.vector_load %arg9[%get3A_420, %get3A_421] {strides = array<i32>} : memref<128x128xf32, #tpu.memory_space<vmem>>, vector<16xf32>,
        %mul3A_423 = arith.mulf %get3A_422, %bitcast3A_370 : vector<16xf32>
        %swap3A_424 = arith.index_cast %add3A_365 : i32 to index
        %swap3A_425 = arith.constant 112 : index
        %swap3A_426 = tpu.vector_load %arg9[%swap3A_424, %swap3A_425] {strides = array<i32>} : memref<128x128xf32, #tpu.memory_space<vmem>>, vector<16xf32>,
        tpu.vector_store %arg9[%swap3A_424, %swap3A_425], %mul3A_423 {strides = array<i32>} : memref<128x128xf32, #tpu.memory_space<vmem>>, vector<16xf32>,
      }
      %scan3A_294 = arith.constant 64 : i32
      %run_scoped3A_295 = arith.constant 22 : i32
      "tpu.region"() ({
        %run_scoped3A_296 = tpu.sem_alloc : memref<!tpu.dma_semaphore, #tpu.memory_space<semaphore_mem>>
        %dma_start3A_297 = arith.constant 0 : i32
        %dma_start3A_298 = tpu.memref_slice %arg6[%run_scoped3A_295, %dma_start3A_297] : memref<24x128xi32, #tpu.memory_space<vmem>> -> memref<1x128xi32, #tpu.memory_space<vmem>>
        %dma_start3A_299 = tpu.memref_squeeze %dma_start3A_298 : memref<1x128xi32, #tpu.memory_space<vmem>> -> memref<128xi32, #tpu.memory_space<vmem>>
        %dma_start3A_300 = arith.constant 0 : i32
        %dma_start3A_301 = arith.constant 0 : i32
        %dma_start3A_302 = tpu.memref_slice %arg10[%dma_start3A_300, %dma_start3A_301] : memref<10240x128xf32, #tpu.memory_space<vmem_shared>> -> memref<10240x128xf32, #tpu.memory_space<vmem_shared>>
        tpu.enqueue_indirect_dma source(%arg9 : memref<128x128xf32, #tpu.memory_space<vmem>>) target(%dma_start3A_302 : memref<10240x128xf32, #tpu.memory_space<vmem_shared>>) offsets(%dma_start3A_299 : memref<128xi32, #tpu.memory_space<vmem>>) semaphore(%run_scoped3A_296 : memref<!tpu.dma_semaphore, #tpu.memory_space<semaphore_mem>>) {add = true}
        %dma_wait3A_303 = arith.constant 0 : i32
        %dma_wait3A_304 = tpu.memref_slice %arg6[%run_scoped3A_295, %dma_wait3A_303] : memref<24x128xi32, #tpu.memory_space<vmem>> -> memref<1x128xi32, #tpu.memory_space<vmem>>
        %dma_wait3A_305 = tpu.memref_squeeze %dma_wait3A_304 : memref<1x128xi32, #tpu.memory_space<vmem>> -> memref<128xi32, #tpu.memory_space<vmem>>
        %dma_wait3A_306 = arith.constant 0 : i32
        %dma_wait3A_307 = arith.constant 0 : i32
        %dma_wait3A_308 = tpu.memref_slice %arg10[%dma_wait3A_306, %dma_wait3A_307] : memref<10240x128xf32, #tpu.memory_space<vmem_shared>> -> memref<10240x128xf32, #tpu.memory_space<vmem_shared>>
        tpu.wait_indirect_dma semaphore(%run_scoped3A_296 : memref<!tpu.dma_semaphore, #tpu.memory_space<semaphore_mem>>) src(%arg9 : memref<128x128xf32, #tpu.memory_space<vmem>>) dst(%dma_wait3A_308 : memref<10240x128xf32, #tpu.memory_space<vmem_shared>>)
        tpu.yield
      }) : () -> ()
    }
    %while3A_64 = arith.constant 1 : i32
    scf.for %while3A_179 = %while3A_62 to %while3A_58 step %while3A_64  : i32 {
      %mul3A_180 = arith.muli %while3A_179, %while3A : i32
      %add3A_181 = arith.addi %while3A_55, %mul3A_180 : i32
      %mul3A_182 = arith.constant 2 : i32
      %mul3A_183 = arith.muli %mul3A_182, %add3A_181 : i32
      %mul3A_184 = arith.constant 8 : i32
      %mul3A_185 = arith.muli %mul3A_183, %mul3A_184 : i32
      %add3A_186 = arith.addi %select_n3A, %mul3A_185 : i32
      %mul3A_187 = arith.constant 3 : i32
      %mul3A_188 = arith.muli %add3A_186, %mul3A_187 : i32
      %add3A_189 = arith.constant 24 : i32
      %add3A_190 = arith.addi %mul3A_188, %add3A_189 : i32
      %dma_start3A_191 = arith.constant 0 : i32
      %dma_start3A_192 = tpu.memref_slice %arg3[%mul3A_188, %dma_start3A_191] : memref<7680x128xi32, #tpu.memory_space<hbm>> -> memref<24x128xi32, #tpu.memory_space<hbm>>
      %dma_start3A_193 = arith.constant 0 : i32
      %dma_start3A_194 = tpu.memref_slice %arg3[%mul3A_188, %dma_start3A_193] : memref<7680x128xi32, #tpu.memory_space<hbm>> -> memref<24x128xi32, #tpu.memory_space<hbm>>
      tpu.enqueue_dma source(%dma_start3A_194 : memref<24x128xi32, #tpu.memory_space<hbm>>) target(%arg5 : memref<24x128xi32, #tpu.memory_space<vmem>>) target_semaphore(%arg13 : memref<!tpu.dma_semaphore, #tpu.memory_space<semaphore_mem>>)
      %dma_start3A_195 = arith.constant 0 : i32
      %dma_start3A_196 = tpu.memref_slice %arg3[%add3A_190, %dma_start3A_195] : memref<7680x128xi32, #tpu.memory_space<hbm>> -> memref<24x128xi32, #tpu.memory_space<hbm>>
      %dma_start3A_197 = arith.constant 0 : i32
      %dma_start3A_198 = tpu.memref_slice %arg3[%add3A_190, %dma_start3A_197] : memref<7680x128xi32, #tpu.memory_space<hbm>> -> memref<24x128xi32, #tpu.memory_space<hbm>>
      tpu.enqueue_dma source(%dma_start3A_198 : memref<24x128xi32, #tpu.memory_space<hbm>>) target(%arg6 : memref<24x128xi32, #tpu.memory_space<vmem>>) target_semaphore(%arg14 : memref<!tpu.dma_semaphore, #tpu.memory_space<semaphore_mem>>)
      %dma_wait3A_199 = arith.constant 0 : i32
      %dma_wait3A_200 = tpu.memref_slice %arg3[%mul3A_188, %dma_wait3A_199] : memref<7680x128xi32, #tpu.memory_space<hbm>> -> memref<24x128xi32, #tpu.memory_space<hbm>>
      %dma_wait3A_201 = arith.constant 0 : i32
      %dma_wait3A_202 = tpu.memref_slice %arg3[%mul3A_188, %dma_wait3A_201] : memref<7680x128xi32, #tpu.memory_space<hbm>> -> memref<24x128xi32, #tpu.memory_space<hbm>>
      tpu.wait_dma2 semaphore(%arg13 : memref<!tpu.dma_semaphore, #tpu.memory_space<semaphore_mem>>) src(%dma_wait3A_202 : memref<24x128xi32, #tpu.memory_space<hbm>>) dst(%arg5 : memref<24x128xi32, #tpu.memory_space<vmem>>)
      %dma_start3A_203 = arith.constant 0 : i32
      %dma_start3A_204 = arith.constant 0 : i32
      %dma_start3A_205 = tpu.memref_slice %arg5[%dma_start3A_203, %dma_start3A_204] : memref<24x128xi32, #tpu.memory_space<vmem>> -> memref<1x128xi32, #tpu.memory_space<vmem>>
      %dma_start3A_206 = tpu.memref_squeeze %dma_start3A_205 : memref<1x128xi32, #tpu.memory_space<vmem>> -> memref<128xi32, #tpu.memory_space<vmem>>
      %dma_start3A_207 = arith.constant 0 : i32
      %dma_start3A_208 = arith.constant 0 : i32
      %dma_start3A_209 = tpu.memref_slice %arg2[%dma_start3A_207, %dma_start3A_208] : memref<10000x128xf32, #tpu.memory_space<hbm>> -> memref<10000x128xf32, #tpu.memory_space<hbm>>
      tpu.enqueue_indirect_dma source(%dma_start3A_209 : memref<10000x128xf32, #tpu.memory_space<hbm>>) target(%arg8 : memref<128x128xf32, #tpu.memory_space<vmem>>) offsets(%dma_start3A_206 : memref<128xi32, #tpu.memory_space<vmem>>) semaphore(%arg11 : memref<!tpu.dma_semaphore, #tpu.memory_space<semaphore_mem>>)
      %dma_start3A_210 = arith.constant 3 : i32
      %dma_start3A_211 = arith.constant 0 : i32
      %dma_start3A_212 = tpu.memref_slice %arg5[%dma_start3A_210, %dma_start3A_211] : memref<24x128xi32, #tpu.memory_space<vmem>> -> memref<1x128xi32, #tpu.memory_space<vmem>>
      %dma_start3A_213 = tpu.memref_squeeze %dma_start3A_212 : memref<1x128xi32, #tpu.memory_space<vmem>> -> memref<128xi32, #tpu.memory_space<vmem>>
      %dma_start3A_214 = arith.constant 0 : i32
      %dma_start3A_215 = arith.constant 0 : i32
      %dma_start3A_216 = tpu.memref_slice %arg2[%dma_start3A_214, %dma_start3A_215] : memref<10000x128xf32, #tpu.memory_space<hbm>> -> memref<10000x128xf32, #tpu.memory_space<hbm>>
      tpu.enqueue_indirect_dma source(%dma_start3A_216 : memref<10000x128xf32, #tpu.memory_space<hbm>>) target(%arg9 : memref<128x128xf32, #tpu.memory_space<vmem>>) offsets(%dma_start3A_213 : memref<128xi32, #tpu.memory_space<vmem>>) semaphore(%arg12 : memref<!tpu.dma_semaphore, #tpu.memory_space<semaphore_mem>>)
      %scan3A_217 = arith.constant 0 : i32
      %scan3A_218 = arith.constant 3 : i32
      %scan3A_219 = arith.addi %scan3A_217, %scan3A_218 : i32
      %scan3A_220 = arith.constant 1 : i32
      scf.for %scan3A_296 = %scan3A_217 to %scan3A_219 step %scan3A_220  : i32 {
        %mul3A_297 = arith.constant 1 : i32
        %mul3A_298 = arith.muli %scan3A_296, %mul3A_297 : i32
        %add3A_299 = arith.constant 0 : i32
        %add3A_300 = arith.addi %add3A_299, %mul3A_298 : i32
        %mul3A_301 = arith.constant 2 : i32
        %mul3A_302 = arith.muli %mul3A_301, %add3A_300 : i32
        %mul3A_303 = arith.constant 3 : i32
        %mul3A_304 = arith.muli %mul3A_303, %mul3A_302 : i32
        %dma_wait3A_305 = arith.constant 0 : i32
        %dma_wait3A_306 = tpu.memref_slice %arg5[%mul3A_304, %dma_wait3A_305] : memref<24x128xi32, #tpu.memory_space<vmem>> -> memref<1x128xi32, #tpu.memory_space<vmem>>
        %dma_wait3A_307 = tpu.memref_squeeze %dma_wait3A_306 : memref<1x128xi32, #tpu.memory_space<vmem>> -> memref<128xi32, #tpu.memory_space<vmem>>
        %dma_wait3A_308 = arith.constant 0 : i32
        %dma_wait3A_309 = arith.constant 0 : i32
        %dma_wait3A_310 = tpu.memref_slice %arg2[%dma_wait3A_308, %dma_wait3A_309] : memref<10000x128xf32, #tpu.memory_space<hbm>> -> memref<10000x128xf32, #tpu.memory_space<hbm>>
        tpu.wait_indirect_dma semaphore(%arg11 : memref<!tpu.dma_semaphore, #tpu.memory_space<semaphore_mem>>) src(%dma_wait3A_310 : memref<10000x128xf32, #tpu.memory_space<hbm>>) dst(%arg8 : memref<128x128xf32, #tpu.memory_space<vmem>>)
        %scan3A_311 = arith.constant 0 : i32
        %scan3A_312 = arith.constant 64 : i32
        %scan3A_313 = arith.addi %scan3A_311, %scan3A_312 : i32
        %scan3A_314 = arith.constant 1 : i32
        scf.for %scan3A_359 = %scan3A_311 to %scan3A_313 step %scan3A_314  : i32 {
          %mul3A_360 = arith.constant 1 : i32
          %mul3A_361 = arith.muli %scan3A_359, %mul3A_360 : i32
          %add3A_362 = arith.constant 0 : i32
          %add3A_363 = arith.addi %add3A_362, %mul3A_361 : i32
          %mul3A_364 = arith.constant 2 : i32
          %mul3A_365 = arith.muli %add3A_363, %mul3A_364 : i32
          %add3A_366 = arith.constant 0 : i32
          %add3A_367 = arith.addi %mul3A_365, %add3A_366 : i32
          %mul3A_368 = arith.constant 3 : i32
          %mul3A_369 = arith.muli %mul3A_368, %mul3A_302 : i32
          %add3A_370 = arith.constant 2 : i32
          %add3A_371 = arith.addi %mul3A_369, %add3A_370 : i32
          %broadcast_in_dim3A_372 = vector.broadcast %add3A_371 : i32 to vector<16xi32>
          %broadcast_in_dim3A_373 = vector.broadcast %add3A_367 : i32 to vector<16xi32>
          %gather3A = tpu.vector_load_idx %arg5[%broadcast_in_dim3A_372, %broadcast_in_dim3A_373] : memref<24x128xi32, #tpu.memory_space<vmem>>[vector<16xi32>, vector<16xi32>], vector<16xi32>,
          %bitcast3A = vector.bitcast %gather3A : vector<16xi32> to vector<16xf32>
          %get3A = arith.index_cast %add3A_367 : i32 to index
          %get3A_374 = arith.constant 0 : index
          %get3A_375 = tpu.vector_load %arg8[%get3A, %get3A_374] {strides = array<i32>} : memref<128x128xf32, #tpu.memory_space<vmem>>, vector<16xf32>,
          %mul3A_376 = arith.mulf %get3A_375, %bitcast3A : vector<16xf32>
          %swap3A = arith.index_cast %add3A_367 : i32 to index
          %swap3A_377 = arith.constant 0 : index
          %swap3A_378 = tpu.vector_load %arg8[%swap3A, %swap3A_377] {strides = array<i32>} : memref<128x128xf32, #tpu.memory_space<vmem>>, vector<16xf32>,
          tpu.vector_store %arg8[%swap3A, %swap3A_377], %mul3A_376 {strides = array<i32>} : memref<128x128xf32, #tpu.memory_space<vmem>>, vector<16xf32>,
          %get3A_379 = arith.index_cast %add3A_367 : i32 to index
          %get3A_380 = arith.constant 16 : index
          %get3A_381 = tpu.vector_load %arg8[%get3A_379, %get3A_380] {strides = array<i32>} : memref<128x128xf32, #tpu.memory_space<vmem>>, vector<16xf32>,
          %mul3A_382 = arith.mulf %get3A_381, %bitcast3A : vector<16xf32>
          %swap3A_383 = arith.index_cast %add3A_367 : i32 to index
          %swap3A_384 = arith.constant 16 : index
          %swap3A_385 = tpu.vector_load %arg8[%swap3A_383, %swap3A_384] {strides = array<i32>} : memref<128x128xf32, #tpu.memory_space<vmem>>, vector<16xf32>,
          tpu.vector_store %arg8[%swap3A_383, %swap3A_384], %mul3A_382 {strides = array<i32>} : memref<128x128xf32, #tpu.memory_space<vmem>>, vector<16xf32>,
          %get3A_386 = arith.index_cast %add3A_367 : i32 to index
          %get3A_387 = arith.constant 32 : index
          %get3A_388 = tpu.vector_load %arg8[%get3A_386, %get3A_387] {strides = array<i32>} : memref<128x128xf32, #tpu.memory_space<vmem>>, vector<16xf32>,
          %mul3A_389 = arith.mulf %get3A_388, %bitcast3A : vector<16xf32>
          %swap3A_390 = arith.index_cast %add3A_367 : i32 to index
          %swap3A_391 = arith.constant 32 : index
          %swap3A_392 = tpu.vector_load %arg8[%swap3A_390, %swap3A_391] {strides = array<i32>} : memref<128x128xf32, #tpu.memory_space<vmem>>, vector<16xf32>,
          tpu.vector_store %arg8[%swap3A_390, %swap3A_391], %mul3A_389 {strides = array<i32>} : memref<128x128xf32, #tpu.memory_space<vmem>>, vector<16xf32>,
          %get3A_393 = arith.index_cast %add3A_367 : i32 to index
          %get3A_394 = arith.constant 48 : index
          %get3A_395 = tpu.vector_load %arg8[%get3A_393, %get3A_394] {strides = array<i32>} : memref<128x128xf32, #tpu.memory_space<vmem>>, vector<16xf32>,
          %mul3A_396 = arith.mulf %get3A_395, %bitcast3A : vector<16xf32>
          %swap3A_397 = arith.index_cast %add3A_367 : i32 to index
          %swap3A_398 = arith.constant 48 : index
          %swap3A_399 = tpu.vector_load %arg8[%swap3A_397, %swap3A_398] {strides = array<i32>} : memref<128x128xf32, #tpu.memory_space<vmem>>, vector<16xf32>,
          tpu.vector_store %arg8[%swap3A_397, %swap3A_398], %mul3A_396 {strides = array<i32>} : memref<128x128xf32, #tpu.memory_space<vmem>>, vector<16xf32>,
          %get3A_400 = arith.index_cast %add3A_367 : i32 to index
          %get3A_401 = arith.constant 64 : index
          %get3A_402 = tpu.vector_load %arg8[%get3A_400, %get3A_401] {strides = array<i32>} : memref<128x128xf32, #tpu.memory_space<vmem>>, vector<16xf32>,
          %mul3A_403 = arith.mulf %get3A_402, %bitcast3A : vector<16xf32>
          %swap3A_404 = arith.index_cast %add3A_367 : i32 to index
          %swap3A_405 = arith.constant 64 : index
          %swap3A_406 = tpu.vector_load %arg8[%swap3A_404, %swap3A_405] {strides = array<i32>} : memref<128x128xf32, #tpu.memory_space<vmem>>, vector<16xf32>,
          tpu.vector_store %arg8[%swap3A_404, %swap3A_405], %mul3A_403 {strides = array<i32>} : memref<128x128xf32, #tpu.memory_space<vmem>>, vector<16xf32>,
          %get3A_407 = arith.index_cast %add3A_367 : i32 to index
          %get3A_408 = arith.constant 80 : index
          %get3A_409 = tpu.vector_load %arg8[%get3A_407, %get3A_408] {strides = array<i32>} : memref<128x128xf32, #tpu.memory_space<vmem>>, vector<16xf32>,
          %mul3A_410 = arith.mulf %get3A_409, %bitcast3A : vector<16xf32>
          %swap3A_411 = arith.index_cast %add3A_367 : i32 to index
          %swap3A_412 = arith.constant 80 : index
          %swap3A_413 = tpu.vector_load %arg8[%swap3A_411, %swap3A_412] {strides = array<i32>} : memref<128x128xf32, #tpu.memory_space<vmem>>, vector<16xf32>,
          tpu.vector_store %arg8[%swap3A_411, %swap3A_412], %mul3A_410 {strides = array<i32>} : memref<128x128xf32, #tpu.memory_space<vmem>>, vector<16xf32>,
          %get3A_414 = arith.index_cast %add3A_367 : i32 to index
          %get3A_415 = arith.constant 96 : index
          %get3A_416 = tpu.vector_load %arg8[%get3A_414, %get3A_415] {strides = array<i32>} : memref<128x128xf32, #tpu.memory_space<vmem>>, vector<16xf32>,
          %mul3A_417 = arith.mulf %get3A_416, %bitcast3A : vector<16xf32>
          %swap3A_418 = arith.index_cast %add3A_367 : i32 to index
          %swap3A_419 = arith.constant 96 : index
          %swap3A_420 = tpu.vector_load %arg8[%swap3A_418, %swap3A_419] {strides = array<i32>} : memref<128x128xf32, #tpu.memory_space<vmem>>, vector<16xf32>,
          tpu.vector_store %arg8[%swap3A_418, %swap3A_419], %mul3A_417 {strides = array<i32>} : memref<128x128xf32, #tpu.memory_space<vmem>>, vector<16xf32>,
          %get3A_421 = arith.index_cast %add3A_367 : i32 to index
          %get3A_422 = arith.constant 112 : index
          %get3A_423 = tpu.vector_load %arg8[%get3A_421, %get3A_422] {strides = array<i32>} : memref<128x128xf32, #tpu.memory_space<vmem>>, vector<16xf32>,
          %mul3A_424 = arith.mulf %get3A_423, %bitcast3A : vector<16xf32>
          %swap3A_425 = arith.index_cast %add3A_367 : i32 to index
          %swap3A_426 = arith.constant 112 : index
          %swap3A_427 = tpu.vector_load %arg8[%swap3A_425, %swap3A_426] {strides = array<i32>} : memref<128x128xf32, #tpu.memory_space<vmem>>, vector<16xf32>,
          tpu.vector_store %arg8[%swap3A_425, %swap3A_426], %mul3A_424 {strides = array<i32>} : memref<128x128xf32, #tpu.memory_space<vmem>>, vector<16xf32>,
          %mul3A_428 = arith.constant 2 : i32
          %mul3A_429 = arith.muli %add3A_363, %mul3A_428 : i32
          %add3A_430 = arith.constant 1 : i32
          %add3A_431 = arith.addi %mul3A_429, %add3A_430 : i32
          %mul3A_432 = arith.constant 3 : i32
          %mul3A_433 = arith.muli %mul3A_432, %mul3A_302 : i32
          %add3A_434 = arith.constant 2 : i32
          %add3A_435 = arith.addi %mul3A_433, %add3A_434 : i32
          %broadcast_in_dim3A_436 = vector.broadcast %add3A_435 : i32 to vector<16xi32>
          %broadcast_in_dim3A_437 = vector.broadcast %add3A_431 : i32 to vector<16xi32>
          %gather3A_438 = tpu.vector_load_idx %arg5[%broadcast_in_dim3A_436, %broadcast_in_dim3A_437] : memref<24x128xi32, #tpu.memory_space<vmem>>[vector<16xi32>, vector<16xi32>], vector<16xi32>,
          %bitcast3A_439 = vector.bitcast %gather3A_438 : vector<16xi32> to vector<16xf32>
          %get3A_440 = arith.index_cast %add3A_431 : i32 to index
          %get3A_441 = arith.constant 0 : index
          %get3A_442 = tpu.vector_load %arg8[%get3A_440, %get3A_441] {strides = array<i32>} : memref<128x128xf32, #tpu.memory_space<vmem>>, vector<16xf32>,
          %mul3A_443 = arith.mulf %get3A_442, %bitcast3A_439 : vector<16xf32>
          %swap3A_444 = arith.index_cast %add3A_431 : i32 to index
          %swap3A_445 = arith.constant 0 : index
          %swap3A_446 = tpu.vector_load %arg8[%swap3A_444, %swap3A_445] {strides = array<i32>} : memref<128x128xf32, #tpu.memory_space<vmem>>, vector<16xf32>,
          tpu.vector_store %arg8[%swap3A_444, %swap3A_445], %mul3A_443 {strides = array<i32>} : memref<128x128xf32, #tpu.memory_space<vmem>>, vector<16xf32>,
          %get3A_447 = arith.index_cast %add3A_431 : i32 to index
          %get3A_448 = arith.constant 16 : index
          %get3A_449 = tpu.vector_load %arg8[%get3A_447, %get3A_448] {strides = array<i32>} : memref<128x128xf32, #tpu.memory_space<vmem>>, vector<16xf32>,
          %mul3A_450 = arith.mulf %get3A_449, %bitcast3A_439 : vector<16xf32>
          %swap3A_451 = arith.index_cast %add3A_431 : i32 to index
          %swap3A_452 = arith.constant 16 : index
          %swap3A_453 = tpu.vector_load %arg8[%swap3A_451, %swap3A_452] {strides = array<i32>} : memref<128x128xf32, #tpu.memory_space<vmem>>, vector<16xf32>,
          tpu.vector_store %arg8[%swap3A_451, %swap3A_452], %mul3A_450 {strides = array<i32>} : memref<128x128xf32, #tpu.memory_space<vmem>>, vector<16xf32>,
          %get3A_454 = arith.index_cast %add3A_431 : i32 to index
          %get3A_455 = arith.constant 32 : index
          %get3A_456 = tpu.vector_load %arg8[%get3A_454, %get3A_455] {strides = array<i32>} : memref<128x128xf32, #tpu.memory_space<vmem>>, vector<16xf32>,
          %mul3A_457 = arith.mulf %get3A_456, %bitcast3A_439 : vector<16xf32>
          %swap3A_458 = arith.index_cast %add3A_431 : i32 to index
          %swap3A_459 = arith.constant 32 : index
          %swap3A_460 = tpu.vector_load %arg8[%swap3A_458, %swap3A_459] {strides = array<i32>} : memref<128x128xf32, #tpu.memory_space<vmem>>, vector<16xf32>,
          tpu.vector_store %arg8[%swap3A_458, %swap3A_459], %mul3A_457 {strides = array<i32>} : memref<128x128xf32, #tpu.memory_space<vmem>>, vector<16xf32>,
          %get3A_461 = arith.index_cast %add3A_431 : i32 to index
          %get3A_462 = arith.constant 48 : index
          %get3A_463 = tpu.vector_load %arg8[%get3A_461, %get3A_462] {strides = array<i32>} : memref<128x128xf32, #tpu.memory_space<vmem>>, vector<16xf32>,
          %mul3A_464 = arith.mulf %get3A_463, %bitcast3A_439 : vector<16xf32>
          %swap3A_465 = arith.index_cast %add3A_431 : i32 to index
          %swap3A_466 = arith.constant 48 : index
          %swap3A_467 = tpu.vector_load %arg8[%swap3A_465, %swap3A_466] {strides = array<i32>} : memref<128x128xf32, #tpu.memory_space<vmem>>, vector<16xf32>,
          tpu.vector_store %arg8[%swap3A_465, %swap3A_466], %mul3A_464 {strides = array<i32>} : memref<128x128xf32, #tpu.memory_space<vmem>>, vector<16xf32>,
          %get3A_468 = arith.index_cast %add3A_431 : i32 to index
          %get3A_469 = arith.constant 64 : index
          %get3A_470 = tpu.vector_load %arg8[%get3A_468, %get3A_469] {strides = array<i32>} : memref<128x128xf32, #tpu.memory_space<vmem>>, vector<16xf32>,
          %mul3A_471 = arith.mulf %get3A_470, %bitcast3A_439 : vector<16xf32>
          %swap3A_472 = arith.index_cast %add3A_431 : i32 to index
          %swap3A_473 = arith.constant 64 : index
          %swap3A_474 = tpu.vector_load %arg8[%swap3A_472, %swap3A_473] {strides = array<i32>} : memref<128x128xf32, #tpu.memory_space<vmem>>, vector<16xf32>,
          tpu.vector_store %arg8[%swap3A_472, %swap3A_473], %mul3A_471 {strides = array<i32>} : memref<128x128xf32, #tpu.memory_space<vmem>>, vector<16xf32>,
          %get3A_475 = arith.index_cast %add3A_431 : i32 to index
          %get3A_476 = arith.constant 80 : index
          %get3A_477 = tpu.vector_load %arg8[%get3A_475, %get3A_476] {strides = array<i32>} : memref<128x128xf32, #tpu.memory_space<vmem>>, vector<16xf32>,
          %mul3A_478 = arith.mulf %get3A_477, %bitcast3A_439 : vector<16xf32>
          %swap3A_479 = arith.index_cast %add3A_431 : i32 to index
          %swap3A_480 = arith.constant 80 : index
          %swap3A_481 = tpu.vector_load %arg8[%swap3A_479, %swap3A_480] {strides = array<i32>} : memref<128x128xf32, #tpu.memory_space<vmem>>, vector<16xf32>,
          tpu.vector_store %arg8[%swap3A_479, %swap3A_480], %mul3A_478 {strides = array<i32>} : memref<128x128xf32, #tpu.memory_space<vmem>>, vector<16xf32>,
          %get3A_482 = arith.index_cast %add3A_431 : i32 to index
          %get3A_483 = arith.constant 96 : index
          %get3A_484 = tpu.vector_load %arg8[%get3A_482, %get3A_483] {strides = array<i32>} : memref<128x128xf32, #tpu.memory_space<vmem>>, vector<16xf32>,
          %mul3A_485 = arith.mulf %get3A_484, %bitcast3A_439 : vector<16xf32>
          %swap3A_486 = arith.index_cast %add3A_431 : i32 to index
          %swap3A_487 = arith.constant 96 : index
          %swap3A_488 = tpu.vector_load %arg8[%swap3A_486, %swap3A_487] {strides = array<i32>} : memref<128x128xf32, #tpu.memory_space<vmem>>, vector<16xf32>,
          tpu.vector_store %arg8[%swap3A_486, %swap3A_487], %mul3A_485 {strides = array<i32>} : memref<128x128xf32, #tpu.memory_space<vmem>>, vector<16xf32>,
          %get3A_489 = arith.index_cast %add3A_431 : i32 to index
          %get3A_490 = arith.constant 112 : index
          %get3A_491 = tpu.vector_load %arg8[%get3A_489, %get3A_490] {strides = array<i32>} : memref<128x128xf32, #tpu.memory_space<vmem>>, vector<16xf32>,
          %mul3A_492 = arith.mulf %get3A_491, %bitcast3A_439 : vector<16xf32>
          %swap3A_493 = arith.index_cast %add3A_431 : i32 to index
          %swap3A_494 = arith.constant 112 : index
          %swap3A_495 = tpu.vector_load %arg8[%swap3A_493, %swap3A_494] {strides = array<i32>} : memref<128x128xf32, #tpu.memory_space<vmem>>, vector<16xf32>,
          tpu.vector_store %arg8[%swap3A_493, %swap3A_494], %mul3A_492 {strides = array<i32>} : memref<128x128xf32, #tpu.memory_space<vmem>>, vector<16xf32>,
        }
        %scan3A_315 = arith.constant 64 : i32
        %mul3A_316 = arith.constant 3 : i32
        %mul3A_317 = arith.muli %mul3A_316, %mul3A_302 : i32
        %add3A_318 = arith.constant 1 : i32
        %add3A_319 = arith.addi %mul3A_317, %add3A_318 : i32
        "tpu.region"() ({
          %run_scoped3A_359 = tpu.sem_alloc : memref<!tpu.dma_semaphore, #tpu.memory_space<semaphore_mem>>
          %dma_start3A_360 = arith.constant 0 : i32
          %dma_start3A_361 = tpu.memref_slice %arg5[%add3A_319, %dma_start3A_360] : memref<24x128xi32, #tpu.memory_space<vmem>> -> memref<1x128xi32, #tpu.memory_space<vmem>>
          %dma_start3A_362 = tpu.memref_squeeze %dma_start3A_361 : memref<1x128xi32, #tpu.memory_space<vmem>> -> memref<128xi32, #tpu.memory_space<vmem>>
          %dma_start3A_363 = arith.constant 0 : i32
          %dma_start3A_364 = arith.constant 0 : i32
          %dma_start3A_365 = tpu.memref_slice %arg10[%dma_start3A_363, %dma_start3A_364] : memref<10240x128xf32, #tpu.memory_space<vmem_shared>> -> memref<10240x128xf32, #tpu.memory_space<vmem_shared>>
          tpu.enqueue_indirect_dma source(%arg8 : memref<128x128xf32, #tpu.memory_space<vmem>>) target(%dma_start3A_365 : memref<10240x128xf32, #tpu.memory_space<vmem_shared>>) offsets(%dma_start3A_362 : memref<128xi32, #tpu.memory_space<vmem>>) semaphore(%run_scoped3A_359 : memref<!tpu.dma_semaphore, #tpu.memory_space<semaphore_mem>>) {add = true}
          %dma_wait3A_366 = arith.constant 0 : i32
          %dma_wait3A_367 = tpu.memref_slice %arg5[%add3A_319, %dma_wait3A_366] : memref<24x128xi32, #tpu.memory_space<vmem>> -> memref<1x128xi32, #tpu.memory_space<vmem>>
          %dma_wait3A_368 = tpu.memref_squeeze %dma_wait3A_367 : memref<1x128xi32, #tpu.memory_space<vmem>> -> memref<128xi32, #tpu.memory_space<vmem>>
          %dma_wait3A_369 = arith.constant 0 : i32
          %dma_wait3A_370 = arith.constant 0 : i32
          %dma_wait3A_371 = tpu.memref_slice %arg10[%dma_wait3A_369, %dma_wait3A_370] : memref<10240x128xf32, #tpu.memory_space<vmem_shared>> -> memref<10240x128xf32, #tpu.memory_space<vmem_shared>>
          tpu.wait_indirect_dma semaphore(%run_scoped3A_359 : memref<!tpu.dma_semaphore, #tpu.memory_space<semaphore_mem>>) src(%arg8 : memref<128x128xf32, #tpu.memory_space<vmem>>) dst(%dma_wait3A_371 : memref<10240x128xf32, #tpu.memory_space<vmem_shared>>)
          tpu.yield
        }) : () -> ()
        %add3A_320 = arith.constant 2 : i32
        %add3A_321 = arith.addi %mul3A_302, %add3A_320 : i32
        %mul3A_322 = arith.constant 3 : i32
        %mul3A_323 = arith.muli %mul3A_322, %add3A_321 : i32
        %dma_start3A_324 = arith.constant 0 : i32
        %dma_start3A_325 = tpu.memref_slice %arg5[%mul3A_323, %dma_start3A_324] : memref<24x128xi32, #tpu.memory_space<vmem>> -> memref<1x128xi32, #tpu.memory_space<vmem>>
        %dma_start3A_326 = tpu.memref_squeeze %dma_start3A_325 : memref<1x128xi32, #tpu.memory_space<vmem>> -> memref<128xi32, #tpu.memory_space<vmem>>
        %dma_start3A_327 = arith.constant 0 : i32
        %dma_start3A_328 = arith.constant 0 : i32
        %dma_start3A_329 = tpu.memref_slice %arg2[%dma_start3A_327, %dma_start3A_328] : memref<10000x128xf32, #tpu.memory_space<hbm>> -> memref<10000x128xf32, #tpu.memory_space<hbm>>
        tpu.enqueue_indirect_dma source(%dma_start3A_329 : memref<10000x128xf32, #tpu.memory_space<hbm>>) target(%arg8 : memref<128x128xf32, #tpu.memory_space<vmem>>) offsets(%dma_start3A_326 : memref<128xi32, #tpu.memory_space<vmem>>) semaphore(%arg11 : memref<!tpu.dma_semaphore, #tpu.memory_space<semaphore_mem>>)
        %add3A_330 = arith.constant 1 : i32
        %add3A_331 = arith.addi %mul3A_302, %add3A_330 : i32
        %mul3A_332 = arith.constant 3 : i32
        %mul3A_333 = arith.muli %mul3A_332, %add3A_331 : i32
        %dma_wait3A_334 = arith.constant 0 : i32
        %dma_wait3A_335 = tpu.memref_slice %arg5[%mul3A_333, %dma_wait3A_334] : memref<24x128xi32, #tpu.memory_space<vmem>> -> memref<1x128xi32, #tpu.memory_space<vmem>>
        %dma_wait3A_336 = tpu.memref_squeeze %dma_wait3A_335 : memref<1x128xi32, #tpu.memory_space<vmem>> -> memref<128xi32, #tpu.memory_space<vmem>>
        %dma_wait3A_337 = arith.constant 0 : i32
        %dma_wait3A_338 = arith.constant 0 : i32
        %dma_wait3A_339 = tpu.memref_slice %arg2[%dma_wait3A_337, %dma_wait3A_338] : memref<10000x128xf32, #tpu.memory_space<hbm>> -> memref<10000x128xf32, #tpu.memory_space<hbm>>
        tpu.wait_indirect_dma semaphore(%arg12 : memref<!tpu.dma_semaphore, #tpu.memory_space<semaphore_mem>>) src(%dma_wait3A_339 : memref<10000x128xf32, #tpu.memory_space<hbm>>) dst(%arg9 : memref<128x128xf32, #tpu.memory_space<vmem>>)
        %scan3A_340 = arith.constant 0 : i32
        %scan3A_341 = arith.constant 64 : i32
        %scan3A_342 = arith.addi %scan3A_340, %scan3A_341 : i32
        %scan3A_343 = arith.constant 1 : i32
        scf.for %scan3A_359 = %scan3A_340 to %scan3A_342 step %scan3A_343  : i32 {
          %mul3A_360 = arith.constant 1 : i32
          %mul3A_361 = arith.muli %scan3A_359, %mul3A_360 : i32
          %add3A_362 = arith.constant 0 : i32
          %add3A_363 = arith.addi %add3A_362, %mul3A_361 : i32
          %mul3A_364 = arith.constant 2 : i32
          %mul3A_365 = arith.muli %add3A_363, %mul3A_364 : i32
          %add3A_366 = arith.constant 0 : i32
          %add3A_367 = arith.addi %mul3A_365, %add3A_366 : i32
          %mul3A_368 = arith.constant 3 : i32
          %mul3A_369 = arith.muli %mul3A_368, %add3A_331 : i32
          %add3A_370 = arith.constant 2 : i32
          %add3A_371 = arith.addi %mul3A_369, %add3A_370 : i32
          %broadcast_in_dim3A_372 = vector.broadcast %add3A_371 : i32 to vector<16xi32>
          %broadcast_in_dim3A_373 = vector.broadcast %add3A_367 : i32 to vector<16xi32>
          %gather3A = tpu.vector_load_idx %arg5[%broadcast_in_dim3A_372, %broadcast_in_dim3A_373] : memref<24x128xi32, #tpu.memory_space<vmem>>[vector<16xi32>, vector<16xi32>], vector<16xi32>,
          %bitcast3A = vector.bitcast %gather3A : vector<16xi32> to vector<16xf32>
          %get3A = arith.index_cast %add3A_367 : i32 to index
          %get3A_374 = arith.constant 0 : index
          %get3A_375 = tpu.vector_load %arg9[%get3A, %get3A_374] {strides = array<i32>} : memref<128x128xf32, #tpu.memory_space<vmem>>, vector<16xf32>,
          %mul3A_376 = arith.mulf %get3A_375, %bitcast3A : vector<16xf32>
          %swap3A = arith.index_cast %add3A_367 : i32 to index
          %swap3A_377 = arith.constant 0 : index
          %swap3A_378 = tpu.vector_load %arg9[%swap3A, %swap3A_377] {strides = array<i32>} : memref<128x128xf32, #tpu.memory_space<vmem>>, vector<16xf32>,
          tpu.vector_store %arg9[%swap3A, %swap3A_377], %mul3A_376 {strides = array<i32>} : memref<128x128xf32, #tpu.memory_space<vmem>>, vector<16xf32>,
          %get3A_379 = arith.index_cast %add3A_367 : i32 to index
          %get3A_380 = arith.constant 16 : index
          %get3A_381 = tpu.vector_load %arg9[%get3A_379, %get3A_380] {strides = array<i32>} : memref<128x128xf32, #tpu.memory_space<vmem>>, vector<16xf32>,
          %mul3A_382 = arith.mulf %get3A_381, %bitcast3A : vector<16xf32>
          %swap3A_383 = arith.index_cast %add3A_367 : i32 to index
          %swap3A_384 = arith.constant 16 : index
          %swap3A_385 = tpu.vector_load %arg9[%swap3A_383, %swap3A_384] {strides = array<i32>} : memref<128x128xf32, #tpu.memory_space<vmem>>, vector<16xf32>,
          tpu.vector_store %arg9[%swap3A_383, %swap3A_384], %mul3A_382 {strides = array<i32>} : memref<128x128xf32, #tpu.memory_space<vmem>>, vector<16xf32>,
          %get3A_386 = arith.index_cast %add3A_367 : i32 to index
          %get3A_387 = arith.constant 32 : index
          %get3A_388 = tpu.vector_load %arg9[%get3A_386, %get3A_387] {strides = array<i32>} : memref<128x128xf32, #tpu.memory_space<vmem>>, vector<16xf32>,
          %mul3A_389 = arith.mulf %get3A_388, %bitcast3A : vector<16xf32>
          %swap3A_390 = arith.index_cast %add3A_367 : i32 to index
          %swap3A_391 = arith.constant 32 : index
          %swap3A_392 = tpu.vector_load %arg9[%swap3A_390, %swap3A_391] {strides = array<i32>} : memref<128x128xf32, #tpu.memory_space<vmem>>, vector<16xf32>,
          tpu.vector_store %arg9[%swap3A_390, %swap3A_391], %mul3A_389 {strides = array<i32>} : memref<128x128xf32, #tpu.memory_space<vmem>>, vector<16xf32>,
          %get3A_393 = arith.index_cast %add3A_367 : i32 to index
          %get3A_394 = arith.constant 48 : index
          %get3A_395 = tpu.vector_load %arg9[%get3A_393, %get3A_394] {strides = array<i32>} : memref<128x128xf32, #tpu.memory_space<vmem>>, vector<16xf32>,
          %mul3A_396 = arith.mulf %get3A_395, %bitcast3A : vector<16xf32>
          %swap3A_397 = arith.index_cast %add3A_367 : i32 to index
          %swap3A_398 = arith.constant 48 : index
          %swap3A_399 = tpu.vector_load %arg9[%swap3A_397, %swap3A_398] {strides = array<i32>} : memref<128x128xf32, #tpu.memory_space<vmem>>, vector<16xf32>,
          tpu.vector_store %arg9[%swap3A_397, %swap3A_398], %mul3A_396 {strides = array<i32>} : memref<128x128xf32, #tpu.memory_space<vmem>>, vector<16xf32>,
          %get3A_400 = arith.index_cast %add3A_367 : i32 to index
          %get3A_401 = arith.constant 64 : index
          %get3A_402 = tpu.vector_load %arg9[%get3A_400, %get3A_401] {strides = array<i32>} : memref<128x128xf32, #tpu.memory_space<vmem>>, vector<16xf32>,
          %mul3A_403 = arith.mulf %get3A_402, %bitcast3A : vector<16xf32>
          %swap3A_404 = arith.index_cast %add3A_367 : i32 to index
          %swap3A_405 = arith.constant 64 : index
          %swap3A_406 = tpu.vector_load %arg9[%swap3A_404, %swap3A_405] {strides = array<i32>} : memref<128x128xf32, #tpu.memory_space<vmem>>, vector<16xf32>,
          tpu.vector_store %arg9[%swap3A_404, %swap3A_405], %mul3A_403 {strides = array<i32>} : memref<128x128xf32, #tpu.memory_space<vmem>>, vector<16xf32>,
          %get3A_407 = arith.index_cast %add3A_367 : i32 to index
          %get3A_408 = arith.constant 80 : index
          %get3A_409 = tpu.vector_load %arg9[%get3A_407, %get3A_408] {strides = array<i32>} : memref<128x128xf32, #tpu.memory_space<vmem>>, vector<16xf32>,
          %mul3A_410 = arith.mulf %get3A_409, %bitcast3A : vector<16xf32>
          %swap3A_411 = arith.index_cast %add3A_367 : i32 to index
          %swap3A_412 = arith.constant 80 : index
          %swap3A_413 = tpu.vector_load %arg9[%swap3A_411, %swap3A_412] {strides = array<i32>} : memref<128x128xf32, #tpu.memory_space<vmem>>, vector<16xf32>,
          tpu.vector_store %arg9[%swap3A_411, %swap3A_412], %mul3A_410 {strides = array<i32>} : memref<128x128xf32, #tpu.memory_space<vmem>>, vector<16xf32>,
          %get3A_414 = arith.index_cast %add3A_367 : i32 to index
          %get3A_415 = arith.constant 96 : index
          %get3A_416 = tpu.vector_load %arg9[%get3A_414, %get3A_415] {strides = array<i32>} : memref<128x128xf32, #tpu.memory_space<vmem>>, vector<16xf32>,
          %mul3A_417 = arith.mulf %get3A_416, %bitcast3A : vector<16xf32>
          %swap3A_418 = arith.index_cast %add3A_367 : i32 to index
          %swap3A_419 = arith.constant 96 : index
          %swap3A_420 = tpu.vector_load %arg9[%swap3A_418, %swap3A_419] {strides = array<i32>} : memref<128x128xf32, #tpu.memory_space<vmem>>, vector<16xf32>,
          tpu.vector_store %arg9[%swap3A_418, %swap3A_419], %mul3A_417 {strides = array<i32>} : memref<128x128xf32, #tpu.memory_space<vmem>>, vector<16xf32>,
          %get3A_421 = arith.index_cast %add3A_367 : i32 to index
          %get3A_422 = arith.constant 112 : index
          %get3A_423 = tpu.vector_load %arg9[%get3A_421, %get3A_422] {strides = array<i32>} : memref<128x128xf32, #tpu.memory_space<vmem>>, vector<16xf32>,
          %mul3A_424 = arith.mulf %get3A_423, %bitcast3A : vector<16xf32>
          %swap3A_425 = arith.index_cast %add3A_367 : i32 to index
          %swap3A_426 = arith.constant 112 : index
          %swap3A_427 = tpu.vector_load %arg9[%swap3A_425, %swap3A_426] {strides = array<i32>} : memref<128x128xf32, #tpu.memory_space<vmem>>, vector<16xf32>,
          tpu.vector_store %arg9[%swap3A_425, %swap3A_426], %mul3A_424 {strides = array<i32>} : memref<128x128xf32, #tpu.memory_space<vmem>>, vector<16xf32>,
          %mul3A_428 = arith.constant 2 : i32
          %mul3A_429 = arith.muli %add3A_363, %mul3A_428 : i32
          %add3A_430 = arith.constant 1 : i32
          %add3A_431 = arith.addi %mul3A_429, %add3A_430 : i32
          %mul3A_432 = arith.constant 3 : i32
          %mul3A_433 = arith.muli %mul3A_432, %add3A_331 : i32
          %add3A_434 = arith.constant 2 : i32
          %add3A_435 = arith.addi %mul3A_433, %add3A_434 : i32
          %broadcast_in_dim3A_436 = vector.broadcast %add3A_435 : i32 to vector<16xi32>
          %broadcast_in_dim3A_437 = vector.broadcast %add3A_431 : i32 to vector<16xi32>
          %gather3A_438 = tpu.vector_load_idx %arg5[%broadcast_in_dim3A_436, %broadcast_in_dim3A_437] : memref<24x128xi32, #tpu.memory_space<vmem>>[vector<16xi32>, vector<16xi32>], vector<16xi32>,
          %bitcast3A_439 = vector.bitcast %gather3A_438 : vector<16xi32> to vector<16xf32>
          %get3A_440 = arith.index_cast %add3A_431 : i32 to index
          %get3A_441 = arith.constant 0 : index
          %get3A_442 = tpu.vector_load %arg9[%get3A_440, %get3A_441] {strides = array<i32>} : memref<128x128xf32, #tpu.memory_space<vmem>>, vector<16xf32>,
          %mul3A_443 = arith.mulf %get3A_442, %bitcast3A_439 : vector<16xf32>
          %swap3A_444 = arith.index_cast %add3A_431 : i32 to index
          %swap3A_445 = arith.constant 0 : index
          %swap3A_446 = tpu.vector_load %arg9[%swap3A_444, %swap3A_445] {strides = array<i32>} : memref<128x128xf32, #tpu.memory_space<vmem>>, vector<16xf32>,
          tpu.vector_store %arg9[%swap3A_444, %swap3A_445], %mul3A_443 {strides = array<i32>} : memref<128x128xf32, #tpu.memory_space<vmem>>, vector<16xf32>,
          %get3A_447 = arith.index_cast %add3A_431 : i32 to index
          %get3A_448 = arith.constant 16 : index
          %get3A_449 = tpu.vector_load %arg9[%get3A_447, %get3A_448] {strides = array<i32>} : memref<128x128xf32, #tpu.memory_space<vmem>>, vector<16xf32>,
          %mul3A_450 = arith.mulf %get3A_449, %bitcast3A_439 : vector<16xf32>
          %swap3A_451 = arith.index_cast %add3A_431 : i32 to index
          %swap3A_452 = arith.constant 16 : index
          %swap3A_453 = tpu.vector_load %arg9[%swap3A_451, %swap3A_452] {strides = array<i32>} : memref<128x128xf32, #tpu.memory_space<vmem>>, vector<16xf32>,
          tpu.vector_store %arg9[%swap3A_451, %swap3A_452], %mul3A_450 {strides = array<i32>} : memref<128x128xf32, #tpu.memory_space<vmem>>, vector<16xf32>,
          %get3A_454 = arith.index_cast %add3A_431 : i32 to index
          %get3A_455 = arith.constant 32 : index
          %get3A_456 = tpu.vector_load %arg9[%get3A_454, %get3A_455] {strides = array<i32>} : memref<128x128xf32, #tpu.memory_space<vmem>>, vector<16xf32>,
          %mul3A_457 = arith.mulf %get3A_456, %bitcast3A_439 : vector<16xf32>
          %swap3A_458 = arith.index_cast %add3A_431 : i32 to index
          %swap3A_459 = arith.constant 32 : index
          %swap3A_460 = tpu.vector_load %arg9[%swap3A_458, %swap3A_459] {strides = array<i32>} : memref<128x128xf32, #tpu.memory_space<vmem>>, vector<16xf32>,
          tpu.vector_store %arg9[%swap3A_458, %swap3A_459], %mul3A_457 {strides = array<i32>} : memref<128x128xf32, #tpu.memory_space<vmem>>, vector<16xf32>,
          %get3A_461 = arith.index_cast %add3A_431 : i32 to index
          %get3A_462 = arith.constant 48 : index
          %get3A_463 = tpu.vector_load %arg9[%get3A_461, %get3A_462] {strides = array<i32>} : memref<128x128xf32, #tpu.memory_space<vmem>>, vector<16xf32>,
          %mul3A_464 = arith.mulf %get3A_463, %bitcast3A_439 : vector<16xf32>
          %swap3A_465 = arith.index_cast %add3A_431 : i32 to index
          %swap3A_466 = arith.constant 48 : index
          %swap3A_467 = tpu.vector_load %arg9[%swap3A_465, %swap3A_466] {strides = array<i32>} : memref<128x128xf32, #tpu.memory_space<vmem>>, vector<16xf32>,
          tpu.vector_store %arg9[%swap3A_465, %swap3A_466], %mul3A_464 {strides = array<i32>} : memref<128x128xf32, #tpu.memory_space<vmem>>, vector<16xf32>,
          %get3A_468 = arith.index_cast %add3A_431 : i32 to index
          %get3A_469 = arith.constant 64 : index
          %get3A_470 = tpu.vector_load %arg9[%get3A_468, %get3A_469] {strides = array<i32>} : memref<128x128xf32, #tpu.memory_space<vmem>>, vector<16xf32>,
          %mul3A_471 = arith.mulf %get3A_470, %bitcast3A_439 : vector<16xf32>
          %swap3A_472 = arith.index_cast %add3A_431 : i32 to index
          %swap3A_473 = arith.constant 64 : index
          %swap3A_474 = tpu.vector_load %arg9[%swap3A_472, %swap3A_473] {strides = array<i32>} : memref<128x128xf32, #tpu.memory_space<vmem>>, vector<16xf32>,
          tpu.vector_store %arg9[%swap3A_472, %swap3A_473], %mul3A_471 {strides = array<i32>} : memref<128x128xf32, #tpu.memory_space<vmem>>, vector<16xf32>,
          %get3A_475 = arith.index_cast %add3A_431 : i32 to index
          %get3A_476 = arith.constant 80 : index
          %get3A_477 = tpu.vector_load %arg9[%get3A_475, %get3A_476] {strides = array<i32>} : memref<128x128xf32, #tpu.memory_space<vmem>>, vector<16xf32>,
          %mul3A_478 = arith.mulf %get3A_477, %bitcast3A_439 : vector<16xf32>
          %swap3A_479 = arith.index_cast %add3A_431 : i32 to index
          %swap3A_480 = arith.constant 80 : index
          %swap3A_481 = tpu.vector_load %arg9[%swap3A_479, %swap3A_480] {strides = array<i32>} : memref<128x128xf32, #tpu.memory_space<vmem>>, vector<16xf32>,
          tpu.vector_store %arg9[%swap3A_479, %swap3A_480], %mul3A_478 {strides = array<i32>} : memref<128x128xf32, #tpu.memory_space<vmem>>, vector<16xf32>,
          %get3A_482 = arith.index_cast %add3A_431 : i32 to index
          %get3A_483 = arith.constant 96 : index
          %get3A_484 = tpu.vector_load %arg9[%get3A_482, %get3A_483] {strides = array<i32>} : memref<128x128xf32, #tpu.memory_space<vmem>>, vector<16xf32>,
          %mul3A_485 = arith.mulf %get3A_484, %bitcast3A_439 : vector<16xf32>
          %swap3A_486 = arith.index_cast %add3A_431 : i32 to index
          %swap3A_487 = arith.constant 96 : index
          %swap3A_488 = tpu.vector_load %arg9[%swap3A_486, %swap3A_487] {strides = array<i32>} : memref<128x128xf32, #tpu.memory_space<vmem>>, vector<16xf32>,
          tpu.vector_store %arg9[%swap3A_486, %swap3A_487], %mul3A_485 {strides = array<i32>} : memref<128x128xf32, #tpu.memory_space<vmem>>, vector<16xf32>,
          %get3A_489 = arith.index_cast %add3A_431 : i32 to index
          %get3A_490 = arith.constant 112 : index
          %get3A_491 = tpu.vector_load %arg9[%get3A_489, %get3A_490] {strides = array<i32>} : memref<128x128xf32, #tpu.memory_space<vmem>>, vector<16xf32>,
          %mul3A_492 = arith.mulf %get3A_491, %bitcast3A_439 : vector<16xf32>
          %swap3A_493 = arith.index_cast %add3A_431 : i32 to index
          %swap3A_494 = arith.constant 112 : index
          %swap3A_495 = tpu.vector_load %arg9[%swap3A_493, %swap3A_494] {strides = array<i32>} : memref<128x128xf32, #tpu.memory_space<vmem>>, vector<16xf32>,
          tpu.vector_store %arg9[%swap3A_493, %swap3A_494], %mul3A_492 {strides = array<i32>} : memref<128x128xf32, #tpu.memory_space<vmem>>, vector<16xf32>,
        }
        %scan3A_344 = arith.constant 64 : i32
        %mul3A_345 = arith.constant 3 : i32
        %mul3A_346 = arith.muli %mul3A_345, %add3A_331 : i32
        %add3A_347 = arith.constant 1 : i32
        %add3A_348 = arith.addi %mul3A_346, %add3A_347 : i32
        "tpu.region"() ({
          %run_scoped3A_359 = tpu.sem_alloc : memref<!tpu.dma_semaphore, #tpu.memory_space<semaphore_mem>>
          %dma_start3A_360 = arith.constant 0 : i32
          %dma_start3A_361 = tpu.memref_slice %arg5[%add3A_348, %dma_start3A_360] : memref<24x128xi32, #tpu.memory_space<vmem>> -> memref<1x128xi32, #tpu.memory_space<vmem>>
          %dma_start3A_362 = tpu.memref_squeeze %dma_start3A_361 : memref<1x128xi32, #tpu.memory_space<vmem>> -> memref<128xi32, #tpu.memory_space<vmem>>
          %dma_start3A_363 = arith.constant 0 : i32
          %dma_start3A_364 = arith.constant 0 : i32
          %dma_start3A_365 = tpu.memref_slice %arg10[%dma_start3A_363, %dma_start3A_364] : memref<10240x128xf32, #tpu.memory_space<vmem_shared>> -> memref<10240x128xf32, #tpu.memory_space<vmem_shared>>
          tpu.enqueue_indirect_dma source(%arg9 : memref<128x128xf32, #tpu.memory_space<vmem>>) target(%dma_start3A_365 : memref<10240x128xf32, #tpu.memory_space<vmem_shared>>) offsets(%dma_start3A_362 : memref<128xi32, #tpu.memory_space<vmem>>) semaphore(%run_scoped3A_359 : memref<!tpu.dma_semaphore, #tpu.memory_space<semaphore_mem>>) {add = true}
          %dma_wait3A_366 = arith.constant 0 : i32
          %dma_wait3A_367 = tpu.memref_slice %arg5[%add3A_348, %dma_wait3A_366] : memref<24x128xi32, #tpu.memory_space<vmem>> -> memref<1x128xi32, #tpu.memory_space<vmem>>
          %dma_wait3A_368 = tpu.memref_squeeze %dma_wait3A_367 : memref<1x128xi32, #tpu.memory_space<vmem>> -> memref<128xi32, #tpu.memory_space<vmem>>
          %dma_wait3A_369 = arith.constant 0 : i32
          %dma_wait3A_370 = arith.constant 0 : i32
          %dma_wait3A_371 = tpu.memref_slice %arg10[%dma_wait3A_369, %dma_wait3A_370] : memref<10240x128xf32, #tpu.memory_space<vmem_shared>> -> memref<10240x128xf32, #tpu.memory_space<vmem_shared>>
          tpu.wait_indirect_dma semaphore(%run_scoped3A_359 : memref<!tpu.dma_semaphore, #tpu.memory_space<semaphore_mem>>) src(%arg9 : memref<128x128xf32, #tpu.memory_space<vmem>>) dst(%dma_wait3A_371 : memref<10240x128xf32, #tpu.memory_space<vmem_shared>>)
          tpu.yield
        }) : () -> ()
        %add3A_349 = arith.constant 3 : i32
        %add3A_350 = arith.addi %mul3A_302, %add3A_349 : i32
        %mul3A_351 = arith.constant 3 : i32
        %mul3A_352 = arith.muli %mul3A_351, %add3A_350 : i32
        %dma_start3A_353 = arith.constant 0 : i32
        %dma_start3A_354 = tpu.memref_slice %arg5[%mul3A_352, %dma_start3A_353] : memref<24x128xi32, #tpu.memory_space<vmem>> -> memref<1x128xi32, #tpu.memory_space<vmem>>
        %dma_start3A_355 = tpu.memref_squeeze %dma_start3A_354 : memref<1x128xi32, #tpu.memory_space<vmem>> -> memref<128xi32, #tpu.memory_space<vmem>>
        %dma_start3A_356 = arith.constant 0 : i32
        %dma_start3A_357 = arith.constant 0 : i32
        %dma_start3A_358 = tpu.memref_slice %arg2[%dma_start3A_356, %dma_start3A_357] : memref<10000x128xf32, #tpu.memory_space<hbm>> -> memref<10000x128xf32, #tpu.memory_space<hbm>>
        tpu.enqueue_indirect_dma source(%dma_start3A_358 : memref<10000x128xf32, #tpu.memory_space<hbm>>) target(%arg9 : memref<128x128xf32, #tpu.memory_space<vmem>>) offsets(%dma_start3A_355 : memref<128xi32, #tpu.memory_space<vmem>>) semaphore(%arg12 : memref<!tpu.dma_semaphore, #tpu.memory_space<semaphore_mem>>)
      }
      %scan3A_221 = arith.constant 3 : i32
      %dma_wait3A_222 = arith.constant 0 : i32
      %dma_wait3A_223 = tpu.memref_slice %arg3[%add3A_190, %dma_wait3A_222] : memref<7680x128xi32, #tpu.memory_space<hbm>> -> memref<24x128xi32, #tpu.memory_space<hbm>>
      %dma_wait3A_224 = arith.constant 0 : i32
      %dma_wait3A_225 = tpu.memref_slice %arg3[%add3A_190, %dma_wait3A_224] : memref<7680x128xi32, #tpu.memory_space<hbm>> -> memref<24x128xi32, #tpu.memory_space<hbm>>
      tpu.wait_dma2 semaphore(%arg14 : memref<!tpu.dma_semaphore, #tpu.memory_space<semaphore_mem>>) src(%dma_wait3A_225 : memref<24x128xi32, #tpu.memory_space<hbm>>) dst(%arg6 : memref<24x128xi32, #tpu.memory_space<vmem>>)
      %dma_wait3A_226 = arith.constant 18 : i32
      %dma_wait3A_227 = arith.constant 0 : i32
      %dma_wait3A_228 = tpu.memref_slice %arg5[%dma_wait3A_226, %dma_wait3A_227] : memref<24x128xi32, #tpu.memory_space<vmem>> -> memref<1x128xi32, #tpu.memory_space<vmem>>
      %dma_wait3A_229 = tpu.memref_squeeze %dma_wait3A_228 : memref<1x128xi32, #tpu.memory_space<vmem>> -> memref<128xi32, #tpu.memory_space<vmem>>
      %dma_wait3A_230 = arith.constant 0 : i32
      %dma_wait3A_231 = arith.constant 0 : i32
      %dma_wait3A_232 = tpu.memref_slice %arg2[%dma_wait3A_230, %dma_wait3A_231] : memref<10000x128xf32, #tpu.memory_space<hbm>> -> memref<10000x128xf32, #tpu.memory_space<hbm>>
      tpu.wait_indirect_dma semaphore(%arg11 : memref<!tpu.dma_semaphore, #tpu.memory_space<semaphore_mem>>) src(%dma_wait3A_232 : memref<10000x128xf32, #tpu.memory_space<hbm>>) dst(%arg8 : memref<128x128xf32, #tpu.memory_space<vmem>>)
      %scan3A_233 = arith.constant 0 : i32
      %scan3A_234 = arith.constant 64 : i32
      %scan3A_235 = arith.addi %scan3A_233, %scan3A_234 : i32
      %scan3A_236 = arith.constant 1 : i32
      scf.for %scan3A_296 = %scan3A_233 to %scan3A_235 step %scan3A_236  : i32 {
        %mul3A_297 = arith.constant 1 : i32
        %mul3A_298 = arith.muli %scan3A_296, %mul3A_297 : i32
        %add3A_299 = arith.constant 0 : i32
        %add3A_300 = arith.addi %add3A_299, %mul3A_298 : i32
        %mul3A_301 = arith.constant 2 : i32
        %mul3A_302 = arith.muli %add3A_300, %mul3A_301 : i32
        %add3A_303 = arith.constant 0 : i32
        %add3A_304 = arith.addi %mul3A_302, %add3A_303 : i32
        %broadcast_in_dim3A_305 = arith.constant 20 : i32
        %broadcast_in_dim3A_306 = vector.broadcast %broadcast_in_dim3A_305 : i32 to vector<16xi32>
        %broadcast_in_dim3A_307 = vector.broadcast %add3A_304 : i32 to vector<16xi32>
        %gather3A = tpu.vector_load_idx %arg5[%broadcast_in_dim3A_306, %broadcast_in_dim3A_307] : memref<24x128xi32, #tpu.memory_space<vmem>>[vector<16xi32>, vector<16xi32>], vector<16xi32>,
        %bitcast3A = vector.bitcast %gather3A : vector<16xi32> to vector<16xf32>
        %get3A = arith.index_cast %add3A_304 : i32 to index
        %get3A_308 = arith.constant 0 : index
        %get3A_309 = tpu.vector_load %arg8[%get3A, %get3A_308] {strides = array<i32>} : memref<128x128xf32, #tpu.memory_space<vmem>>, vector<16xf32>,
        %mul3A_310 = arith.mulf %get3A_309, %bitcast3A : vector<16xf32>
        %swap3A = arith.index_cast %add3A_304 : i32 to index
        %swap3A_311 = arith.constant 0 : index
        %swap3A_312 = tpu.vector_load %arg8[%swap3A, %swap3A_311] {strides = array<i32>} : memref<128x128xf32, #tpu.memory_space<vmem>>, vector<16xf32>,
        tpu.vector_store %arg8[%swap3A, %swap3A_311], %mul3A_310 {strides = array<i32>} : memref<128x128xf32, #tpu.memory_space<vmem>>, vector<16xf32>,
        %get3A_313 = arith.index_cast %add3A_304 : i32 to index
        %get3A_314 = arith.constant 16 : index
        %get3A_315 = tpu.vector_load %arg8[%get3A_313, %get3A_314] {strides = array<i32>} : memref<128x128xf32, #tpu.memory_space<vmem>>, vector<16xf32>,
        %mul3A_316 = arith.mulf %get3A_315, %bitcast3A : vector<16xf32>
        %swap3A_317 = arith.index_cast %add3A_304 : i32 to index
        %swap3A_318 = arith.constant 16 : index
        %swap3A_319 = tpu.vector_load %arg8[%swap3A_317, %swap3A_318] {strides = array<i32>} : memref<128x128xf32, #tpu.memory_space<vmem>>, vector<16xf32>,
        tpu.vector_store %arg8[%swap3A_317, %swap3A_318], %mul3A_316 {strides = array<i32>} : memref<128x128xf32, #tpu.memory_space<vmem>>, vector<16xf32>,
        %get3A_320 = arith.index_cast %add3A_304 : i32 to index
        %get3A_321 = arith.constant 32 : index
        %get3A_322 = tpu.vector_load %arg8[%get3A_320, %get3A_321] {strides = array<i32>} : memref<128x128xf32, #tpu.memory_space<vmem>>, vector<16xf32>,
        %mul3A_323 = arith.mulf %get3A_322, %bitcast3A : vector<16xf32>
        %swap3A_324 = arith.index_cast %add3A_304 : i32 to index
        %swap3A_325 = arith.constant 32 : index
        %swap3A_326 = tpu.vector_load %arg8[%swap3A_324, %swap3A_325] {strides = array<i32>} : memref<128x128xf32, #tpu.memory_space<vmem>>, vector<16xf32>,
        tpu.vector_store %arg8[%swap3A_324, %swap3A_325], %mul3A_323 {strides = array<i32>} : memref<128x128xf32, #tpu.memory_space<vmem>>, vector<16xf32>,
        %get3A_327 = arith.index_cast %add3A_304 : i32 to index
        %get3A_328 = arith.constant 48 : index
        %get3A_329 = tpu.vector_load %arg8[%get3A_327, %get3A_328] {strides = array<i32>} : memref<128x128xf32, #tpu.memory_space<vmem>>, vector<16xf32>,
        %mul3A_330 = arith.mulf %get3A_329, %bitcast3A : vector<16xf32>
        %swap3A_331 = arith.index_cast %add3A_304 : i32 to index
        %swap3A_332 = arith.constant 48 : index
        %swap3A_333 = tpu.vector_load %arg8[%swap3A_331, %swap3A_332] {strides = array<i32>} : memref<128x128xf32, #tpu.memory_space<vmem>>, vector<16xf32>,
        tpu.vector_store %arg8[%swap3A_331, %swap3A_332], %mul3A_330 {strides = array<i32>} : memref<128x128xf32, #tpu.memory_space<vmem>>, vector<16xf32>,
        %get3A_334 = arith.index_cast %add3A_304 : i32 to index
        %get3A_335 = arith.constant 64 : index
        %get3A_336 = tpu.vector_load %arg8[%get3A_334, %get3A_335] {strides = array<i32>} : memref<128x128xf32, #tpu.memory_space<vmem>>, vector<16xf32>,
        %mul3A_337 = arith.mulf %get3A_336, %bitcast3A : vector<16xf32>
        %swap3A_338 = arith.index_cast %add3A_304 : i32 to index
        %swap3A_339 = arith.constant 64 : index
        %swap3A_340 = tpu.vector_load %arg8[%swap3A_338, %swap3A_339] {strides = array<i32>} : memref<128x128xf32, #tpu.memory_space<vmem>>, vector<16xf32>,
        tpu.vector_store %arg8[%swap3A_338, %swap3A_339], %mul3A_337 {strides = array<i32>} : memref<128x128xf32, #tpu.memory_space<vmem>>, vector<16xf32>,
        %get3A_341 = arith.index_cast %add3A_304 : i32 to index
        %get3A_342 = arith.constant 80 : index
        %get3A_343 = tpu.vector_load %arg8[%get3A_341, %get3A_342] {strides = array<i32>} : memref<128x128xf32, #tpu.memory_space<vmem>>, vector<16xf32>,
        %mul3A_344 = arith.mulf %get3A_343, %bitcast3A : vector<16xf32>
        %swap3A_345 = arith.index_cast %add3A_304 : i32 to index
        %swap3A_346 = arith.constant 80 : index
        %swap3A_347 = tpu.vector_load %arg8[%swap3A_345, %swap3A_346] {strides = array<i32>} : memref<128x128xf32, #tpu.memory_space<vmem>>, vector<16xf32>,
        tpu.vector_store %arg8[%swap3A_345, %swap3A_346], %mul3A_344 {strides = array<i32>} : memref<128x128xf32, #tpu.memory_space<vmem>>, vector<16xf32>,
        %get3A_348 = arith.index_cast %add3A_304 : i32 to index
        %get3A_349 = arith.constant 96 : index
        %get3A_350 = tpu.vector_load %arg8[%get3A_348, %get3A_349] {strides = array<i32>} : memref<128x128xf32, #tpu.memory_space<vmem>>, vector<16xf32>,
        %mul3A_351 = arith.mulf %get3A_350, %bitcast3A : vector<16xf32>
        %swap3A_352 = arith.index_cast %add3A_304 : i32 to index
        %swap3A_353 = arith.constant 96 : index
        %swap3A_354 = tpu.vector_load %arg8[%swap3A_352, %swap3A_353] {strides = array<i32>} : memref<128x128xf32, #tpu.memory_space<vmem>>, vector<16xf32>,
        tpu.vector_store %arg8[%swap3A_352, %swap3A_353], %mul3A_351 {strides = array<i32>} : memref<128x128xf32, #tpu.memory_space<vmem>>, vector<16xf32>,
        %get3A_355 = arith.index_cast %add3A_304 : i32 to index
        %get3A_356 = arith.constant 112 : index
        %get3A_357 = tpu.vector_load %arg8[%get3A_355, %get3A_356] {strides = array<i32>} : memref<128x128xf32, #tpu.memory_space<vmem>>, vector<16xf32>,
        %mul3A_358 = arith.mulf %get3A_357, %bitcast3A : vector<16xf32>
        %swap3A_359 = arith.index_cast %add3A_304 : i32 to index
        %swap3A_360 = arith.constant 112 : index
        %swap3A_361 = tpu.vector_load %arg8[%swap3A_359, %swap3A_360] {strides = array<i32>} : memref<128x128xf32, #tpu.memory_space<vmem>>, vector<16xf32>,
        tpu.vector_store %arg8[%swap3A_359, %swap3A_360], %mul3A_358 {strides = array<i32>} : memref<128x128xf32, #tpu.memory_space<vmem>>, vector<16xf32>,
        %mul3A_362 = arith.constant 2 : i32
        %mul3A_363 = arith.muli %add3A_300, %mul3A_362 : i32
        %add3A_364 = arith.constant 1 : i32
        %add3A_365 = arith.addi %mul3A_363, %add3A_364 : i32
        %broadcast_in_dim3A_366 = arith.constant 20 : i32
        %broadcast_in_dim3A_367 = vector.broadcast %broadcast_in_dim3A_366 : i32 to vector<16xi32>
        %broadcast_in_dim3A_368 = vector.broadcast %add3A_365 : i32 to vector<16xi32>
        %gather3A_369 = tpu.vector_load_idx %arg5[%broadcast_in_dim3A_367, %broadcast_in_dim3A_368] : memref<24x128xi32, #tpu.memory_space<vmem>>[vector<16xi32>, vector<16xi32>], vector<16xi32>,
        %bitcast3A_370 = vector.bitcast %gather3A_369 : vector<16xi32> to vector<16xf32>
        %get3A_371 = arith.index_cast %add3A_365 : i32 to index
        %get3A_372 = arith.constant 0 : index
        %get3A_373 = tpu.vector_load %arg8[%get3A_371, %get3A_372] {strides = array<i32>} : memref<128x128xf32, #tpu.memory_space<vmem>>, vector<16xf32>,
        %mul3A_374 = arith.mulf %get3A_373, %bitcast3A_370 : vector<16xf32>
        %swap3A_375 = arith.index_cast %add3A_365 : i32 to index
        %swap3A_376 = arith.constant 0 : index
        %swap3A_377 = tpu.vector_load %arg8[%swap3A_375, %swap3A_376] {strides = array<i32>} : memref<128x128xf32, #tpu.memory_space<vmem>>, vector<16xf32>,
        tpu.vector_store %arg8[%swap3A_375, %swap3A_376], %mul3A_374 {strides = array<i32>} : memref<128x128xf32, #tpu.memory_space<vmem>>, vector<16xf32>,
        %get3A_378 = arith.index_cast %add3A_365 : i32 to index
        %get3A_379 = arith.constant 16 : index
        %get3A_380 = tpu.vector_load %arg8[%get3A_378, %get3A_379] {strides = array<i32>} : memref<128x128xf32, #tpu.memory_space<vmem>>, vector<16xf32>,
        %mul3A_381 = arith.mulf %get3A_380, %bitcast3A_370 : vector<16xf32>
        %swap3A_382 = arith.index_cast %add3A_365 : i32 to index
        %swap3A_383 = arith.constant 16 : index
        %swap3A_384 = tpu.vector_load %arg8[%swap3A_382, %swap3A_383] {strides = array<i32>} : memref<128x128xf32, #tpu.memory_space<vmem>>, vector<16xf32>,
        tpu.vector_store %arg8[%swap3A_382, %swap3A_383], %mul3A_381 {strides = array<i32>} : memref<128x128xf32, #tpu.memory_space<vmem>>, vector<16xf32>,
        %get3A_385 = arith.index_cast %add3A_365 : i32 to index
        %get3A_386 = arith.constant 32 : index
        %get3A_387 = tpu.vector_load %arg8[%get3A_385, %get3A_386] {strides = array<i32>} : memref<128x128xf32, #tpu.memory_space<vmem>>, vector<16xf32>,
        %mul3A_388 = arith.mulf %get3A_387, %bitcast3A_370 : vector<16xf32>
        %swap3A_389 = arith.index_cast %add3A_365 : i32 to index
        %swap3A_390 = arith.constant 32 : index
        %swap3A_391 = tpu.vector_load %arg8[%swap3A_389, %swap3A_390] {strides = array<i32>} : memref<128x128xf32, #tpu.memory_space<vmem>>, vector<16xf32>,
        tpu.vector_store %arg8[%swap3A_389, %swap3A_390], %mul3A_388 {strides = array<i32>} : memref<128x128xf32, #tpu.memory_space<vmem>>, vector<16xf32>,
        %get3A_392 = arith.index_cast %add3A_365 : i32 to index
        %get3A_393 = arith.constant 48 : index
        %get3A_394 = tpu.vector_load %arg8[%get3A_392, %get3A_393] {strides = array<i32>} : memref<128x128xf32, #tpu.memory_space<vmem>>, vector<16xf32>,
        %mul3A_395 = arith.mulf %get3A_394, %bitcast3A_370 : vector<16xf32>
        %swap3A_396 = arith.index_cast %add3A_365 : i32 to index
        %swap3A_397 = arith.constant 48 : index
        %swap3A_398 = tpu.vector_load %arg8[%swap3A_396, %swap3A_397] {strides = array<i32>} : memref<128x128xf32, #tpu.memory_space<vmem>>, vector<16xf32>,
        tpu.vector_store %arg8[%swap3A_396, %swap3A_397], %mul3A_395 {strides = array<i32>} : memref<128x128xf32, #tpu.memory_space<vmem>>, vector<16xf32>,
        %get3A_399 = arith.index_cast %add3A_365 : i32 to index
        %get3A_400 = arith.constant 64 : index
        %get3A_401 = tpu.vector_load %arg8[%get3A_399, %get3A_400] {strides = array<i32>} : memref<128x128xf32, #tpu.memory_space<vmem>>, vector<16xf32>,
        %mul3A_402 = arith.mulf %get3A_401, %bitcast3A_370 : vector<16xf32>
        %swap3A_403 = arith.index_cast %add3A_365 : i32 to index
        %swap3A_404 = arith.constant 64 : index
        %swap3A_405 = tpu.vector_load %arg8[%swap3A_403, %swap3A_404] {strides = array<i32>} : memref<128x128xf32, #tpu.memory_space<vmem>>, vector<16xf32>,
        tpu.vector_store %arg8[%swap3A_403, %swap3A_404], %mul3A_402 {strides = array<i32>} : memref<128x128xf32, #tpu.memory_space<vmem>>, vector<16xf32>,
        %get3A_406 = arith.index_cast %add3A_365 : i32 to index
        %get3A_407 = arith.constant 80 : index
        %get3A_408 = tpu.vector_load %arg8[%get3A_406, %get3A_407] {strides = array<i32>} : memref<128x128xf32, #tpu.memory_space<vmem>>, vector<16xf32>,
        %mul3A_409 = arith.mulf %get3A_408, %bitcast3A_370 : vector<16xf32>
        %swap3A_410 = arith.index_cast %add3A_365 : i32 to index
        %swap3A_411 = arith.constant 80 : index
        %swap3A_412 = tpu.vector_load %arg8[%swap3A_410, %swap3A_411] {strides = array<i32>} : memref<128x128xf32, #tpu.memory_space<vmem>>, vector<16xf32>,
        tpu.vector_store %arg8[%swap3A_410, %swap3A_411], %mul3A_409 {strides = array<i32>} : memref<128x128xf32, #tpu.memory_space<vmem>>, vector<16xf32>,
        %get3A_413 = arith.index_cast %add3A_365 : i32 to index
        %get3A_414 = arith.constant 96 : index
        %get3A_415 = tpu.vector_load %arg8[%get3A_413, %get3A_414] {strides = array<i32>} : memref<128x128xf32, #tpu.memory_space<vmem>>, vector<16xf32>,
        %mul3A_416 = arith.mulf %get3A_415, %bitcast3A_370 : vector<16xf32>
        %swap3A_417 = arith.index_cast %add3A_365 : i32 to index
        %swap3A_418 = arith.constant 96 : index
        %swap3A_419 = tpu.vector_load %arg8[%swap3A_417, %swap3A_418] {strides = array<i32>} : memref<128x128xf32, #tpu.memory_space<vmem>>, vector<16xf32>,
        tpu.vector_store %arg8[%swap3A_417, %swap3A_418], %mul3A_416 {strides = array<i32>} : memref<128x128xf32, #tpu.memory_space<vmem>>, vector<16xf32>,
        %get3A_420 = arith.index_cast %add3A_365 : i32 to index
        %get3A_421 = arith.constant 112 : index
        %get3A_422 = tpu.vector_load %arg8[%get3A_420, %get3A_421] {strides = array<i32>} : memref<128x128xf32, #tpu.memory_space<vmem>>, vector<16xf32>,
        %mul3A_423 = arith.mulf %get3A_422, %bitcast3A_370 : vector<16xf32>
        %swap3A_424 = arith.index_cast %add3A_365 : i32 to index
        %swap3A_425 = arith.constant 112 : index
        %swap3A_426 = tpu.vector_load %arg8[%swap3A_424, %swap3A_425] {strides = array<i32>} : memref<128x128xf32, #tpu.memory_space<vmem>>, vector<16xf32>,
        tpu.vector_store %arg8[%swap3A_424, %swap3A_425], %mul3A_423 {strides = array<i32>} : memref<128x128xf32, #tpu.memory_space<vmem>>, vector<16xf32>,
      }
      %scan3A_237 = arith.constant 64 : i32
      %run_scoped3A = arith.constant 19 : i32
      "tpu.region"() ({
        %run_scoped3A_296 = tpu.sem_alloc : memref<!tpu.dma_semaphore, #tpu.memory_space<semaphore_mem>>
        %dma_start3A_297 = arith.constant 0 : i32
        %dma_start3A_298 = tpu.memref_slice %arg5[%run_scoped3A, %dma_start3A_297] : memref<24x128xi32, #tpu.memory_space<vmem>> -> memref<1x128xi32, #tpu.memory_space<vmem>>
        %dma_start3A_299 = tpu.memref_squeeze %dma_start3A_298 : memref<1x128xi32, #tpu.memory_space<vmem>> -> memref<128xi32, #tpu.memory_space<vmem>>
        %dma_start3A_300 = arith.constant 0 : i32
        %dma_start3A_301 = arith.constant 0 : i32
        %dma_start3A_302 = tpu.memref_slice %arg10[%dma_start3A_300, %dma_start3A_301] : memref<10240x128xf32, #tpu.memory_space<vmem_shared>> -> memref<10240x128xf32, #tpu.memory_space<vmem_shared>>
        tpu.enqueue_indirect_dma source(%arg8 : memref<128x128xf32, #tpu.memory_space<vmem>>) target(%dma_start3A_302 : memref<10240x128xf32, #tpu.memory_space<vmem_shared>>) offsets(%dma_start3A_299 : memref<128xi32, #tpu.memory_space<vmem>>) semaphore(%run_scoped3A_296 : memref<!tpu.dma_semaphore, #tpu.memory_space<semaphore_mem>>) {add = true}
        %dma_wait3A_303 = arith.constant 0 : i32
        %dma_wait3A_304 = tpu.memref_slice %arg5[%run_scoped3A, %dma_wait3A_303] : memref<24x128xi32, #tpu.memory_space<vmem>> -> memref<1x128xi32, #tpu.memory_space<vmem>>
        %dma_wait3A_305 = tpu.memref_squeeze %dma_wait3A_304 : memref<1x128xi32, #tpu.memory_space<vmem>> -> memref<128xi32, #tpu.memory_space<vmem>>
        %dma_wait3A_306 = arith.constant 0 : i32
        %dma_wait3A_307 = arith.constant 0 : i32
        %dma_wait3A_308 = tpu.memref_slice %arg10[%dma_wait3A_306, %dma_wait3A_307] : memref<10240x128xf32, #tpu.memory_space<vmem_shared>> -> memref<10240x128xf32, #tpu.memory_space<vmem_shared>>
        tpu.wait_indirect_dma semaphore(%run_scoped3A_296 : memref<!tpu.dma_semaphore, #tpu.memory_space<semaphore_mem>>) src(%arg8 : memref<128x128xf32, #tpu.memory_space<vmem>>) dst(%dma_wait3A_308 : memref<10240x128xf32, #tpu.memory_space<vmem_shared>>)
        tpu.yield
      }) : () -> ()
      %dma_start3A_238 = arith.constant 0 : i32
      %dma_start3A_239 = arith.constant 0 : i32
      %dma_start3A_240 = tpu.memref_slice %arg6[%dma_start3A_238, %dma_start3A_239] : memref<24x128xi32, #tpu.memory_space<vmem>> -> memref<1x128xi32, #tpu.memory_space<vmem>>
      %dma_start3A_241 = tpu.memref_squeeze %dma_start3A_240 : memref<1x128xi32, #tpu.memory_space<vmem>> -> memref<128xi32, #tpu.memory_space<vmem>>
      %dma_start3A_242 = arith.constant 0 : i32
      %dma_start3A_243 = arith.constant 0 : i32
      %dma_start3A_244 = tpu.memref_slice %arg2[%dma_start3A_242, %dma_start3A_243] : memref<10000x128xf32, #tpu.memory_space<hbm>> -> memref<10000x128xf32, #tpu.memory_space<hbm>>
      tpu.enqueue_indirect_dma source(%dma_start3A_244 : memref<10000x128xf32, #tpu.memory_space<hbm>>) target(%arg8 : memref<128x128xf32, #tpu.memory_space<vmem>>) offsets(%dma_start3A_241 : memref<128xi32, #tpu.memory_space<vmem>>) semaphore(%arg11 : memref<!tpu.dma_semaphore, #tpu.memory_space<semaphore_mem>>)
      %dma_wait3A_245 = arith.constant 21 : i32
      %dma_wait3A_246 = arith.constant 0 : i32
      %dma_wait3A_247 = tpu.memref_slice %arg5[%dma_wait3A_245, %dma_wait3A_246] : memref<24x128xi32, #tpu.memory_space<vmem>> -> memref<1x128xi32, #tpu.memory_space<vmem>>
      %dma_wait3A_248 = tpu.memref_squeeze %dma_wait3A_247 : memref<1x128xi32, #tpu.memory_space<vmem>> -> memref<128xi32, #tpu.memory_space<vmem>>
      %dma_wait3A_249 = arith.constant 0 : i32
      %dma_wait3A_250 = arith.constant 0 : i32
      %dma_wait3A_251 = tpu.memref_slice %arg2[%dma_wait3A_249, %dma_wait3A_250] : memref<10000x128xf32, #tpu.memory_space<hbm>> -> memref<10000x128xf32, #tpu.memory_space<hbm>>
      tpu.wait_indirect_dma semaphore(%arg12 : memref<!tpu.dma_semaphore, #tpu.memory_space<semaphore_mem>>) src(%dma_wait3A_251 : memref<10000x128xf32, #tpu.memory_space<hbm>>) dst(%arg9 : memref<128x128xf32, #tpu.memory_space<vmem>>)
      %scan3A_252 = arith.constant 0 : i32
      %scan3A_253 = arith.constant 64 : i32
      %scan3A_254 = arith.addi %scan3A_252, %scan3A_253 : i32
      %scan3A_255 = arith.constant 1 : i32
      scf.for %scan3A_296 = %scan3A_252 to %scan3A_254 step %scan3A_255  : i32 {
        %mul3A_297 = arith.constant 1 : i32
        %mul3A_298 = arith.muli %scan3A_296, %mul3A_297 : i32
        %add3A_299 = arith.constant 0 : i32
        %add3A_300 = arith.addi %add3A_299, %mul3A_298 : i32
        %mul3A_301 = arith.constant 2 : i32
        %mul3A_302 = arith.muli %add3A_300, %mul3A_301 : i32
        %add3A_303 = arith.constant 0 : i32
        %add3A_304 = arith.addi %mul3A_302, %add3A_303 : i32
        %broadcast_in_dim3A_305 = arith.constant 23 : i32
        %broadcast_in_dim3A_306 = vector.broadcast %broadcast_in_dim3A_305 : i32 to vector<16xi32>
        %broadcast_in_dim3A_307 = vector.broadcast %add3A_304 : i32 to vector<16xi32>
        %gather3A = tpu.vector_load_idx %arg5[%broadcast_in_dim3A_306, %broadcast_in_dim3A_307] : memref<24x128xi32, #tpu.memory_space<vmem>>[vector<16xi32>, vector<16xi32>], vector<16xi32>,
        %bitcast3A = vector.bitcast %gather3A : vector<16xi32> to vector<16xf32>
        %get3A = arith.index_cast %add3A_304 : i32 to index
        %get3A_308 = arith.constant 0 : index
        %get3A_309 = tpu.vector_load %arg9[%get3A, %get3A_308] {strides = array<i32>} : memref<128x128xf32, #tpu.memory_space<vmem>>, vector<16xf32>,
        %mul3A_310 = arith.mulf %get3A_309, %bitcast3A : vector<16xf32>
        %swap3A = arith.index_cast %add3A_304 : i32 to index
        %swap3A_311 = arith.constant 0 : index
        %swap3A_312 = tpu.vector_load %arg9[%swap3A, %swap3A_311] {strides = array<i32>} : memref<128x128xf32, #tpu.memory_space<vmem>>, vector<16xf32>,
        tpu.vector_store %arg9[%swap3A, %swap3A_311], %mul3A_310 {strides = array<i32>} : memref<128x128xf32, #tpu.memory_space<vmem>>, vector<16xf32>,
        %get3A_313 = arith.index_cast %add3A_304 : i32 to index
        %get3A_314 = arith.constant 16 : index
        %get3A_315 = tpu.vector_load %arg9[%get3A_313, %get3A_314] {strides = array<i32>} : memref<128x128xf32, #tpu.memory_space<vmem>>, vector<16xf32>,
        %mul3A_316 = arith.mulf %get3A_315, %bitcast3A : vector<16xf32>
        %swap3A_317 = arith.index_cast %add3A_304 : i32 to index
        %swap3A_318 = arith.constant 16 : index
        %swap3A_319 = tpu.vector_load %arg9[%swap3A_317, %swap3A_318] {strides = array<i32>} : memref<128x128xf32, #tpu.memory_space<vmem>>, vector<16xf32>,
        tpu.vector_store %arg9[%swap3A_317, %swap3A_318], %mul3A_316 {strides = array<i32>} : memref<128x128xf32, #tpu.memory_space<vmem>>, vector<16xf32>,
        %get3A_320 = arith.index_cast %add3A_304 : i32 to index
        %get3A_321 = arith.constant 32 : index
        %get3A_322 = tpu.vector_load %arg9[%get3A_320, %get3A_321] {strides = array<i32>} : memref<128x128xf32, #tpu.memory_space<vmem>>, vector<16xf32>,
        %mul3A_323 = arith.mulf %get3A_322, %bitcast3A : vector<16xf32>
        %swap3A_324 = arith.index_cast %add3A_304 : i32 to index
        %swap3A_325 = arith.constant 32 : index
        %swap3A_326 = tpu.vector_load %arg9[%swap3A_324, %swap3A_325] {strides = array<i32>} : memref<128x128xf32, #tpu.memory_space<vmem>>, vector<16xf32>,
        tpu.vector_store %arg9[%swap3A_324, %swap3A_325], %mul3A_323 {strides = array<i32>} : memref<128x128xf32, #tpu.memory_space<vmem>>, vector<16xf32>,
        %get3A_327 = arith.index_cast %add3A_304 : i32 to index
        %get3A_328 = arith.constant 48 : index
        %get3A_329 = tpu.vector_load %arg9[%get3A_327, %get3A_328] {strides = array<i32>} : memref<128x128xf32, #tpu.memory_space<vmem>>, vector<16xf32>,
        %mul3A_330 = arith.mulf %get3A_329, %bitcast3A : vector<16xf32>
        %swap3A_331 = arith.index_cast %add3A_304 : i32 to index
        %swap3A_332 = arith.constant 48 : index
        %swap3A_333 = tpu.vector_load %arg9[%swap3A_331, %swap3A_332] {strides = array<i32>} : memref<128x128xf32, #tpu.memory_space<vmem>>, vector<16xf32>,
        tpu.vector_store %arg9[%swap3A_331, %swap3A_332], %mul3A_330 {strides = array<i32>} : memref<128x128xf32, #tpu.memory_space<vmem>>, vector<16xf32>,
        %get3A_334 = arith.index_cast %add3A_304 : i32 to index
        %get3A_335 = arith.constant 64 : index
        %get3A_336 = tpu.vector_load %arg9[%get3A_334, %get3A_335] {strides = array<i32>} : memref<128x128xf32, #tpu.memory_space<vmem>>, vector<16xf32>,
        %mul3A_337 = arith.mulf %get3A_336, %bitcast3A : vector<16xf32>
        %swap3A_338 = arith.index_cast %add3A_304 : i32 to index
        %swap3A_339 = arith.constant 64 : index
        %swap3A_340 = tpu.vector_load %arg9[%swap3A_338, %swap3A_339] {strides = array<i32>} : memref<128x128xf32, #tpu.memory_space<vmem>>, vector<16xf32>,
        tpu.vector_store %arg9[%swap3A_338, %swap3A_339], %mul3A_337 {strides = array<i32>} : memref<128x128xf32, #tpu.memory_space<vmem>>, vector<16xf32>,
        %get3A_341 = arith.index_cast %add3A_304 : i32 to index
        %get3A_342 = arith.constant 80 : index
        %get3A_343 = tpu.vector_load %arg9[%get3A_341, %get3A_342] {strides = array<i32>} : memref<128x128xf32, #tpu.memory_space<vmem>>, vector<16xf32>,
        %mul3A_344 = arith.mulf %get3A_343, %bitcast3A : vector<16xf32>
        %swap3A_345 = arith.index_cast %add3A_304 : i32 to index
        %swap3A_346 = arith.constant 80 : index
        %swap3A_347 = tpu.vector_load %arg9[%swap3A_345, %swap3A_346] {strides = array<i32>} : memref<128x128xf32, #tpu.memory_space<vmem>>, vector<16xf32>,
        tpu.vector_store %arg9[%swap3A_345, %swap3A_346], %mul3A_344 {strides = array<i32>} : memref<128x128xf32, #tpu.memory_space<vmem>>, vector<16xf32>,
        %get3A_348 = arith.index_cast %add3A_304 : i32 to index
        %get3A_349 = arith.constant 96 : index
        %get3A_350 = tpu.vector_load %arg9[%get3A_348, %get3A_349] {strides = array<i32>} : memref<128x128xf32, #tpu.memory_space<vmem>>, vector<16xf32>,
        %mul3A_351 = arith.mulf %get3A_350, %bitcast3A : vector<16xf32>
        %swap3A_352 = arith.index_cast %add3A_304 : i32 to index
        %swap3A_353 = arith.constant 96 : index
        %swap3A_354 = tpu.vector_load %arg9[%swap3A_352, %swap3A_353] {strides = array<i32>} : memref<128x128xf32, #tpu.memory_space<vmem>>, vector<16xf32>,
        tpu.vector_store %arg9[%swap3A_352, %swap3A_353], %mul3A_351 {strides = array<i32>} : memref<128x128xf32, #tpu.memory_space<vmem>>, vector<16xf32>,
        %get3A_355 = arith.index_cast %add3A_304 : i32 to index
        %get3A_356 = arith.constant 112 : index
        %get3A_357 = tpu.vector_load %arg9[%get3A_355, %get3A_356] {strides = array<i32>} : memref<128x128xf32, #tpu.memory_space<vmem>>, vector<16xf32>,
        %mul3A_358 = arith.mulf %get3A_357, %bitcast3A : vector<16xf32>
        %swap3A_359 = arith.index_cast %add3A_304 : i32 to index
        %swap3A_360 = arith.constant 112 : index
        %swap3A_361 = tpu.vector_load %arg9[%swap3A_359, %swap3A_360] {strides = array<i32>} : memref<128x128xf32, #tpu.memory_space<vmem>>, vector<16xf32>,
        tpu.vector_store %arg9[%swap3A_359, %swap3A_360], %mul3A_358 {strides = array<i32>} : memref<128x128xf32, #tpu.memory_space<vmem>>, vector<16xf32>,
        %mul3A_362 = arith.constant 2 : i32
        %mul3A_363 = arith.muli %add3A_300, %mul3A_362 : i32
        %add3A_364 = arith.constant 1 : i32
        %add3A_365 = arith.addi %mul3A_363, %add3A_364 : i32
        %broadcast_in_dim3A_366 = arith.constant 23 : i32
        %broadcast_in_dim3A_367 = vector.broadcast %broadcast_in_dim3A_366 : i32 to vector<16xi32>
        %broadcast_in_dim3A_368 = vector.broadcast %add3A_365 : i32 to vector<16xi32>
        %gather3A_369 = tpu.vector_load_idx %arg5[%broadcast_in_dim3A_367, %broadcast_in_dim3A_368] : memref<24x128xi32, #tpu.memory_space<vmem>>[vector<16xi32>, vector<16xi32>], vector<16xi32>,
        %bitcast3A_370 = vector.bitcast %gather3A_369 : vector<16xi32> to vector<16xf32>
        %get3A_371 = arith.index_cast %add3A_365 : i32 to index
        %get3A_372 = arith.constant 0 : index
        %get3A_373 = tpu.vector_load %arg9[%get3A_371, %get3A_372] {strides = array<i32>} : memref<128x128xf32, #tpu.memory_space<vmem>>, vector<16xf32>,
        %mul3A_374 = arith.mulf %get3A_373, %bitcast3A_370 : vector<16xf32>
        %swap3A_375 = arith.index_cast %add3A_365 : i32 to index
        %swap3A_376 = arith.constant 0 : index
        %swap3A_377 = tpu.vector_load %arg9[%swap3A_375, %swap3A_376] {strides = array<i32>} : memref<128x128xf32, #tpu.memory_space<vmem>>, vector<16xf32>,
        tpu.vector_store %arg9[%swap3A_375, %swap3A_376], %mul3A_374 {strides = array<i32>} : memref<128x128xf32, #tpu.memory_space<vmem>>, vector<16xf32>,
        %get3A_378 = arith.index_cast %add3A_365 : i32 to index
        %get3A_379 = arith.constant 16 : index
        %get3A_380 = tpu.vector_load %arg9[%get3A_378, %get3A_379] {strides = array<i32>} : memref<128x128xf32, #tpu.memory_space<vmem>>, vector<16xf32>,
        %mul3A_381 = arith.mulf %get3A_380, %bitcast3A_370 : vector<16xf32>
        %swap3A_382 = arith.index_cast %add3A_365 : i32 to index
        %swap3A_383 = arith.constant 16 : index
        %swap3A_384 = tpu.vector_load %arg9[%swap3A_382, %swap3A_383] {strides = array<i32>} : memref<128x128xf32, #tpu.memory_space<vmem>>, vector<16xf32>,
        tpu.vector_store %arg9[%swap3A_382, %swap3A_383], %mul3A_381 {strides = array<i32>} : memref<128x128xf32, #tpu.memory_space<vmem>>, vector<16xf32>,
        %get3A_385 = arith.index_cast %add3A_365 : i32 to index
        %get3A_386 = arith.constant 32 : index
        %get3A_387 = tpu.vector_load %arg9[%get3A_385, %get3A_386] {strides = array<i32>} : memref<128x128xf32, #tpu.memory_space<vmem>>, vector<16xf32>,
        %mul3A_388 = arith.mulf %get3A_387, %bitcast3A_370 : vector<16xf32>
        %swap3A_389 = arith.index_cast %add3A_365 : i32 to index
        %swap3A_390 = arith.constant 32 : index
        %swap3A_391 = tpu.vector_load %arg9[%swap3A_389, %swap3A_390] {strides = array<i32>} : memref<128x128xf32, #tpu.memory_space<vmem>>, vector<16xf32>,
        tpu.vector_store %arg9[%swap3A_389, %swap3A_390], %mul3A_388 {strides = array<i32>} : memref<128x128xf32, #tpu.memory_space<vmem>>, vector<16xf32>,
        %get3A_392 = arith.index_cast %add3A_365 : i32 to index
        %get3A_393 = arith.constant 48 : index
        %get3A_394 = tpu.vector_load %arg9[%get3A_392, %get3A_393] {strides = array<i32>} : memref<128x128xf32, #tpu.memory_space<vmem>>, vector<16xf32>,
        %mul3A_395 = arith.mulf %get3A_394, %bitcast3A_370 : vector<16xf32>
        %swap3A_396 = arith.index_cast %add3A_365 : i32 to index
        %swap3A_397 = arith.constant 48 : index
        %swap3A_398 = tpu.vector_load %arg9[%swap3A_396, %swap3A_397] {strides = array<i32>} : memref<128x128xf32, #tpu.memory_space<vmem>>, vector<16xf32>,
        tpu.vector_store %arg9[%swap3A_396, %swap3A_397], %mul3A_395 {strides = array<i32>} : memref<128x128xf32, #tpu.memory_space<vmem>>, vector<16xf32>,
        %get3A_399 = arith.index_cast %add3A_365 : i32 to index
        %get3A_400 = arith.constant 64 : index
        %get3A_401 = tpu.vector_load %arg9[%get3A_399, %get3A_400] {strides = array<i32>} : memref<128x128xf32, #tpu.memory_space<vmem>>, vector<16xf32>,
        %mul3A_402 = arith.mulf %get3A_401, %bitcast3A_370 : vector<16xf32>
        %swap3A_403 = arith.index_cast %add3A_365 : i32 to index
        %swap3A_404 = arith.constant 64 : index
        %swap3A_405 = tpu.vector_load %arg9[%swap3A_403, %swap3A_404] {strides = array<i32>} : memref<128x128xf32, #tpu.memory_space<vmem>>, vector<16xf32>,
        tpu.vector_store %arg9[%swap3A_403, %swap3A_404], %mul3A_402 {strides = array<i32>} : memref<128x128xf32, #tpu.memory_space<vmem>>, vector<16xf32>,
        %get3A_406 = arith.index_cast %add3A_365 : i32 to index
        %get3A_407 = arith.constant 80 : index
        %get3A_408 = tpu.vector_load %arg9[%get3A_406, %get3A_407] {strides = array<i32>} : memref<128x128xf32, #tpu.memory_space<vmem>>, vector<16xf32>,
        %mul3A_409 = arith.mulf %get3A_408, %bitcast3A_370 : vector<16xf32>
        %swap3A_410 = arith.index_cast %add3A_365 : i32 to index
        %swap3A_411 = arith.constant 80 : index
        %swap3A_412 = tpu.vector_load %arg9[%swap3A_410, %swap3A_411] {strides = array<i32>} : memref<128x128xf32, #tpu.memory_space<vmem>>, vector<16xf32>,
        tpu.vector_store %arg9[%swap3A_410, %swap3A_411], %mul3A_409 {strides = array<i32>} : memref<128x128xf32, #tpu.memory_space<vmem>>, vector<16xf32>,
        %get3A_413 = arith.index_cast %add3A_365 : i32 to index
        %get3A_414 = arith.constant 96 : index
        %get3A_415 = tpu.vector_load %arg9[%get3A_413, %get3A_414] {strides = array<i32>} : memref<128x128xf32, #tpu.memory_space<vmem>>, vector<16xf32>,
        %mul3A_416 = arith.mulf %get3A_415, %bitcast3A_370 : vector<16xf32>
        %swap3A_417 = arith.index_cast %add3A_365 : i32 to index
        %swap3A_418 = arith.constant 96 : index
        %swap3A_419 = tpu.vector_load %arg9[%swap3A_417, %swap3A_418] {strides = array<i32>} : memref<128x128xf32, #tpu.memory_space<vmem>>, vector<16xf32>,
        tpu.vector_store %arg9[%swap3A_417, %swap3A_418], %mul3A_416 {strides = array<i32>} : memref<128x128xf32, #tpu.memory_space<vmem>>, vector<16xf32>,
        %get3A_420 = arith.index_cast %add3A_365 : i32 to index
        %get3A_421 = arith.constant 112 : index
        %get3A_422 = tpu.vector_load %arg9[%get3A_420, %get3A_421] {strides = array<i32>} : memref<128x128xf32, #tpu.memory_space<vmem>>, vector<16xf32>,
        %mul3A_423 = arith.mulf %get3A_422, %bitcast3A_370 : vector<16xf32>
        %swap3A_424 = arith.index_cast %add3A_365 : i32 to index
        %swap3A_425 = arith.constant 112 : index
        %swap3A_426 = tpu.vector_load %arg9[%swap3A_424, %swap3A_425] {strides = array<i32>} : memref<128x128xf32, #tpu.memory_space<vmem>>, vector<16xf32>,
        tpu.vector_store %arg9[%swap3A_424, %swap3A_425], %mul3A_423 {strides = array<i32>} : memref<128x128xf32, #tpu.memory_space<vmem>>, vector<16xf32>,
      }
      %scan3A_256 = arith.constant 64 : i32
      %run_scoped3A_257 = arith.constant 22 : i32
      "tpu.region"() ({
        %run_scoped3A_296 = tpu.sem_alloc : memref<!tpu.dma_semaphore, #tpu.memory_space<semaphore_mem>>
        %dma_start3A_297 = arith.constant 0 : i32
        %dma_start3A_298 = tpu.memref_slice %arg5[%run_scoped3A_257, %dma_start3A_297] : memref<24x128xi32, #tpu.memory_space<vmem>> -> memref<1x128xi32, #tpu.memory_space<vmem>>
        %dma_start3A_299 = tpu.memref_squeeze %dma_start3A_298 : memref<1x128xi32, #tpu.memory_space<vmem>> -> memref<128xi32, #tpu.memory_space<vmem>>
        %dma_start3A_300 = arith.constant 0 : i32
        %dma_start3A_301 = arith.constant 0 : i32
        %dma_start3A_302 = tpu.memref_slice %arg10[%dma_start3A_300, %dma_start3A_301] : memref<10240x128xf32, #tpu.memory_space<vmem_shared>> -> memref<10240x128xf32, #tpu.memory_space<vmem_shared>>
        tpu.enqueue_indirect_dma source(%arg9 : memref<128x128xf32, #tpu.memory_space<vmem>>) target(%dma_start3A_302 : memref<10240x128xf32, #tpu.memory_space<vmem_shared>>) offsets(%dma_start3A_299 : memref<128xi32, #tpu.memory_space<vmem>>) semaphore(%run_scoped3A_296 : memref<!tpu.dma_semaphore, #tpu.memory_space<semaphore_mem>>) {add = true}
        %dma_wait3A_303 = arith.constant 0 : i32
        %dma_wait3A_304 = tpu.memref_slice %arg5[%run_scoped3A_257, %dma_wait3A_303] : memref<24x128xi32, #tpu.memory_space<vmem>> -> memref<1x128xi32, #tpu.memory_space<vmem>>
        %dma_wait3A_305 = tpu.memref_squeeze %dma_wait3A_304 : memref<1x128xi32, #tpu.memory_space<vmem>> -> memref<128xi32, #tpu.memory_space<vmem>>
        %dma_wait3A_306 = arith.constant 0 : i32
        %dma_wait3A_307 = arith.constant 0 : i32
        %dma_wait3A_308 = tpu.memref_slice %arg10[%dma_wait3A_306, %dma_wait3A_307] : memref<10240x128xf32, #tpu.memory_space<vmem_shared>> -> memref<10240x128xf32, #tpu.memory_space<vmem_shared>>
        tpu.wait_indirect_dma semaphore(%run_scoped3A_296 : memref<!tpu.dma_semaphore, #tpu.memory_space<semaphore_mem>>) src(%arg9 : memref<128x128xf32, #tpu.memory_space<vmem>>) dst(%dma_wait3A_308 : memref<10240x128xf32, #tpu.memory_space<vmem_shared>>)
        tpu.yield
      }) : () -> ()
      %dma_start3A_258 = arith.constant 3 : i32
      %dma_start3A_259 = arith.constant 0 : i32
      %dma_start3A_260 = tpu.memref_slice %arg6[%dma_start3A_258, %dma_start3A_259] : memref<24x128xi32, #tpu.memory_space<vmem>> -> memref<1x128xi32, #tpu.memory_space<vmem>>
      %dma_start3A_261 = tpu.memref_squeeze %dma_start3A_260 : memref<1x128xi32, #tpu.memory_space<vmem>> -> memref<128xi32, #tpu.memory_space<vmem>>
      %dma_start3A_262 = arith.constant 0 : i32
      %dma_start3A_263 = arith.constant 0 : i32
      %dma_start3A_264 = tpu.memref_slice %arg2[%dma_start3A_262, %dma_start3A_263] : memref<10000x128xf32, #tpu.memory_space<hbm>> -> memref<10000x128xf32, #tpu.memory_space<hbm>>
      tpu.enqueue_indirect_dma source(%dma_start3A_264 : memref<10000x128xf32, #tpu.memory_space<hbm>>) target(%arg9 : memref<128x128xf32, #tpu.memory_space<vmem>>) offsets(%dma_start3A_261 : memref<128xi32, #tpu.memory_space<vmem>>) semaphore(%arg12 : memref<!tpu.dma_semaphore, #tpu.memory_space<semaphore_mem>>)
      %scan3A_265 = arith.constant 0 : i32
      %scan3A_266 = arith.constant 3 : i32
      %scan3A_267 = arith.addi %scan3A_265, %scan3A_266 : i32
      %scan3A_268 = arith.constant 1 : i32
      scf.for %scan3A_296 = %scan3A_265 to %scan3A_267 step %scan3A_268  : i32 {
        %mul3A_297 = arith.constant 1 : i32
        %mul3A_298 = arith.muli %scan3A_296, %mul3A_297 : i32
        %add3A_299 = arith.constant 0 : i32
        %add3A_300 = arith.addi %add3A_299, %mul3A_298 : i32
        %mul3A_301 = arith.constant 2 : i32
        %mul3A_302 = arith.muli %mul3A_301, %add3A_300 : i32
        %mul3A_303 = arith.constant 3 : i32
        %mul3A_304 = arith.muli %mul3A_303, %mul3A_302 : i32
        %dma_wait3A_305 = arith.constant 0 : i32
        %dma_wait3A_306 = tpu.memref_slice %arg6[%mul3A_304, %dma_wait3A_305] : memref<24x128xi32, #tpu.memory_space<vmem>> -> memref<1x128xi32, #tpu.memory_space<vmem>>
        %dma_wait3A_307 = tpu.memref_squeeze %dma_wait3A_306 : memref<1x128xi32, #tpu.memory_space<vmem>> -> memref<128xi32, #tpu.memory_space<vmem>>
        %dma_wait3A_308 = arith.constant 0 : i32
        %dma_wait3A_309 = arith.constant 0 : i32
        %dma_wait3A_310 = tpu.memref_slice %arg2[%dma_wait3A_308, %dma_wait3A_309] : memref<10000x128xf32, #tpu.memory_space<hbm>> -> memref<10000x128xf32, #tpu.memory_space<hbm>>
        tpu.wait_indirect_dma semaphore(%arg11 : memref<!tpu.dma_semaphore, #tpu.memory_space<semaphore_mem>>) src(%dma_wait3A_310 : memref<10000x128xf32, #tpu.memory_space<hbm>>) dst(%arg8 : memref<128x128xf32, #tpu.memory_space<vmem>>)
        %scan3A_311 = arith.constant 0 : i32
        %scan3A_312 = arith.constant 64 : i32
        %scan3A_313 = arith.addi %scan3A_311, %scan3A_312 : i32
        %scan3A_314 = arith.constant 1 : i32
        scf.for %scan3A_359 = %scan3A_311 to %scan3A_313 step %scan3A_314  : i32 {
          %mul3A_360 = arith.constant 1 : i32
          %mul3A_361 = arith.muli %scan3A_359, %mul3A_360 : i32
          %add3A_362 = arith.constant 0 : i32
          %add3A_363 = arith.addi %add3A_362, %mul3A_361 : i32
          %mul3A_364 = arith.constant 2 : i32
          %mul3A_365 = arith.muli %add3A_363, %mul3A_364 : i32
          %add3A_366 = arith.constant 0 : i32
          %add3A_367 = arith.addi %mul3A_365, %add3A_366 : i32
          %mul3A_368 = arith.constant 3 : i32
          %mul3A_369 = arith.muli %mul3A_368, %mul3A_302 : i32
          %add3A_370 = arith.constant 2 : i32
          %add3A_371 = arith.addi %mul3A_369, %add3A_370 : i32
          %broadcast_in_dim3A_372 = vector.broadcast %add3A_371 : i32 to vector<16xi32>
          %broadcast_in_dim3A_373 = vector.broadcast %add3A_367 : i32 to vector<16xi32>
          %gather3A = tpu.vector_load_idx %arg6[%broadcast_in_dim3A_372, %broadcast_in_dim3A_373] : memref<24x128xi32, #tpu.memory_space<vmem>>[vector<16xi32>, vector<16xi32>], vector<16xi32>,
          %bitcast3A = vector.bitcast %gather3A : vector<16xi32> to vector<16xf32>
          %get3A = arith.index_cast %add3A_367 : i32 to index
          %get3A_374 = arith.constant 0 : index
          %get3A_375 = tpu.vector_load %arg8[%get3A, %get3A_374] {strides = array<i32>} : memref<128x128xf32, #tpu.memory_space<vmem>>, vector<16xf32>,
          %mul3A_376 = arith.mulf %get3A_375, %bitcast3A : vector<16xf32>
          %swap3A = arith.index_cast %add3A_367 : i32 to index
          %swap3A_377 = arith.constant 0 : index
          %swap3A_378 = tpu.vector_load %arg8[%swap3A, %swap3A_377] {strides = array<i32>} : memref<128x128xf32, #tpu.memory_space<vmem>>, vector<16xf32>,
          tpu.vector_store %arg8[%swap3A, %swap3A_377], %mul3A_376 {strides = array<i32>} : memref<128x128xf32, #tpu.memory_space<vmem>>, vector<16xf32>,
          %get3A_379 = arith.index_cast %add3A_367 : i32 to index
          %get3A_380 = arith.constant 16 : index
          %get3A_381 = tpu.vector_load %arg8[%get3A_379, %get3A_380] {strides = array<i32>} : memref<128x128xf32, #tpu.memory_space<vmem>>, vector<16xf32>,
          %mul3A_382 = arith.mulf %get3A_381, %bitcast3A : vector<16xf32>
          %swap3A_383 = arith.index_cast %add3A_367 : i32 to index
          %swap3A_384 = arith.constant 16 : index
          %swap3A_385 = tpu.vector_load %arg8[%swap3A_383, %swap3A_384] {strides = array<i32>} : memref<128x128xf32, #tpu.memory_space<vmem>>, vector<16xf32>,
          tpu.vector_store %arg8[%swap3A_383, %swap3A_384], %mul3A_382 {strides = array<i32>} : memref<128x128xf32, #tpu.memory_space<vmem>>, vector<16xf32>,
          %get3A_386 = arith.index_cast %add3A_367 : i32 to index
          %get3A_387 = arith.constant 32 : index
          %get3A_388 = tpu.vector_load %arg8[%get3A_386, %get3A_387] {strides = array<i32>} : memref<128x128xf32, #tpu.memory_space<vmem>>, vector<16xf32>,
          %mul3A_389 = arith.mulf %get3A_388, %bitcast3A : vector<16xf32>
          %swap3A_390 = arith.index_cast %add3A_367 : i32 to index
          %swap3A_391 = arith.constant 32 : index
          %swap3A_392 = tpu.vector_load %arg8[%swap3A_390, %swap3A_391] {strides = array<i32>} : memref<128x128xf32, #tpu.memory_space<vmem>>, vector<16xf32>,
          tpu.vector_store %arg8[%swap3A_390, %swap3A_391], %mul3A_389 {strides = array<i32>} : memref<128x128xf32, #tpu.memory_space<vmem>>, vector<16xf32>,
          %get3A_393 = arith.index_cast %add3A_367 : i32 to index
          %get3A_394 = arith.constant 48 : index
          %get3A_395 = tpu.vector_load %arg8[%get3A_393, %get3A_394] {strides = array<i32>} : memref<128x128xf32, #tpu.memory_space<vmem>>, vector<16xf32>,
          %mul3A_396 = arith.mulf %get3A_395, %bitcast3A : vector<16xf32>
          %swap3A_397 = arith.index_cast %add3A_367 : i32 to index
          %swap3A_398 = arith.constant 48 : index
          %swap3A_399 = tpu.vector_load %arg8[%swap3A_397, %swap3A_398] {strides = array<i32>} : memref<128x128xf32, #tpu.memory_space<vmem>>, vector<16xf32>,
          tpu.vector_store %arg8[%swap3A_397, %swap3A_398], %mul3A_396 {strides = array<i32>} : memref<128x128xf32, #tpu.memory_space<vmem>>, vector<16xf32>,
          %get3A_400 = arith.index_cast %add3A_367 : i32 to index
          %get3A_401 = arith.constant 64 : index
          %get3A_402 = tpu.vector_load %arg8[%get3A_400, %get3A_401] {strides = array<i32>} : memref<128x128xf32, #tpu.memory_space<vmem>>, vector<16xf32>,
          %mul3A_403 = arith.mulf %get3A_402, %bitcast3A : vector<16xf32>
          %swap3A_404 = arith.index_cast %add3A_367 : i32 to index
          %swap3A_405 = arith.constant 64 : index
          %swap3A_406 = tpu.vector_load %arg8[%swap3A_404, %swap3A_405] {strides = array<i32>} : memref<128x128xf32, #tpu.memory_space<vmem>>, vector<16xf32>,
          tpu.vector_store %arg8[%swap3A_404, %swap3A_405], %mul3A_403 {strides = array<i32>} : memref<128x128xf32, #tpu.memory_space<vmem>>, vector<16xf32>,
          %get3A_407 = arith.index_cast %add3A_367 : i32 to index
          %get3A_408 = arith.constant 80 : index
          %get3A_409 = tpu.vector_load %arg8[%get3A_407, %get3A_408] {strides = array<i32>} : memref<128x128xf32, #tpu.memory_space<vmem>>, vector<16xf32>,
          %mul3A_410 = arith.mulf %get3A_409, %bitcast3A : vector<16xf32>
          %swap3A_411 = arith.index_cast %add3A_367 : i32 to index
          %swap3A_412 = arith.constant 80 : index
          %swap3A_413 = tpu.vector_load %arg8[%swap3A_411, %swap3A_412] {strides = array<i32>} : memref<128x128xf32, #tpu.memory_space<vmem>>, vector<16xf32>,
          tpu.vector_store %arg8[%swap3A_411, %swap3A_412], %mul3A_410 {strides = array<i32>} : memref<128x128xf32, #tpu.memory_space<vmem>>, vector<16xf32>,
          %get3A_414 = arith.index_cast %add3A_367 : i32 to index
          %get3A_415 = arith.constant 96 : index
          %get3A_416 = tpu.vector_load %arg8[%get3A_414, %get3A_415] {strides = array<i32>} : memref<128x128xf32, #tpu.memory_space<vmem>>, vector<16xf32>,
          %mul3A_417 = arith.mulf %get3A_416, %bitcast3A : vector<16xf32>
          %swap3A_418 = arith.index_cast %add3A_367 : i32 to index
          %swap3A_419 = arith.constant 96 : index
          %swap3A_420 = tpu.vector_load %arg8[%swap3A_418, %swap3A_419] {strides = array<i32>} : memref<128x128xf32, #tpu.memory_space<vmem>>, vector<16xf32>,
          tpu.vector_store %arg8[%swap3A_418, %swap3A_419], %mul3A_417 {strides = array<i32>} : memref<128x128xf32, #tpu.memory_space<vmem>>, vector<16xf32>,
          %get3A_421 = arith.index_cast %add3A_367 : i32 to index
          %get3A_422 = arith.constant 112 : index
          %get3A_423 = tpu.vector_load %arg8[%get3A_421, %get3A_422] {strides = array<i32>} : memref<128x128xf32, #tpu.memory_space<vmem>>, vector<16xf32>,
          %mul3A_424 = arith.mulf %get3A_423, %bitcast3A : vector<16xf32>
          %swap3A_425 = arith.index_cast %add3A_367 : i32 to index
          %swap3A_426 = arith.constant 112 : index
          %swap3A_427 = tpu.vector_load %arg8[%swap3A_425, %swap3A_426] {strides = array<i32>} : memref<128x128xf32, #tpu.memory_space<vmem>>, vector<16xf32>,
          tpu.vector_store %arg8[%swap3A_425, %swap3A_426], %mul3A_424 {strides = array<i32>} : memref<128x128xf32, #tpu.memory_space<vmem>>, vector<16xf32>,
          %mul3A_428 = arith.constant 2 : i32
          %mul3A_429 = arith.muli %add3A_363, %mul3A_428 : i32
          %add3A_430 = arith.constant 1 : i32
          %add3A_431 = arith.addi %mul3A_429, %add3A_430 : i32
          %mul3A_432 = arith.constant 3 : i32
          %mul3A_433 = arith.muli %mul3A_432, %mul3A_302 : i32
          %add3A_434 = arith.constant 2 : i32
          %add3A_435 = arith.addi %mul3A_433, %add3A_434 : i32
          %broadcast_in_dim3A_436 = vector.broadcast %add3A_435 : i32 to vector<16xi32>
          %broadcast_in_dim3A_437 = vector.broadcast %add3A_431 : i32 to vector<16xi32>
          %gather3A_438 = tpu.vector_load_idx %arg6[%broadcast_in_dim3A_436, %broadcast_in_dim3A_437] : memref<24x128xi32, #tpu.memory_space<vmem>>[vector<16xi32>, vector<16xi32>], vector<16xi32>,
          %bitcast3A_439 = vector.bitcast %gather3A_438 : vector<16xi32> to vector<16xf32>
          %get3A_440 = arith.index_cast %add3A_431 : i32 to index
          %get3A_441 = arith.constant 0 : index
          %get3A_442 = tpu.vector_load %arg8[%get3A_440, %get3A_441] {strides = array<i32>} : memref<128x128xf32, #tpu.memory_space<vmem>>, vector<16xf32>,
          %mul3A_443 = arith.mulf %get3A_442, %bitcast3A_439 : vector<16xf32>
          %swap3A_444 = arith.index_cast %add3A_431 : i32 to index
          %swap3A_445 = arith.constant 0 : index
          %swap3A_446 = tpu.vector_load %arg8[%swap3A_444, %swap3A_445] {strides = array<i32>} : memref<128x128xf32, #tpu.memory_space<vmem>>, vector<16xf32>,
          tpu.vector_store %arg8[%swap3A_444, %swap3A_445], %mul3A_443 {strides = array<i32>} : memref<128x128xf32, #tpu.memory_space<vmem>>, vector<16xf32>,
          %get3A_447 = arith.index_cast %add3A_431 : i32 to index
          %get3A_448 = arith.constant 16 : index
          %get3A_449 = tpu.vector_load %arg8[%get3A_447, %get3A_448] {strides = array<i32>} : memref<128x128xf32, #tpu.memory_space<vmem>>, vector<16xf32>,
          %mul3A_450 = arith.mulf %get3A_449, %bitcast3A_439 : vector<16xf32>
          %swap3A_451 = arith.index_cast %add3A_431 : i32 to index
          %swap3A_452 = arith.constant 16 : index
          %swap3A_453 = tpu.vector_load %arg8[%swap3A_451, %swap3A_452] {strides = array<i32>} : memref<128x128xf32, #tpu.memory_space<vmem>>, vector<16xf32>,
          tpu.vector_store %arg8[%swap3A_451, %swap3A_452], %mul3A_450 {strides = array<i32>} : memref<128x128xf32, #tpu.memory_space<vmem>>, vector<16xf32>,
          %get3A_454 = arith.index_cast %add3A_431 : i32 to index
          %get3A_455 = arith.constant 32 : index
          %get3A_456 = tpu.vector_load %arg8[%get3A_454, %get3A_455] {strides = array<i32>} : memref<128x128xf32, #tpu.memory_space<vmem>>, vector<16xf32>,
          %mul3A_457 = arith.mulf %get3A_456, %bitcast3A_439 : vector<16xf32>
          %swap3A_458 = arith.index_cast %add3A_431 : i32 to index
          %swap3A_459 = arith.constant 32 : index
          %swap3A_460 = tpu.vector_load %arg8[%swap3A_458, %swap3A_459] {strides = array<i32>} : memref<128x128xf32, #tpu.memory_space<vmem>>, vector<16xf32>,
          tpu.vector_store %arg8[%swap3A_458, %swap3A_459], %mul3A_457 {strides = array<i32>} : memref<128x128xf32, #tpu.memory_space<vmem>>, vector<16xf32>,
          %get3A_461 = arith.index_cast %add3A_431 : i32 to index
          %get3A_462 = arith.constant 48 : index
          %get3A_463 = tpu.vector_load %arg8[%get3A_461, %get3A_462] {strides = array<i32>} : memref<128x128xf32, #tpu.memory_space<vmem>>, vector<16xf32>,
          %mul3A_464 = arith.mulf %get3A_463, %bitcast3A_439 : vector<16xf32>
          %swap3A_465 = arith.index_cast %add3A_431 : i32 to index
          %swap3A_466 = arith.constant 48 : index
          %swap3A_467 = tpu.vector_load %arg8[%swap3A_465, %swap3A_466] {strides = array<i32>} : memref<128x128xf32, #tpu.memory_space<vmem>>, vector<16xf32>,
          tpu.vector_store %arg8[%swap3A_465, %swap3A_466], %mul3A_464 {strides = array<i32>} : memref<128x128xf32, #tpu.memory_space<vmem>>, vector<16xf32>,
          %get3A_468 = arith.index_cast %add3A_431 : i32 to index
          %get3A_469 = arith.constant 64 : index
          %get3A_470 = tpu.vector_load %arg8[%get3A_468, %get3A_469] {strides = array<i32>} : memref<128x128xf32, #tpu.memory_space<vmem>>, vector<16xf32>,
          %mul3A_471 = arith.mulf %get3A_470, %bitcast3A_439 : vector<16xf32>
          %swap3A_472 = arith.index_cast %add3A_431 : i32 to index
          %swap3A_473 = arith.constant 64 : index
          %swap3A_474 = tpu.vector_load %arg8[%swap3A_472, %swap3A_473] {strides = array<i32>} : memref<128x128xf32, #tpu.memory_space<vmem>>, vector<16xf32>,
          tpu.vector_store %arg8[%swap3A_472, %swap3A_473], %mul3A_471 {strides = array<i32>} : memref<128x128xf32, #tpu.memory_space<vmem>>, vector<16xf32>,
          %get3A_475 = arith.index_cast %add3A_431 : i32 to index
          %get3A_476 = arith.constant 80 : index
          %get3A_477 = tpu.vector_load %arg8[%get3A_475, %get3A_476] {strides = array<i32>} : memref<128x128xf32, #tpu.memory_space<vmem>>, vector<16xf32>,
          %mul3A_478 = arith.mulf %get3A_477, %bitcast3A_439 : vector<16xf32>
          %swap3A_479 = arith.index_cast %add3A_431 : i32 to index
          %swap3A_480 = arith.constant 80 : index
          %swap3A_481 = tpu.vector_load %arg8[%swap3A_479, %swap3A_480] {strides = array<i32>} : memref<128x128xf32, #tpu.memory_space<vmem>>, vector<16xf32>,
          tpu.vector_store %arg8[%swap3A_479, %swap3A_480], %mul3A_478 {strides = array<i32>} : memref<128x128xf32, #tpu.memory_space<vmem>>, vector<16xf32>,
          %get3A_482 = arith.index_cast %add3A_431 : i32 to index
          %get3A_483 = arith.constant 96 : index
          %get3A_484 = tpu.vector_load %arg8[%get3A_482, %get3A_483] {strides = array<i32>} : memref<128x128xf32, #tpu.memory_space<vmem>>, vector<16xf32>,
          %mul3A_485 = arith.mulf %get3A_484, %bitcast3A_439 : vector<16xf32>
          %swap3A_486 = arith.index_cast %add3A_431 : i32 to index
          %swap3A_487 = arith.constant 96 : index
          %swap3A_488 = tpu.vector_load %arg8[%swap3A_486, %swap3A_487] {strides = array<i32>} : memref<128x128xf32, #tpu.memory_space<vmem>>, vector<16xf32>,
          tpu.vector_store %arg8[%swap3A_486, %swap3A_487], %mul3A_485 {strides = array<i32>} : memref<128x128xf32, #tpu.memory_space<vmem>>, vector<16xf32>,
          %get3A_489 = arith.index_cast %add3A_431 : i32 to index
          %get3A_490 = arith.constant 112 : index
          %get3A_491 = tpu.vector_load %arg8[%get3A_489, %get3A_490] {strides = array<i32>} : memref<128x128xf32, #tpu.memory_space<vmem>>, vector<16xf32>,
          %mul3A_492 = arith.mulf %get3A_491, %bitcast3A_439 : vector<16xf32>
          %swap3A_493 = arith.index_cast %add3A_431 : i32 to index
          %swap3A_494 = arith.constant 112 : index
          %swap3A_495 = tpu.vector_load %arg8[%swap3A_493, %swap3A_494] {strides = array<i32>} : memref<128x128xf32, #tpu.memory_space<vmem>>, vector<16xf32>,
          tpu.vector_store %arg8[%swap3A_493, %swap3A_494], %mul3A_492 {strides = array<i32>} : memref<128x128xf32, #tpu.memory_space<vmem>>, vector<16xf32>,
        }
        %scan3A_315 = arith.constant 64 : i32
        %mul3A_316 = arith.constant 3 : i32
        %mul3A_317 = arith.muli %mul3A_316, %mul3A_302 : i32
        %add3A_318 = arith.constant 1 : i32
        %add3A_319 = arith.addi %mul3A_317, %add3A_318 : i32
        "tpu.region"() ({
          %run_scoped3A_359 = tpu.sem_alloc : memref<!tpu.dma_semaphore, #tpu.memory_space<semaphore_mem>>
          %dma_start3A_360 = arith.constant 0 : i32
          %dma_start3A_361 = tpu.memref_slice %arg6[%add3A_319, %dma_start3A_360] : memref<24x128xi32, #tpu.memory_space<vmem>> -> memref<1x128xi32, #tpu.memory_space<vmem>>
          %dma_start3A_362 = tpu.memref_squeeze %dma_start3A_361 : memref<1x128xi32, #tpu.memory_space<vmem>> -> memref<128xi32, #tpu.memory_space<vmem>>
          %dma_start3A_363 = arith.constant 0 : i32
          %dma_start3A_364 = arith.constant 0 : i32
          %dma_start3A_365 = tpu.memref_slice %arg10[%dma_start3A_363, %dma_start3A_364] : memref<10240x128xf32, #tpu.memory_space<vmem_shared>> -> memref<10240x128xf32, #tpu.memory_space<vmem_shared>>
          tpu.enqueue_indirect_dma source(%arg8 : memref<128x128xf32, #tpu.memory_space<vmem>>) target(%dma_start3A_365 : memref<10240x128xf32, #tpu.memory_space<vmem_shared>>) offsets(%dma_start3A_362 : memref<128xi32, #tpu.memory_space<vmem>>) semaphore(%run_scoped3A_359 : memref<!tpu.dma_semaphore, #tpu.memory_space<semaphore_mem>>) {add = true}
          %dma_wait3A_366 = arith.constant 0 : i32
          %dma_wait3A_367 = tpu.memref_slice %arg6[%add3A_319, %dma_wait3A_366] : memref<24x128xi32, #tpu.memory_space<vmem>> -> memref<1x128xi32, #tpu.memory_space<vmem>>
          %dma_wait3A_368 = tpu.memref_squeeze %dma_wait3A_367 : memref<1x128xi32, #tpu.memory_space<vmem>> -> memref<128xi32, #tpu.memory_space<vmem>>
          %dma_wait3A_369 = arith.constant 0 : i32
          %dma_wait3A_370 = arith.constant 0 : i32
          %dma_wait3A_371 = tpu.memref_slice %arg10[%dma_wait3A_369, %dma_wait3A_370] : memref<10240x128xf32, #tpu.memory_space<vmem_shared>> -> memref<10240x128xf32, #tpu.memory_space<vmem_shared>>
          tpu.wait_indirect_dma semaphore(%run_scoped3A_359 : memref<!tpu.dma_semaphore, #tpu.memory_space<semaphore_mem>>) src(%arg8 : memref<128x128xf32, #tpu.memory_space<vmem>>) dst(%dma_wait3A_371 : memref<10240x128xf32, #tpu.memory_space<vmem_shared>>)
          tpu.yield
        }) : () -> ()
        %add3A_320 = arith.constant 2 : i32
        %add3A_321 = arith.addi %mul3A_302, %add3A_320 : i32
        %mul3A_322 = arith.constant 3 : i32
        %mul3A_323 = arith.muli %mul3A_322, %add3A_321 : i32
        %dma_start3A_324 = arith.constant 0 : i32
        %dma_start3A_325 = tpu.memref_slice %arg6[%mul3A_323, %dma_start3A_324] : memref<24x128xi32, #tpu.memory_space<vmem>> -> memref<1x128xi32, #tpu.memory_space<vmem>>
        %dma_start3A_326 = tpu.memref_squeeze %dma_start3A_325 : memref<1x128xi32, #tpu.memory_space<vmem>> -> memref<128xi32, #tpu.memory_space<vmem>>
        %dma_start3A_327 = arith.constant 0 : i32
        %dma_start3A_328 = arith.constant 0 : i32
        %dma_start3A_329 = tpu.memref_slice %arg2[%dma_start3A_327, %dma_start3A_328] : memref<10000x128xf32, #tpu.memory_space<hbm>> -> memref<10000x128xf32, #tpu.memory_space<hbm>>
        tpu.enqueue_indirect_dma source(%dma_start3A_329 : memref<10000x128xf32, #tpu.memory_space<hbm>>) target(%arg8 : memref<128x128xf32, #tpu.memory_space<vmem>>) offsets(%dma_start3A_326 : memref<128xi32, #tpu.memory_space<vmem>>) semaphore(%arg11 : memref<!tpu.dma_semaphore, #tpu.memory_space<semaphore_mem>>)
        %add3A_330 = arith.constant 1 : i32
        %add3A_331 = arith.addi %mul3A_302, %add3A_330 : i32
        %mul3A_332 = arith.constant 3 : i32
        %mul3A_333 = arith.muli %mul3A_332, %add3A_331 : i32
        %dma_wait3A_334 = arith.constant 0 : i32
        %dma_wait3A_335 = tpu.memref_slice %arg6[%mul3A_333, %dma_wait3A_334] : memref<24x128xi32, #tpu.memory_space<vmem>> -> memref<1x128xi32, #tpu.memory_space<vmem>>
        %dma_wait3A_336 = tpu.memref_squeeze %dma_wait3A_335 : memref<1x128xi32, #tpu.memory_space<vmem>> -> memref<128xi32, #tpu.memory_space<vmem>>
        %dma_wait3A_337 = arith.constant 0 : i32
        %dma_wait3A_338 = arith.constant 0 : i32
        %dma_wait3A_339 = tpu.memref_slice %arg2[%dma_wait3A_337, %dma_wait3A_338] : memref<10000x128xf32, #tpu.memory_space<hbm>> -> memref<10000x128xf32, #tpu.memory_space<hbm>>
        tpu.wait_indirect_dma semaphore(%arg12 : memref<!tpu.dma_semaphore, #tpu.memory_space<semaphore_mem>>) src(%dma_wait3A_339 : memref<10000x128xf32, #tpu.memory_space<hbm>>) dst(%arg9 : memref<128x128xf32, #tpu.memory_space<vmem>>)
        %scan3A_340 = arith.constant 0 : i32
        %scan3A_341 = arith.constant 64 : i32
        %scan3A_342 = arith.addi %scan3A_340, %scan3A_341 : i32
        %scan3A_343 = arith.constant 1 : i32
        scf.for %scan3A_359 = %scan3A_340 to %scan3A_342 step %scan3A_343  : i32 {
          %mul3A_360 = arith.constant 1 : i32
          %mul3A_361 = arith.muli %scan3A_359, %mul3A_360 : i32
          %add3A_362 = arith.constant 0 : i32
          %add3A_363 = arith.addi %add3A_362, %mul3A_361 : i32
          %mul3A_364 = arith.constant 2 : i32
          %mul3A_365 = arith.muli %add3A_363, %mul3A_364 : i32
          %add3A_366 = arith.constant 0 : i32
          %add3A_367 = arith.addi %mul3A_365, %add3A_366 : i32
          %mul3A_368 = arith.constant 3 : i32
          %mul3A_369 = arith.muli %mul3A_368, %add3A_331 : i32
          %add3A_370 = arith.constant 2 : i32
          %add3A_371 = arith.addi %mul3A_369, %add3A_370 : i32
          %broadcast_in_dim3A_372 = vector.broadcast %add3A_371 : i32 to vector<16xi32>
          %broadcast_in_dim3A_373 = vector.broadcast %add3A_367 : i32 to vector<16xi32>
          %gather3A = tpu.vector_load_idx %arg6[%broadcast_in_dim3A_372, %broadcast_in_dim3A_373] : memref<24x128xi32, #tpu.memory_space<vmem>>[vector<16xi32>, vector<16xi32>], vector<16xi32>,
          %bitcast3A = vector.bitcast %gather3A : vector<16xi32> to vector<16xf32>
          %get3A = arith.index_cast %add3A_367 : i32 to index
          %get3A_374 = arith.constant 0 : index
          %get3A_375 = tpu.vector_load %arg9[%get3A, %get3A_374] {strides = array<i32>} : memref<128x128xf32, #tpu.memory_space<vmem>>, vector<16xf32>,
          %mul3A_376 = arith.mulf %get3A_375, %bitcast3A : vector<16xf32>
          %swap3A = arith.index_cast %add3A_367 : i32 to index
          %swap3A_377 = arith.constant 0 : index
          %swap3A_378 = tpu.vector_load %arg9[%swap3A, %swap3A_377] {strides = array<i32>} : memref<128x128xf32, #tpu.memory_space<vmem>>, vector<16xf32>,
          tpu.vector_store %arg9[%swap3A, %swap3A_377], %mul3A_376 {strides = array<i32>} : memref<128x128xf32, #tpu.memory_space<vmem>>, vector<16xf32>,
          %get3A_379 = arith.index_cast %add3A_367 : i32 to index
          %get3A_380 = arith.constant 16 : index
          %get3A_381 = tpu.vector_load %arg9[%get3A_379, %get3A_380] {strides = array<i32>} : memref<128x128xf32, #tpu.memory_space<vmem>>, vector<16xf32>,
          %mul3A_382 = arith.mulf %get3A_381, %bitcast3A : vector<16xf32>
          %swap3A_383 = arith.index_cast %add3A_367 : i32 to index
          %swap3A_384 = arith.constant 16 : index
          %swap3A_385 = tpu.vector_load %arg9[%swap3A_383, %swap3A_384] {strides = array<i32>} : memref<128x128xf32, #tpu.memory_space<vmem>>, vector<16xf32>,
          tpu.vector_store %arg9[%swap3A_383, %swap3A_384], %mul3A_382 {strides = array<i32>} : memref<128x128xf32, #tpu.memory_space<vmem>>, vector<16xf32>,
          %get3A_386 = arith.index_cast %add3A_367 : i32 to index
          %get3A_387 = arith.constant 32 : index
          %get3A_388 = tpu.vector_load %arg9[%get3A_386, %get3A_387] {strides = array<i32>} : memref<128x128xf32, #tpu.memory_space<vmem>>, vector<16xf32>,
          %mul3A_389 = arith.mulf %get3A_388, %bitcast3A : vector<16xf32>
          %swap3A_390 = arith.index_cast %add3A_367 : i32 to index
          %swap3A_391 = arith.constant 32 : index
          %swap3A_392 = tpu.vector_load %arg9[%swap3A_390, %swap3A_391] {strides = array<i32>} : memref<128x128xf32, #tpu.memory_space<vmem>>, vector<16xf32>,
          tpu.vector_store %arg9[%swap3A_390, %swap3A_391], %mul3A_389 {strides = array<i32>} : memref<128x128xf32, #tpu.memory_space<vmem>>, vector<16xf32>,
          %get3A_393 = arith.index_cast %add3A_367 : i32 to index
          %get3A_394 = arith.constant 48 : index
          %get3A_395 = tpu.vector_load %arg9[%get3A_393, %get3A_394] {strides = array<i32>} : memref<128x128xf32, #tpu.memory_space<vmem>>, vector<16xf32>,
          %mul3A_396 = arith.mulf %get3A_395, %bitcast3A : vector<16xf32>
          %swap3A_397 = arith.index_cast %add3A_367 : i32 to index
          %swap3A_398 = arith.constant 48 : index
          %swap3A_399 = tpu.vector_load %arg9[%swap3A_397, %swap3A_398] {strides = array<i32>} : memref<128x128xf32, #tpu.memory_space<vmem>>, vector<16xf32>,
          tpu.vector_store %arg9[%swap3A_397, %swap3A_398], %mul3A_396 {strides = array<i32>} : memref<128x128xf32, #tpu.memory_space<vmem>>, vector<16xf32>,
          %get3A_400 = arith.index_cast %add3A_367 : i32 to index
          %get3A_401 = arith.constant 64 : index
          %get3A_402 = tpu.vector_load %arg9[%get3A_400, %get3A_401] {strides = array<i32>} : memref<128x128xf32, #tpu.memory_space<vmem>>, vector<16xf32>,
          %mul3A_403 = arith.mulf %get3A_402, %bitcast3A : vector<16xf32>
          %swap3A_404 = arith.index_cast %add3A_367 : i32 to index
          %swap3A_405 = arith.constant 64 : index
          %swap3A_406 = tpu.vector_load %arg9[%swap3A_404, %swap3A_405] {strides = array<i32>} : memref<128x128xf32, #tpu.memory_space<vmem>>, vector<16xf32>,
          tpu.vector_store %arg9[%swap3A_404, %swap3A_405], %mul3A_403 {strides = array<i32>} : memref<128x128xf32, #tpu.memory_space<vmem>>, vector<16xf32>,
          %get3A_407 = arith.index_cast %add3A_367 : i32 to index
          %get3A_408 = arith.constant 80 : index
          %get3A_409 = tpu.vector_load %arg9[%get3A_407, %get3A_408] {strides = array<i32>} : memref<128x128xf32, #tpu.memory_space<vmem>>, vector<16xf32>,
          %mul3A_410 = arith.mulf %get3A_409, %bitcast3A : vector<16xf32>
          %swap3A_411 = arith.index_cast %add3A_367 : i32 to index
          %swap3A_412 = arith.constant 80 : index
          %swap3A_413 = tpu.vector_load %arg9[%swap3A_411, %swap3A_412] {strides = array<i32>} : memref<128x128xf32, #tpu.memory_space<vmem>>, vector<16xf32>,
          tpu.vector_store %arg9[%swap3A_411, %swap3A_412], %mul3A_410 {strides = array<i32>} : memref<128x128xf32, #tpu.memory_space<vmem>>, vector<16xf32>,
          %get3A_414 = arith.index_cast %add3A_367 : i32 to index
          %get3A_415 = arith.constant 96 : index
          %get3A_416 = tpu.vector_load %arg9[%get3A_414, %get3A_415] {strides = array<i32>} : memref<128x128xf32, #tpu.memory_space<vmem>>, vector<16xf32>,
          %mul3A_417 = arith.mulf %get3A_416, %bitcast3A : vector<16xf32>
          %swap3A_418 = arith.index_cast %add3A_367 : i32 to index
          %swap3A_419 = arith.constant 96 : index
          %swap3A_420 = tpu.vector_load %arg9[%swap3A_418, %swap3A_419] {strides = array<i32>} : memref<128x128xf32, #tpu.memory_space<vmem>>, vector<16xf32>,
          tpu.vector_store %arg9[%swap3A_418, %swap3A_419], %mul3A_417 {strides = array<i32>} : memref<128x128xf32, #tpu.memory_space<vmem>>, vector<16xf32>,
          %get3A_421 = arith.index_cast %add3A_367 : i32 to index
          %get3A_422 = arith.constant 112 : index
          %get3A_423 = tpu.vector_load %arg9[%get3A_421, %get3A_422] {strides = array<i32>} : memref<128x128xf32, #tpu.memory_space<vmem>>, vector<16xf32>,
          %mul3A_424 = arith.mulf %get3A_423, %bitcast3A : vector<16xf32>
          %swap3A_425 = arith.index_cast %add3A_367 : i32 to index
          %swap3A_426 = arith.constant 112 : index
          %swap3A_427 = tpu.vector_load %arg9[%swap3A_425, %swap3A_426] {strides = array<i32>} : memref<128x128xf32, #tpu.memory_space<vmem>>, vector<16xf32>,
          tpu.vector_store %arg9[%swap3A_425, %swap3A_426], %mul3A_424 {strides = array<i32>} : memref<128x128xf32, #tpu.memory_space<vmem>>, vector<16xf32>,
          %mul3A_428 = arith.constant 2 : i32
          %mul3A_429 = arith.muli %add3A_363, %mul3A_428 : i32
          %add3A_430 = arith.constant 1 : i32
          %add3A_431 = arith.addi %mul3A_429, %add3A_430 : i32
          %mul3A_432 = arith.constant 3 : i32
          %mul3A_433 = arith.muli %mul3A_432, %add3A_331 : i32
          %add3A_434 = arith.constant 2 : i32
          %add3A_435 = arith.addi %mul3A_433, %add3A_434 : i32
          %broadcast_in_dim3A_436 = vector.broadcast %add3A_435 : i32 to vector<16xi32>
          %broadcast_in_dim3A_437 = vector.broadcast %add3A_431 : i32 to vector<16xi32>
          %gather3A_438 = tpu.vector_load_idx %arg6[%broadcast_in_dim3A_436, %broadcast_in_dim3A_437] : memref<24x128xi32, #tpu.memory_space<vmem>>[vector<16xi32>, vector<16xi32>], vector<16xi32>,
          %bitcast3A_439 = vector.bitcast %gather3A_438 : vector<16xi32> to vector<16xf32>
          %get3A_440 = arith.index_cast %add3A_431 : i32 to index
          %get3A_441 = arith.constant 0 : index
          %get3A_442 = tpu.vector_load %arg9[%get3A_440, %get3A_441] {strides = array<i32>} : memref<128x128xf32, #tpu.memory_space<vmem>>, vector<16xf32>,
          %mul3A_443 = arith.mulf %get3A_442, %bitcast3A_439 : vector<16xf32>
          %swap3A_444 = arith.index_cast %add3A_431 : i32 to index
          %swap3A_445 = arith.constant 0 : index
          %swap3A_446 = tpu.vector_load %arg9[%swap3A_444, %swap3A_445] {strides = array<i32>} : memref<128x128xf32, #tpu.memory_space<vmem>>, vector<16xf32>,
          tpu.vector_store %arg9[%swap3A_444, %swap3A_445], %mul3A_443 {strides = array<i32>} : memref<128x128xf32, #tpu.memory_space<vmem>>, vector<16xf32>,
          %get3A_447 = arith.index_cast %add3A_431 : i32 to index
          %get3A_448 = arith.constant 16 : index
          %get3A_449 = tpu.vector_load %arg9[%get3A_447, %get3A_448] {strides = array<i32>} : memref<128x128xf32, #tpu.memory_space<vmem>>, vector<16xf32>,
          %mul3A_450 = arith.mulf %get3A_449, %bitcast3A_439 : vector<16xf32>
          %swap3A_451 = arith.index_cast %add3A_431 : i32 to index
          %swap3A_452 = arith.constant 16 : index
          %swap3A_453 = tpu.vector_load %arg9[%swap3A_451, %swap3A_452] {strides = array<i32>} : memref<128x128xf32, #tpu.memory_space<vmem>>, vector<16xf32>,
          tpu.vector_store %arg9[%swap3A_451, %swap3A_452], %mul3A_450 {strides = array<i32>} : memref<128x128xf32, #tpu.memory_space<vmem>>, vector<16xf32>,
          %get3A_454 = arith.index_cast %add3A_431 : i32 to index
          %get3A_455 = arith.constant 32 : index
          %get3A_456 = tpu.vector_load %arg9[%get3A_454, %get3A_455] {strides = array<i32>} : memref<128x128xf32, #tpu.memory_space<vmem>>, vector<16xf32>,
          %mul3A_457 = arith.mulf %get3A_456, %bitcast3A_439 : vector<16xf32>
          %swap3A_458 = arith.index_cast %add3A_431 : i32 to index
          %swap3A_459 = arith.constant 32 : index
          %swap3A_460 = tpu.vector_load %arg9[%swap3A_458, %swap3A_459] {strides = array<i32>} : memref<128x128xf32, #tpu.memory_space<vmem>>, vector<16xf32>,
          tpu.vector_store %arg9[%swap3A_458, %swap3A_459], %mul3A_457 {strides = array<i32>} : memref<128x128xf32, #tpu.memory_space<vmem>>, vector<16xf32>,
          %get3A_461 = arith.index_cast %add3A_431 : i32 to index
          %get3A_462 = arith.constant 48 : index
          %get3A_463 = tpu.vector_load %arg9[%get3A_461, %get3A_462] {strides = array<i32>} : memref<128x128xf32, #tpu.memory_space<vmem>>, vector<16xf32>,
          %mul3A_464 = arith.mulf %get3A_463, %bitcast3A_439 : vector<16xf32>
          %swap3A_465 = arith.index_cast %add3A_431 : i32 to index
          %swap3A_466 = arith.constant 48 : index
          %swap3A_467 = tpu.vector_load %arg9[%swap3A_465, %swap3A_466] {strides = array<i32>} : memref<128x128xf32, #tpu.memory_space<vmem>>, vector<16xf32>,
          tpu.vector_store %arg9[%swap3A_465, %swap3A_466], %mul3A_464 {strides = array<i32>} : memref<128x128xf32, #tpu.memory_space<vmem>>, vector<16xf32>,
          %get3A_468 = arith.index_cast %add3A_431 : i32 to index
          %get3A_469 = arith.constant 64 : index
          %get3A_470 = tpu.vector_load %arg9[%get3A_468, %get3A_469] {strides = array<i32>} : memref<128x128xf32, #tpu.memory_space<vmem>>, vector<16xf32>,
          %mul3A_471 = arith.mulf %get3A_470, %bitcast3A_439 : vector<16xf32>
          %swap3A_472 = arith.index_cast %add3A_431 : i32 to index
          %swap3A_473 = arith.constant 64 : index
          %swap3A_474 = tpu.vector_load %arg9[%swap3A_472, %swap3A_473] {strides = array<i32>} : memref<128x128xf32, #tpu.memory_space<vmem>>, vector<16xf32>,
          tpu.vector_store %arg9[%swap3A_472, %swap3A_473], %mul3A_471 {strides = array<i32>} : memref<128x128xf32, #tpu.memory_space<vmem>>, vector<16xf32>,
          %get3A_475 = arith.index_cast %add3A_431 : i32 to index
          %get3A_476 = arith.constant 80 : index
          %get3A_477 = tpu.vector_load %arg9[%get3A_475, %get3A_476] {strides = array<i32>} : memref<128x128xf32, #tpu.memory_space<vmem>>, vector<16xf32>,
          %mul3A_478 = arith.mulf %get3A_477, %bitcast3A_439 : vector<16xf32>
          %swap3A_479 = arith.index_cast %add3A_431 : i32 to index
          %swap3A_480 = arith.constant 80 : index
          %swap3A_481 = tpu.vector_load %arg9[%swap3A_479, %swap3A_480] {strides = array<i32>} : memref<128x128xf32, #tpu.memory_space<vmem>>, vector<16xf32>,
          tpu.vector_store %arg9[%swap3A_479, %swap3A_480], %mul3A_478 {strides = array<i32>} : memref<128x128xf32, #tpu.memory_space<vmem>>, vector<16xf32>,
          %get3A_482 = arith.index_cast %add3A_431 : i32 to index
          %get3A_483 = arith.constant 96 : index
          %get3A_484 = tpu.vector_load %arg9[%get3A_482, %get3A_483] {strides = array<i32>} : memref<128x128xf32, #tpu.memory_space<vmem>>, vector<16xf32>,
          %mul3A_485 = arith.mulf %get3A_484, %bitcast3A_439 : vector<16xf32>
          %swap3A_486 = arith.index_cast %add3A_431 : i32 to index
          %swap3A_487 = arith.constant 96 : index
          %swap3A_488 = tpu.vector_load %arg9[%swap3A_486, %swap3A_487] {strides = array<i32>} : memref<128x128xf32, #tpu.memory_space<vmem>>, vector<16xf32>,
          tpu.vector_store %arg9[%swap3A_486, %swap3A_487], %mul3A_485 {strides = array<i32>} : memref<128x128xf32, #tpu.memory_space<vmem>>, vector<16xf32>,
          %get3A_489 = arith.index_cast %add3A_431 : i32 to index
          %get3A_490 = arith.constant 112 : index
          %get3A_491 = tpu.vector_load %arg9[%get3A_489, %get3A_490] {strides = array<i32>} : memref<128x128xf32, #tpu.memory_space<vmem>>, vector<16xf32>,
          %mul3A_492 = arith.mulf %get3A_491, %bitcast3A_439 : vector<16xf32>
          %swap3A_493 = arith.index_cast %add3A_431 : i32 to index
          %swap3A_494 = arith.constant 112 : index
          %swap3A_495 = tpu.vector_load %arg9[%swap3A_493, %swap3A_494] {strides = array<i32>} : memref<128x128xf32, #tpu.memory_space<vmem>>, vector<16xf32>,
          tpu.vector_store %arg9[%swap3A_493, %swap3A_494], %mul3A_492 {strides = array<i32>} : memref<128x128xf32, #tpu.memory_space<vmem>>, vector<16xf32>,
        }
        %scan3A_344 = arith.constant 64 : i32
        %mul3A_345 = arith.constant 3 : i32
        %mul3A_346 = arith.muli %mul3A_345, %add3A_331 : i32
        %add3A_347 = arith.constant 1 : i32
        %add3A_348 = arith.addi %mul3A_346, %add3A_347 : i32
        "tpu.region"() ({
          %run_scoped3A_359 = tpu.sem_alloc : memref<!tpu.dma_semaphore, #tpu.memory_space<semaphore_mem>>
          %dma_start3A_360 = arith.constant 0 : i32
          %dma_start3A_361 = tpu.memref_slice %arg6[%add3A_348, %dma_start3A_360] : memref<24x128xi32, #tpu.memory_space<vmem>> -> memref<1x128xi32, #tpu.memory_space<vmem>>
          %dma_start3A_362 = tpu.memref_squeeze %dma_start3A_361 : memref<1x128xi32, #tpu.memory_space<vmem>> -> memref<128xi32, #tpu.memory_space<vmem>>
          %dma_start3A_363 = arith.constant 0 : i32
          %dma_start3A_364 = arith.constant 0 : i32
          %dma_start3A_365 = tpu.memref_slice %arg10[%dma_start3A_363, %dma_start3A_364] : memref<10240x128xf32, #tpu.memory_space<vmem_shared>> -> memref<10240x128xf32, #tpu.memory_space<vmem_shared>>
          tpu.enqueue_indirect_dma source(%arg9 : memref<128x128xf32, #tpu.memory_space<vmem>>) target(%dma_start3A_365 : memref<10240x128xf32, #tpu.memory_space<vmem_shared>>) offsets(%dma_start3A_362 : memref<128xi32, #tpu.memory_space<vmem>>) semaphore(%run_scoped3A_359 : memref<!tpu.dma_semaphore, #tpu.memory_space<semaphore_mem>>) {add = true}
          %dma_wait3A_366 = arith.constant 0 : i32
          %dma_wait3A_367 = tpu.memref_slice %arg6[%add3A_348, %dma_wait3A_366] : memref<24x128xi32, #tpu.memory_space<vmem>> -> memref<1x128xi32, #tpu.memory_space<vmem>>
          %dma_wait3A_368 = tpu.memref_squeeze %dma_wait3A_367 : memref<1x128xi32, #tpu.memory_space<vmem>> -> memref<128xi32, #tpu.memory_space<vmem>>
          %dma_wait3A_369 = arith.constant 0 : i32
          %dma_wait3A_370 = arith.constant 0 : i32
          %dma_wait3A_371 = tpu.memref_slice %arg10[%dma_wait3A_369, %dma_wait3A_370] : memref<10240x128xf32, #tpu.memory_space<vmem_shared>> -> memref<10240x128xf32, #tpu.memory_space<vmem_shared>>
          tpu.wait_indirect_dma semaphore(%run_scoped3A_359 : memref<!tpu.dma_semaphore, #tpu.memory_space<semaphore_mem>>) src(%arg9 : memref<128x128xf32, #tpu.memory_space<vmem>>) dst(%dma_wait3A_371 : memref<10240x128xf32, #tpu.memory_space<vmem_shared>>)
          tpu.yield
        }) : () -> ()
        %add3A_349 = arith.constant 3 : i32
        %add3A_350 = arith.addi %mul3A_302, %add3A_349 : i32
        %mul3A_351 = arith.constant 3 : i32
        %mul3A_352 = arith.muli %mul3A_351, %add3A_350 : i32
        %dma_start3A_353 = arith.constant 0 : i32
        %dma_start3A_354 = tpu.memref_slice %arg6[%mul3A_352, %dma_start3A_353] : memref<24x128xi32, #tpu.memory_space<vmem>> -> memref<1x128xi32, #tpu.memory_space<vmem>>
        %dma_start3A_355 = tpu.memref_squeeze %dma_start3A_354 : memref<1x128xi32, #tpu.memory_space<vmem>> -> memref<128xi32, #tpu.memory_space<vmem>>
        %dma_start3A_356 = arith.constant 0 : i32
        %dma_start3A_357 = arith.constant 0 : i32
        %dma_start3A_358 = tpu.memref_slice %arg2[%dma_start3A_356, %dma_start3A_357] : memref<10000x128xf32, #tpu.memory_space<hbm>> -> memref<10000x128xf32, #tpu.memory_space<hbm>>
        tpu.enqueue_indirect_dma source(%dma_start3A_358 : memref<10000x128xf32, #tpu.memory_space<hbm>>) target(%arg9 : memref<128x128xf32, #tpu.memory_space<vmem>>) offsets(%dma_start3A_355 : memref<128xi32, #tpu.memory_space<vmem>>) semaphore(%arg12 : memref<!tpu.dma_semaphore, #tpu.memory_space<semaphore_mem>>)
      }
      %scan3A_269 = arith.constant 3 : i32
      %dma_wait3A_270 = arith.constant 18 : i32
      %dma_wait3A_271 = arith.constant 0 : i32
      %dma_wait3A_272 = tpu.memref_slice %arg6[%dma_wait3A_270, %dma_wait3A_271] : memref<24x128xi32, #tpu.memory_space<vmem>> -> memref<1x128xi32, #tpu.memory_space<vmem>>
      %dma_wait3A_273 = tpu.memref_squeeze %dma_wait3A_272 : memref<1x128xi32, #tpu.memory_space<vmem>> -> memref<128xi32, #tpu.memory_space<vmem>>
      %dma_wait3A_274 = arith.constant 0 : i32
      %dma_wait3A_275 = arith.constant 0 : i32
      %dma_wait3A_276 = tpu.memref_slice %arg2[%dma_wait3A_274, %dma_wait3A_275] : memref<10000x128xf32, #tpu.memory_space<hbm>> -> memref<10000x128xf32, #tpu.memory_space<hbm>>
      tpu.wait_indirect_dma semaphore(%arg11 : memref<!tpu.dma_semaphore, #tpu.memory_space<semaphore_mem>>) src(%dma_wait3A_276 : memref<10000x128xf32, #tpu.memory_space<hbm>>) dst(%arg8 : memref<128x128xf32, #tpu.memory_space<vmem>>)
      %scan3A_277 = arith.constant 0 : i32
      %scan3A_278 = arith.constant 64 : i32
      %scan3A_279 = arith.addi %scan3A_277, %scan3A_278 : i32
      %scan3A_280 = arith.constant 1 : i32
      scf.for %scan3A_296 = %scan3A_277 to %scan3A_279 step %scan3A_280  : i32 {
        %mul3A_297 = arith.constant 1 : i32
        %mul3A_298 = arith.muli %scan3A_296, %mul3A_297 : i32
        %add3A_299 = arith.constant 0 : i32
        %add3A_300 = arith.addi %add3A_299, %mul3A_298 : i32
        %mul3A_301 = arith.constant 2 : i32
        %mul3A_302 = arith.muli %add3A_300, %mul3A_301 : i32
        %add3A_303 = arith.constant 0 : i32
        %add3A_304 = arith.addi %mul3A_302, %add3A_303 : i32
        %broadcast_in_dim3A_305 = arith.constant 20 : i32
        %broadcast_in_dim3A_306 = vector.broadcast %broadcast_in_dim3A_305 : i32 to vector<16xi32>
        %broadcast_in_dim3A_307 = vector.broadcast %add3A_304 : i32 to vector<16xi32>
        %gather3A = tpu.vector_load_idx %arg6[%broadcast_in_dim3A_306, %broadcast_in_dim3A_307] : memref<24x128xi32, #tpu.memory_space<vmem>>[vector<16xi32>, vector<16xi32>], vector<16xi32>,
        %bitcast3A = vector.bitcast %gather3A : vector<16xi32> to vector<16xf32>
        %get3A = arith.index_cast %add3A_304 : i32 to index
        %get3A_308 = arith.constant 0 : index
        %get3A_309 = tpu.vector_load %arg8[%get3A, %get3A_308] {strides = array<i32>} : memref<128x128xf32, #tpu.memory_space<vmem>>, vector<16xf32>,
        %mul3A_310 = arith.mulf %get3A_309, %bitcast3A : vector<16xf32>
        %swap3A = arith.index_cast %add3A_304 : i32 to index
        %swap3A_311 = arith.constant 0 : index
        %swap3A_312 = tpu.vector_load %arg8[%swap3A, %swap3A_311] {strides = array<i32>} : memref<128x128xf32, #tpu.memory_space<vmem>>, vector<16xf32>,
        tpu.vector_store %arg8[%swap3A, %swap3A_311], %mul3A_310 {strides = array<i32>} : memref<128x128xf32, #tpu.memory_space<vmem>>, vector<16xf32>,
        %get3A_313 = arith.index_cast %add3A_304 : i32 to index
        %get3A_314 = arith.constant 16 : index
        %get3A_315 = tpu.vector_load %arg8[%get3A_313, %get3A_314] {strides = array<i32>} : memref<128x128xf32, #tpu.memory_space<vmem>>, vector<16xf32>,
        %mul3A_316 = arith.mulf %get3A_315, %bitcast3A : vector<16xf32>
        %swap3A_317 = arith.index_cast %add3A_304 : i32 to index
        %swap3A_318 = arith.constant 16 : index
        %swap3A_319 = tpu.vector_load %arg8[%swap3A_317, %swap3A_318] {strides = array<i32>} : memref<128x128xf32, #tpu.memory_space<vmem>>, vector<16xf32>,
        tpu.vector_store %arg8[%swap3A_317, %swap3A_318], %mul3A_316 {strides = array<i32>} : memref<128x128xf32, #tpu.memory_space<vmem>>, vector<16xf32>,
        %get3A_320 = arith.index_cast %add3A_304 : i32 to index
        %get3A_321 = arith.constant 32 : index
        %get3A_322 = tpu.vector_load %arg8[%get3A_320, %get3A_321] {strides = array<i32>} : memref<128x128xf32, #tpu.memory_space<vmem>>, vector<16xf32>,
        %mul3A_323 = arith.mulf %get3A_322, %bitcast3A : vector<16xf32>
        %swap3A_324 = arith.index_cast %add3A_304 : i32 to index
        %swap3A_325 = arith.constant 32 : index
        %swap3A_326 = tpu.vector_load %arg8[%swap3A_324, %swap3A_325] {strides = array<i32>} : memref<128x128xf32, #tpu.memory_space<vmem>>, vector<16xf32>,
        tpu.vector_store %arg8[%swap3A_324, %swap3A_325], %mul3A_323 {strides = array<i32>} : memref<128x128xf32, #tpu.memory_space<vmem>>, vector<16xf32>,
        %get3A_327 = arith.index_cast %add3A_304 : i32 to index
        %get3A_328 = arith.constant 48 : index
        %get3A_329 = tpu.vector_load %arg8[%get3A_327, %get3A_328] {strides = array<i32>} : memref<128x128xf32, #tpu.memory_space<vmem>>, vector<16xf32>,
        %mul3A_330 = arith.mulf %get3A_329, %bitcast3A : vector<16xf32>
        %swap3A_331 = arith.index_cast %add3A_304 : i32 to index
        %swap3A_332 = arith.constant 48 : index
        %swap3A_333 = tpu.vector_load %arg8[%swap3A_331, %swap3A_332] {strides = array<i32>} : memref<128x128xf32, #tpu.memory_space<vmem>>, vector<16xf32>,
        tpu.vector_store %arg8[%swap3A_331, %swap3A_332], %mul3A_330 {strides = array<i32>} : memref<128x128xf32, #tpu.memory_space<vmem>>, vector<16xf32>,
        %get3A_334 = arith.index_cast %add3A_304 : i32 to index
        %get3A_335 = arith.constant 64 : index
        %get3A_336 = tpu.vector_load %arg8[%get3A_334, %get3A_335] {strides = array<i32>} : memref<128x128xf32, #tpu.memory_space<vmem>>, vector<16xf32>,
        %mul3A_337 = arith.mulf %get3A_336, %bitcast3A : vector<16xf32>
        %swap3A_338 = arith.index_cast %add3A_304 : i32 to index
        %swap3A_339 = arith.constant 64 : index
        %swap3A_340 = tpu.vector_load %arg8[%swap3A_338, %swap3A_339] {strides = array<i32>} : memref<128x128xf32, #tpu.memory_space<vmem>>, vector<16xf32>,
        tpu.vector_store %arg8[%swap3A_338, %swap3A_339], %mul3A_337 {strides = array<i32>} : memref<128x128xf32, #tpu.memory_space<vmem>>, vector<16xf32>,
        %get3A_341 = arith.index_cast %add3A_304 : i32 to index
        %get3A_342 = arith.constant 80 : index
        %get3A_343 = tpu.vector_load %arg8[%get3A_341, %get3A_342] {strides = array<i32>} : memref<128x128xf32, #tpu.memory_space<vmem>>, vector<16xf32>,
        %mul3A_344 = arith.mulf %get3A_343, %bitcast3A : vector<16xf32>
        %swap3A_345 = arith.index_cast %add3A_304 : i32 to index
        %swap3A_346 = arith.constant 80 : index
        %swap3A_347 = tpu.vector_load %arg8[%swap3A_345, %swap3A_346] {strides = array<i32>} : memref<128x128xf32, #tpu.memory_space<vmem>>, vector<16xf32>,
        tpu.vector_store %arg8[%swap3A_345, %swap3A_346], %mul3A_344 {strides = array<i32>} : memref<128x128xf32, #tpu.memory_space<vmem>>, vector<16xf32>,
        %get3A_348 = arith.index_cast %add3A_304 : i32 to index
        %get3A_349 = arith.constant 96 : index
        %get3A_350 = tpu.vector_load %arg8[%get3A_348, %get3A_349] {strides = array<i32>} : memref<128x128xf32, #tpu.memory_space<vmem>>, vector<16xf32>,
        %mul3A_351 = arith.mulf %get3A_350, %bitcast3A : vector<16xf32>
        %swap3A_352 = arith.index_cast %add3A_304 : i32 to index
        %swap3A_353 = arith.constant 96 : index
        %swap3A_354 = tpu.vector_load %arg8[%swap3A_352, %swap3A_353] {strides = array<i32>} : memref<128x128xf32, #tpu.memory_space<vmem>>, vector<16xf32>,
        tpu.vector_store %arg8[%swap3A_352, %swap3A_353], %mul3A_351 {strides = array<i32>} : memref<128x128xf32, #tpu.memory_space<vmem>>, vector<16xf32>,
        %get3A_355 = arith.index_cast %add3A_304 : i32 to index
        %get3A_356 = arith.constant 112 : index
        %get3A_357 = tpu.vector_load %arg8[%get3A_355, %get3A_356] {strides = array<i32>} : memref<128x128xf32, #tpu.memory_space<vmem>>, vector<16xf32>,
        %mul3A_358 = arith.mulf %get3A_357, %bitcast3A : vector<16xf32>
        %swap3A_359 = arith.index_cast %add3A_304 : i32 to index
        %swap3A_360 = arith.constant 112 : index
        %swap3A_361 = tpu.vector_load %arg8[%swap3A_359, %swap3A_360] {strides = array<i32>} : memref<128x128xf32, #tpu.memory_space<vmem>>, vector<16xf32>,
        tpu.vector_store %arg8[%swap3A_359, %swap3A_360], %mul3A_358 {strides = array<i32>} : memref<128x128xf32, #tpu.memory_space<vmem>>, vector<16xf32>,
        %mul3A_362 = arith.constant 2 : i32
        %mul3A_363 = arith.muli %add3A_300, %mul3A_362 : i32
        %add3A_364 = arith.constant 1 : i32
        %add3A_365 = arith.addi %mul3A_363, %add3A_364 : i32
        %broadcast_in_dim3A_366 = arith.constant 20 : i32
        %broadcast_in_dim3A_367 = vector.broadcast %broadcast_in_dim3A_366 : i32 to vector<16xi32>
        %broadcast_in_dim3A_368 = vector.broadcast %add3A_365 : i32 to vector<16xi32>
        %gather3A_369 = tpu.vector_load_idx %arg6[%broadcast_in_dim3A_367, %broadcast_in_dim3A_368] : memref<24x128xi32, #tpu.memory_space<vmem>>[vector<16xi32>, vector<16xi32>], vector<16xi32>,
        %bitcast3A_370 = vector.bitcast %gather3A_369 : vector<16xi32> to vector<16xf32>
        %get3A_371 = arith.index_cast %add3A_365 : i32 to index
        %get3A_372 = arith.constant 0 : index
        %get3A_373 = tpu.vector_load %arg8[%get3A_371, %get3A_372] {strides = array<i32>} : memref<128x128xf32, #tpu.memory_space<vmem>>, vector<16xf32>,
        %mul3A_374 = arith.mulf %get3A_373, %bitcast3A_370 : vector<16xf32>
        %swap3A_375 = arith.index_cast %add3A_365 : i32 to index
        %swap3A_376 = arith.constant 0 : index
        %swap3A_377 = tpu.vector_load %arg8[%swap3A_375, %swap3A_376] {strides = array<i32>} : memref<128x128xf32, #tpu.memory_space<vmem>>, vector<16xf32>,
        tpu.vector_store %arg8[%swap3A_375, %swap3A_376], %mul3A_374 {strides = array<i32>} : memref<128x128xf32, #tpu.memory_space<vmem>>, vector<16xf32>,
        %get3A_378 = arith.index_cast %add3A_365 : i32 to index
        %get3A_379 = arith.constant 16 : index
        %get3A_380 = tpu.vector_load %arg8[%get3A_378, %get3A_379] {strides = array<i32>} : memref<128x128xf32, #tpu.memory_space<vmem>>, vector<16xf32>,
        %mul3A_381 = arith.mulf %get3A_380, %bitcast3A_370 : vector<16xf32>
        %swap3A_382 = arith.index_cast %add3A_365 : i32 to index
        %swap3A_383 = arith.constant 16 : index
        %swap3A_384 = tpu.vector_load %arg8[%swap3A_382, %swap3A_383] {strides = array<i32>} : memref<128x128xf32, #tpu.memory_space<vmem>>, vector<16xf32>,
        tpu.vector_store %arg8[%swap3A_382, %swap3A_383], %mul3A_381 {strides = array<i32>} : memref<128x128xf32, #tpu.memory_space<vmem>>, vector<16xf32>,
        %get3A_385 = arith.index_cast %add3A_365 : i32 to index
        %get3A_386 = arith.constant 32 : index
        %get3A_387 = tpu.vector_load %arg8[%get3A_385, %get3A_386] {strides = array<i32>} : memref<128x128xf32, #tpu.memory_space<vmem>>, vector<16xf32>,
        %mul3A_388 = arith.mulf %get3A_387, %bitcast3A_370 : vector<16xf32>
        %swap3A_389 = arith.index_cast %add3A_365 : i32 to index
        %swap3A_390 = arith.constant 32 : index
        %swap3A_391 = tpu.vector_load %arg8[%swap3A_389, %swap3A_390] {strides = array<i32>} : memref<128x128xf32, #tpu.memory_space<vmem>>, vector<16xf32>,
        tpu.vector_store %arg8[%swap3A_389, %swap3A_390], %mul3A_388 {strides = array<i32>} : memref<128x128xf32, #tpu.memory_space<vmem>>, vector<16xf32>,
        %get3A_392 = arith.index_cast %add3A_365 : i32 to index
        %get3A_393 = arith.constant 48 : index
        %get3A_394 = tpu.vector_load %arg8[%get3A_392, %get3A_393] {strides = array<i32>} : memref<128x128xf32, #tpu.memory_space<vmem>>, vector<16xf32>,
        %mul3A_395 = arith.mulf %get3A_394, %bitcast3A_370 : vector<16xf32>
        %swap3A_396 = arith.index_cast %add3A_365 : i32 to index
        %swap3A_397 = arith.constant 48 : index
        %swap3A_398 = tpu.vector_load %arg8[%swap3A_396, %swap3A_397] {strides = array<i32>} : memref<128x128xf32, #tpu.memory_space<vmem>>, vector<16xf32>,
        tpu.vector_store %arg8[%swap3A_396, %swap3A_397], %mul3A_395 {strides = array<i32>} : memref<128x128xf32, #tpu.memory_space<vmem>>, vector<16xf32>,
        %get3A_399 = arith.index_cast %add3A_365 : i32 to index
        %get3A_400 = arith.constant 64 : index
        %get3A_401 = tpu.vector_load %arg8[%get3A_399, %get3A_400] {strides = array<i32>} : memref<128x128xf32, #tpu.memory_space<vmem>>, vector<16xf32>,
        %mul3A_402 = arith.mulf %get3A_401, %bitcast3A_370 : vector<16xf32>
        %swap3A_403 = arith.index_cast %add3A_365 : i32 to index
        %swap3A_404 = arith.constant 64 : index
        %swap3A_405 = tpu.vector_load %arg8[%swap3A_403, %swap3A_404] {strides = array<i32>} : memref<128x128xf32, #tpu.memory_space<vmem>>, vector<16xf32>,
        tpu.vector_store %arg8[%swap3A_403, %swap3A_404], %mul3A_402 {strides = array<i32>} : memref<128x128xf32, #tpu.memory_space<vmem>>, vector<16xf32>,
        %get3A_406 = arith.index_cast %add3A_365 : i32 to index
        %get3A_407 = arith.constant 80 : index
        %get3A_408 = tpu.vector_load %arg8[%get3A_406, %get3A_407] {strides = array<i32>} : memref<128x128xf32, #tpu.memory_space<vmem>>, vector<16xf32>,
        %mul3A_409 = arith.mulf %get3A_408, %bitcast3A_370 : vector<16xf32>
        %swap3A_410 = arith.index_cast %add3A_365 : i32 to index
        %swap3A_411 = arith.constant 80 : index
        %swap3A_412 = tpu.vector_load %arg8[%swap3A_410, %swap3A_411] {strides = array<i32>} : memref<128x128xf32, #tpu.memory_space<vmem>>, vector<16xf32>,
        tpu.vector_store %arg8[%swap3A_410, %swap3A_411], %mul3A_409 {strides = array<i32>} : memref<128x128xf32, #tpu.memory_space<vmem>>, vector<16xf32>,
        %get3A_413 = arith.index_cast %add3A_365 : i32 to index
        %get3A_414 = arith.constant 96 : index
        %get3A_415 = tpu.vector_load %arg8[%get3A_413, %get3A_414] {strides = array<i32>} : memref<128x128xf32, #tpu.memory_space<vmem>>, vector<16xf32>,
        %mul3A_416 = arith.mulf %get3A_415, %bitcast3A_370 : vector<16xf32>
        %swap3A_417 = arith.index_cast %add3A_365 : i32 to index
        %swap3A_418 = arith.constant 96 : index
        %swap3A_419 = tpu.vector_load %arg8[%swap3A_417, %swap3A_418] {strides = array<i32>} : memref<128x128xf32, #tpu.memory_space<vmem>>, vector<16xf32>,
        tpu.vector_store %arg8[%swap3A_417, %swap3A_418], %mul3A_416 {strides = array<i32>} : memref<128x128xf32, #tpu.memory_space<vmem>>, vector<16xf32>,
        %get3A_420 = arith.index_cast %add3A_365 : i32 to index
        %get3A_421 = arith.constant 112 : index
        %get3A_422 = tpu.vector_load %arg8[%get3A_420, %get3A_421] {strides = array<i32>} : memref<128x128xf32, #tpu.memory_space<vmem>>, vector<16xf32>,
        %mul3A_423 = arith.mulf %get3A_422, %bitcast3A_370 : vector<16xf32>
        %swap3A_424 = arith.index_cast %add3A_365 : i32 to index
        %swap3A_425 = arith.constant 112 : index
        %swap3A_426 = tpu.vector_load %arg8[%swap3A_424, %swap3A_425] {strides = array<i32>} : memref<128x128xf32, #tpu.memory_space<vmem>>, vector<16xf32>,
        tpu.vector_store %arg8[%swap3A_424, %swap3A_425], %mul3A_423 {strides = array<i32>} : memref<128x128xf32, #tpu.memory_space<vmem>>, vector<16xf32>,
      }
      %scan3A_281 = arith.constant 64 : i32
      %run_scoped3A_282 = arith.constant 19 : i32
      "tpu.region"() ({
        %run_scoped3A_296 = tpu.sem_alloc : memref<!tpu.dma_semaphore, #tpu.memory_space<semaphore_mem>>
        %dma_start3A_297 = arith.constant 0 : i32
        %dma_start3A_298 = tpu.memref_slice %arg6[%run_scoped3A_282, %dma_start3A_297] : memref<24x128xi32, #tpu.memory_space<vmem>> -> memref<1x128xi32, #tpu.memory_space<vmem>>
        %dma_start3A_299 = tpu.memref_squeeze %dma_start3A_298 : memref<1x128xi32, #tpu.memory_space<vmem>> -> memref<128xi32, #tpu.memory_space<vmem>>
        %dma_start3A_300 = arith.constant 0 : i32
        %dma_start3A_301 = arith.constant 0 : i32
        %dma_start3A_302 = tpu.memref_slice %arg10[%dma_start3A_300, %dma_start3A_301] : memref<10240x128xf32, #tpu.memory_space<vmem_shared>> -> memref<10240x128xf32, #tpu.memory_space<vmem_shared>>
        tpu.enqueue_indirect_dma source(%arg8 : memref<128x128xf32, #tpu.memory_space<vmem>>) target(%dma_start3A_302 : memref<10240x128xf32, #tpu.memory_space<vmem_shared>>) offsets(%dma_start3A_299 : memref<128xi32, #tpu.memory_space<vmem>>) semaphore(%run_scoped3A_296 : memref<!tpu.dma_semaphore, #tpu.memory_space<semaphore_mem>>) {add = true}
        %dma_wait3A_303 = arith.constant 0 : i32
        %dma_wait3A_304 = tpu.memref_slice %arg6[%run_scoped3A_282, %dma_wait3A_303] : memref<24x128xi32, #tpu.memory_space<vmem>> -> memref<1x128xi32, #tpu.memory_space<vmem>>
        %dma_wait3A_305 = tpu.memref_squeeze %dma_wait3A_304 : memref<1x128xi32, #tpu.memory_space<vmem>> -> memref<128xi32, #tpu.memory_space<vmem>>
        %dma_wait3A_306 = arith.constant 0 : i32
        %dma_wait3A_307 = arith.constant 0 : i32
        %dma_wait3A_308 = tpu.memref_slice %arg10[%dma_wait3A_306, %dma_wait3A_307] : memref<10240x128xf32, #tpu.memory_space<vmem_shared>> -> memref<10240x128xf32, #tpu.memory_space<vmem_shared>>
        tpu.wait_indirect_dma semaphore(%run_scoped3A_296 : memref<!tpu.dma_semaphore, #tpu.memory_space<semaphore_mem>>) src(%arg8 : memref<128x128xf32, #tpu.memory_space<vmem>>) dst(%dma_wait3A_308 : memref<10240x128xf32, #tpu.memory_space<vmem_shared>>)
        tpu.yield
      }) : () -> ()
      %dma_wait3A_283 = arith.constant 21 : i32
      %dma_wait3A_284 = arith.constant 0 : i32
      %dma_wait3A_285 = tpu.memref_slice %arg6[%dma_wait3A_283, %dma_wait3A_284] : memref<24x128xi32, #tpu.memory_space<vmem>> -> memref<1x128xi32, #tpu.memory_space<vmem>>
      %dma_wait3A_286 = tpu.memref_squeeze %dma_wait3A_285 : memref<1x128xi32, #tpu.memory_space<vmem>> -> memref<128xi32, #tpu.memory_space<vmem>>
      %dma_wait3A_287 = arith.constant 0 : i32
      %dma_wait3A_288 = arith.constant 0 : i32
      %dma_wait3A_289 = tpu.memref_slice %arg2[%dma_wait3A_287, %dma_wait3A_288] : memref<10000x128xf32, #tpu.memory_space<hbm>> -> memref<10000x128xf32, #tpu.memory_space<hbm>>
      tpu.wait_indirect_dma semaphore(%arg12 : memref<!tpu.dma_semaphore, #tpu.memory_space<semaphore_mem>>) src(%dma_wait3A_289 : memref<10000x128xf32, #tpu.memory_space<hbm>>) dst(%arg9 : memref<128x128xf32, #tpu.memory_space<vmem>>)
      %scan3A_290 = arith.constant 0 : i32
      %scan3A_291 = arith.constant 64 : i32
      %scan3A_292 = arith.addi %scan3A_290, %scan3A_291 : i32
      %scan3A_293 = arith.constant 1 : i32
      scf.for %scan3A_296 = %scan3A_290 to %scan3A_292 step %scan3A_293  : i32 {
        %mul3A_297 = arith.constant 1 : i32
        %mul3A_298 = arith.muli %scan3A_296, %mul3A_297 : i32
        %add3A_299 = arith.constant 0 : i32
        %add3A_300 = arith.addi %add3A_299, %mul3A_298 : i32
        %mul3A_301 = arith.constant 2 : i32
        %mul3A_302 = arith.muli %add3A_300, %mul3A_301 : i32
        %add3A_303 = arith.constant 0 : i32
        %add3A_304 = arith.addi %mul3A_302, %add3A_303 : i32
        %broadcast_in_dim3A_305 = arith.constant 23 : i32
        %broadcast_in_dim3A_306 = vector.broadcast %broadcast_in_dim3A_305 : i32 to vector<16xi32>
        %broadcast_in_dim3A_307 = vector.broadcast %add3A_304 : i32 to vector<16xi32>
        %gather3A = tpu.vector_load_idx %arg6[%broadcast_in_dim3A_306, %broadcast_in_dim3A_307] : memref<24x128xi32, #tpu.memory_space<vmem>>[vector<16xi32>, vector<16xi32>], vector<16xi32>,
        %bitcast3A = vector.bitcast %gather3A : vector<16xi32> to vector<16xf32>
        %get3A = arith.index_cast %add3A_304 : i32 to index
        %get3A_308 = arith.constant 0 : index
        %get3A_309 = tpu.vector_load %arg9[%get3A, %get3A_308] {strides = array<i32>} : memref<128x128xf32, #tpu.memory_space<vmem>>, vector<16xf32>,
        %mul3A_310 = arith.mulf %get3A_309, %bitcast3A : vector<16xf32>
        %swap3A = arith.index_cast %add3A_304 : i32 to index
        %swap3A_311 = arith.constant 0 : index
        %swap3A_312 = tpu.vector_load %arg9[%swap3A, %swap3A_311] {strides = array<i32>} : memref<128x128xf32, #tpu.memory_space<vmem>>, vector<16xf32>,
        tpu.vector_store %arg9[%swap3A, %swap3A_311], %mul3A_310 {strides = array<i32>} : memref<128x128xf32, #tpu.memory_space<vmem>>, vector<16xf32>,
        %get3A_313 = arith.index_cast %add3A_304 : i32 to index
        %get3A_314 = arith.constant 16 : index
        %get3A_315 = tpu.vector_load %arg9[%get3A_313, %get3A_314] {strides = array<i32>} : memref<128x128xf32, #tpu.memory_space<vmem>>, vector<16xf32>,
        %mul3A_316 = arith.mulf %get3A_315, %bitcast3A : vector<16xf32>
        %swap3A_317 = arith.index_cast %add3A_304 : i32 to index
        %swap3A_318 = arith.constant 16 : index
        %swap3A_319 = tpu.vector_load %arg9[%swap3A_317, %swap3A_318] {strides = array<i32>} : memref<128x128xf32, #tpu.memory_space<vmem>>, vector<16xf32>,
        tpu.vector_store %arg9[%swap3A_317, %swap3A_318], %mul3A_316 {strides = array<i32>} : memref<128x128xf32, #tpu.memory_space<vmem>>, vector<16xf32>,
        %get3A_320 = arith.index_cast %add3A_304 : i32 to index
        %get3A_321 = arith.constant 32 : index
        %get3A_322 = tpu.vector_load %arg9[%get3A_320, %get3A_321] {strides = array<i32>} : memref<128x128xf32, #tpu.memory_space<vmem>>, vector<16xf32>,
        %mul3A_323 = arith.mulf %get3A_322, %bitcast3A : vector<16xf32>
        %swap3A_324 = arith.index_cast %add3A_304 : i32 to index
        %swap3A_325 = arith.constant 32 : index
        %swap3A_326 = tpu.vector_load %arg9[%swap3A_324, %swap3A_325] {strides = array<i32>} : memref<128x128xf32, #tpu.memory_space<vmem>>, vector<16xf32>,
        tpu.vector_store %arg9[%swap3A_324, %swap3A_325], %mul3A_323 {strides = array<i32>} : memref<128x128xf32, #tpu.memory_space<vmem>>, vector<16xf32>,
        %get3A_327 = arith.index_cast %add3A_304 : i32 to index
        %get3A_328 = arith.constant 48 : index
        %get3A_329 = tpu.vector_load %arg9[%get3A_327, %get3A_328] {strides = array<i32>} : memref<128x128xf32, #tpu.memory_space<vmem>>, vector<16xf32>,
        %mul3A_330 = arith.mulf %get3A_329, %bitcast3A : vector<16xf32>
        %swap3A_331 = arith.index_cast %add3A_304 : i32 to index
        %swap3A_332 = arith.constant 48 : index
        %swap3A_333 = tpu.vector_load %arg9[%swap3A_331, %swap3A_332] {strides = array<i32>} : memref<128x128xf32, #tpu.memory_space<vmem>>, vector<16xf32>,
        tpu.vector_store %arg9[%swap3A_331, %swap3A_332], %mul3A_330 {strides = array<i32>} : memref<128x128xf32, #tpu.memory_space<vmem>>, vector<16xf32>,
        %get3A_334 = arith.index_cast %add3A_304 : i32 to index
        %get3A_335 = arith.constant 64 : index
        %get3A_336 = tpu.vector_load %arg9[%get3A_334, %get3A_335] {strides = array<i32>} : memref<128x128xf32, #tpu.memory_space<vmem>>, vector<16xf32>,
        %mul3A_337 = arith.mulf %get3A_336, %bitcast3A : vector<16xf32>
        %swap3A_338 = arith.index_cast %add3A_304 : i32 to index
        %swap3A_339 = arith.constant 64 : index
        %swap3A_340 = tpu.vector_load %arg9[%swap3A_338, %swap3A_339] {strides = array<i32>} : memref<128x128xf32, #tpu.memory_space<vmem>>, vector<16xf32>,
        tpu.vector_store %arg9[%swap3A_338, %swap3A_339], %mul3A_337 {strides = array<i32>} : memref<128x128xf32, #tpu.memory_space<vmem>>, vector<16xf32>,
        %get3A_341 = arith.index_cast %add3A_304 : i32 to index
        %get3A_342 = arith.constant 80 : index
        %get3A_343 = tpu.vector_load %arg9[%get3A_341, %get3A_342] {strides = array<i32>} : memref<128x128xf32, #tpu.memory_space<vmem>>, vector<16xf32>,
        %mul3A_344 = arith.mulf %get3A_343, %bitcast3A : vector<16xf32>
        %swap3A_345 = arith.index_cast %add3A_304 : i32 to index
        %swap3A_346 = arith.constant 80 : index
        %swap3A_347 = tpu.vector_load %arg9[%swap3A_345, %swap3A_346] {strides = array<i32>} : memref<128x128xf32, #tpu.memory_space<vmem>>, vector<16xf32>,
        tpu.vector_store %arg9[%swap3A_345, %swap3A_346], %mul3A_344 {strides = array<i32>} : memref<128x128xf32, #tpu.memory_space<vmem>>, vector<16xf32>,
        %get3A_348 = arith.index_cast %add3A_304 : i32 to index
        %get3A_349 = arith.constant 96 : index
        %get3A_350 = tpu.vector_load %arg9[%get3A_348, %get3A_349] {strides = array<i32>} : memref<128x128xf32, #tpu.memory_space<vmem>>, vector<16xf32>,
        %mul3A_351 = arith.mulf %get3A_350, %bitcast3A : vector<16xf32>
        %swap3A_352 = arith.index_cast %add3A_304 : i32 to index
        %swap3A_353 = arith.constant 96 : index
        %swap3A_354 = tpu.vector_load %arg9[%swap3A_352, %swap3A_353] {strides = array<i32>} : memref<128x128xf32, #tpu.memory_space<vmem>>, vector<16xf32>,
        tpu.vector_store %arg9[%swap3A_352, %swap3A_353], %mul3A_351 {strides = array<i32>} : memref<128x128xf32, #tpu.memory_space<vmem>>, vector<16xf32>,
        %get3A_355 = arith.index_cast %add3A_304 : i32 to index
        %get3A_356 = arith.constant 112 : index
        %get3A_357 = tpu.vector_load %arg9[%get3A_355, %get3A_356] {strides = array<i32>} : memref<128x128xf32, #tpu.memory_space<vmem>>, vector<16xf32>,
        %mul3A_358 = arith.mulf %get3A_357, %bitcast3A : vector<16xf32>
        %swap3A_359 = arith.index_cast %add3A_304 : i32 to index
        %swap3A_360 = arith.constant 112 : index
        %swap3A_361 = tpu.vector_load %arg9[%swap3A_359, %swap3A_360] {strides = array<i32>} : memref<128x128xf32, #tpu.memory_space<vmem>>, vector<16xf32>,
        tpu.vector_store %arg9[%swap3A_359, %swap3A_360], %mul3A_358 {strides = array<i32>} : memref<128x128xf32, #tpu.memory_space<vmem>>, vector<16xf32>,
        %mul3A_362 = arith.constant 2 : i32
        %mul3A_363 = arith.muli %add3A_300, %mul3A_362 : i32
        %add3A_364 = arith.constant 1 : i32
        %add3A_365 = arith.addi %mul3A_363, %add3A_364 : i32
        %broadcast_in_dim3A_366 = arith.constant 23 : i32
        %broadcast_in_dim3A_367 = vector.broadcast %broadcast_in_dim3A_366 : i32 to vector<16xi32>
        %broadcast_in_dim3A_368 = vector.broadcast %add3A_365 : i32 to vector<16xi32>
        %gather3A_369 = tpu.vector_load_idx %arg6[%broadcast_in_dim3A_367, %broadcast_in_dim3A_368] : memref<24x128xi32, #tpu.memory_space<vmem>>[vector<16xi32>, vector<16xi32>], vector<16xi32>,
        %bitcast3A_370 = vector.bitcast %gather3A_369 : vector<16xi32> to vector<16xf32>
        %get3A_371 = arith.index_cast %add3A_365 : i32 to index
        %get3A_372 = arith.constant 0 : index
        %get3A_373 = tpu.vector_load %arg9[%get3A_371, %get3A_372] {strides = array<i32>} : memref<128x128xf32, #tpu.memory_space<vmem>>, vector<16xf32>,
        %mul3A_374 = arith.mulf %get3A_373, %bitcast3A_370 : vector<16xf32>
        %swap3A_375 = arith.index_cast %add3A_365 : i32 to index
        %swap3A_376 = arith.constant 0 : index
        %swap3A_377 = tpu.vector_load %arg9[%swap3A_375, %swap3A_376] {strides = array<i32>} : memref<128x128xf32, #tpu.memory_space<vmem>>, vector<16xf32>,
        tpu.vector_store %arg9[%swap3A_375, %swap3A_376], %mul3A_374 {strides = array<i32>} : memref<128x128xf32, #tpu.memory_space<vmem>>, vector<16xf32>,
        %get3A_378 = arith.index_cast %add3A_365 : i32 to index
        %get3A_379 = arith.constant 16 : index
        %get3A_380 = tpu.vector_load %arg9[%get3A_378, %get3A_379] {strides = array<i32>} : memref<128x128xf32, #tpu.memory_space<vmem>>, vector<16xf32>,
        %mul3A_381 = arith.mulf %get3A_380, %bitcast3A_370 : vector<16xf32>
        %swap3A_382 = arith.index_cast %add3A_365 : i32 to index
        %swap3A_383 = arith.constant 16 : index
        %swap3A_384 = tpu.vector_load %arg9[%swap3A_382, %swap3A_383] {strides = array<i32>} : memref<128x128xf32, #tpu.memory_space<vmem>>, vector<16xf32>,
        tpu.vector_store %arg9[%swap3A_382, %swap3A_383], %mul3A_381 {strides = array<i32>} : memref<128x128xf32, #tpu.memory_space<vmem>>, vector<16xf32>,
        %get3A_385 = arith.index_cast %add3A_365 : i32 to index
        %get3A_386 = arith.constant 32 : index
        %get3A_387 = tpu.vector_load %arg9[%get3A_385, %get3A_386] {strides = array<i32>} : memref<128x128xf32, #tpu.memory_space<vmem>>, vector<16xf32>,
        %mul3A_388 = arith.mulf %get3A_387, %bitcast3A_370 : vector<16xf32>
        %swap3A_389 = arith.index_cast %add3A_365 : i32 to index
        %swap3A_390 = arith.constant 32 : index
        %swap3A_391 = tpu.vector_load %arg9[%swap3A_389, %swap3A_390] {strides = array<i32>} : memref<128x128xf32, #tpu.memory_space<vmem>>, vector<16xf32>,
        tpu.vector_store %arg9[%swap3A_389, %swap3A_390], %mul3A_388 {strides = array<i32>} : memref<128x128xf32, #tpu.memory_space<vmem>>, vector<16xf32>,
        %get3A_392 = arith.index_cast %add3A_365 : i32 to index
        %get3A_393 = arith.constant 48 : index
        %get3A_394 = tpu.vector_load %arg9[%get3A_392, %get3A_393] {strides = array<i32>} : memref<128x128xf32, #tpu.memory_space<vmem>>, vector<16xf32>,
        %mul3A_395 = arith.mulf %get3A_394, %bitcast3A_370 : vector<16xf32>
        %swap3A_396 = arith.index_cast %add3A_365 : i32 to index
        %swap3A_397 = arith.constant 48 : index
        %swap3A_398 = tpu.vector_load %arg9[%swap3A_396, %swap3A_397] {strides = array<i32>} : memref<128x128xf32, #tpu.memory_space<vmem>>, vector<16xf32>,
        tpu.vector_store %arg9[%swap3A_396, %swap3A_397], %mul3A_395 {strides = array<i32>} : memref<128x128xf32, #tpu.memory_space<vmem>>, vector<16xf32>,
        %get3A_399 = arith.index_cast %add3A_365 : i32 to index
        %get3A_400 = arith.constant 64 : index
        %get3A_401 = tpu.vector_load %arg9[%get3A_399, %get3A_400] {strides = array<i32>} : memref<128x128xf32, #tpu.memory_space<vmem>>, vector<16xf32>,
        %mul3A_402 = arith.mulf %get3A_401, %bitcast3A_370 : vector<16xf32>
        %swap3A_403 = arith.index_cast %add3A_365 : i32 to index
        %swap3A_404 = arith.constant 64 : index
        %swap3A_405 = tpu.vector_load %arg9[%swap3A_403, %swap3A_404] {strides = array<i32>} : memref<128x128xf32, #tpu.memory_space<vmem>>, vector<16xf32>,
        tpu.vector_store %arg9[%swap3A_403, %swap3A_404], %mul3A_402 {strides = array<i32>} : memref<128x128xf32, #tpu.memory_space<vmem>>, vector<16xf32>,
        %get3A_406 = arith.index_cast %add3A_365 : i32 to index
        %get3A_407 = arith.constant 80 : index
        %get3A_408 = tpu.vector_load %arg9[%get3A_406, %get3A_407] {strides = array<i32>} : memref<128x128xf32, #tpu.memory_space<vmem>>, vector<16xf32>,
        %mul3A_409 = arith.mulf %get3A_408, %bitcast3A_370 : vector<16xf32>
        %swap3A_410 = arith.index_cast %add3A_365 : i32 to index
        %swap3A_411 = arith.constant 80 : index
        %swap3A_412 = tpu.vector_load %arg9[%swap3A_410, %swap3A_411] {strides = array<i32>} : memref<128x128xf32, #tpu.memory_space<vmem>>, vector<16xf32>,
        tpu.vector_store %arg9[%swap3A_410, %swap3A_411], %mul3A_409 {strides = array<i32>} : memref<128x128xf32, #tpu.memory_space<vmem>>, vector<16xf32>,
        %get3A_413 = arith.index_cast %add3A_365 : i32 to index
        %get3A_414 = arith.constant 96 : index
        %get3A_415 = tpu.vector_load %arg9[%get3A_413, %get3A_414] {strides = array<i32>} : memref<128x128xf32, #tpu.memory_space<vmem>>, vector<16xf32>,
        %mul3A_416 = arith.mulf %get3A_415, %bitcast3A_370 : vector<16xf32>
        %swap3A_417 = arith.index_cast %add3A_365 : i32 to index
        %swap3A_418 = arith.constant 96 : index
        %swap3A_419 = tpu.vector_load %arg9[%swap3A_417, %swap3A_418] {strides = array<i32>} : memref<128x128xf32, #tpu.memory_space<vmem>>, vector<16xf32>,
        tpu.vector_store %arg9[%swap3A_417, %swap3A_418], %mul3A_416 {strides = array<i32>} : memref<128x128xf32, #tpu.memory_space<vmem>>, vector<16xf32>,
        %get3A_420 = arith.index_cast %add3A_365 : i32 to index
        %get3A_421 = arith.constant 112 : index
        %get3A_422 = tpu.vector_load %arg9[%get3A_420, %get3A_421] {strides = array<i32>} : memref<128x128xf32, #tpu.memory_space<vmem>>, vector<16xf32>,
        %mul3A_423 = arith.mulf %get3A_422, %bitcast3A_370 : vector<16xf32>
        %swap3A_424 = arith.index_cast %add3A_365 : i32 to index
        %swap3A_425 = arith.constant 112 : index
        %swap3A_426 = tpu.vector_load %arg9[%swap3A_424, %swap3A_425] {strides = array<i32>} : memref<128x128xf32, #tpu.memory_space<vmem>>, vector<16xf32>,
        tpu.vector_store %arg9[%swap3A_424, %swap3A_425], %mul3A_423 {strides = array<i32>} : memref<128x128xf32, #tpu.memory_space<vmem>>, vector<16xf32>,
      }
      %scan3A_294 = arith.constant 64 : i32
      %run_scoped3A_295 = arith.constant 22 : i32
      "tpu.region"() ({
        %run_scoped3A_296 = tpu.sem_alloc : memref<!tpu.dma_semaphore, #tpu.memory_space<semaphore_mem>>
        %dma_start3A_297 = arith.constant 0 : i32
        %dma_start3A_298 = tpu.memref_slice %arg6[%run_scoped3A_295, %dma_start3A_297] : memref<24x128xi32, #tpu.memory_space<vmem>> -> memref<1x128xi32, #tpu.memory_space<vmem>>
        %dma_start3A_299 = tpu.memref_squeeze %dma_start3A_298 : memref<1x128xi32, #tpu.memory_space<vmem>> -> memref<128xi32, #tpu.memory_space<vmem>>
        %dma_start3A_300 = arith.constant 0 : i32
        %dma_start3A_301 = arith.constant 0 : i32
        %dma_start3A_302 = tpu.memref_slice %arg10[%dma_start3A_300, %dma_start3A_301] : memref<10240x128xf32, #tpu.memory_space<vmem_shared>> -> memref<10240x128xf32, #tpu.memory_space<vmem_shared>>
        tpu.enqueue_indirect_dma source(%arg9 : memref<128x128xf32, #tpu.memory_space<vmem>>) target(%dma_start3A_302 : memref<10240x128xf32, #tpu.memory_space<vmem_shared>>) offsets(%dma_start3A_299 : memref<128xi32, #tpu.memory_space<vmem>>) semaphore(%run_scoped3A_296 : memref<!tpu.dma_semaphore, #tpu.memory_space<semaphore_mem>>) {add = true}
        %dma_wait3A_303 = arith.constant 0 : i32
        %dma_wait3A_304 = tpu.memref_slice %arg6[%run_scoped3A_295, %dma_wait3A_303] : memref<24x128xi32, #tpu.memory_space<vmem>> -> memref<1x128xi32, #tpu.memory_space<vmem>>
        %dma_wait3A_305 = tpu.memref_squeeze %dma_wait3A_304 : memref<1x128xi32, #tpu.memory_space<vmem>> -> memref<128xi32, #tpu.memory_space<vmem>>
        %dma_wait3A_306 = arith.constant 0 : i32
        %dma_wait3A_307 = arith.constant 0 : i32
        %dma_wait3A_308 = tpu.memref_slice %arg10[%dma_wait3A_306, %dma_wait3A_307] : memref<10240x128xf32, #tpu.memory_space<vmem_shared>> -> memref<10240x128xf32, #tpu.memory_space<vmem_shared>>
        tpu.wait_indirect_dma semaphore(%run_scoped3A_296 : memref<!tpu.dma_semaphore, #tpu.memory_space<semaphore_mem>>) src(%arg9 : memref<128x128xf32, #tpu.memory_space<vmem>>) dst(%dma_wait3A_308 : memref<10240x128xf32, #tpu.memory_space<vmem_shared>>)
        tpu.yield
      }) : () -> ()
    }
    %barrier3A_65 = arith.constant 0 : index
    tpu.barrier barrier_id(%barrier3A_65)
    %add3A_66 = arith.constant 0 : i32
    %add3A_67 = arith.addi %mul3A_8, %add3A_66 : i32
    %scan3A_68 = arith.constant 0 : i32
    %scan3A_69 = arith.constant 8 : i32
    %scan3A_70 = arith.addi %scan3A_68, %scan3A_69 : i32
    %scan3A_71 = arith.constant 1 : i32
    scf.for %scan3A_179 = %scan3A_68 to %scan3A_70 step %scan3A_71  : i32 {
      %mul3A_180 = arith.constant 1 : i32
      %mul3A_181 = arith.muli %scan3A_179, %mul3A_180 : i32
      %add3A_182 = arith.constant 0 : i32
      %add3A_183 = arith.addi %add3A_182, %mul3A_181 : i32
      %mul3A_184 = arith.constant 16 : i32
      %mul3A_185 = arith.muli %add3A_183, %mul3A_184 : i32
      %add3A_186 = arith.addi %add3A_67, %mul3A_185 : i32
      %broadcast_in_dim3A_187 = vector.broadcast %add3A_186 : i32 to vector<16xi32>
      %iota3A = tpu.iota {dimensions = array<i32: 0>} : vector<16xi32>
      %add3A_188 = arith.addi %broadcast_in_dim3A_187, %iota3A : vector<16xi32>
      %mul3A_189 = arith.constant 16 : i32
      %mul3A_190 = arith.muli %add3A_183, %mul3A_189 : i32
      %swap3A = arith.index_cast %mul3A_190 : i32 to index
      %swap3A_191 = tpu.vector_load %arg7[%swap3A] {strides = array<i32>} : memref<128xi32, #tpu.memory_space<vmem>>, vector<16xi32>,
      tpu.vector_store %arg7[%swap3A], %add3A_188 {strides = array<i32>} : memref<128xi32, #tpu.memory_space<vmem>>, vector<16xi32>,
    }
    %scan3A_72 = arith.constant 8 : i32
    "tpu.region"() ({
      %run_scoped3A = tpu.sem_alloc : memref<!tpu.dma_semaphore, #tpu.memory_space<semaphore_mem>>
      %dma_start3A_179 = arith.constant 0 : i32
      %dma_start3A_180 = arith.constant 0 : i32
      %dma_start3A_181 = tpu.memref_slice %arg10[%dma_start3A_179, %dma_start3A_180] : memref<10240x128xf32, #tpu.memory_space<vmem_shared>> -> memref<10240x128xf32, #tpu.memory_space<vmem_shared>>
      tpu.enqueue_indirect_dma source(%dma_start3A_181 : memref<10240x128xf32, #tpu.memory_space<vmem_shared>>) target(%arg8 : memref<128x128xf32, #tpu.memory_space<vmem>>) offsets(%arg7 : memref<128xi32, #tpu.memory_space<vmem>>) semaphore(%run_scoped3A : memref<!tpu.dma_semaphore, #tpu.memory_space<semaphore_mem>>)
      %dma_wait3A_182 = arith.constant 0 : i32
      %dma_wait3A_183 = arith.constant 0 : i32
      %dma_wait3A_184 = tpu.memref_slice %arg10[%dma_wait3A_182, %dma_wait3A_183] : memref<10240x128xf32, #tpu.memory_space<vmem_shared>> -> memref<10240x128xf32, #tpu.memory_space<vmem_shared>>
      tpu.wait_indirect_dma semaphore(%run_scoped3A : memref<!tpu.dma_semaphore, #tpu.memory_space<semaphore_mem>>) src(%dma_wait3A_184 : memref<10240x128xf32, #tpu.memory_space<vmem_shared>>) dst(%arg8 : memref<128x128xf32, #tpu.memory_space<vmem>>)
      tpu.yield
    }) : () -> ()
    %add3A_73 = arith.constant 0 : i32
    %add3A_74 = arith.addi %mul3A_8, %add3A_73 : i32
    %dma_start3A = arith.constant 0 : i32
    %dma_start3A_75 = tpu.memref_slice %arg4[%arg0, %add3A_74, %dma_start3A] : memref<2x10240x128xf32, #tpu.memory_space<hbm>> -> memref<1x128x128xf32, #tpu.memory_space<hbm>>
    %dma_start3A_76 = tpu.memref_squeeze %dma_start3A_75 : memref<1x128x128xf32, #tpu.memory_space<hbm>> -> memref<128x128xf32, #tpu.memory_space<hbm>>
    %dma_start3A_77 = arith.constant 0 : i32
    %dma_start3A_78 = tpu.memref_slice %arg4[%arg0, %add3A_74, %dma_start3A_77] : memref<2x10240x128xf32, #tpu.memory_space<hbm>> -> memref<1x128x128xf32, #tpu.memory_space<hbm>>
    %dma_start3A_79 = tpu.memref_squeeze %dma_start3A_78 : memref<1x128x128xf32, #tpu.memory_space<hbm>> -> memref<128x128xf32, #tpu.memory_space<hbm>>
    tpu.enqueue_dma source(%arg8 : memref<128x128xf32, #tpu.memory_space<vmem>>) target(%dma_start3A_79 : memref<128x128xf32, #tpu.memory_space<hbm>>) target_semaphore(%arg11 : memref<!tpu.dma_semaphore, #tpu.memory_space<semaphore_mem>>)
    %add3A_80 = arith.constant 128 : i32
    %add3A_81 = arith.addi %mul3A_8, %add3A_80 : i32
    %scan3A_82 = arith.constant 0 : i32
    %scan3A_83 = arith.constant 8 : i32
    %scan3A_84 = arith.addi %scan3A_82, %scan3A_83 : i32
    %scan3A_85 = arith.constant 1 : i32
    scf.for %scan3A_179 = %scan3A_82 to %scan3A_84 step %scan3A_85  : i32 {
      %mul3A_180 = arith.constant 1 : i32
      %mul3A_181 = arith.muli %scan3A_179, %mul3A_180 : i32
      %add3A_182 = arith.constant 0 : i32
      %add3A_183 = arith.addi %add3A_182, %mul3A_181 : i32
      %mul3A_184 = arith.constant 16 : i32
      %mul3A_185 = arith.muli %add3A_183, %mul3A_184 : i32
      %add3A_186 = arith.addi %add3A_81, %mul3A_185 : i32
      %broadcast_in_dim3A_187 = vector.broadcast %add3A_186 : i32 to vector<16xi32>
      %iota3A = tpu.iota {dimensions = array<i32: 0>} : vector<16xi32>
      %add3A_188 = arith.addi %broadcast_in_dim3A_187, %iota3A : vector<16xi32>
      %mul3A_189 = arith.constant 16 : i32
      %mul3A_190 = arith.muli %add3A_183, %mul3A_189 : i32
      %swap3A = arith.index_cast %mul3A_190 : i32 to index
      %swap3A_191 = tpu.vector_load %arg7[%swap3A] {strides = array<i32>} : memref<128xi32, #tpu.memory_space<vmem>>, vector<16xi32>,
      tpu.vector_store %arg7[%swap3A], %add3A_188 {strides = array<i32>} : memref<128xi32, #tpu.memory_space<vmem>>, vector<16xi32>,
    }
    %scan3A_86 = arith.constant 8 : i32
    "tpu.region"() ({
      %run_scoped3A = tpu.sem_alloc : memref<!tpu.dma_semaphore, #tpu.memory_space<semaphore_mem>>
      %dma_start3A_179 = arith.constant 0 : i32
      %dma_start3A_180 = arith.constant 0 : i32
      %dma_start3A_181 = tpu.memref_slice %arg10[%dma_start3A_179, %dma_start3A_180] : memref<10240x128xf32, #tpu.memory_space<vmem_shared>> -> memref<10240x128xf32, #tpu.memory_space<vmem_shared>>
      tpu.enqueue_indirect_dma source(%dma_start3A_181 : memref<10240x128xf32, #tpu.memory_space<vmem_shared>>) target(%arg9 : memref<128x128xf32, #tpu.memory_space<vmem>>) offsets(%arg7 : memref<128xi32, #tpu.memory_space<vmem>>) semaphore(%run_scoped3A : memref<!tpu.dma_semaphore, #tpu.memory_space<semaphore_mem>>)
      %dma_wait3A_182 = arith.constant 0 : i32
      %dma_wait3A_183 = arith.constant 0 : i32
      %dma_wait3A_184 = tpu.memref_slice %arg10[%dma_wait3A_182, %dma_wait3A_183] : memref<10240x128xf32, #tpu.memory_space<vmem_shared>> -> memref<10240x128xf32, #tpu.memory_space<vmem_shared>>
      tpu.wait_indirect_dma semaphore(%run_scoped3A : memref<!tpu.dma_semaphore, #tpu.memory_space<semaphore_mem>>) src(%dma_wait3A_184 : memref<10240x128xf32, #tpu.memory_space<vmem_shared>>) dst(%arg9 : memref<128x128xf32, #tpu.memory_space<vmem>>)
      tpu.yield
    }) : () -> ()
    %add3A_87 = arith.constant 128 : i32
    %add3A_88 = arith.addi %mul3A_8, %add3A_87 : i32
    %dma_start3A_89 = arith.constant 0 : i32
    %dma_start3A_90 = tpu.memref_slice %arg4[%arg0, %add3A_88, %dma_start3A_89] : memref<2x10240x128xf32, #tpu.memory_space<hbm>> -> memref<1x128x128xf32, #tpu.memory_space<hbm>>
    %dma_start3A_91 = tpu.memref_squeeze %dma_start3A_90 : memref<1x128x128xf32, #tpu.memory_space<hbm>> -> memref<128x128xf32, #tpu.memory_space<hbm>>
    %dma_start3A_92 = arith.constant 0 : i32
    %dma_start3A_93 = tpu.memref_slice %arg4[%arg0, %add3A_88, %dma_start3A_92] : memref<2x10240x128xf32, #tpu.memory_space<hbm>> -> memref<1x128x128xf32, #tpu.memory_space<hbm>>
    %dma_start3A_94 = tpu.memref_squeeze %dma_start3A_93 : memref<1x128x128xf32, #tpu.memory_space<hbm>> -> memref<128x128xf32, #tpu.memory_space<hbm>>
    tpu.enqueue_dma source(%arg9 : memref<128x128xf32, #tpu.memory_space<vmem>>) target(%dma_start3A_94 : memref<128x128xf32, #tpu.memory_space<hbm>>) target_semaphore(%arg12 : memref<!tpu.dma_semaphore, #tpu.memory_space<semaphore_mem>>)
    %add3A_95 = arith.constant 0 : i32
    %add3A_96 = arith.addi %mul3A_8, %add3A_95 : i32
    %dma_wait3A = arith.constant 0 : i32
    %dma_wait3A_97 = tpu.memref_slice %arg4[%arg0, %add3A_96, %dma_wait3A] : memref<2x10240x128xf32, #tpu.memory_space<hbm>> -> memref<1x128x128xf32, #tpu.memory_space<hbm>>
    %dma_wait3A_98 = tpu.memref_squeeze %dma_wait3A_97 : memref<1x128x128xf32, #tpu.memory_space<hbm>> -> memref<128x128xf32, #tpu.memory_space<hbm>>
    %dma_wait3A_99 = arith.constant 0 : i32
    %dma_wait3A_100 = tpu.memref_slice %arg4[%arg0, %add3A_96, %dma_wait3A_99] : memref<2x10240x128xf32, #tpu.memory_space<hbm>> -> memref<1x128x128xf32, #tpu.memory_space<hbm>>
    %dma_wait3A_101 = tpu.memref_squeeze %dma_wait3A_100 : memref<1x128x128xf32, #tpu.memory_space<hbm>> -> memref<128x128xf32, #tpu.memory_space<hbm>>
    tpu.wait_dma2 semaphore(%arg11 : memref<!tpu.dma_semaphore, #tpu.memory_space<semaphore_mem>>) src(%arg8 : memref<128x128xf32, #tpu.memory_space<vmem>>) dst(%dma_wait3A_101 : memref<128x128xf32, #tpu.memory_space<hbm>>)
    %add3A_102 = arith.constant 256 : i32
    %add3A_103 = arith.addi %mul3A_8, %add3A_102 : i32
    %scan3A_104 = arith.constant 0 : i32
    %scan3A_105 = arith.constant 8 : i32
    %scan3A_106 = arith.addi %scan3A_104, %scan3A_105 : i32
    %scan3A_107 = arith.constant 1 : i32
    scf.for %scan3A_179 = %scan3A_104 to %scan3A_106 step %scan3A_107  : i32 {
      %mul3A_180 = arith.constant 1 : i32
      %mul3A_181 = arith.muli %scan3A_179, %mul3A_180 : i32
      %add3A_182 = arith.constant 0 : i32
      %add3A_183 = arith.addi %add3A_182, %mul3A_181 : i32
      %mul3A_184 = arith.constant 16 : i32
      %mul3A_185 = arith.muli %add3A_183, %mul3A_184 : i32
      %add3A_186 = arith.addi %add3A_103, %mul3A_185 : i32
      %broadcast_in_dim3A_187 = vector.broadcast %add3A_186 : i32 to vector<16xi32>
      %iota3A = tpu.iota {dimensions = array<i32: 0>} : vector<16xi32>
      %add3A_188 = arith.addi %broadcast_in_dim3A_187, %iota3A : vector<16xi32>
      %mul3A_189 = arith.constant 16 : i32
      %mul3A_190 = arith.muli %add3A_183, %mul3A_189 : i32
      %swap3A = arith.index_cast %mul3A_190 : i32 to index
      %swap3A_191 = tpu.vector_load %arg7[%swap3A] {strides = array<i32>} : memref<128xi32, #tpu.memory_space<vmem>>, vector<16xi32>,
      tpu.vector_store %arg7[%swap3A], %add3A_188 {strides = array<i32>} : memref<128xi32, #tpu.memory_space<vmem>>, vector<16xi32>,
    }
    %scan3A_108 = arith.constant 8 : i32
    "tpu.region"() ({
      %run_scoped3A = tpu.sem_alloc : memref<!tpu.dma_semaphore, #tpu.memory_space<semaphore_mem>>
      %dma_start3A_179 = arith.constant 0 : i32
      %dma_start3A_180 = arith.constant 0 : i32
      %dma_start3A_181 = tpu.memref_slice %arg10[%dma_start3A_179, %dma_start3A_180] : memref<10240x128xf32, #tpu.memory_space<vmem_shared>> -> memref<10240x128xf32, #tpu.memory_space<vmem_shared>>
      tpu.enqueue_indirect_dma source(%dma_start3A_181 : memref<10240x128xf32, #tpu.memory_space<vmem_shared>>) target(%arg8 : memref<128x128xf32, #tpu.memory_space<vmem>>) offsets(%arg7 : memref<128xi32, #tpu.memory_space<vmem>>) semaphore(%run_scoped3A : memref<!tpu.dma_semaphore, #tpu.memory_space<semaphore_mem>>)
      %dma_wait3A_182 = arith.constant 0 : i32
      %dma_wait3A_183 = arith.constant 0 : i32
      %dma_wait3A_184 = tpu.memref_slice %arg10[%dma_wait3A_182, %dma_wait3A_183] : memref<10240x128xf32, #tpu.memory_space<vmem_shared>> -> memref<10240x128xf32, #tpu.memory_space<vmem_shared>>
      tpu.wait_indirect_dma semaphore(%run_scoped3A : memref<!tpu.dma_semaphore, #tpu.memory_space<semaphore_mem>>) src(%dma_wait3A_184 : memref<10240x128xf32, #tpu.memory_space<vmem_shared>>) dst(%arg8 : memref<128x128xf32, #tpu.memory_space<vmem>>)
      tpu.yield
    }) : () -> ()
    %add3A_109 = arith.constant 256 : i32
    %add3A_110 = arith.addi %mul3A_8, %add3A_109 : i32
    %dma_start3A_111 = arith.constant 0 : i32
    %dma_start3A_112 = tpu.memref_slice %arg4[%arg0, %add3A_110, %dma_start3A_111] : memref<2x10240x128xf32, #tpu.memory_space<hbm>> -> memref<1x128x128xf32, #tpu.memory_space<hbm>>
    %dma_start3A_113 = tpu.memref_squeeze %dma_start3A_112 : memref<1x128x128xf32, #tpu.memory_space<hbm>> -> memref<128x128xf32, #tpu.memory_space<hbm>>
    %dma_start3A_114 = arith.constant 0 : i32
    %dma_start3A_115 = tpu.memref_slice %arg4[%arg0, %add3A_110, %dma_start3A_114] : memref<2x10240x128xf32, #tpu.memory_space<hbm>> -> memref<1x128x128xf32, #tpu.memory_space<hbm>>
    %dma_start3A_116 = tpu.memref_squeeze %dma_start3A_115 : memref<1x128x128xf32, #tpu.memory_space<hbm>> -> memref<128x128xf32, #tpu.memory_space<hbm>>
    tpu.enqueue_dma source(%arg8 : memref<128x128xf32, #tpu.memory_space<vmem>>) target(%dma_start3A_116 : memref<128x128xf32, #tpu.memory_space<hbm>>) target_semaphore(%arg11 : memref<!tpu.dma_semaphore, #tpu.memory_space<semaphore_mem>>)
    %add3A_117 = arith.constant 128 : i32
    %add3A_118 = arith.addi %mul3A_8, %add3A_117 : i32
    %dma_wait3A_119 = arith.constant 0 : i32
    %dma_wait3A_120 = tpu.memref_slice %arg4[%arg0, %add3A_118, %dma_wait3A_119] : memref<2x10240x128xf32, #tpu.memory_space<hbm>> -> memref<1x128x128xf32, #tpu.memory_space<hbm>>
    %dma_wait3A_121 = tpu.memref_squeeze %dma_wait3A_120 : memref<1x128x128xf32, #tpu.memory_space<hbm>> -> memref<128x128xf32, #tpu.memory_space<hbm>>
    %dma_wait3A_122 = arith.constant 0 : i32
    %dma_wait3A_123 = tpu.memref_slice %arg4[%arg0, %add3A_118, %dma_wait3A_122] : memref<2x10240x128xf32, #tpu.memory_space<hbm>> -> memref<1x128x128xf32, #tpu.memory_space<hbm>>
    %dma_wait3A_124 = tpu.memref_squeeze %dma_wait3A_123 : memref<1x128x128xf32, #tpu.memory_space<hbm>> -> memref<128x128xf32, #tpu.memory_space<hbm>>
    tpu.wait_dma2 semaphore(%arg12 : memref<!tpu.dma_semaphore, #tpu.memory_space<semaphore_mem>>) src(%arg9 : memref<128x128xf32, #tpu.memory_space<vmem>>) dst(%dma_wait3A_124 : memref<128x128xf32, #tpu.memory_space<hbm>>)
    %add3A_125 = arith.constant 384 : i32
    %add3A_126 = arith.addi %mul3A_8, %add3A_125 : i32
    %scan3A_127 = arith.constant 0 : i32
    %scan3A_128 = arith.constant 8 : i32
    %scan3A_129 = arith.addi %scan3A_127, %scan3A_128 : i32
    %scan3A_130 = arith.constant 1 : i32
    scf.for %scan3A_179 = %scan3A_127 to %scan3A_129 step %scan3A_130  : i32 {
      %mul3A_180 = arith.constant 1 : i32
      %mul3A_181 = arith.muli %scan3A_179, %mul3A_180 : i32
      %add3A_182 = arith.constant 0 : i32
      %add3A_183 = arith.addi %add3A_182, %mul3A_181 : i32
      %mul3A_184 = arith.constant 16 : i32
      %mul3A_185 = arith.muli %add3A_183, %mul3A_184 : i32
      %add3A_186 = arith.addi %add3A_126, %mul3A_185 : i32
      %broadcast_in_dim3A_187 = vector.broadcast %add3A_186 : i32 to vector<16xi32>
      %iota3A = tpu.iota {dimensions = array<i32: 0>} : vector<16xi32>
      %add3A_188 = arith.addi %broadcast_in_dim3A_187, %iota3A : vector<16xi32>
      %mul3A_189 = arith.constant 16 : i32
      %mul3A_190 = arith.muli %add3A_183, %mul3A_189 : i32
      %swap3A = arith.index_cast %mul3A_190 : i32 to index
      %swap3A_191 = tpu.vector_load %arg7[%swap3A] {strides = array<i32>} : memref<128xi32, #tpu.memory_space<vmem>>, vector<16xi32>,
      tpu.vector_store %arg7[%swap3A], %add3A_188 {strides = array<i32>} : memref<128xi32, #tpu.memory_space<vmem>>, vector<16xi32>,
    }
    %scan3A_131 = arith.constant 8 : i32
    "tpu.region"() ({
      %run_scoped3A = tpu.sem_alloc : memref<!tpu.dma_semaphore, #tpu.memory_space<semaphore_mem>>
      %dma_start3A_179 = arith.constant 0 : i32
      %dma_start3A_180 = arith.constant 0 : i32
      %dma_start3A_181 = tpu.memref_slice %arg10[%dma_start3A_179, %dma_start3A_180] : memref<10240x128xf32, #tpu.memory_space<vmem_shared>> -> memref<10240x128xf32, #tpu.memory_space<vmem_shared>>
      tpu.enqueue_indirect_dma source(%dma_start3A_181 : memref<10240x128xf32, #tpu.memory_space<vmem_shared>>) target(%arg9 : memref<128x128xf32, #tpu.memory_space<vmem>>) offsets(%arg7 : memref<128xi32, #tpu.memory_space<vmem>>) semaphore(%run_scoped3A : memref<!tpu.dma_semaphore, #tpu.memory_space<semaphore_mem>>)
      %dma_wait3A_182 = arith.constant 0 : i32
      %dma_wait3A_183 = arith.constant 0 : i32
      %dma_wait3A_184 = tpu.memref_slice %arg10[%dma_wait3A_182, %dma_wait3A_183] : memref<10240x128xf32, #tpu.memory_space<vmem_shared>> -> memref<10240x128xf32, #tpu.memory_space<vmem_shared>>
      tpu.wait_indirect_dma semaphore(%run_scoped3A : memref<!tpu.dma_semaphore, #tpu.memory_space<semaphore_mem>>) src(%dma_wait3A_184 : memref<10240x128xf32, #tpu.memory_space<vmem_shared>>) dst(%arg9 : memref<128x128xf32, #tpu.memory_space<vmem>>)
      tpu.yield
    }) : () -> ()
    %add3A_132 = arith.constant 384 : i32
    %add3A_133 = arith.addi %mul3A_8, %add3A_132 : i32
    %dma_start3A_134 = arith.constant 0 : i32
    %dma_start3A_135 = tpu.memref_slice %arg4[%arg0, %add3A_133, %dma_start3A_134] : memref<2x10240x128xf32, #tpu.memory_space<hbm>> -> memref<1x128x128xf32, #tpu.memory_space<hbm>>
    %dma_start3A_136 = tpu.memref_squeeze %dma_start3A_135 : memref<1x128x128xf32, #tpu.memory_space<hbm>> -> memref<128x128xf32, #tpu.memory_space<hbm>>
    %dma_start3A_137 = arith.constant 0 : i32
    %dma_start3A_138 = tpu.memref_slice %arg4[%arg0, %add3A_133, %dma_start3A_137] : memref<2x10240x128xf32, #tpu.memory_space<hbm>> -> memref<1x128x128xf32, #tpu.memory_space<hbm>>
    %dma_start3A_139 = tpu.memref_squeeze %dma_start3A_138 : memref<1x128x128xf32, #tpu.memory_space<hbm>> -> memref<128x128xf32, #tpu.memory_space<hbm>>
    tpu.enqueue_dma source(%arg9 : memref<128x128xf32, #tpu.memory_space<vmem>>) target(%dma_start3A_139 : memref<128x128xf32, #tpu.memory_space<hbm>>) target_semaphore(%arg12 : memref<!tpu.dma_semaphore, #tpu.memory_space<semaphore_mem>>)
    %add3A_140 = arith.constant 256 : i32
    %add3A_141 = arith.addi %mul3A_8, %add3A_140 : i32
    %dma_wait3A_142 = arith.constant 0 : i32
    %dma_wait3A_143 = tpu.memref_slice %arg4[%arg0, %add3A_141, %dma_wait3A_142] : memref<2x10240x128xf32, #tpu.memory_space<hbm>> -> memref<1x128x128xf32, #tpu.memory_space<hbm>>
    %dma_wait3A_144 = tpu.memref_squeeze %dma_wait3A_143 : memref<1x128x128xf32, #tpu.memory_space<hbm>> -> memref<128x128xf32, #tpu.memory_space<hbm>>
    %dma_wait3A_145 = arith.constant 0 : i32
    %dma_wait3A_146 = tpu.memref_slice %arg4[%arg0, %add3A_141, %dma_wait3A_145] : memref<2x10240x128xf32, #tpu.memory_space<hbm>> -> memref<1x128x128xf32, #tpu.memory_space<hbm>>
    %dma_wait3A_147 = tpu.memref_squeeze %dma_wait3A_146 : memref<1x128x128xf32, #tpu.memory_space<hbm>> -> memref<128x128xf32, #tpu.memory_space<hbm>>
    tpu.wait_dma2 semaphore(%arg11 : memref<!tpu.dma_semaphore, #tpu.memory_space<semaphore_mem>>) src(%arg8 : memref<128x128xf32, #tpu.memory_space<vmem>>) dst(%dma_wait3A_147 : memref<128x128xf32, #tpu.memory_space<hbm>>)
    %add3A_148 = arith.constant 512 : i32
    %add3A_149 = arith.addi %mul3A_8, %add3A_148 : i32
    %scan3A_150 = arith.constant 0 : i32
    %scan3A_151 = arith.constant 8 : i32
    %scan3A_152 = arith.addi %scan3A_150, %scan3A_151 : i32
    %scan3A_153 = arith.constant 1 : i32
    scf.for %scan3A_179 = %scan3A_150 to %scan3A_152 step %scan3A_153  : i32 {
      %mul3A_180 = arith.constant 1 : i32
      %mul3A_181 = arith.muli %scan3A_179, %mul3A_180 : i32
      %add3A_182 = arith.constant 0 : i32
      %add3A_183 = arith.addi %add3A_182, %mul3A_181 : i32
      %mul3A_184 = arith.constant 16 : i32
      %mul3A_185 = arith.muli %add3A_183, %mul3A_184 : i32
      %add3A_186 = arith.addi %add3A_149, %mul3A_185 : i32
      %broadcast_in_dim3A_187 = vector.broadcast %add3A_186 : i32 to vector<16xi32>
      %iota3A = tpu.iota {dimensions = array<i32: 0>} : vector<16xi32>
      %add3A_188 = arith.addi %broadcast_in_dim3A_187, %iota3A : vector<16xi32>
      %mul3A_189 = arith.constant 16 : i32
      %mul3A_190 = arith.muli %add3A_183, %mul3A_189 : i32
      %swap3A = arith.index_cast %mul3A_190 : i32 to index
      %swap3A_191 = tpu.vector_load %arg7[%swap3A] {strides = array<i32>} : memref<128xi32, #tpu.memory_space<vmem>>, vector<16xi32>,
      tpu.vector_store %arg7[%swap3A], %add3A_188 {strides = array<i32>} : memref<128xi32, #tpu.memory_space<vmem>>, vector<16xi32>,
    }
    %scan3A_154 = arith.constant 8 : i32
    "tpu.region"() ({
      %run_scoped3A = tpu.sem_alloc : memref<!tpu.dma_semaphore, #tpu.memory_space<semaphore_mem>>
      %dma_start3A_179 = arith.constant 0 : i32
      %dma_start3A_180 = arith.constant 0 : i32
      %dma_start3A_181 = tpu.memref_slice %arg10[%dma_start3A_179, %dma_start3A_180] : memref<10240x128xf32, #tpu.memory_space<vmem_shared>> -> memref<10240x128xf32, #tpu.memory_space<vmem_shared>>
      tpu.enqueue_indirect_dma source(%dma_start3A_181 : memref<10240x128xf32, #tpu.memory_space<vmem_shared>>) target(%arg8 : memref<128x128xf32, #tpu.memory_space<vmem>>) offsets(%arg7 : memref<128xi32, #tpu.memory_space<vmem>>) semaphore(%run_scoped3A : memref<!tpu.dma_semaphore, #tpu.memory_space<semaphore_mem>>)
      %dma_wait3A_182 = arith.constant 0 : i32
      %dma_wait3A_183 = arith.constant 0 : i32
      %dma_wait3A_184 = tpu.memref_slice %arg10[%dma_wait3A_182, %dma_wait3A_183] : memref<10240x128xf32, #tpu.memory_space<vmem_shared>> -> memref<10240x128xf32, #tpu.memory_space<vmem_shared>>
      tpu.wait_indirect_dma semaphore(%run_scoped3A : memref<!tpu.dma_semaphore, #tpu.memory_space<semaphore_mem>>) src(%dma_wait3A_184 : memref<10240x128xf32, #tpu.memory_space<vmem_shared>>) dst(%arg8 : memref<128x128xf32, #tpu.memory_space<vmem>>)
      tpu.yield
    }) : () -> ()
    %add3A_155 = arith.constant 512 : i32
    %add3A_156 = arith.addi %mul3A_8, %add3A_155 : i32
    %dma_start3A_157 = arith.constant 0 : i32
    %dma_start3A_158 = tpu.memref_slice %arg4[%arg0, %add3A_156, %dma_start3A_157] : memref<2x10240x128xf32, #tpu.memory_space<hbm>> -> memref<1x128x128xf32, #tpu.memory_space<hbm>>
    %dma_start3A_159 = tpu.memref_squeeze %dma_start3A_158 : memref<1x128x128xf32, #tpu.memory_space<hbm>> -> memref<128x128xf32, #tpu.memory_space<hbm>>
    %dma_start3A_160 = arith.constant 0 : i32
    %dma_start3A_161 = tpu.memref_slice %arg4[%arg0, %add3A_156, %dma_start3A_160] : memref<2x10240x128xf32, #tpu.memory_space<hbm>> -> memref<1x128x128xf32, #tpu.memory_space<hbm>>
    %dma_start3A_162 = tpu.memref_squeeze %dma_start3A_161 : memref<1x128x128xf32, #tpu.memory_space<hbm>> -> memref<128x128xf32, #tpu.memory_space<hbm>>
    tpu.enqueue_dma source(%arg8 : memref<128x128xf32, #tpu.memory_space<vmem>>) target(%dma_start3A_162 : memref<128x128xf32, #tpu.memory_space<hbm>>) target_semaphore(%arg11 : memref<!tpu.dma_semaphore, #tpu.memory_space<semaphore_mem>>)
    %add3A_163 = arith.constant 384 : i32
    %add3A_164 = arith.addi %mul3A_8, %add3A_163 : i32
    %dma_wait3A_165 = arith.constant 0 : i32
    %dma_wait3A_166 = tpu.memref_slice %arg4[%arg0, %add3A_164, %dma_wait3A_165] : memref<2x10240x128xf32, #tpu.memory_space<hbm>> -> memref<1x128x128xf32, #tpu.memory_space<hbm>>
    %dma_wait3A_167 = tpu.memref_squeeze %dma_wait3A_166 : memref<1x128x128xf32, #tpu.memory_space<hbm>> -> memref<128x128xf32, #tpu.memory_space<hbm>>
    %dma_wait3A_168 = arith.constant 0 : i32
    %dma_wait3A_169 = tpu.memref_slice %arg4[%arg0, %add3A_164, %dma_wait3A_168] : memref<2x10240x128xf32, #tpu.memory_space<hbm>> -> memref<1x128x128xf32, #tpu.memory_space<hbm>>
    %dma_wait3A_170 = tpu.memref_squeeze %dma_wait3A_169 : memref<1x128x128xf32, #tpu.memory_space<hbm>> -> memref<128x128xf32, #tpu.memory_space<hbm>>
    tpu.wait_dma2 semaphore(%arg12 : memref<!tpu.dma_semaphore, #tpu.memory_space<semaphore_mem>>) src(%arg9 : memref<128x128xf32, #tpu.memory_space<vmem>>) dst(%dma_wait3A_170 : memref<128x128xf32, #tpu.memory_space<hbm>>)
    %add3A_171 = arith.constant 512 : i32
    %add3A_172 = arith.addi %mul3A_8, %add3A_171 : i32
    %dma_wait3A_173 = arith.constant 0 : i32
    %dma_wait3A_174 = tpu.memref_slice %arg4[%arg0, %add3A_172, %dma_wait3A_173] : memref<2x10240x128xf32, #tpu.memory_space<hbm>> -> memref<1x128x128xf32, #tpu.memory_space<hbm>>
    %dma_wait3A_175 = tpu.memref_squeeze %dma_wait3A_174 : memref<1x128x128xf32, #tpu.memory_space<hbm>> -> memref<128x128xf32, #tpu.memory_space<hbm>>
    %dma_wait3A_176 = arith.constant 0 : i32
    %dma_wait3A_177 = tpu.memref_slice %arg4[%arg0, %add3A_172, %dma_wait3A_176] : memref<2x10240x128xf32, #tpu.memory_space<hbm>> -> memref<1x128x128xf32, #tpu.memory_space<hbm>>
    %dma_wait3A_178 = tpu.memref_squeeze %dma_wait3A_177 : memref<1x128x128xf32, #tpu.memory_space<hbm>> -> memref<128x128xf32, #tpu.memory_space<hbm>>
    tpu.wait_dma2 semaphore(%arg11 : memref<!tpu.dma_semaphore, #tpu.memory_space<semaphore_mem>>) src(%arg8 : memref<128x128xf32, #tpu.memory_space<vmem>>) dst(%dma_wait3A_178 : memref<128x128xf32, #tpu.memory_space<hbm>>)
    return
  }
}

module attributes {stable_mosaic.version = 14 : i64} {
  func.func @_lin_body(%arg0: memref<32x10000xf32, #tpu.memory_space<vmem>>, %arg1: memref<10000x128xf32, #tpu.memory_space<vmem>>, %arg2: memref<128x128xf32, #tpu.memory_space<vmem>>, %arg3: memref<10000x128xf32, #tpu.memory_space<vmem>>, %arg4: memref<10000x1xf32, #tpu.memory_space<vmem>>) attributes {dimension_semantics = [], scalar_prefetch = 0 : i64, scratch_operands = 0 : i64, tpu.core_type = #tpu.core_type<tc>} {
    %get3A = arith.constant 0 : index
    %get3A_0 = arith.constant 0 : index
    %get3A_1 = vector.load %arg0[%get3A, %get3A_0] : memref<32x10000xf32, #tpu.memory_space<vmem>>, vector<32x10000xf32>
    %reduce_sum3A = arith.constant dense<0.000000e+00> : vector<10000xf32>
    %reduce_sum3A_2 = vector.multi_reduction <add>, %get3A_1, %reduce_sum3A [0] : vector<32x10000xf32> to vector<10000xf32>
    %add3A = arith.constant 1.000000e+00 : f32
    %add3A_3 = vector.broadcast %add3A : f32 to vector<10000xf32>
    %add3A_4 = arith.addf %reduce_sum3A_2, %add3A_3 : vector<10000xf32>
    %gt3A = arith.constant 0.000000e+00 : f32
    %gt3A_5 = vector.broadcast %gt3A : f32 to vector<10000xf32>
    %gt3A_6 = arith.cmpf ogt, %add3A_4, %gt3A_5 : vector<10000xf32>
    %rsqrt3A = math.rsqrt %add3A_4 : vector<10000xf32>
    %jit3A = arith.constant 0.000000e+00 : f32
    %broadcast_in_dim3A = vector.broadcast %jit3A : f32 to vector<10000xf32>
    %select_n3A = arith.select %gt3A_6, %rsqrt3A, %broadcast_in_dim3A : vector<10000xi1>, vector<10000xf32>
    %get3A_7 = arith.constant 0 : index
    %get3A_8 = arith.constant 0 : index
    %get3A_9 = vector.load %arg1[%get3A_7, %get3A_8] : memref<10000x128xf32, #tpu.memory_space<vmem>>, vector<10000x128xf32>
    %get3A_10 = arith.constant 0 : index
    %get3A_11 = arith.constant 0 : index
    %get3A_12 = vector.load %arg2[%get3A_10, %get3A_11] : memref<128x128xf32, #tpu.memory_space<vmem>>, vector<128x128xf32>
    %dot_general3A = arith.constant dense<0.000000e+00> : vector<10000x128xf32>
    %dot_general3A_13 = tpu.matmul %get3A_9, %get3A_12, %dot_general3A {dimension_numbers = #tpu.dot_dimension_numbers<[1], [0], [0], [1], [0, 0, 1, 1], [], []>, transpose_lhs_hint = false} : vector<10000x128xf32>, vector<128x128xf32>, vector<10000x128xf32> -> vector<10000x128xf32>
    %broadcast_in_dim3A_14 = vector.shape_cast %select_n3A : vector<10000xf32> to vector<10000x1xf32>
    %mul3A = vector.broadcast %broadcast_in_dim3A_14 : vector<10000x1xf32> to vector<10000x128xf32>
    %mul3A_15 = arith.mulf %dot_general3A_13, %mul3A : vector<10000x128xf32>
    %swap3A = arith.constant 0 : index
    %swap3A_16 = arith.constant 0 : index
    %swap3A_17 = vector.load %arg3[%swap3A, %swap3A_16] : memref<10000x128xf32, #tpu.memory_space<vmem>>, vector<10000x128xf32>
    tpu.vector_store %arg3[%swap3A, %swap3A_16], %mul3A_15 {strides = array<i32>} : memref<10000x128xf32, #tpu.memory_space<vmem>>, vector<10000x128xf32>,
    %broadcast_in_dim3A_18 = vector.shape_cast %select_n3A : vector<10000xf32> to vector<10000x1xf32>
    %swap3A_19 = arith.constant 0 : index
    %swap3A_20 = arith.constant 0 : index
    %swap3A_21 = vector.load %arg4[%swap3A_19, %swap3A_20] : memref<10000x1xf32, #tpu.memory_space<vmem>>, vector<10000x1xf32>
    tpu.vector_store %arg4[%swap3A_19, %swap3A_20], %broadcast_in_dim3A_18 {strides = array<i32>} : memref<10000x1xf32, #tpu.memory_space<vmem>>, vector<10000x1xf32>,
    return
  }
}

module attributes {stable_mosaic.version = 14 : i64} {
  func.func @_epi_body(%arg0: i32, %arg1: memref<1000x128xf32, #tpu.memory_space<vmem>>, %arg2: memref<1000x128xf32, #tpu.memory_space<vmem>>, %arg3: memref<2x1000x128xf32, #tpu.memory_space<vmem>>, %arg4: memref<1000x1xf32, #tpu.memory_space<vmem>>, %arg5: memref<1x128xf32, #tpu.memory_space<vmem>>, %arg6: memref<1000x128xf32, #tpu.memory_space<vmem>>) attributes {dimension_semantics = [#tpu.dimension_semantics<arbitrary>], iteration_bounds = array<i64: 10>, scalar_prefetch = 0 : i64, scratch_operands = 0 : i64, tpu.core_type = #tpu.core_type<tc>, window_params = [{transform_indices = @transform_0, window_bounds = array<i64: 1000, 128>}, {transform_indices = @transform_1, window_bounds = array<i64: 1000, 128>}, {transform_indices = @transform_2, window_bounds = array<i64: 2, 1000, 128>}, {transform_indices = @transform_3, window_bounds = array<i64: 1000, 1>}, {pipeline_mode = #tpu.pipeline_mode<synchronous>, transform_indices = @transform_4, window_bounds = array<i64: 1, 128>}, {transform_indices = @transform_5, window_bounds = array<i64: 1000, 128>}]} {
    %get3A = arith.constant 0 : index
    %get3A_0 = arith.constant 0 : index
    %get3A_1 = arith.constant 0 : index
    %get3A_2 = vector.load %arg3[%get3A, %get3A_0, %get3A_1] : memref<2x1000x128xf32, #tpu.memory_space<vmem>>, vector<1x1000x128xf32>
    %get3A_3 = vector.shape_cast %get3A_2 : vector<1x1000x128xf32> to vector<1000x128xf32>
    %get3A_4 = arith.constant 1 : index
    %get3A_5 = arith.constant 0 : index
    %get3A_6 = arith.constant 0 : index
    %get3A_7 = vector.load %arg3[%get3A_4, %get3A_5, %get3A_6] : memref<2x1000x128xf32, #tpu.memory_space<vmem>>, vector<1x1000x128xf32>
    %get3A_8 = vector.shape_cast %get3A_7 : vector<1x1000x128xf32> to vector<1000x128xf32>
    %add3A = arith.addf %get3A_3, %get3A_8 : vector<1000x128xf32>
    %get3A_9 = arith.constant 0 : index
    %get3A_10 = arith.constant 0 : index
    %get3A_11 = vector.load %arg2[%get3A_9, %get3A_10] : memref<1000x128xf32, #tpu.memory_space<vmem>>, vector<1000x128xf32>
    %add3A_12 = arith.addf %add3A, %get3A_11 : vector<1000x128xf32>
    %get3A_13 = arith.constant 0 : index
    %get3A_14 = arith.constant 0 : index
    %get3A_15 = vector.load %arg4[%get3A_13, %get3A_14] : memref<1000x1xf32, #tpu.memory_space<vmem>>, vector<1000x1xf32>
    %mul3A = vector.broadcast %get3A_15 : vector<1000x1xf32> to vector<1000x128xf32>
    %mul3A_16 = arith.mulf %mul3A, %add3A_12 : vector<1000x128xf32>
    %get3A_17 = arith.constant 0 : index
    %get3A_18 = arith.constant 0 : index
    %get3A_19 = vector.load %arg5[%get3A_17, %get3A_18] : memref<1x128xf32, #tpu.memory_space<vmem>>, vector<1x128xf32>
    %add3A_20 = vector.broadcast %get3A_19 : vector<1x128xf32> to vector<1000x128xf32>
    %add3A_21 = arith.addf %mul3A_16, %add3A_20 : vector<1000x128xf32>
    %get3A_22 = arith.constant 0 : index
    %get3A_23 = arith.constant 0 : index
    %get3A_24 = vector.load %arg1[%get3A_22, %get3A_23] : memref<1000x128xf32, #tpu.memory_space<vmem>>, vector<1000x128xf32>
    %max3A = arith.constant 0.000000e+00 : f32
    %max3A_25 = vector.broadcast %max3A : f32 to vector<1000x128xf32>
    %max3A_26 = arith.maximumf %add3A_21, %max3A_25 : vector<1000x128xf32>
    %add3A_27 = arith.addf %get3A_24, %max3A_26 : vector<1000x128xf32>
    %swap3A = arith.constant 0 : index
    %swap3A_28 = arith.constant 0 : index
    %swap3A_29 = vector.load %arg6[%swap3A, %swap3A_28] : memref<1000x128xf32, #tpu.memory_space<vmem>>, vector<1000x128xf32>
    tpu.vector_store %arg6[%swap3A, %swap3A_28], %add3A_27 {strides = array<i32>} : memref<1000x128xf32, #tpu.memory_space<vmem>>, vector<1000x128xf32>,
    return
  }
  func.func @transform_0(%arg0: i32) -> (i32, i32) {
    %c0_i32 = arith.constant 0 : i32
    %c0_i32_0 = arith.constant 0 : i32
    return %arg0, %c0_i32 : i32, i32
  }
  func.func @transform_1(%arg0: i32) -> (i32, i32) {
    %c0_i32 = arith.constant 0 : i32
    %c0_i32_0 = arith.constant 0 : i32
    return %arg0, %c0_i32 : i32, i32
  }
  func.func @transform_2(%arg0: i32) -> (i32, i32, i32) {
    %c0_i32 = arith.constant 0 : i32
    %c0_i32_0 = arith.constant 0 : i32
    %c0_i32_1 = arith.constant 0 : i32
    return %c0_i32, %arg0, %c0_i32_0 : i32, i32, i32
  }
  func.func @transform_3(%arg0: i32) -> (i32, i32) {
    %c0_i32 = arith.constant 0 : i32
    %c0_i32_0 = arith.constant 0 : i32
    return %arg0, %c0_i32 : i32, i32
  }
  func.func @transform_4(%arg0: i32) -> (i32, i32) {
    %c0_i32 = arith.constant 0 : i32
    %c0_i32_0 = arith.constant 0 : i32
    %c0_i32_1 = arith.constant 0 : i32
    return %c0_i32, %c0_i32_0 : i32, i32
  }
  func.func @transform_5(%arg0: i32) -> (i32, i32) {
    %c0_i32 = arith.constant 0 : i32
    %c0_i32_0 = arith.constant 0 : i32
    return %arg0, %c0_i32 : i32, i32
  }
}

</mosaic_0001>

<sc_bundles>
// kernel: kernel.6.cloned.1.call-start
scs
__scs_entry_jumppad:
0x0: {  	(pc) =	sbr.rel $0x88, $3  }
0x1: {  	(tag) =	ssettag $0x0;
	lr =	simm.s32 $0x1  }
0x2: {  	[smem:$0x3F9C] =	sst lr;
	_ =	strace $0xD0000000  }
0x3: {  	_ = 	snop  }
0x4: {  	_ = 	snop  }
0x5: {  	_ = 	snop  }
0x6: {  	_ = 	snop  }
0x7: {  	_ = 	snop  }
__scs_overlays_trampoline_lowered:
0x8: {  	[smem:$0x3FAB] =	sst s0  }
0x9: {  	[smem:$0x3FAC] =	sst s1  }
0xa: {  	[smem:$0x3FAD] =	sst s2  }
0xb: {  	[smem:$0x3FAE] =	sst s3  }
0xc: {  	[smem:$0x3FAF] =	sst s4  }
0xd: {  	[smem:$0x3FB0] =	sst s5  }
0xe: {  	[smem:$0x3FB1] =	sst s6  }
0xf: {  	[smem:$0x3FB2] =	sst s7  }
0x10: {  	[smem:$0x3FB3] =	sst s8  }
0x11: {  	[smem:$0x3FB4] =	sst s9;
	s0 =	simm.s32 @!p0 $0x0  }
0x12: {  	s1 =	sld [smem:$0x3F9A];
	s0 =	simm.s32 @p0 $0x1  }
0x13: {  	[smem:$0x3FB5] =	sst s0;
	s0 =	simm.s32 @!p1 $0x0  }
0x14: {  	s2 =	sld [smem:$0x3F99];
	s0 =	simm.s32 @p1 $0x1  }
0x15: {  	[smem:$0x3FB6] =	sst s0;
	s0 =	simm.s32 @!p2 $0x0  }
0x16: {  	s3 =	sld [smem:$0x3FDB];
	s0 =	simm.s32 @p2 $0x1  }
0x17: {  	s4 =	simm.s32 $0x1BF5;
	[smem:$0x3FB8] =	sst s0  }
0x18: {  	s0 =	sld [smem:$0x3F9B];
	_ =	swait.ge [sflag:s4], $0x0  }
0x19: {  	s7 =	sld [smem:$0x3F9C]  }
0x1a: {  	s8 =	sadd.s32 $0xFFFFE003, lr  }
0x1b: {  	s9 =	sadd.s32 $0xFFFFFEF7, lr;
	s5 =	simm.s32 $0xFFFFFFFF;
	p2 =	slt.u32 s8, $0xFFFFF086  }
0x1c: {  	p1 =	slt.u32 s9, $0xF7A;
	s5 =	simm.s32 @!p2 $0x0  }
0x1d: {  	s5 =	simm.s32 @p1 $0x1;
	p0 =	seq.s32 s7, s2  }
0x1e: {  	s7 =	smul.u32 @!p0 $0xF7A, s2;
	p2 =	seq.s32 @!p0 s5, $0x0  }
0x1f: {  	s9 =	smul.u32 $0xF7A, s1;
	s8 =	simm.s32 @!p0 $0x1BF5;
	p2 =	por !p2, p0  }
0x20: {  	[sflag:s8] =	ssyncset.s32 @!p0 $0xFFFFF086;
	s6 =	sadd.s32 @!p0 s3, s7;
	s7 =	simm.s32 @!p0 $0x108  }
0x21: {  	s3 =	sadd.s32 s3, s9;
	s6 =	sadd.s32 @!p0 $0x88, s6;
	s7 =	simm.s32 @p2 $0x1082  }
0x22: {  	[simem:s7], [sflag:s8] =	dma.local @!p0 [hbm:s6], $0xF7A  }
0x23: {  	s9 =	sor.u32 $0xD0000000, s2;
	s6 =	simm.s32 $0x108;
	_ =	swait.ge @!p0 [sflag:s8], $0x0  }
0x24: {  	s3 =	sadd.s32 $0x88, s3;
	s6 =	simm.s32 @!p1 $0x1082;
	[sflag:s4] =	ssyncset.s32 $0xFFFFF086  }
0x25: {  	[simem:s6], [sflag:s4] =	dma.local [hbm:s3], $0xF7A  }
0x26: {  	[smem:$0x3F9C] =	sst s1;
	(tag) =	ssettag s2;
	_ =	strace s9  }
0x27: {  	s1 =	sld [smem:$0x3FAC]  }
0x28: {  	s2 =	sld [smem:$0x3FAD]  }
0x29: {  	s4 =	sld [smem:$0x3FAF]  }
0x2a: {  	p0 =	seq.s32 s5, $0x0;
	s5 =	sld [smem:$0x3FB0]  }
0x2b: {  	s6 =	sld [smem:$0x3FB1]  }
0x2c: {  	s7 =	sld [smem:$0x3FB2]  }
0x2d: {  	s3 =	simm.s32 $0x108;
	s8 =	sld [smem:$0x3FB3]  }
0x2e: {  	s3 =	simm.s32 @!p0 $0x1082;
	s9 =	sld [smem:$0x3FB4]  }
0x2f: {  	lr =	sadd.s32 s0, s3;
	s0 =	sld [smem:$0x3FAB]  }
0x30: {  	s3 =	sld [smem:$0x3FAE]  }
0x31: {  	[smem:$0x3FB7] =	sst s10  }
0x32: {  	s10 =	sld [smem:$0x3FB5];
	_ =	sdelay $0x3  }
0x33: {  	p0 =	seq.s32 s10, $0x1;
	s10 =	sld [smem:$0x3FB7];
	_ =	sdelay $0x3  }
0x34: {  	[smem:$0x3FB7] =	sst s10  }
0x35: {  	s10 =	sld [smem:$0x3FB6];
	_ =	sdelay $0x3  }
0x36: {  	p1 =	seq.s32 s10, $0x1;
	s10 =	sld [smem:$0x3FB7];
	_ =	sdelay $0x3  }
0x37: {  	[smem:$0x3FB7] =	sst s10  }
0x38: {  	s10 =	sld [smem:$0x3FB8]  }
0x39: {  	_ = 	snop;
	(pc) =	sbr.ind lr, $3  }
0x3a: {  	_ = 	snop  }
0x3b: {  	_ = 	snop  }
0x3c: {  	p2 =	seq.s32 s10, $0x1;
	s10 =	sld [smem:$0x3FB7]  }
0x3d: {  	_ =	shalt  }
0x3e: {  	_ =	shalt  }
0x3f: {  	_ =	shalt  }
0x40: {  	_ =	shalt  }
0x41: {  	_ =	shalt  }
0x42: {  	_ =	shalt  }
0x43: {  	_ =	shalt  }
0x44: {  	_ =	shalt  }
0x45: {  	_ =	shalt  }
0x46: {  	_ =	shalt  }
0x47: {  	_ =	shalt  }
0x48: {  	_ =	shalt  }
0x49: {  	_ =	shalt  }
0x4a: {  	_ =	shalt  }
0x4b: {  	_ =	shalt  }
0x4c: {  	_ =	shalt  }
0x4d: {  	_ =	shalt  }
0x4e: {  	_ =	shalt  }
0x4f: {  	_ =	shalt  }
0x50: {  	_ =	shalt  }
0x51: {  	_ =	shalt  }
0x52: {  	_ =	shalt  }
0x53: {  	_ =	shalt  }
0x54: {  	_ =	shalt  }
0x55: {  	_ =	shalt  }
0x56: {  	_ =	shalt  }
0x57: {  	_ =	shalt  }
0x58: {  	_ =	shalt  }
0x59: {  	_ =	shalt  }
0x5a: {  	_ =	shalt  }
0x5b: {  	_ =	shalt  }
0x5c: {  	_ =	shalt  }
0x5d: {  	_ =	shalt  }
0x5e: {  	_ =	shalt  }
0x5f: {  	_ =	shalt  }
0x60: {  	_ =	shalt  }
0x61: {  	_ =	shalt  }
0x62: {  	_ =	shalt  }
0x63: {  	_ =	shalt  }
0x64: {  	_ =	shalt  }
0x65: {  	_ =	shalt  }
0x66: {  	_ =	shalt  }
0x67: {  	_ =	shalt  }
0x68: {  	_ =	shalt  }
0x69: {  	_ =	shalt  }
0x6a: {  	_ =	shalt  }
0x6b: {  	_ =	shalt  }
0x6c: {  	_ =	shalt  }
0x6d: {  	_ =	shalt  }
0x6e: {  	_ =	shalt  }
0x6f: {  	_ =	shalt  }
0x70: {  	_ =	shalt  }
0x71: {  	_ =	shalt  }
0x72: {  	_ =	shalt  }
0x73: {  	_ =	shalt  }
0x74: {  	_ =	shalt  }
0x75: {  	_ =	shalt  }
0x76: {  	_ =	shalt  }
0x77: {  	_ =	shalt  }
0x78: {  	_ =	shalt  }
0x79: {  	_ =	shalt  }
0x7a: {  	_ =	shalt  }
0x7b: {  	_ =	shalt  }
0x7c: {  	_ =	shalt  }
0x7d: {  	_ =	shalt  }
0x7e: {  	_ =	shalt  }
0x7f: {  	_ =	shalt  }
0x80: {  	_ =	shalt  }
0x81: {  	_ =	shalt  }
0x82: {  	_ =	shalt  }
0x83: {  	_ =	shalt  }
0x84: {  	_ =	shalt  }
0x85: {  	_ =	shalt  }
0x86: {  	_ =	shalt  }
0x87: {  	_ =	shalt  }
.Lfunc_end0:
.L_simem_size_0:
called_computation_lowered:
.L_overlay_start_0:
0x88: {  	s2 =	sld [smem:$0x3FD9]  }
0x89: {  	s3 =	sld [smem:$0x3FFE];
	_ =	sdelay $0x1  }
0x8a: {  	s1 =	srdreg.scid  }
0x8b: {  	s0 =	sand.u32 $0x1, s1  }
0x8c: {  	s17 =	sshll.u32 s0, $0xA;
	s2 =	sadd.s32 s3, s2  }
0x8d: {  	s2 =	sadd.s32 s2, s17  }
0x8e: {  	[smem:$0x3FC3] =	sst s2  }
0x8f: {  	_ = 	snop  }
0x90: {  	s2 =	sld [smem:$0x3FD0];
	(tm) =	ssettm $0x1  }
0x91: {  	s18 =	sld [smem:$0x3FFB];
	_ =	sdelay $0x3  }
0x92: {  	_ =	strace s18  }
0x93: {  	s3 =	sld [smem:$0x3FFC];
	_ =	sdelay $0x3  }
0x94: {  	_ =	strace s3  }
0x95: {  	s3 =	sld [smem:$0x3FFD];
	_ =	sdelay $0x3  }
0x96: {  	_ =	strace s3  }
0x97: {  	_ =	strace $0x8FFFFFFF  }
0x98: {  	s19 =	sld [smem:$0x3FDB];
	_ =	sdelay $0x1  }
0x99: {  	s4 =	simm.s32 $_scs_section_size  }
0x9a: {  	s5 =	simm.s32 $_size__tile_overlayer_lowered;
	s6 =	simm.s32 $_tile_overlayer_lowered  }
0x9b: {  	s22 =	simm.s32 $0x1BFF;
	s21 =	sshll.u32 s6, $0x1;
	s3 =	sadd.s32 s4, s19  }
0x9c: {  	s7 =	simm.s32 $0x0;
	s20 =	sshll.u32 s5, $0x1;
	s5 =	sadd.s32 s21, s3  }
0x9d: {  	[timem:s7], [sflag:s22] =	dma.local [hbm:s5], s20  }
0x9e: {  	_ =	swait.ge [sflag:s22], s20  }
0x9f: {  	s4 =	ssub.s32 $0x0, s20;
	[sflag:s22] =	ssyncset.done $0x0  }
0xa0: {  	[sflag:s22] =	ssyncadd.s32 s4;
	_ =	sdelay $0x1  }
0xa1: {  	s23 =	simm.s32 $0x1B8B  }
0xa2: {  	_ =	swait.ge [sflag:s23], $0x1  }
0xa3: {  	[sflag:s23] =	ssyncset.done $0x0  }
0xa4: {  	s25 =	simm.s32 $0x1B8E;
	s24 =	sld [smem:$0x3FFE];
	[sflag:s23] =	ssyncadd.s32 $0xFFFFFFFF  }
0xa5: {  	s26 =	simm.s32 $execute0_lowered;
	[smem:$0x3FD2] =	sst s25  }
0xa6: {  	s5 =	sshll.u32 s26, $0x1;
	_ =	strace $0x80000046;
	[dreg:$0x1] =	wrdreg $0xFFFFFFFF  }
0xa7: {  	s28 =	simm.s32 $_size_execute0_lowered;
	s3 =	sadd.s32 s3, s5;
	[dreg:$0x0] =	wrdreg $0x0  }
0xa8: {  	s5 =	sshll.u32 s28, $0x1;
	[dreg:$0x2] =	wrdreg s3  }
0xa9: {  	[dreg:$0x3] =	wrdreg s5  }
0xaa: {  	[dreg:$0x4] =	wrdreg $0xC0  }
0xab: {  	_ =	task [dreg:s7], $0x5FFFF  }
0xac: {  	[dreg:$0x1] =	wrdreg $0xFFFFFFFF  }
0xad: {  	[dreg:$0x0] =	wrdreg $0x60  }
0xae: {  	[dreg:$0x2] =	wrdreg s24  }
0xaf: {  	[dreg:$0x3] =	wrdreg s2  }
0xb0: {  	[dreg:$0x4] =	wrdreg $0x9  }
0xb1: {  	_ =	task.clear_ibuf [dreg:s7], $0x5FFFF;
	_ =	strace $0x90000046  }
0xb2: {  	s29 =	simm.s32 $0x9;
	_ =	strace $0x80000048  }
0xb3: {  	_ =	swait.ge [sflag:s29], $0x1  }
0xb4: {  	[sflag:s29] =	ssyncadd.s32 $0xFFFFFFFF  }
0xb5: {  	_ =	strace $0x90000048  }
0xb6: {  	_ =	sfence  }
0xb7: {  	s30 =	sld [smem:$0x0];
	_ =	sdelay $0x2  }
0xb8: {  	s31 =	sshll.u32 s1, $0xD;
	s1 =	sshrl.u32 s1, $0x2  }
0xb9: {  	s3 =	sand.u32 $0x4000, s31;
	s1 =	sadd.s32 s1, s30  }
0xba: {  	s0 =	sor.u32 s3, s0;
	s1 =	sshll.u32 s1, $0x11  }
0xbb: {  	s0 =	sor.u32 s1, s0  }
0xbc: {  	s0 =	sadd.s32 $0x8F2B, s0  }
0xbd: {  	[sflag:s0] =	ssyncadd.remote.s32 $0x1  }
0xbe: {  	_ =	sfence.sel $0xFFFF  }
0xbf: {  	[dreg:$0x0] =	wrdreg $0xFFFFFFFF;
	(pc) =	sbr.abs _section_cstart, $3  }
0xc0: {  	[dreg:$0x1] =	wrdreg $0xFFFFFFFF  }
0xc1: {  	_ =	task.clear_ibuf [dreg:s7], $0x2FFFF;
	_ =	strace $0x9FFFFFFF  }
0xc2: {  	(tm) =	ssettm $0x7FFFFFFF  }
0xc3: {  	_ =	shalt  }
tec
execute0_lowered:
.L_overlay_start_1:
0x0: {  	(tag) =	ssettag $0x1  }
0x1: {  	s0 =	srdreg.scid  }
0x2: {  	s3 =	rddreg [dreg:$0x0];
	s4 =	sand.u32 $0x1, s0  }
0x3: {  	s5 =	rddreg [dreg:$0x1];
	s1 =	stileid.u32;
	s2 =	sshll.u32 s4, $0x4  }
0x4: {  	s0 =	rddreg [dreg:$0x2];
	s6 =	sor.u32 s1, s2  }
0x5: {  	s4 =	ssub.s32 $0x2, s4;
	s2 =	simm.s32 $0x0;
	s7 =	smul.u32 $0xF00, s6  }
0x6: {  	s8 =	sshrl.u32 s4, $0x1;
	[smem:$0x7FF] =	sst s2;
	s6 =	smul.u32 $0x4E2, s6  }
0x7: {  	s31 =	ssub.s32 s4, s8;
	s8 =	simm.s32 $0x0;
	_ =	strace $0x80000047  }
0x8: {  	s3 =	sadd.s32 s7, s3;
	s4 =	sadd.s32 s5, s6;
	s5 =	smax.u32 s31, $0x1  }
0x9: {  	v0 =	vimm.f32 $0.0e+00;
	s6 =	simm.s32 $0x1;
	s7 =	simm.s32 $0x7800;
	s3 =	sadd.s32 $0x1A00, s3  }
.LBB2_1:
0xa: {  	[tilespmem:s2], [sflag:$0x1] =	stream.linear.gather [hbm4b:s3+s2], $0x7800, $0x38;
	[tilespmem:$0x9F80] =	vst v63  }
0xb: {  	_ =	swait.ge [sflag:s6], $0x7800  }
0xc: {  	[sflag:s6] =	ssyncset.done $0x0  }
0xd: {  	s9 =	simm.s32 $0x0;
	[sflag:s6] =	ssyncadd.s32 $0xFFFF8800  }
.LBB2_2:
0xe: {  	p0 =	sne.s32 s9, $0x9C00  }
.Ltmp0:
0xf: {  	_ = 	snop;
	(pc) =	sbr.rel @p0 .LBB2_2-.Ltmp0, $3  }
0x10: {  	_ =	sdelay $0x1  }
0x11: {  	s10 =	sshra.s32 s9, $0x2  }
0x12: {  	s9 =	sadd.s32 $0x40, s9;
	[tilespmem:s10+$0x7800] =	vst v0  }
0x13: {  	s9 =	simm.s32 $0xFFFE2000  }
.LBB2_4:
0x14: {  	s10 =	sshra.s32 s9, $0x2  }
0x15: {  	v1 =	vld [tilespmem:s10+$0x7880];
	_ =	sdelay $0x2  }
0x16: {  	v2 =	vld [tilespmem:s10+$0x7900];
	_ =	sdelay $0x4  }
0x17: {  	[tilespmem:v1+s7+$0x0] =	vst.idx.add.f32.msk $0xffff, v2  }
0x18: {  	v1 =	vld [tilespmem:s10+$0x7890];
	_ =	sdelay $0x2  }
0x19: {  	v2 =	vld [tilespmem:s10+$0x7910];
	_ =	sdelay $0x4  }
0x1a: {  	[tilespmem:v1+s7+$0x0] =	vst.idx.add.f32.msk $0xffff, v2  }
0x1b: {  	v1 =	vld [tilespmem:s10+$0x78A0];
	_ =	sdelay $0x2  }
0x1c: {  	v2 =	vld [tilespmem:s10+$0x7920];
	_ =	sdelay $0x4  }
0x1d: {  	[tilespmem:v1+s7+$0x0] =	vst.idx.add.f32.msk $0xffff, v2  }
0x1e: {  	v1 =	vld [tilespmem:s10+$0x78B0];
	_ =	sdelay $0x2  }
0x1f: {  	v2 =	vld [tilespmem:s10+$0x7930];
	_ =	sdelay $0x4  }
0x20: {  	[tilespmem:v1+s7+$0x0] =	vst.idx.add.f32.msk $0xffff, v2  }
0x21: {  	v1 =	vld [tilespmem:s10+$0x78C0];
	_ =	sdelay $0x2  }
0x22: {  	v2 =	vld [tilespmem:s10+$0x7940];
	_ =	sdelay $0x4  }
0x23: {  	[tilespmem:v1+s7+$0x0] =	vst.idx.add.f32.msk $0xffff, v2  }
0x24: {  	v1 =	vld [tilespmem:s10+$0x78D0];
	_ =	sdelay $0x2  }
0x25: {  	v2 =	vld [tilespmem:s10+$0x7950];
	_ =	sdelay $0x4  }
0x26: {  	[tilespmem:v1+s7+$0x0] =	vst.idx.add.f32.msk $0xffff, v2  }
0x27: {  	v1 =	vld [tilespmem:s10+$0x78E0];
	_ =	sdelay $0x2  }
0x28: {  	v2 =	vld [tilespmem:s10+$0x7960];
	_ =	sdelay $0x4  }
0x29: {  	[tilespmem:v1+s7+$0x0] =	vst.idx.add.f32.msk $0xffff, v2  }
0x2a: {  	v1 =	vld [tilespmem:s10+$0x78F0];
	_ =	sdelay $0x2  }
0x2b: {  	p0 =	sne.s32 s9, $0xFFFFFA00;
	v2 =	vld [tilespmem:s10+$0x7970]  }
.Ltmp1:
0x2c: {  	_ = 	snop;
	(pc) =	sbr.rel @p0 .LBB2_4-.Ltmp1, $2  }
0x2d: {  	_ =	sdelay $0x2  }
0x2e: {  	s9 =	sadd.s32 $0x600, s9;
	[tilespmem:v1+s7+$0x0] =	vst.idx.add.f32.msk $0xffff, v2  }
0x2f: {  	s8 =	sadd.s32 $0x1, s8  }
0x30: {  	p0 =	sne.s32 s8, s5  }
.Ltmp2:
0x31: {  	_ = 	snop;
	(pc) =	sbr.rel @p0 .LBB2_1-.Ltmp2, $4  }
0x32: {  	[hbm4b:s4+s2] =	stream.linear.scatter [tilespmem:s7], [sflag:$0x1], $0x2710, $0x38;
	[tilespmem:$0x9F80] =	vst v63  }
0x33: {  	_ =	swait.ge [sflag:s6], $0x2710  }
0x34: {  	[sflag:s6] =	ssyncset.done $0x0  }
0x35: {  	[sflag:s6] =	ssyncadd.s32 $0xFFFFD8F0  }
0x36: {  	_ =	sfence.sel $0x180000  }
0x37: {  	[bflag:$0x0] =	sbarrier.arrive $0xFFFF  }
0x38: {  	p0 =	sne.s32 s1, $0x0;
	_ =	strace $0x90000047  }
0x39: {  	s0 =	sadd.s32 @!p0 $0x100000, s0;
	[bflag:$0x2] =	sbarrier.arrive $0xFFFF  }
0x3a: {  	[sflag:s0] =	ssyncadd.tile.s32 @!p0 $0x1;
	_ =	shalt  }
.Lfunc_end2:
_tile_overlayer_lowered:
.L_overlay_start_2:
0x3b: {  	(tag) =	ssettag $0x2  }
0x3c: {  	s0 =	rddreg [dreg:$0x0];
	s2 =	stileid.u32  }
0x3d: {  	s1 =	rddreg [dreg:$0x1];
	p0 =	sne.s32 s2, $0x0  }
0x3e: {  	s3 =	rddreg [dreg:$0x2];
	[bflag:$0x3] =	sbarrier.arrive $0xFFFF;
	s2 =	simm.s32 @!p0 $0x1C01  }
0x3f: {  	[timem:s3], [sflag:s2] =	dma.local @!p0 [hbm:s0], s1  }
0x40: {  	s0 =	simm.s32 @!p0 $0x1  }
0x41: {  	_ =	swait.ge @!p0 [sflag:s0], s1  }
0x42: {  	s1 =	ssub.s32 @!p0 $0x0, s1;
	[sflag:s0] =	ssyncset.done @!p0 $0x0  }
0x43: {  	[sflag:s0] =	ssyncadd.s32 @!p0 s1  }
0x44: {  	[bflag:$0x3] =	sbarrier.arrive $0xFFFF  }
0x45: {  	_ =	shalt  }

// kernel: kernel.9.cloned.1.call-start
scs
__scs_entry_jumppad:
0x0: {  	(pc) =	sbr.rel $0x88, $3  }
0x1: {  	(tag) =	ssettag $0x0;
	lr =	simm.s32 $0x1  }
0x2: {  	[smem:$0x3F9C] =	sst lr;
	_ =	strace $0xD0000000  }
0x3: {  	_ = 	snop  }
0x4: {  	_ = 	snop  }
0x5: {  	_ = 	snop  }
0x6: {  	_ = 	snop  }
0x7: {  	_ = 	snop  }
__scs_overlays_trampoline_lowered:
0x8: {  	[smem:$0x3FAB] =	sst s0  }
0x9: {  	[smem:$0x3FAC] =	sst s1  }
0xa: {  	[smem:$0x3FAD] =	sst s2  }
0xb: {  	[smem:$0x3FAE] =	sst s3  }
0xc: {  	[smem:$0x3FAF] =	sst s4  }
0xd: {  	[smem:$0x3FB0] =	sst s5  }
0xe: {  	[smem:$0x3FB1] =	sst s6  }
0xf: {  	[smem:$0x3FB2] =	sst s7  }
0x10: {  	[smem:$0x3FB3] =	sst s8  }
0x11: {  	[smem:$0x3FB4] =	sst s9;
	s0 =	simm.s32 @!p0 $0x0  }
0x12: {  	s1 =	sld [smem:$0x3F9A];
	s0 =	simm.s32 @p0 $0x1  }
0x13: {  	[smem:$0x3FB5] =	sst s0;
	s0 =	simm.s32 @!p1 $0x0  }
0x14: {  	s2 =	sld [smem:$0x3F99];
	s0 =	simm.s32 @p1 $0x1  }
0x15: {  	[smem:$0x3FB6] =	sst s0;
	s0 =	simm.s32 @!p2 $0x0  }
0x16: {  	s3 =	sld [smem:$0x3FDB];
	s0 =	simm.s32 @p2 $0x1  }
0x17: {  	s4 =	simm.s32 $0x1BF5;
	[smem:$0x3FB8] =	sst s0  }
0x18: {  	s0 =	sld [smem:$0x3F9B];
	_ =	swait.ge [sflag:s4], $0x0  }
0x19: {  	s7 =	sld [smem:$0x3F9C]  }
0x1a: {  	s8 =	sadd.s32 $0xFFFFE003, lr  }
0x1b: {  	s9 =	sadd.s32 $0xFFFFFEF7, lr;
	s5 =	simm.s32 $0xFFFFFFFF;
	p2 =	slt.u32 s8, $0xFFFFF086  }
0x1c: {  	p1 =	slt.u32 s9, $0xF7A;
	s5 =	simm.s32 @!p2 $0x0  }
0x1d: {  	s5 =	simm.s32 @p1 $0x1;
	p0 =	seq.s32 s7, s2  }
0x1e: {  	s7 =	smul.u32 @!p0 $0xF7A, s2;
	p2 =	seq.s32 @!p0 s5, $0x0  }
0x1f: {  	s9 =	smul.u32 $0xF7A, s1;
	s8 =	simm.s32 @!p0 $0x1BF5;
	p2 =	por !p2, p0  }
0x20: {  	[sflag:s8] =	ssyncset.s32 @!p0 $0xFFFFF086;
	s6 =	sadd.s32 @!p0 s3, s7;
	s7 =	simm.s32 @!p0 $0x108  }
0x21: {  	s3 =	sadd.s32 s3, s9;
	s6 =	sadd.s32 @!p0 $0x88, s6;
	s7 =	simm.s32 @p2 $0x1082  }
0x22: {  	[simem:s7], [sflag:s8] =	dma.local @!p0 [hbm:s6], $0xF7A  }
0x23: {  	s9 =	sor.u32 $0xD0000000, s2;
	s6 =	simm.s32 $0x108;
	_ =	swait.ge @!p0 [sflag:s8], $0x0  }
0x24: {  	s3 =	sadd.s32 $0x88, s3;
	s6 =	simm.s32 @!p1 $0x1082;
	[sflag:s4] =	ssyncset.s32 $0xFFFFF086  }
0x25: {  	[simem:s6], [sflag:s4] =	dma.local [hbm:s3], $0xF7A  }
0x26: {  	[smem:$0x3F9C] =	sst s1;
	(tag) =	ssettag s2;
	_ =	strace s9  }
0x27: {  	s1 =	sld [smem:$0x3FAC]  }
0x28: {  	s2 =	sld [smem:$0x3FAD]  }
0x29: {  	s4 =	sld [smem:$0x3FAF]  }
0x2a: {  	p0 =	seq.s32 s5, $0x0;
	s5 =	sld [smem:$0x3FB0]  }
0x2b: {  	s6 =	sld [smem:$0x3FB1]  }
0x2c: {  	s7 =	sld [smem:$0x3FB2]  }
0x2d: {  	s3 =	simm.s32 $0x108;
	s8 =	sld [smem:$0x3FB3]  }
0x2e: {  	s3 =	simm.s32 @!p0 $0x1082;
	s9 =	sld [smem:$0x3FB4]  }
0x2f: {  	lr =	sadd.s32 s0, s3;
	s0 =	sld [smem:$0x3FAB]  }
0x30: {  	s3 =	sld [smem:$0x3FAE]  }
0x31: {  	[smem:$0x3FB7] =	sst s10  }
0x32: {  	s10 =	sld [smem:$0x3FB5];
	_ =	sdelay $0x3  }
0x33: {  	p0 =	seq.s32 s10, $0x1;
	s10 =	sld [smem:$0x3FB7];
	_ =	sdelay $0x3  }
0x34: {  	[smem:$0x3FB7] =	sst s10  }
0x35: {  	s10 =	sld [smem:$0x3FB6];
	_ =	sdelay $0x3  }
0x36: {  	p1 =	seq.s32 s10, $0x1;
	s10 =	sld [smem:$0x3FB7];
	_ =	sdelay $0x3  }
0x37: {  	[smem:$0x3FB7] =	sst s10  }
0x38: {  	s10 =	sld [smem:$0x3FB8]  }
0x39: {  	_ = 	snop;
	(pc) =	sbr.ind lr, $3  }
0x3a: {  	_ = 	snop  }
0x3b: {  	_ = 	snop  }
0x3c: {  	p2 =	seq.s32 s10, $0x1;
	s10 =	sld [smem:$0x3FB7]  }
0x3d: {  	_ =	shalt  }
0x3e: {  	_ =	shalt  }
0x3f: {  	_ =	shalt  }
0x40: {  	_ =	shalt  }
0x41: {  	_ =	shalt  }
0x42: {  	_ =	shalt  }
0x43: {  	_ =	shalt  }
0x44: {  	_ =	shalt  }
0x45: {  	_ =	shalt  }
0x46: {  	_ =	shalt  }
0x47: {  	_ =	shalt  }
0x48: {  	_ =	shalt  }
0x49: {  	_ =	shalt  }
0x4a: {  	_ =	shalt  }
0x4b: {  	_ =	shalt  }
0x4c: {  	_ =	shalt  }
0x4d: {  	_ =	shalt  }
0x4e: {  	_ =	shalt  }
0x4f: {  	_ =	shalt  }
0x50: {  	_ =	shalt  }
0x51: {  	_ =	shalt  }
0x52: {  	_ =	shalt  }
0x53: {  	_ =	shalt  }
0x54: {  	_ =	shalt  }
0x55: {  	_ =	shalt  }
0x56: {  	_ =	shalt  }
0x57: {  	_ =	shalt  }
0x58: {  	_ =	shalt  }
0x59: {  	_ =	shalt  }
0x5a: {  	_ =	shalt  }
0x5b: {  	_ =	shalt  }
0x5c: {  	_ =	shalt  }
0x5d: {  	_ =	shalt  }
0x5e: {  	_ =	shalt  }
0x5f: {  	_ =	shalt  }
0x60: {  	_ =	shalt  }
0x61: {  	_ =	shalt  }
0x62: {  	_ =	shalt  }
0x63: {  	_ =	shalt  }
0x64: {  	_ =	shalt  }
0x65: {  	_ =	shalt  }
0x66: {  	_ =	shalt  }
0x67: {  	_ =	shalt  }
0x68: {  	_ =	shalt  }
0x69: {  	_ =	shalt  }
0x6a: {  	_ =	shalt  }
0x6b: {  	_ =	shalt  }
0x6c: {  	_ =	shalt  }
0x6d: {  	_ =	shalt  }
0x6e: {  	_ =	shalt  }
0x6f: {  	_ =	shalt  }
0x70: {  	_ =	shalt  }
0x71: {  	_ =	shalt  }
0x72: {  	_ =	shalt  }
0x73: {  	_ =	shalt  }
0x74: {  	_ =	shalt  }
0x75: {  	_ =	shalt  }
0x76: {  	_ =	shalt  }
0x77: {  	_ =	shalt  }
0x78: {  	_ =	shalt  }
0x79: {  	_ =	shalt  }
0x7a: {  	_ =	shalt  }
0x7b: {  	_ =	shalt  }
0x7c: {  	_ =	shalt  }
0x7d: {  	_ =	shalt  }
0x7e: {  	_ =	shalt  }
0x7f: {  	_ =	shalt  }
0x80: {  	_ =	shalt  }
0x81: {  	_ =	shalt  }
0x82: {  	_ =	shalt  }
0x83: {  	_ =	shalt  }
0x84: {  	_ =	shalt  }
0x85: {  	_ =	shalt  }
0x86: {  	_ =	shalt  }
0x87: {  	_ =	shalt  }
.Lfunc_end0:
.L_simem_size_0:
called_computation.1_lowered:
.L_overlay_start_0:
0x88: {  	s2 =	sld [smem:$0x3FD9]  }
0x89: {  	s3 =	sld [smem:$0x3FFE];
	_ =	sdelay $0x1  }
0x8a: {  	s1 =	srdreg.scid  }
0x8b: {  	s0 =	sand.u32 $0x1, s1  }
0x8c: {  	s17 =	sshll.u32 s0, $0xA;
	s2 =	sadd.s32 s3, s2  }
0x8d: {  	s2 =	sadd.s32 s2, s17  }
0x8e: {  	[smem:$0x3FC3] =	sst s2  }
0x8f: {  	_ = 	snop  }
0x90: {  	s2 =	sld [smem:$0x3FD0];
	(tm) =	ssettm $0x1  }
0x91: {  	s18 =	sld [smem:$0x3FFB];
	_ =	sdelay $0x3  }
0x92: {  	_ =	strace s18  }
0x93: {  	s3 =	sld [smem:$0x3FFC];
	_ =	sdelay $0x3  }
0x94: {  	_ =	strace s3  }
0x95: {  	s3 =	sld [smem:$0x3FFD];
	_ =	sdelay $0x3  }
0x96: {  	_ =	strace s3  }
0x97: {  	_ =	strace $0x8FFFFFFF  }
0x98: {  	s19 =	sld [smem:$0x3FDB];
	_ =	sdelay $0x1  }
0x99: {  	s4 =	simm.s32 $_scs_section_size  }
0x9a: {  	s5 =	simm.s32 $_size__tile_overlayer_lowered;
	s6 =	simm.s32 $_tile_overlayer_lowered  }
0x9b: {  	s22 =	simm.s32 $0x1BFF;
	s21 =	sshll.u32 s6, $0x1;
	s3 =	sadd.s32 s4, s19  }
0x9c: {  	s7 =	simm.s32 $0x0;
	s20 =	sshll.u32 s5, $0x1;
	s5 =	sadd.s32 s21, s3  }
0x9d: {  	[timem:s7], [sflag:s22] =	dma.local [hbm:s5], s20  }
0x9e: {  	_ =	swait.ge [sflag:s22], s20  }
0x9f: {  	s4 =	ssub.s32 $0x0, s20;
	[sflag:s22] =	ssyncset.done $0x0  }
0xa0: {  	[sflag:s22] =	ssyncadd.s32 s4;
	_ =	sdelay $0x1  }
0xa1: {  	s23 =	simm.s32 $0x1B8B  }
0xa2: {  	_ =	swait.ge [sflag:s23], $0x1  }
0xa3: {  	[sflag:s23] =	ssyncset.done $0x0  }
0xa4: {  	s25 =	simm.s32 $0x1B8E;
	s24 =	sld [smem:$0x3FFE];
	[sflag:s23] =	ssyncadd.s32 $0xFFFFFFFF  }
0xa5: {  	s26 =	simm.s32 $execute0_lowered;
	[smem:$0x3FD2] =	sst s25  }
0xa6: {  	s5 =	sshll.u32 s26, $0x1;
	_ =	strace $0x80000049;
	[dreg:$0x1] =	wrdreg $0xFFFFFFFF  }
0xa7: {  	s28 =	simm.s32 $_size_execute0_lowered;
	s3 =	sadd.s32 s3, s5;
	[dreg:$0x0] =	wrdreg $0x0  }
0xa8: {  	s5 =	sshll.u32 s28, $0x1;
	[dreg:$0x2] =	wrdreg s3  }
0xa9: {  	[dreg:$0x3] =	wrdreg s5  }
0xaa: {  	[dreg:$0x4] =	wrdreg $0xC0  }
0xab: {  	_ =	task [dreg:s7], $0x5FFFF  }
0xac: {  	[dreg:$0x1] =	wrdreg $0xFFFFFFFF  }
0xad: {  	[dreg:$0x0] =	wrdreg $0x60  }
0xae: {  	[dreg:$0x2] =	wrdreg s2  }
0xaf: {  	[dreg:$0x3] =	wrdreg s24  }
0xb0: {  	[dreg:$0x4] =	wrdreg $0x98800  }
0xb1: {  	[dreg:$0x5] =	wrdreg $0x9  }
0xb2: {  	_ =	task.clear_ibuf [dreg:s7], $0x6FFFF;
	_ =	strace $0x90000049  }
0xb3: {  	s29 =	simm.s32 $0x9;
	_ =	strace $0x8000004B  }
0xb4: {  	_ =	swait.ge [sflag:s29], $0x1  }
0xb5: {  	[sflag:s29] =	ssyncadd.s32 $0xFFFFFFFF  }
0xb6: {  	_ =	strace $0x9000004B  }
0xb7: {  	_ =	sfence  }
0xb8: {  	s30 =	sld [smem:$0x0];
	_ =	sdelay $0x2  }
0xb9: {  	s31 =	sshll.u32 s1, $0xD;
	s1 =	sshrl.u32 s1, $0x2  }
0xba: {  	s3 =	sand.u32 $0x4000, s31;
	s1 =	sadd.s32 s1, s30  }
0xbb: {  	s0 =	sor.u32 s3, s0;
	s1 =	sshll.u32 s1, $0x11  }
0xbc: {  	s0 =	sor.u32 s1, s0  }
0xbd: {  	s0 =	sadd.s32 $0x8F2B, s0  }
0xbe: {  	[sflag:s0] =	ssyncadd.remote.s32 $0x1  }
0xbf: {  	_ =	sfence.sel $0xFFFF  }
0xc0: {  	[dreg:$0x0] =	wrdreg $0xFFFFFFFF;
	(pc) =	sbr.abs _section_cstart, $3  }
0xc1: {  	[dreg:$0x1] =	wrdreg $0xFFFFFFFF  }
0xc2: {  	_ =	task.clear_ibuf [dreg:s7], $0x2FFFF;
	_ =	strace $0x9FFFFFFF  }
0xc3: {  	(tm) =	ssettm $0x7FFFFFFF  }
tec
execute0_lowered:
.L_overlay_start_1:
0x0: {  	(tag) =	ssettag $0x1  }
0x1: {  	s1 =	rddreg [dreg:$0x0]  }
0x2: {  	s0 =	rddreg [dreg:$0x1]  }
0x3: {  	s2 =	rddreg [dreg:$0x2]  }
0x4: {  	s4 =	simm.s32 $0x0;
	s3 =	srdreg.scid;
	s12 =	stileid.u32  }
0x5: {  	s28 =	simm.s32 $0xD80;
	s30 =	simm.s32 $0x1700;
	s8 =	smul.u32 $0x70, s12  }
0x6: {  	[smem:$0x7FF] =	sst s4;
	s3 =	sand.u32 $0x1, s3;
	s7 =	smul.u32 $0x30, s12  }
0x7: {  	s5 =	sadd.s32 $0x1A00, s0;
	s9 =	sadd.s32 $0x1FA00, s0;
	s0 =	smul.u32 $0x280, s12  }
0x8: {  	s16 =	smul.u32 $0x14000, s12;
	_ =	strace $0x8000004A;
	s6 =	ssub.s32 $0x2, s3  }
0x9: {  	p0 =	seq.s32 s3, $0x0;
	s11 =	smul.u32 $0x140000, s3;
	s10 =	sshrl.u32 s6, $0x1  }
0xa: {  	s12 =	sadd.s32 $0x80, s0;
	s3 =	sadd.s32 $0x180, s0;
	s15 =	sadd.s32 $0x200, s0  }
0xb: {  	s22 =	sor.u32 $0x10, s0;
	s23 =	sor.u32 $0x20, s0;
	s24 =	sor.u32 $0x30, s0  }
0xc: {  	s25 =	sor.u32 $0x40, s0;
	s26 =	sor.u32 $0x50, s0;
	s31 =	sor.u32 $0x60, s0  }
0xd: {  	s29 =	sadd.s32 $0x260, s0;
	s10 =	ssub.s32 s6, s10;
	s6 =	sadd.s32 $0x700, s7  }
0xe: {  	v39 =	vlaneseq.u32;
	s7 =	simm.s32 $0x7;
	s13 =	sadd.s32 s16, s11;
	s14 =	sshll.u32 s12, $0x7  }
0xf: {  	s19 =	sshll.u32 s3, $0x7;
	s16 =	sshll.u32 s15, $0x7;
	v0 =	vor.u32 s15, v39;
	s15 =	sadd.s32 $0xC0, s0  }
0x10: {  	v1 =	vor.u32 s22, v39;
	s22 =	sadd.s32 $0xD0, s0;
	v2 =	vor.u32 s23, v39;
	v3 =	vor.u32 s24, v39;
	s23 =	sadd.s32 $0xF0, s0;
	s24 =	sadd.s32 $0x110, s0  }
0x11: {  	v4 =	vor.u32 s25, v39;
	s25 =	sadd.s32 $0x120, s0;
	v5 =	vor.u32 s26, v39;
	v6 =	vor.u32 s31, v39;
	s26 =	sadd.s32 $0x150, s0;
	s31 =	sadd.s32 $0x160, s0  }
0x12: {  	v24 =	vor.u32 s3, v39;
	v38 =	vor.u32 s29, v39;
	s29 =	simm.s32 $0x1580;
	s3 =	simm.s32 $0x0;
	s6 =	smov.u32 @p0 s8  }
0x13: {  	s7 =	simm.s32 @!p0 $0x3;
	s8 =	sadd.s32 $0x100, s0;
	s13 =	sshrl.u32 s13, $0x3  }
0x14: {  	s14 =	sadd.s32 s11, s14;
	s21 =	smax.u32 s10, $0x1;
	v12 =	vor.u32 s15, v39;
	s15 =	sadd.s32 $0x1B0, s0  }
0x15: {  	v13 =	vor.u32 s22, v39;
	v15 =	vor.u32 s23, v39;
	s10 =	sadd.s32 $0x1D0, s0;
	s22 =	sadd.s32 $0x1F0, s0;
	s23 =	sadd.s32 $0x210, s0  }
0x16: {  	v17 =	vor.u32 s24, v39;
	v18 =	vor.u32 s25, v39;
	s24 =	sadd.s32 $0x220, s0;
	s25 =	sadd.s32 $0x230, s0;
	v22 =	vor.u32 s31, v39;
	s31 =	sadd.s32 $0x240, s0  }
0x17: {  	v21 =	vor.u32 s26, v39;
	s26 =	sadd.s32 $0x250, s0;
	s13 =	sadd.s32 s9, s13;
	s17 =	sshrl.u32 s14, $0x3  }
0x18: {  	s18 =	sshll.u32 s8, $0x7;
	s14 =	sadd.s32 s11, s19;
	[dreg:$0x9] =	wrdreg s21  }
0x19: {  	s19 =	sadd.s32 $0xA0, s0;
	s21 =	sadd.s32 $0xE0, s0;
	v32 =	vor.u32 s22, v39;
	s22 =	simm.s32 $0x1  }
0x1a: {  	v33 =	vor.u32 s23, v39;
	v34 =	vor.u32 s24, v39;
	s23 =	simm.s32 $0x2;
	s24 =	simm.s32 $0x4;
	v35 =	vor.u32 s25, v39;
	s25 =	simm.s32 $0x980  }
0x1b: {  	v37 =	vor.u32 s26, v39;
	s26 =	simm.s32 $0xB00;
	[dreg:$0x4] =	wrdreg s13;
	s13 =	sadd.s32 s9, s17  }
0x1c: {  	s14 =	sshrl.u32 s14, $0x3;
	s17 =	sor.u32 $0x70, s0;
	v10 =	vor.u32 s19, v39;
	s19 =	sadd.s32 $0x190, s0  }
0x1d: {  	v14 =	vor.u32 s21, v39;
	s21 =	sadd.s32 $0x1E0, s0;
	[dreg:$0x5] =	wrdreg s13;
	s13 =	sadd.s32 s11, s18  }
0x1e: {  	s11 =	sadd.s32 s11, s16;
	s20 =	sadd.s32 s9, s14;
	s18 =	sadd.s32 $0x90, s0  }
0x1f: {  	v7 =	vor.u32 s17, v39;
	s16 =	sadd.s32 $0x130, s0;
	s17 =	sadd.s32 $0x140, s0;
	s14 =	simm.s32 $0x80  }
0x20: {  	v26 =	vor.u32 s19, v39;
	v31 =	vor.u32 s21, v39;
	s19 =	simm.s32 $0x3;
	s21 =	simm.s32 $0x5880;
	s13 =	sshrl.u32 s13, $0x3  }
0x21: {  	v40 =	vimm.f32 $0.0e+00;
	v25 =	vor.u32 s0, v39;
	v8 =	vor.u32 s12, v39;
	[dreg:$0x7] =	wrdreg s20;
	s11 =	sshrl.u32 s11, $0x3;
	s20 =	sadd.s32 $0xB0, s0  }
0x22: {  	v9 =	vor.u32 s18, v39;
	s18 =	sadd.s32 $0x170, s0;
	v19 =	vor.u32 s16, v39;
	v20 =	vor.u32 s17, v39;
	s16 =	simm.s32 $0x1880;
	s17 =	simm.s32 $0x5  }
0x23: {  	v16 =	vor.u32 s8, v39;
	v28 =	vor.u32 s15, v39;
	s13 =	sadd.s32 s9, s13;
	s9 =	sadd.s32 s9, s11;
	v11 =	vor.u32 s20, v39;
	s20 =	sadd.s32 $0x1C0, s0  }
0x24: {  	v30 =	vor.u32 s10, v39;
	v36 =	vor.u32 s31, v39;
	v23 =	vor.u32 s18, v39;
	[dreg:$0x8] =	wrdreg s9;
	s9 =	sadd.s32 $0x1A0, s0;
	s0 =	sadd.s32 $0x270, s0  }
0x25: {  	s18 =	simm.s32 $0xC00;
	[dreg:$0x6] =	wrdreg s13;
	v29 =	vor.u32 s20, v39;
	s20 =	simm.s32 $0x180;
	v27 =	vor.u32 s9, v39;
	v39 =	vor.u32 s0, v39  }
.LBB2_1:
0x26: {  	[dreg:$0xa] =	wrdreg s3;
	s0 =	simm.s32 $0x0;
	s3 =	simm.s32 $0x200  }
.LBB2_2:
0x27: {  	p0 =	sne.s32 s3, $0xFE00;
	[tilespmem:s0+$0x18F0] =	vst v40  }
0x28: {  	[tilespmem:s0+$0x1880] =	vst v40  }
0x29: {  	[tilespmem:s0+$0x1890] =	vst v40  }
.Ltmp0:
0x2a: {  	[tilespmem:s0+$0x18A0] =	vst v40;
	(pc) =	sbr.rel @p0 .LBB2_2-.Ltmp0, $4  }
0x2b: {  	[tilespmem:s0+$0x18B0] =	vst v40  }
0x2c: {  	[tilespmem:s0+$0x18C0] =	vst v40  }
0x2d: {  	[tilespmem:s0+$0x18D0] =	vst v40  }
0x2e: {  	[tilespmem:s0+$0x18E0] =	vst v40;
	s0 =	sshra.s32 s3, $0x2;
	s3 =	sadd.s32 $0x200, s3  }
0x2f: {  	[tilespmem:s0+$0x18F0] =	vst v40  }
0x30: {  	[tilespmem:s0+$0x1880] =	vst v40  }
0x31: {  	[tilespmem:s0+$0x1890] =	vst v40  }
0x32: {  	[tilespmem:s0+$0x18A0] =	vst v40  }
0x33: {  	[tilespmem:s0+$0x18B0] =	vst v40  }
0x34: {  	[tilespmem:s0+$0x18C0] =	vst v40  }
0x35: {  	[tilespmem:s0+$0x18D0] =	vst v40  }
0x36: {  	[tilespmem:s0+$0x18E0] =	vst v40  }
0x37: {  	[tilespmem:$0x1800] =	vst v25  }
0x38: {  	[tilespmem:$0x1810] =	vst v1  }
0x39: {  	[tilespmem:$0x1820] =	vst v2  }
0x3a: {  	[tilespmem:$0x1830] =	vst v3  }
0x3b: {  	[tilespmem:$0x1840] =	vst v4  }
0x3c: {  	[tilespmem:$0x1850] =	vst v5  }
0x3d: {  	[tilespmem:$0x1860] =	vst v6  }
0x3e: {  	s31 =	simm.s32 $0x1800;
	[tilespmem:$0x1870] =	vst v7  }
0x3f: {  	[spmem:s2] =	stream.indirect.scatter [tilespmem:s16], [sflag:$0x5], $0x80, s31, s14, $0xb8;
	[tilespmem:$0x1D880] =	vst v63  }
0x40: {  	_ =	swait.ge [sflag:s17], $0x4000  }
0x41: {  	[sflag:s17] =	ssyncset.done $0x0  }
0x42: {  	[sflag:s17] =	ssyncadd.s32 $0xFFFFC000  }
0x43: {  	[tilespmem:$0x1800] =	vst v8  }
0x44: {  	[tilespmem:$0x1810] =	vst v9  }
0x45: {  	[tilespmem:$0x1820] =	vst v10  }
0x46: {  	[tilespmem:$0x1830] =	vst v11  }
0x47: {  	[tilespmem:$0x1840] =	vst v12  }
0x48: {  	[tilespmem:$0x1850] =	vst v13  }
0x49: {  	[tilespmem:$0x1860] =	vst v14  }
0x4a: {  	[tilespmem:$0x1870] =	vst v15  }
0x4b: {  	[spmem:s2] =	stream.indirect.scatter [tilespmem:s16], [sflag:$0x5], $0x80, s31, s14, $0xb8;
	[tilespmem:$0x1D880] =	vst v63  }
0x4c: {  	_ =	swait.ge [sflag:s17], $0x4000  }
0x4d: {  	[sflag:s17] =	ssyncset.done $0x0  }
0x4e: {  	[sflag:s17] =	ssyncadd.s32 $0xFFFFC000  }
0x4f: {  	[tilespmem:$0x1800] =	vst v16  }
0x50: {  	[tilespmem:$0x1810] =	vst v17  }
0x51: {  	[tilespmem:$0x1820] =	vst v18  }
0x52: {  	[tilespmem:$0x1830] =	vst v19  }
0x53: {  	[tilespmem:$0x1840] =	vst v20  }
0x54: {  	[tilespmem:$0x1850] =	vst v21  }
0x55: {  	[tilespmem:$0x1860] =	vst v22  }
0x56: {  	[tilespmem:$0x1870] =	vst v23  }
0x57: {  	[spmem:s2] =	stream.indirect.scatter [tilespmem:s16], [sflag:$0x5], $0x80, s31, s14, $0xb8;
	[tilespmem:$0x1D880] =	vst v63  }
0x58: {  	_ =	swait.ge [sflag:s17], $0x4000  }
0x59: {  	[sflag:s17] =	ssyncset.done $0x0  }
0x5a: {  	[sflag:s17] =	ssyncadd.s32 $0xFFFFC000  }
0x5b: {  	[tilespmem:$0x1800] =	vst v24  }
0x5c: {  	[tilespmem:$0x1810] =	vst v26  }
0x5d: {  	[tilespmem:$0x1820] =	vst v27  }
0x5e: {  	[tilespmem:$0x1830] =	vst v28  }
0x5f: {  	[tilespmem:$0x1840] =	vst v29  }
0x60: {  	[tilespmem:$0x1850] =	vst v30  }
0x61: {  	[tilespmem:$0x1860] =	vst v31  }
0x62: {  	[tilespmem:$0x1870] =	vst v32  }
0x63: {  	[spmem:s2] =	stream.indirect.scatter [tilespmem:s16], [sflag:$0x5], $0x80, s31, s14, $0xb8;
	[tilespmem:$0x1D880] =	vst v63  }
0x64: {  	_ =	swait.ge [sflag:s17], $0x4000  }
0x65: {  	[sflag:s17] =	ssyncset.done $0x0  }
0x66: {  	[sflag:s17] =	ssyncadd.s32 $0xFFFFC000  }
0x67: {  	[tilespmem:$0x1800] =	vst v0  }
0x68: {  	[tilespmem:$0x1810] =	vst v33  }
0x69: {  	[tilespmem:$0x1820] =	vst v34  }
0x6a: {  	[tilespmem:$0x1830] =	vst v35  }
0x6b: {  	[tilespmem:$0x1840] =	vst v36  }
0x6c: {  	[tilespmem:$0x1850] =	vst v37  }
0x6d: {  	[tilespmem:$0x1860] =	vst v38  }
0x6e: {  	[tilespmem:$0x1870] =	vst v39  }
0x6f: {  	[spmem:s2] =	stream.indirect.scatter [tilespmem:s16], [sflag:$0x5], $0x80, s31, s14, $0xb8;
	[tilespmem:$0x1D880] =	vst v63  }
0x70: {  	_ =	swait.ge [sflag:s17], $0x4000  }
0x71: {  	[sflag:s17] =	ssyncset.done $0x0  }
0x72: {  	[sflag:s17] =	ssyncadd.s32 $0xFFFFC000  }
0x73: {  	s0 =	simm.s32 $0x0;
	s3 =	simm.s32 $0x0;
	[bflag:$0x0] =	sbarrier.arrive $0xFFFF  }
.LBB2_4:
0x74: {  	s8 =	sshll.u32 s3, $0x4  }
0x75: {  	s8 =	sadd.s32 s6, s8  }
0x76: {  	s8 =	smul.u32 $0x180, s8;
	_ =	sdelay $0x1  }
0x77: {  	s8 =	sshrl.u32 s8, $0x3  }
0x78: {  	s8 =	sadd.s32 s5, s8  }
0x79: {  	[tilespmem:s0], [sflag:$0x3] =	stream.linear.gather [hbm4b:s8+s0], $0xC00, $0x38;
	[tilespmem:$0x1D880] =	vst v63  }
0x7a: {  	s8 =	sadd.s32 $0x180, s8  }
0x7b: {  	[tilespmem:s18], [sflag:$0x4] =	stream.linear.gather [hbm4b:s8+s0], $0xC00, $0x38;
	[tilespmem:$0x1D880] =	vst v63  }
0x7c: {  	_ =	swait.ge [sflag:s19], $0xC00  }
0x7d: {  	[sflag:s19] =	ssyncset.done $0x0  }
0x7e: {  	[sflag:s19] =	ssyncadd.s32 $0xFFFFF400  }
0x7f: {  	[tilespmem:s16], [sflag:$0x1] =	stream.indirect.gather [hbm4b:s1+s14], $0x80, s0, s14, $0xb8;
	[tilespmem:$0x1D880] =	vst v63  }
0x80: {  	s8 =	simm.s32 $0x0  }
0x81: {  	[tilespmem:s21], [sflag:$0x2] =	stream.indirect.gather [hbm4b:s1+s14], $0x80, s20, s14, $0xb8;
	[tilespmem:$0x1D880] =	vst v63  }
.LBB2_5:
0x82: {  	s9 =	smul.u32 $0x300, s8  }
0x83: {  	s10 =	simm.s32 $0x0  }
0x84: {  	v42 =	vmov s10;
	s9 =	sadd.s32 $0x100, s9  }
0x85: {  	v42 =	vand.u32 $0x7E, v42;
	v41 =	vmov s9  }
0x86: {  	v42 =	vor.u32 v41, v42  }
0x87: {  	v44 =	vbroadcast v42, $0x0;
	_ =	sdelay $0x1  }
0x88: {  	_ =	swait.ge [sflag:s22], $0x4000  }
0x89: {  	[sflag:s22] =	ssyncset.done $0x0  }
0x8a: {  	s10 =	simm.s32 $0x1900;
	[sflag:s22] =	ssyncadd.s32 $0xFFFFC000  }
0x8b: {  	v46 =	vld [tilespmem:s10+$0xFFFFFFF0]  }
0x8c: {  	v44 =	vld.idx.msk [tilespmem:v44+s4+$0x0], $0xffff  }
0x8d: {  	v47 =	vld [tilespmem:s10+$0xFFFFFF80]  }
0x8e: {  	v48 =	vld [tilespmem:s10+$0xFFFFFFA0]  }
0x8f: {  	v49 =	vld [tilespmem:s10+$0xFFFFFFB0]  }
0x90: {  	v45 =	vld [tilespmem:s10+$0xFFFFFFD0]  }
0x91: {  	s31 =	simm.s32 $0x1;
	v51 =	vld [tilespmem:s10+$0xFFFFFF90];
	v46 =	vmul.f32 v44, v46  }
0x92: {  	v53 =	vmov s31;
	v50 =	vld [tilespmem:s10+$0xFFFFFFE0];
	v47 =	vmul.f32 v44, v47  }
0x93: {  	v60 =	vand.u32 $0x7F, v53;
	v52 =	vld [tilespmem:s10+$0xFFFFFFC0];
	v48 =	vmul.f32 v44, v48;
	[tilespmem:s10+$0xFFFFFFF0] =	vst v46  }
0x94: {  	v49 =	vmul.f32 v44, v49;
	[tilespmem:s10+$0xFFFFFF80] =	vst v47;
	v46 =	vor.u32 v41, v60  }
0x95: {  	v45 =	vmul.f32 v44, v45;
	[tilespmem:s10+$0xFFFFFFA0] =	vst v48;
	v61 =	vbroadcast v46, $0x0  }
0x96: {  	v62 =	vmul.f32 v44, v51;
	[tilespmem:s10+$0xFFFFFFB0] =	vst v49  }
0x97: {  	v43 =	vld [tilespmem:s10+$0x10];
	v63 =	vmul.f32 v44, v50;
	[tilespmem:s10+$0xFFFFFFD0] =	vst v45  }
0x98: {  	v42 =	vld [tilespmem:s10+$0x0];
	v44 =	vmul.f32 v44, v52;
	[tilespmem:s10+$0xFFFFFF90] =	vst v62  }
0x99: {  	[tilespmem:s10+$0xFFFFFFE0] =	vst v63;
	v45 =	vld [tilespmem:s10+$0x50]  }
0x9a: {  	[tilespmem:s10+$0xFFFFFFC0] =	vst v44;
	v46 =	vld [tilespmem:s10+$0x20]  }
0x9b: {  	s11 =	simm.s32 $0x1900;
	s9 =	simm.s32 $0x2;
	v44 =	vld.idx.msk [tilespmem:v61+s4+$0x0], $0xffff  }
.LBB2_6:
0x9c: {  	p0 =	sne.s32 s9, $0x7E  }
0x9d: {  	v47 =	vld [tilespmem:s10+$0x70];
	s11 =	sadd.s32 $0x100, s11;
	s12 =	smov.u32 s9;
	s9 =	sadd.s32 $0x2, s9  }
0x9e: {  	v48 =	vld [tilespmem:s10+$0x30]  }
0x9f: {  	v49 =	vld [tilespmem:s10+$0x40]  }
0xa0: {  	v50 =	vld [tilespmem:s10+$0x60];
	_ =	sdelay $0x1  }
0xa1: {  	v42 =	vmul.f32 v44, v42;
	v43 =	vmul.f32 v44, v43  }
0xa2: {  	v51 =	vmov s12;
	v46 =	vmul.f32 v44, v46;
	v48 =	vmul.f32 v44, v48  }
0xa3: {  	v51 =	vand.u32 $0x7E, v51;
	v45 =	vmul.f32 v44, v45;
	[tilespmem:s10+$0x0] =	vst v42;
	v49 =	vmul.f32 v44, v49  }
0xa4: {  	v51 =	vor.u32 v41, v51;
	v42 =	vld [tilespmem:s11+$0x0];
	[tilespmem:s10+$0x20] =	vst v46;
	v46 =	vmul.f32 v44, v50;
	v44 =	vmul.f32 v44, v47  }
0xa5: {  	v47 =	vbroadcast v51, $0x0;
	[tilespmem:s10+$0x10] =	vst v43  }
0xa6: {  	v43 =	vld [tilespmem:s11+$0x10];
	[tilespmem:s10+$0x50] =	vst v45  }
0xa7: {  	v45 =	vld [tilespmem:s11+$0xFFFFFFD0];
	[tilespmem:s10+$0x70] =	vst v44  }
0xa8: {  	v44 =	vld [tilespmem:s11+$0xFFFFFFB0];
	[tilespmem:s10+$0x30] =	vst v48  }
0xa9: {  	v48 =	vld [tilespmem:s11+$0xFFFFFFE0];
	[tilespmem:s10+$0x60] =	vst v46  }
0xaa: {  	v46 =	vld [tilespmem:s11+$0xFFFFFFF0];
	[tilespmem:s10+$0x40] =	vst v49;
	s10 =	smov.u32 s11  }
0xab: {  	v47 =	vld.idx.msk [tilespmem:v47+s4+$0x0], $0xffff  }
0xac: {  	v49 =	vld [tilespmem:s11+$0xFFFFFF80]  }
0xad: {  	v50 =	vld [tilespmem:s11+$0xFFFFFFA0]  }
0xae: {  	v51 =	vld [tilespmem:s11+$0xFFFFFF90]  }
0xaf: {  	v52 =	vld [tilespmem:s11+$0xFFFFFFC0];
	_ =	sdelay $0x1  }
0xb0: {  	s12 =	sadd.s32 $0x1, s12;
	v46 =	vmul.f32 v47, v46;
	v49 =	vmul.f32 v47, v49  }
0xb1: {  	v53 =	vmov s12;
	v48 =	vmul.f32 v47, v48;
	v50 =	vmul.f32 v47, v50  }
0xb2: {  	v44 =	vmul.f32 v47, v44;
	v51 =	vmul.f32 v47, v51;
	[tilespmem:s11+$0xFFFFFFF0] =	vst v46;
	v46 =	vand.u32 $0x7F, v53  }
0xb3: {  	v45 =	vmul.f32 v47, v45;
	[tilespmem:s11+$0xFFFFFF80] =	vst v49;
	v49 =	vmul.f32 v47, v52;
	v46 =	vor.u32 v41, v46  }
0xb4: {  	[tilespmem:s11+$0xFFFFFFA0] =	vst v50;
	v47 =	vbroadcast v46, $0x0  }
0xb5: {  	[tilespmem:s11+$0xFFFFFFB0] =	vst v44  }
.Ltmp1:
0xb6: {  	[tilespmem:s11+$0xFFFFFFD0] =	vst v45;
	(pc) =	sbr.rel @p0 .LBB2_6-.Ltmp1, $4  }
0xb7: {  	[tilespmem:s11+$0xFFFFFF90] =	vst v51  }
0xb8: {  	[tilespmem:s11+$0xFFFFFFE0] =	vst v48;
	v46 =	vld [tilespmem:s11+$0x20]  }
0xb9: {  	[tilespmem:s11+$0xFFFFFFC0] =	vst v49;
	v45 =	vld [tilespmem:s11+$0x50]  }
0xba: {  	v44 =	vld.idx.msk [tilespmem:v47+s4+$0x0], $0xffff  }
0xbb: {  	_ =	sdelay $0x2  }
0xbc: {  	v41 =	vld [tilespmem:s10+$0x70]  }
0xbd: {  	v47 =	vld [tilespmem:s10+$0x30];
	v42 =	vmul.f32 v44, v42  }
0xbe: {  	v48 =	vld [tilespmem:s10+$0x60];
	v46 =	vmul.f32 v44, v46  }
0xbf: {  	v49 =	vld [tilespmem:s10+$0x40];
	v43 =	vmul.f32 v44, v43;
	[tilespmem:s10+$0x0] =	vst v42  }
0xc0: {  	v57 =	vmul.f32 v44, v45;
	[tilespmem:s10+$0x20] =	vst v46  }
0xc1: {  	v41 =	vmul.f32 v44, v41;
	[tilespmem:s10+$0x10] =	vst v43  }
0xc2: {  	v58 =	vmul.f32 v44, v47;
	[tilespmem:s10+$0x50] =	vst v57  }
0xc3: {  	v59 =	vmul.f32 v44, v48;
	[tilespmem:s10+$0x70] =	vst v41  }
0xc4: {  	s9 =	smul.u32 $0xC00, s8;
	v60 =	vmul.f32 v44, v49;
	[tilespmem:s10+$0x30] =	vst v58  }
0xc5: {  	[tilespmem:s10+$0x60] =	vst v59  }
0xc6: {  	s9 =	sshra.s32 s9, $0x2;
	[tilespmem:s10+$0x40] =	vst v60;
	s10 =	sshllo.u32 s8, $0x1  }
0xc7: {  	s12 =	simm.s32 $0x0;
	s15 =	sor.u32 $0x80, s9;
	s11 =	smul.u32 $0x180, s10  }
0xc8: {  	[spmem:s2] =	stream.indirect.scatter.add.f32 [tilespmem:s16], [sflag:$0x5], $0x80, s15, s14, $0xb8;
	[tilespmem:$0x1D880] =	vst v63  }
0xc9: {  	v61 =	vmov s12;
	s11 =	sadd.s32 $0x100, s11  }
0xca: {  	v42 =	vand.u32 $0x7E, v61;
	_ =	swait.ge [sflag:s17], $0x4000;
	v41 =	vmov s11  }
0xcb: {  	[sflag:s17] =	ssyncset.done $0x0;
	v42 =	vor.u32 v41, v42  }
0xcc: {  	s13 =	sadd.s32 $0x300, s9;
	[sflag:s17] =	ssyncadd.s32 $0xFFFFC000;
	v62 =	vbroadcast v42, $0x0  }
0xcd: {  	[tilespmem:s16], [sflag:$0x1] =	stream.indirect.gather [hbm4b:s1+s14], $0x80, s13, s14, $0xb8;
	[tilespmem:$0x1D880] =	vst v63  }
0xce: {  	_ =	swait.ge [sflag:s23], $0x4000  }
0xcf: {  	[sflag:s23] =	ssyncset.done $0x0  }
0xd0: {  	s11 =	simm.s32 $0x5900;
	[sflag:s23] =	ssyncadd.s32 $0xFFFFC000  }
0xd1: {  	v56 =	vld [tilespmem:s11+$0xFFFFFFF0]  }
0xd2: {  	v44 =	vld.idx.msk [tilespmem:v62+s4+$0x0], $0xffff  }
0xd3: {  	v57 =	vld [tilespmem:s11+$0xFFFFFF80]  }
0xd4: {  	v58 =	vld [tilespmem:s11+$0xFFFFFFA0]  }
0xd5: {  	v59 =	vld [tilespmem:s11+$0xFFFFFFB0]  }
0xd6: {  	v63 =	vld [tilespmem:s11+$0xFFFFFFD0]  }
0xd7: {  	s31 =	simm.s32 $0x1;
	v51 =	vld [tilespmem:s11+$0xFFFFFF90];
	v46 =	vmul.f32 v44, v56  }
0xd8: {  	v53 =	vmov s31;
	v50 =	vld [tilespmem:s11+$0xFFFFFFE0];
	v47 =	vmul.f32 v44, v57  }
0xd9: {  	v60 =	vand.u32 $0x7F, v53;
	v52 =	vld [tilespmem:s11+$0xFFFFFFC0];
	v48 =	vmul.f32 v44, v58;
	[tilespmem:s11+$0xFFFFFFF0] =	vst v46  }
0xda: {  	v49 =	vmul.f32 v44, v59;
	[tilespmem:s11+$0xFFFFFF80] =	vst v47;
	v46 =	vor.u32 v41, v60  }
0xdb: {  	v45 =	vmul.f32 v44, v63;
	[tilespmem:s11+$0xFFFFFFA0] =	vst v48;
	v61 =	vbroadcast v46, $0x0  }
0xdc: {  	v62 =	vmul.f32 v44, v51;
	[tilespmem:s11+$0xFFFFFFB0] =	vst v49  }
0xdd: {  	v42 =	vld [tilespmem:s11+$0x0];
	v63 =	vmul.f32 v44, v50;
	[tilespmem:s11+$0xFFFFFFD0] =	vst v45  }
0xde: {  	v43 =	vld [tilespmem:s11+$0x10];
	v44 =	vmul.f32 v44, v52;
	[tilespmem:s11+$0xFFFFFF90] =	vst v62  }
0xdf: {  	[tilespmem:s11+$0xFFFFFFE0] =	vst v63;
	v45 =	vld [tilespmem:s11+$0x50]  }
0xe0: {  	[tilespmem:s11+$0xFFFFFFC0] =	vst v44;
	v46 =	vld [tilespmem:s11+$0x20]  }
0xe1: {  	s12 =	simm.s32 $0x2;
	s13 =	simm.s32 $0x5900;
	v44 =	vld.idx.msk [tilespmem:v61+s4+$0x0], $0xffff  }
.LBB2_8:
0xe2: {  	p0 =	sne.s32 s12, $0x7E  }
0xe3: {  	v47 =	vld [tilespmem:s11+$0x70];
	s13 =	sadd.s32 $0x100, s13;
	s15 =	smov.u32 s12;
	s12 =	sadd.s32 $0x2, s12  }
0xe4: {  	v48 =	vld [tilespmem:s11+$0x30]  }
0xe5: {  	v49 =	vld [tilespmem:s11+$0x40]  }
0xe6: {  	v50 =	vld [tilespmem:s11+$0x60];
	_ =	sdelay $0x1  }
0xe7: {  	v42 =	vmul.f32 v44, v42;
	v43 =	vmul.f32 v44, v43  }
0xe8: {  	v51 =	vmov s15;
	v46 =	vmul.f32 v44, v46;
	v48 =	vmul.f32 v44, v48  }
0xe9: {  	v51 =	vand.u32 $0x7E, v51;
	v45 =	vmul.f32 v44, v45;
	[tilespmem:s11+$0x0] =	vst v42;
	v49 =	vmul.f32 v44, v49  }
0xea: {  	v51 =	vor.u32 v41, v51;
	v42 =	vld [tilespmem:s13+$0x0];
	[tilespmem:s11+$0x20] =	vst v46;
	v46 =	vmul.f32 v44, v50;
	v44 =	vmul.f32 v44, v47  }
0xeb: {  	v47 =	vbroadcast v51, $0x0;
	[tilespmem:s11+$0x10] =	vst v43  }
0xec: {  	v43 =	vld [tilespmem:s13+$0x10];
	[tilespmem:s11+$0x50] =	vst v45  }
0xed: {  	v45 =	vld [tilespmem:s13+$0xFFFFFFD0];
	[tilespmem:s11+$0x70] =	vst v44  }
0xee: {  	v44 =	vld [tilespmem:s13+$0xFFFFFFB0];
	[tilespmem:s11+$0x30] =	vst v48  }
0xef: {  	v48 =	vld [tilespmem:s13+$0xFFFFFFE0];
	[tilespmem:s11+$0x60] =	vst v46  }
0xf0: {  	v46 =	vld [tilespmem:s13+$0xFFFFFFF0];
	[tilespmem:s11+$0x40] =	vst v49;
	s11 =	smov.u32 s13  }
0xf1: {  	v47 =	vld.idx.msk [tilespmem:v47+s4+$0x0], $0xffff  }
0xf2: {  	v49 =	vld [tilespmem:s13+$0xFFFFFF80]  }
0xf3: {  	v50 =	vld [tilespmem:s13+$0xFFFFFFA0]  }
0xf4: {  	v51 =	vld [tilespmem:s13+$0xFFFFFF90]  }
0xf5: {  	v52 =	vld [tilespmem:s13+$0xFFFFFFC0];
	_ =	sdelay $0x1  }
0xf6: {  	s15 =	sadd.s32 $0x1, s15;
	v46 =	vmul.f32 v47, v46;
	v49 =	vmul.f32 v47, v49  }
0xf7: {  	v53 =	vmov s15;
	v48 =	vmul.f32 v47, v48;
	v50 =	vmul.f32 v47, v50  }
0xf8: {  	v44 =	vmul.f32 v47, v44;
	v51 =	vmul.f32 v47, v51;
	[tilespmem:s13+$0xFFFFFFF0] =	vst v46;
	v46 =	vand.u32 $0x7F, v53  }
0xf9: {  	v45 =	vmul.f32 v47, v45;
	[tilespmem:s13+$0xFFFFFF80] =	vst v49;
	v49 =	vmul.f32 v47, v52;
	v46 =	vor.u32 v41, v46  }
0xfa: {  	[tilespmem:s13+$0xFFFFFFA0] =	vst v50;
	v47 =	vbroadcast v46, $0x0  }
0xfb: {  	[tilespmem:s13+$0xFFFFFFB0] =	vst v44  }
.Ltmp2:
0xfc: {  	[tilespmem:s13+$0xFFFFFFD0] =	vst v45;
	(pc) =	sbr.rel @p0 .LBB2_8-.Ltmp2, $4  }
0xfd: {  	[tilespmem:s13+$0xFFFFFF90] =	vst v51  }
0xfe: {  	[tilespmem:s13+$0xFFFFFFE0] =	vst v48;
	v46 =	vld [tilespmem:s13+$0x20]  }
0xff: {  	[tilespmem:s13+$0xFFFFFFC0] =	vst v49;
	v45 =	vld [tilespmem:s13+$0x50]  }
0x100: {  	v44 =	vld.idx.msk [tilespmem:v47+s4+$0x0], $0xffff  }
0x101: {  	_ =	sdelay $0x2  }
0x102: {  	v41 =	vld [tilespmem:s11+$0x70]  }
0x103: {  	v47 =	vld [tilespmem:s11+$0x30];
	v42 =	vmul.f32 v44, v42  }
0x104: {  	v48 =	vld [tilespmem:s11+$0x60];
	v46 =	vmul.f32 v44, v46  }
0x105: {  	v49 =	vld [tilespmem:s11+$0x40];
	v43 =	vmul.f32 v44, v43;
	[tilespmem:s11+$0x0] =	vst v42  }
0x106: {  	v60 =	vmul.f32 v44, v45;
	[tilespmem:s11+$0x20] =	vst v46  }
0x107: {  	v41 =	vmul.f32 v44, v41;
	[tilespmem:s11+$0x10] =	vst v43  }
0x108: {  	v61 =	vmul.f32 v44, v47;
	[tilespmem:s11+$0x50] =	vst v60  }
0x109: {  	s10 =	smul.u32 $0x600, s10;
	v62 =	vmul.f32 v44, v48;
	[tilespmem:s11+$0x70] =	vst v41  }
0x10a: {  	v63 =	vmul.f32 v44, v49;
	[tilespmem:s11+$0x30] =	vst v61  }
0x10b: {  	s8 =	sadd.s32 $0x1, s8;
	s10 =	sshra.s32 s10, $0x2;
	[tilespmem:s11+$0x60] =	vst v62  }
0x10c: {  	p0 =	sne.s32 s8, $0x3;
	s10 =	sadd.s32 $0x80, s10;
	[tilespmem:s11+$0x40] =	vst v63  }
0x10d: {  	[spmem:s2] =	stream.indirect.scatter.add.f32 [tilespmem:s21], [sflag:$0x5], $0x80, s10, s14, $0xb8;
	[tilespmem:$0x1D880] =	vst v63  }
.Ltmp3:
0x10e: {  	_ = 	snop;
	(pc) =	sbr.rel @p0 .LBB2_5-.Ltmp3, $4  }
0x10f: {  	_ =	swait.ge [sflag:s17], $0x4000  }
0x110: {  	[sflag:s17] =	ssyncset.done $0x0  }
0x111: {  	s9 =	sadd.s32 $0x480, s9;
	[sflag:s17] =	ssyncadd.s32 $0xFFFFC000  }
0x112: {  	[tilespmem:s21], [sflag:$0x2] =	stream.indirect.gather [hbm4b:s1+s14], $0x80, s9, s14, $0xb8;
	[tilespmem:$0x1D880] =	vst v63  }
0x113: {  	s8 =	simm.s32 $0x0  }
0x114: {  	v41 =	vmov s8  }
0x115: {  	v41 =	vand.u32 $0x7E, v41  }
0x116: {  	_ =	swait.ge [sflag:s24], $0xC00;
	v41 =	vor.u32 $0xA00, v41  }
0x117: {  	[sflag:s24] =	ssyncset.done $0x0;
	v43 =	vbroadcast v41, $0x0  }
0x118: {  	[sflag:s24] =	ssyncadd.s32 $0xFFFFF400  }
0x119: {  	_ =	swait.ge [sflag:s22], $0x4000  }
0x11a: {  	[sflag:s22] =	ssyncset.done $0x0  }
0x11b: {  	s8 =	simm.s32 $0x1900;
	[sflag:s22] =	ssyncadd.s32 $0xFFFFC000  }
0x11c: {  	v45 =	vld [tilespmem:s8+$0xFFFFFFF0]  }
0x11d: {  	v43 =	vld.idx.msk [tilespmem:v43+s4+$0x0], $0xffff  }
0x11e: {  	v46 =	vld [tilespmem:s8+$0xFFFFFF80]  }
0x11f: {  	v47 =	vld [tilespmem:s8+$0xFFFFFFA0]  }
0x120: {  	v48 =	vld [tilespmem:s8+$0xFFFFFFB0]  }
0x121: {  	v44 =	vld [tilespmem:s8+$0xFFFFFFD0]  }
0x122: {  	s9 =	simm.s32 $0x1;
	v50 =	vld [tilespmem:s8+$0xFFFFFF90];
	v45 =	vmul.f32 v43, v45  }
0x123: {  	v52 =	vmov s9;
	v49 =	vld [tilespmem:s8+$0xFFFFFFE0];
	v46 =	vmul.f32 v43, v46  }
0x124: {  	v60 =	vand.u32 $0x7F, v52;
	v51 =	vld [tilespmem:s8+$0xFFFFFFC0];
	v47 =	vmul.f32 v43, v47;
	[tilespmem:s8+$0xFFFFFFF0] =	vst v45  }
0x125: {  	v48 =	vmul.f32 v43, v48;
	[tilespmem:s8+$0xFFFFFF80] =	vst v46;
	v45 =	vor.u32 $0xA00, v60  }
0x126: {  	v44 =	vmul.f32 v43, v44;
	[tilespmem:s8+$0xFFFFFFA0] =	vst v47;
	v61 =	vbroadcast v45, $0x0  }
0x127: {  	v62 =	vmul.f32 v43, v50;
	[tilespmem:s8+$0xFFFFFFB0] =	vst v48  }
0x128: {  	v41 =	vld [tilespmem:s8+$0x0];
	v63 =	vmul.f32 v43, v49;
	[tilespmem:s8+$0xFFFFFFD0] =	vst v44  }
0x129: {  	v42 =	vld [tilespmem:s8+$0x10];
	v43 =	vmul.f32 v43, v51;
	[tilespmem:s8+$0xFFFFFF90] =	vst v62  }
0x12a: {  	[tilespmem:s8+$0xFFFFFFE0] =	vst v63;
	v44 =	vld [tilespmem:s8+$0x50]  }
0x12b: {  	[tilespmem:s8+$0xFFFFFFC0] =	vst v43;
	v45 =	vld [tilespmem:s8+$0x20]  }
0x12c: {  	s10 =	simm.s32 $0x1900;
	s9 =	simm.s32 $0x2;
	v43 =	vld.idx.msk [tilespmem:v61+s4+$0x0], $0xffff  }
.LBB2_11:
0x12d: {  	p0 =	sne.s32 s9, $0x7E  }
0x12e: {  	v46 =	vld [tilespmem:s8+$0x70];
	s10 =	sadd.s32 $0x100, s10;
	s11 =	smov.u32 s9;
	s9 =	sadd.s32 $0x2, s9  }
0x12f: {  	v47 =	vld [tilespmem:s8+$0x30]  }
0x130: {  	v48 =	vld [tilespmem:s8+$0x40]  }
0x131: {  	v49 =	vld [tilespmem:s8+$0x60];
	_ =	sdelay $0x1  }
0x132: {  	v41 =	vmul.f32 v43, v41;
	v42 =	vmul.f32 v43, v42  }
0x133: {  	v50 =	vmov s11;
	v45 =	vmul.f32 v43, v45;
	v47 =	vmul.f32 v43, v47  }
0x134: {  	v50 =	vand.u32 $0x7E, v50;
	v44 =	vmul.f32 v43, v44;
	[tilespmem:s8+$0x0] =	vst v41;
	v48 =	vmul.f32 v43, v48  }
0x135: {  	v50 =	vor.u32 $0xA00, v50;
	v41 =	vld [tilespmem:s10+$0x0];
	[tilespmem:s8+$0x20] =	vst v45;
	v45 =	vmul.f32 v43, v49;
	v43 =	vmul.f32 v43, v46  }
0x136: {  	v46 =	vbroadcast v50, $0x0;
	[tilespmem:s8+$0x10] =	vst v42  }
0x137: {  	v42 =	vld [tilespmem:s10+$0x10];
	[tilespmem:s8+$0x50] =	vst v44  }
0x138: {  	v44 =	vld [tilespmem:s10+$0xFFFFFFD0];
	[tilespmem:s8+$0x70] =	vst v43  }
0x139: {  	v43 =	vld [tilespmem:s10+$0xFFFFFFB0];
	[tilespmem:s8+$0x30] =	vst v47  }
0x13a: {  	v47 =	vld [tilespmem:s10+$0xFFFFFFE0];
	[tilespmem:s8+$0x60] =	vst v45  }
0x13b: {  	v45 =	vld [tilespmem:s10+$0xFFFFFFF0];
	[tilespmem:s8+$0x40] =	vst v48;
	s8 =	smov.u32 s10  }
0x13c: {  	v46 =	vld.idx.msk [tilespmem:v46+s4+$0x0], $0xffff  }
0x13d: {  	v48 =	vld [tilespmem:s10+$0xFFFFFF80]  }
0x13e: {  	v49 =	vld [tilespmem:s10+$0xFFFFFFA0]  }
0x13f: {  	v50 =	vld [tilespmem:s10+$0xFFFFFF90]  }
0x140: {  	v51 =	vld [tilespmem:s10+$0xFFFFFFC0];
	_ =	sdelay $0x1  }
0x141: {  	s11 =	sadd.s32 $0x1, s11;
	v45 =	vmul.f32 v46, v45;
	v48 =	vmul.f32 v46, v48  }
0x142: {  	v52 =	vmov s11;
	v47 =	vmul.f32 v46, v47;
	v49 =	vmul.f32 v46, v49  }
0x143: {  	v43 =	vmul.f32 v46, v43;
	v50 =	vmul.f32 v46, v50;
	[tilespmem:s10+$0xFFFFFFF0] =	vst v45;
	v45 =	vand.u32 $0x7F, v52  }
0x144: {  	v44 =	vmul.f32 v46, v44;
	[tilespmem:s10+$0xFFFFFF80] =	vst v48;
	v48 =	vmul.f32 v46, v51;
	v45 =	vor.u32 $0xA00, v45  }
0x145: {  	[tilespmem:s10+$0xFFFFFFA0] =	vst v49;
	v46 =	vbroadcast v45, $0x0  }
0x146: {  	[tilespmem:s10+$0xFFFFFFB0] =	vst v43  }
.Ltmp4:
0x147: {  	[tilespmem:s10+$0xFFFFFFD0] =	vst v44;
	(pc) =	sbr.rel @p0 .LBB2_11-.Ltmp4, $4  }
0x148: {  	[tilespmem:s10+$0xFFFFFF90] =	vst v50  }
0x149: {  	[tilespmem:s10+$0xFFFFFFE0] =	vst v47;
	v45 =	vld [tilespmem:s10+$0x20]  }
0x14a: {  	[tilespmem:s10+$0xFFFFFFC0] =	vst v48;
	v44 =	vld [tilespmem:s10+$0x50]  }
0x14b: {  	v43 =	vld.idx.msk [tilespmem:v46+s4+$0x0], $0xffff  }
0x14c: {  	_ =	sdelay $0x2  }
0x14d: {  	v46 =	vld [tilespmem:s8+$0x70]  }
0x14e: {  	v47 =	vld [tilespmem:s8+$0x30];
	v41 =	vmul.f32 v43, v41  }
0x14f: {  	v48 =	vld [tilespmem:s8+$0x60];
	v45 =	vmul.f32 v43, v45  }
0x150: {  	v49 =	vld [tilespmem:s8+$0x40];
	v42 =	vmul.f32 v43, v42;
	[tilespmem:s8+$0x0] =	vst v41  }
0x151: {  	v56 =	vmul.f32 v43, v44;
	[tilespmem:s8+$0x20] =	vst v45  }
0x152: {  	v57 =	vmul.f32 v43, v46;
	[tilespmem:s8+$0x10] =	vst v42  }
0x153: {  	v58 =	vmul.f32 v43, v47;
	[tilespmem:s8+$0x50] =	vst v56  }
0x154: {  	v59 =	vmul.f32 v43, v48;
	[tilespmem:s8+$0x70] =	vst v57  }
0x155: {  	v60 =	vmul.f32 v43, v49;
	[tilespmem:s8+$0x30] =	vst v58  }
0x156: {  	[tilespmem:s8+$0x60] =	vst v59  }
0x157: {  	s31 =	simm.s32 $0x0;
	[tilespmem:s8+$0x40] =	vst v60  }
0x158: {  	v61 =	vmov s31;
	[spmem:s2] =	stream.indirect.scatter.add.f32 [tilespmem:s16], [sflag:$0x5], $0x80, s25, s14, $0xb8;
	[tilespmem:$0x1D880] =	vst v63  }
0x159: {  	v41 =	vand.u32 $0x7E, v61;
	_ =	swait.ge [sflag:s17], $0x4000  }
0x15a: {  	v41 =	vor.u32 $0xB80, v41;
	[sflag:s17] =	ssyncset.done $0x0  }
0x15b: {  	v62 =	vbroadcast v41, $0x0;
	[sflag:s17] =	ssyncadd.s32 $0xFFFFC000  }
0x15c: {  	[tilespmem:s16], [sflag:$0x1] =	stream.indirect.gather [hbm4b:s1+s14], $0x80, s18, s14, $0xb8;
	[tilespmem:$0x1D880] =	vst v63  }
0x15d: {  	_ =	swait.ge [sflag:s23], $0x4000  }
0x15e: {  	[sflag:s23] =	ssyncset.done $0x0  }
0x15f: {  	s8 =	simm.s32 $0x5900;
	[sflag:s23] =	ssyncadd.s32 $0xFFFFC000  }
0x160: {  	v55 =	vld [tilespmem:s8+$0xFFFFFFF0]  }
0x161: {  	v43 =	vld.idx.msk [tilespmem:v62+s4+$0x0], $0xffff  }
0x162: {  	v56 =	vld [tilespmem:s8+$0xFFFFFF80]  }
0x163: {  	v57 =	vld [tilespmem:s8+$0xFFFFFFA0]  }
0x164: {  	v58 =	vld [tilespmem:s8+$0xFFFFFFB0]  }
0x165: {  	v63 =	vld [tilespmem:s8+$0xFFFFFFD0]  }
0x166: {  	s9 =	simm.s32 $0x1;
	v50 =	vld [tilespmem:s8+$0xFFFFFF90];
	v45 =	vmul.f32 v43, v55  }
0x167: {  	v52 =	vmov s9;
	v59 =	vld [tilespmem:s8+$0xFFFFFFE0];
	v46 =	vmul.f32 v43, v56  }
0x168: {  	v60 =	vand.u32 $0x7F, v52;
	v51 =	vld [tilespmem:s8+$0xFFFFFFC0];
	v47 =	vmul.f32 v43, v57;
	[tilespmem:s8+$0xFFFFFFF0] =	vst v45  }
0x169: {  	v48 =	vmul.f32 v43, v58;
	[tilespmem:s8+$0xFFFFFF80] =	vst v46;
	v45 =	vor.u32 $0xB80, v60  }
0x16a: {  	v44 =	vmul.f32 v43, v63;
	[tilespmem:s8+$0xFFFFFFA0] =	vst v47;
	v61 =	vbroadcast v45, $0x0  }
0x16b: {  	v62 =	vmul.f32 v43, v50;
	[tilespmem:s8+$0xFFFFFFB0] =	vst v48  }
0x16c: {  	v41 =	vld [tilespmem:s8+$0x0];
	v63 =	vmul.f32 v43, v59;
	[tilespmem:s8+$0xFFFFFFD0] =	vst v44  }
0x16d: {  	v42 =	vld [tilespmem:s8+$0x10];
	v43 =	vmul.f32 v43, v51;
	[tilespmem:s8+$0xFFFFFF90] =	vst v62  }
0x16e: {  	[tilespmem:s8+$0xFFFFFFE0] =	vst v63;
	v44 =	vld [tilespmem:s8+$0x50]  }
0x16f: {  	[tilespmem:s8+$0xFFFFFFC0] =	vst v43;
	v45 =	vld [tilespmem:s8+$0x20]  }
0x170: {  	s10 =	simm.s32 $0x5900;
	s9 =	simm.s32 $0x2;
	v43 =	vld.idx.msk [tilespmem:v61+s4+$0x0], $0xffff  }
.LBB2_13:
0x171: {  	p0 =	sne.s32 s9, $0x7E  }
0x172: {  	v46 =	vld [tilespmem:s8+$0x70];
	s10 =	sadd.s32 $0x100, s10;
	s11 =	smov.u32 s9;
	s9 =	sadd.s32 $0x2, s9  }
0x173: {  	v47 =	vld [tilespmem:s8+$0x30]  }
0x174: {  	v48 =	vld [tilespmem:s8+$0x40]  }
0x175: {  	v49 =	vld [tilespmem:s8+$0x60];
	_ =	sdelay $0x1  }
0x176: {  	v41 =	vmul.f32 v43, v41;
	v42 =	vmul.f32 v43, v42  }
0x177: {  	v50 =	vmov s11;
	v45 =	vmul.f32 v43, v45;
	v47 =	vmul.f32 v43, v47  }
0x178: {  	v50 =	vand.u32 $0x7E, v50;
	v44 =	vmul.f32 v43, v44;
	[tilespmem:s8+$0x0] =	vst v41;
	v48 =	vmul.f32 v43, v48  }
0x179: {  	v50 =	vor.u32 $0xB80, v50;
	v41 =	vld [tilespmem:s10+$0x0];
	[tilespmem:s8+$0x20] =	vst v45;
	v45 =	vmul.f32 v43, v49;
	v43 =	vmul.f32 v43, v46  }
0x17a: {  	v46 =	vbroadcast v50, $0x0;
	[tilespmem:s8+$0x10] =	vst v42  }
0x17b: {  	v42 =	vld [tilespmem:s10+$0x10];
	[tilespmem:s8+$0x50] =	vst v44  }
0x17c: {  	v44 =	vld [tilespmem:s10+$0xFFFFFFD0];
	[tilespmem:s8+$0x70] =	vst v43  }
0x17d: {  	v43 =	vld [tilespmem:s10+$0xFFFFFFB0];
	[tilespmem:s8+$0x30] =	vst v47  }
0x17e: {  	v47 =	vld [tilespmem:s10+$0xFFFFFFE0];
	[tilespmem:s8+$0x60] =	vst v45  }
0x17f: {  	v45 =	vld [tilespmem:s10+$0xFFFFFFF0];
	[tilespmem:s8+$0x40] =	vst v48;
	s8 =	smov.u32 s10  }
0x180: {  	v46 =	vld.idx.msk [tilespmem:v46+s4+$0x0], $0xffff  }
0x181: {  	v48 =	vld [tilespmem:s10+$0xFFFFFF80]  }
0x182: {  	v49 =	vld [tilespmem:s10+$0xFFFFFFA0]  }
0x183: {  	v50 =	vld [tilespmem:s10+$0xFFFFFF90]  }
0x184: {  	v51 =	vld [tilespmem:s10+$0xFFFFFFC0];
	_ =	sdelay $0x1  }
0x185: {  	s11 =	sadd.s32 $0x1, s11;
	v45 =	vmul.f32 v46, v45;
	v48 =	vmul.f32 v46, v48  }
0x186: {  	v52 =	vmov s11;
	v47 =	vmul.f32 v46, v47;
	v49 =	vmul.f32 v46, v49  }
0x187: {  	v43 =	vmul.f32 v46, v43;
	v50 =	vmul.f32 v46, v50;
	[tilespmem:s10+$0xFFFFFFF0] =	vst v45;
	v45 =	vand.u32 $0x7F, v52  }
0x188: {  	v44 =	vmul.f32 v46, v44;
	[tilespmem:s10+$0xFFFFFF80] =	vst v48;
	v48 =	vmul.f32 v46, v51;
	v45 =	vor.u32 $0xB80, v45  }
0x189: {  	[tilespmem:s10+$0xFFFFFFA0] =	vst v49;
	v46 =	vbroadcast v45, $0x0  }
0x18a: {  	[tilespmem:s10+$0xFFFFFFB0] =	vst v43  }
.Ltmp5:
0x18b: {  	[tilespmem:s10+$0xFFFFFFD0] =	vst v44;
	(pc) =	sbr.rel @p0 .LBB2_13-.Ltmp5, $4  }
0x18c: {  	[tilespmem:s10+$0xFFFFFF90] =	vst v50  }
0x18d: {  	[tilespmem:s10+$0xFFFFFFE0] =	vst v47;
	v45 =	vld [tilespmem:s10+$0x20]  }
0x18e: {  	[tilespmem:s10+$0xFFFFFFC0] =	vst v48;
	v44 =	vld [tilespmem:s10+$0x50]  }
0x18f: {  	v43 =	vld.idx.msk [tilespmem:v46+s4+$0x0], $0xffff  }
0x190: {  	_ =	sdelay $0x2  }
0x191: {  	v46 =	vld [tilespmem:s8+$0x70]  }
0x192: {  	v47 =	vld [tilespmem:s8+$0x30];
	v41 =	vmul.f32 v43, v41  }
0x193: {  	v48 =	vld [tilespmem:s8+$0x60];
	v45 =	vmul.f32 v43, v45  }
0x194: {  	v49 =	vld [tilespmem:s8+$0x40];
	v42 =	vmul.f32 v43, v42;
	[tilespmem:s8+$0x0] =	vst v41  }
0x195: {  	v59 =	vmul.f32 v43, v44;
	[tilespmem:s8+$0x20] =	vst v45  }
0x196: {  	v60 =	vmul.f32 v43, v46;
	[tilespmem:s8+$0x10] =	vst v42  }
0x197: {  	v61 =	vmul.f32 v43, v47;
	[tilespmem:s8+$0x50] =	vst v59  }
0x198: {  	v62 =	vmul.f32 v43, v48;
	[tilespmem:s8+$0x70] =	vst v60  }
0x199: {  	v63 =	vmul.f32 v43, v49;
	[tilespmem:s8+$0x30] =	vst v61  }
0x19a: {  	[tilespmem:s8+$0x60] =	vst v62  }
0x19b: {  	[tilespmem:s8+$0x40] =	vst v63  }
0x19c: {  	[spmem:s2] =	stream.indirect.scatter.add.f32 [tilespmem:s21], [sflag:$0x5], $0x80, s26, s14, $0xb8;
	[tilespmem:$0x1D880] =	vst v63  }
0x19d: {  	_ =	swait.ge [sflag:s17], $0x4000  }
0x19e: {  	[sflag:s17] =	ssyncset.done $0x0  }
0x19f: {  	s9 =	simm.s32 $0x0;
	s8 =	simm.s32 $0x0;
	[sflag:s17] =	ssyncadd.s32 $0xFFFFC000  }
0x1a0: {  	[tilespmem:s21], [sflag:$0x2] =	stream.indirect.gather [hbm4b:s1+s14], $0x80, s28, s14, $0xb8;
	[tilespmem:$0x1D880] =	vst v63  }
.LBB2_15:
0x1a1: {  	s10 =	smul.u32 $0x300, s9;
	_ =	sdelay $0x1  }
0x1a2: {  	v42 =	vmov s8;
	s10 =	sadd.s32 $0x100, s10  }
0x1a3: {  	v42 =	vand.u32 $0x7E, v42;
	v41 =	vmov s10  }
0x1a4: {  	v42 =	vor.u32 v41, v42  }
0x1a5: {  	v44 =	vbroadcast v42, $0x0;
	_ =	sdelay $0x1  }
0x1a6: {  	_ =	swait.ge [sflag:s22], $0x4000  }
0x1a7: {  	[sflag:s22] =	ssyncset.done $0x0  }
0x1a8: {  	s11 =	simm.s32 $0x1900;
	[sflag:s22] =	ssyncadd.s32 $0xFFFFC000  }
0x1a9: {  	v46 =	vld [tilespmem:s11+$0xFFFFFFF0]  }
0x1aa: {  	v44 =	vld.idx.msk [tilespmem:v44+s18+$0x0], $0xffff  }
0x1ab: {  	v47 =	vld [tilespmem:s11+$0xFFFFFF80]  }
0x1ac: {  	v48 =	vld [tilespmem:s11+$0xFFFFFFA0]  }
0x1ad: {  	v49 =	vld [tilespmem:s11+$0xFFFFFFB0]  }
0x1ae: {  	v45 =	vld [tilespmem:s11+$0xFFFFFFD0]  }
0x1af: {  	s31 =	simm.s32 $0x1;
	v51 =	vld [tilespmem:s11+$0xFFFFFF90];
	v46 =	vmul.f32 v44, v46  }
0x1b0: {  	v53 =	vmov s31;
	v50 =	vld [tilespmem:s11+$0xFFFFFFE0];
	v47 =	vmul.f32 v44, v47  }
0x1b1: {  	v60 =	vand.u32 $0x7F, v53;
	v52 =	vld [tilespmem:s11+$0xFFFFFFC0];
	v48 =	vmul.f32 v44, v48;
	[tilespmem:s11+$0xFFFFFFF0] =	vst v46  }
0x1b2: {  	v49 =	vmul.f32 v44, v49;
	[tilespmem:s11+$0xFFFFFF80] =	vst v47;
	v46 =	vor.u32 v41, v60  }
0x1b3: {  	v45 =	vmul.f32 v44, v45;
	[tilespmem:s11+$0xFFFFFFA0] =	vst v48;
	v61 =	vbroadcast v46, $0x0  }
0x1b4: {  	v62 =	vmul.f32 v44, v51;
	[tilespmem:s11+$0xFFFFFFB0] =	vst v49  }
0x1b5: {  	v43 =	vld [tilespmem:s11+$0x10];
	v63 =	vmul.f32 v44, v50;
	[tilespmem:s11+$0xFFFFFFD0] =	vst v45  }
0x1b6: {  	v42 =	vld [tilespmem:s11+$0x0];
	v44 =	vmul.f32 v44, v52;
	[tilespmem:s11+$0xFFFFFF90] =	vst v62  }
0x1b7: {  	[tilespmem:s11+$0xFFFFFFE0] =	vst v63;
	v45 =	vld [tilespmem:s11+$0x50]  }
0x1b8: {  	[tilespmem:s11+$0xFFFFFFC0] =	vst v44;
	v46 =	vld [tilespmem:s11+$0x20]  }
0x1b9: {  	s12 =	simm.s32 $0x1900;
	s10 =	simm.s32 $0x2;
	v44 =	vld.idx.msk [tilespmem:v61+s18+$0x0], $0xffff  }
.LBB2_16:
0x1ba: {  	p0 =	sne.s32 s10, $0x7E  }
0x1bb: {  	v47 =	vld [tilespmem:s11+$0x70];
	s12 =	sadd.s32 $0x100, s12;
	s13 =	smov.u32 s10;
	s10 =	sadd.s32 $0x2, s10  }
0x1bc: {  	v48 =	vld [tilespmem:s11+$0x30]  }
0x1bd: {  	v49 =	vld [tilespmem:s11+$0x40]  }
0x1be: {  	v50 =	vld [tilespmem:s11+$0x60];
	_ =	sdelay $0x1  }
0x1bf: {  	v42 =	vmul.f32 v44, v42;
	v43 =	vmul.f32 v44, v43  }
0x1c0: {  	v51 =	vmov s13;
	v46 =	vmul.f32 v44, v46;
	v48 =	vmul.f32 v44, v48  }
0x1c1: {  	v51 =	vand.u32 $0x7E, v51;
	v45 =	vmul.f32 v44, v45;
	[tilespmem:s11+$0x0] =	vst v42;
	v49 =	vmul.f32 v44, v49  }
0x1c2: {  	v51 =	vor.u32 v41, v51;
	v42 =	vld [tilespmem:s12+$0x0];
	[tilespmem:s11+$0x20] =	vst v46;
	v46 =	vmul.f32 v44, v50;
	v44 =	vmul.f32 v44, v47  }
0x1c3: {  	v47 =	vbroadcast v51, $0x0;
	[tilespmem:s11+$0x10] =	vst v43  }
0x1c4: {  	v43 =	vld [tilespmem:s12+$0x10];
	[tilespmem:s11+$0x50] =	vst v45  }
0x1c5: {  	v45 =	vld [tilespmem:s12+$0xFFFFFFD0];
	[tilespmem:s11+$0x70] =	vst v44  }
0x1c6: {  	v44 =	vld [tilespmem:s12+$0xFFFFFFB0];
	[tilespmem:s11+$0x30] =	vst v48  }
0x1c7: {  	v48 =	vld [tilespmem:s12+$0xFFFFFFE0];
	[tilespmem:s11+$0x60] =	vst v46  }
0x1c8: {  	v46 =	vld [tilespmem:s12+$0xFFFFFFF0];
	[tilespmem:s11+$0x40] =	vst v49;
	s11 =	smov.u32 s12  }
0x1c9: {  	v47 =	vld.idx.msk [tilespmem:v47+s18+$0x0], $0xffff  }
0x1ca: {  	v49 =	vld [tilespmem:s12+$0xFFFFFF80]  }
0x1cb: {  	v50 =	vld [tilespmem:s12+$0xFFFFFFA0]  }
0x1cc: {  	v51 =	vld [tilespmem:s12+$0xFFFFFF90]  }
0x1cd: {  	v52 =	vld [tilespmem:s12+$0xFFFFFFC0];
	_ =	sdelay $0x1  }
0x1ce: {  	s13 =	sadd.s32 $0x1, s13;
	v46 =	vmul.f32 v47, v46;
	v49 =	vmul.f32 v47, v49  }
0x1cf: {  	v53 =	vmov s13;
	v48 =	vmul.f32 v47, v48;
	v50 =	vmul.f32 v47, v50  }
0x1d0: {  	v44 =	vmul.f32 v47, v44;
	v51 =	vmul.f32 v47, v51;
	[tilespmem:s12+$0xFFFFFFF0] =	vst v46;
	v46 =	vand.u32 $0x7F, v53  }
0x1d1: {  	v45 =	vmul.f32 v47, v45;
	[tilespmem:s12+$0xFFFFFF80] =	vst v49;
	v49 =	vmul.f32 v47, v52;
	v46 =	vor.u32 v41, v46  }
0x1d2: {  	[tilespmem:s12+$0xFFFFFFA0] =	vst v50;
	v47 =	vbroadcast v46, $0x0  }
0x1d3: {  	[tilespmem:s12+$0xFFFFFFB0] =	vst v44  }
.Ltmp6:
0x1d4: {  	[tilespmem:s12+$0xFFFFFFD0] =	vst v45;
	(pc) =	sbr.rel @p0 .LBB2_16-.Ltmp6, $4  }
0x1d5: {  	[tilespmem:s12+$0xFFFFFF90] =	vst v51  }
0x1d6: {  	[tilespmem:s12+$0xFFFFFFE0] =	vst v48;
	v46 =	vld [tilespmem:s12+$0x20]  }
0x1d7: {  	[tilespmem:s12+$0xFFFFFFC0] =	vst v49;
	v45 =	vld [tilespmem:s12+$0x50]  }
0x1d8: {  	v44 =	vld.idx.msk [tilespmem:v47+s18+$0x0], $0xffff  }
0x1d9: {  	_ =	sdelay $0x2  }
0x1da: {  	v41 =	vld [tilespmem:s11+$0x70]  }
0x1db: {  	v47 =	vld [tilespmem:s11+$0x30];
	v42 =	vmul.f32 v44, v42  }
0x1dc: {  	v48 =	vld [tilespmem:s11+$0x60];
	v46 =	vmul.f32 v44, v46  }
0x1dd: {  	v49 =	vld [tilespmem:s11+$0x40];
	v43 =	vmul.f32 v44, v43;
	[tilespmem:s11+$0x0] =	vst v42  }
0x1de: {  	v57 =	vmul.f32 v44, v45;
	[tilespmem:s11+$0x20] =	vst v46  }
0x1df: {  	v41 =	vmul.f32 v44, v41;
	[tilespmem:s11+$0x10] =	vst v43  }
0x1e0: {  	v58 =	vmul.f32 v44, v47;
	[tilespmem:s11+$0x50] =	vst v57  }
0x1e1: {  	v59 =	vmul.f32 v44, v48;
	[tilespmem:s11+$0x70] =	vst v41  }
0x1e2: {  	s10 =	smul.u32 $0xC00, s9;
	v60 =	vmul.f32 v44, v49;
	[tilespmem:s11+$0x30] =	vst v58  }
0x1e3: {  	[tilespmem:s11+$0x60] =	vst v59  }
0x1e4: {  	s10 =	sshra.s32 s10, $0x2;
	[tilespmem:s11+$0x40] =	vst v60;
	s11 =	sshllo.u32 s9, $0x1  }
0x1e5: {  	s13 =	simm.s32 $0x0;
	s15 =	sadd.s32 $0xC80, s10;
	s12 =	smul.u32 $0x180, s11  }
0x1e6: {  	[spmem:s2] =	stream.indirect.scatter.add.f32 [tilespmem:s16], [sflag:$0x5], $0x80, s15, s14, $0xb8;
	[tilespmem:$0x1D880] =	vst v63  }
0x1e7: {  	v61 =	vmov s13;
	s12 =	sadd.s32 $0x100, s12  }
0x1e8: {  	v42 =	vand.u32 $0x7E, v61;
	_ =	swait.ge [sflag:s17], $0x4000;
	v41 =	vmov s12  }
0x1e9: {  	[sflag:s17] =	ssyncset.done $0x0;
	v42 =	vor.u32 v41, v42  }
0x1ea: {  	s15 =	sadd.s32 $0xF00, s10;
	[sflag:s17] =	ssyncadd.s32 $0xFFFFC000;
	v62 =	vbroadcast v42, $0x0  }
0x1eb: {  	[tilespmem:s16], [sflag:$0x1] =	stream.indirect.gather [hbm4b:s1+s14], $0x80, s15, s14, $0xb8;
	[tilespmem:$0x1D880] =	vst v63  }
0x1ec: {  	_ =	swait.ge [sflag:s23], $0x4000  }
0x1ed: {  	[sflag:s23] =	ssyncset.done $0x0  }
0x1ee: {  	s12 =	simm.s32 $0x5900;
	[sflag:s23] =	ssyncadd.s32 $0xFFFFC000  }
0x1ef: {  	v56 =	vld [tilespmem:s12+$0xFFFFFFF0]  }
0x1f0: {  	v44 =	vld.idx.msk [tilespmem:v62+s18+$0x0], $0xffff  }
0x1f1: {  	v57 =	vld [tilespmem:s12+$0xFFFFFF80]  }
0x1f2: {  	v58 =	vld [tilespmem:s12+$0xFFFFFFA0]  }
0x1f3: {  	v59 =	vld [tilespmem:s12+$0xFFFFFFB0]  }
0x1f4: {  	v63 =	vld [tilespmem:s12+$0xFFFFFFD0]  }
0x1f5: {  	s31 =	simm.s32 $0x1;
	v51 =	vld [tilespmem:s12+$0xFFFFFF90];
	v46 =	vmul.f32 v44, v56  }
0x1f6: {  	v53 =	vmov s31;
	v50 =	vld [tilespmem:s12+$0xFFFFFFE0];
	v47 =	vmul.f32 v44, v57  }
0x1f7: {  	v60 =	vand.u32 $0x7F, v53;
	v52 =	vld [tilespmem:s12+$0xFFFFFFC0];
	v48 =	vmul.f32 v44, v58;
	[tilespmem:s12+$0xFFFFFFF0] =	vst v46  }
0x1f8: {  	v49 =	vmul.f32 v44, v59;
	[tilespmem:s12+$0xFFFFFF80] =	vst v47;
	v46 =	vor.u32 v41, v60  }
0x1f9: {  	v45 =	vmul.f32 v44, v63;
	[tilespmem:s12+$0xFFFFFFA0] =	vst v48;
	v61 =	vbroadcast v46, $0x0  }
0x1fa: {  	v62 =	vmul.f32 v44, v51;
	[tilespmem:s12+$0xFFFFFFB0] =	vst v49  }
0x1fb: {  	v42 =	vld [tilespmem:s12+$0x0];
	v63 =	vmul.f32 v44, v50;
	[tilespmem:s12+$0xFFFFFFD0] =	vst v45  }
0x1fc: {  	v43 =	vld [tilespmem:s12+$0x10];
	v44 =	vmul.f32 v44, v52;
	[tilespmem:s12+$0xFFFFFF90] =	vst v62  }
0x1fd: {  	[tilespmem:s12+$0xFFFFFFE0] =	vst v63;
	v45 =	vld [tilespmem:s12+$0x50]  }
0x1fe: {  	[tilespmem:s12+$0xFFFFFFC0] =	vst v44;
	v46 =	vld [tilespmem:s12+$0x20]  }
0x1ff: {  	s13 =	simm.s32 $0x2;
	s15 =	simm.s32 $0x5900;
	v44 =	vld.idx.msk [tilespmem:v61+s18+$0x0], $0xffff  }
.LBB2_18:
0x200: {  	p0 =	sne.s32 s13, $0x7E  }
0x201: {  	v47 =	vld [tilespmem:s12+$0x70];
	s15 =	sadd.s32 $0x100, s15;
	s31 =	smov.u32 s13;
	s13 =	sadd.s32 $0x2, s13  }
0x202: {  	v48 =	vld [tilespmem:s12+$0x30]  }
0x203: {  	v49 =	vld [tilespmem:s12+$0x40]  }
0x204: {  	v50 =	vld [tilespmem:s12+$0x60];
	_ =	sdelay $0x1  }
0x205: {  	v42 =	vmul.f32 v44, v42;
	v43 =	vmul.f32 v44, v43  }
0x206: {  	v51 =	vmov s31;
	v46 =	vmul.f32 v44, v46;
	v48 =	vmul.f32 v44, v48  }
0x207: {  	v51 =	vand.u32 $0x7E, v51;
	v45 =	vmul.f32 v44, v45;
	[tilespmem:s12+$0x0] =	vst v42;
	v49 =	vmul.f32 v44, v49  }
0x208: {  	v51 =	vor.u32 v41, v51;
	v42 =	vld [tilespmem:s15+$0x0];
	[tilespmem:s12+$0x20] =	vst v46;
	v46 =	vmul.f32 v44, v50;
	v44 =	vmul.f32 v44, v47  }
0x209: {  	v47 =	vbroadcast v51, $0x0;
	[tilespmem:s12+$0x10] =	vst v43  }
0x20a: {  	v43 =	vld [tilespmem:s15+$0x10];
	[tilespmem:s12+$0x50] =	vst v45  }
0x20b: {  	v45 =	vld [tilespmem:s15+$0xFFFFFFD0];
	[tilespmem:s12+$0x70] =	vst v44  }
0x20c: {  	v44 =	vld [tilespmem:s15+$0xFFFFFFB0];
	[tilespmem:s12+$0x30] =	vst v48  }
0x20d: {  	v48 =	vld [tilespmem:s15+$0xFFFFFFE0];
	[tilespmem:s12+$0x60] =	vst v46  }
0x20e: {  	v46 =	vld [tilespmem:s15+$0xFFFFFFF0];
	[tilespmem:s12+$0x40] =	vst v49;
	s12 =	smov.u32 s15  }
0x20f: {  	v47 =	vld.idx.msk [tilespmem:v47+s18+$0x0], $0xffff  }
0x210: {  	v49 =	vld [tilespmem:s15+$0xFFFFFF80]  }
0x211: {  	v50 =	vld [tilespmem:s15+$0xFFFFFFA0]  }
0x212: {  	v51 =	vld [tilespmem:s15+$0xFFFFFF90]  }
0x213: {  	v52 =	vld [tilespmem:s15+$0xFFFFFFC0];
	_ =	sdelay $0x1  }
0x214: {  	s31 =	sadd.s32 $0x1, s31;
	v46 =	vmul.f32 v47, v46;
	v49 =	vmul.f32 v47, v49  }
0x215: {  	v53 =	vmov s31;
	v48 =	vmul.f32 v47, v48;
	v50 =	vmul.f32 v47, v50  }
0x216: {  	v44 =	vmul.f32 v47, v44;
	v51 =	vmul.f32 v47, v51;
	[tilespmem:s15+$0xFFFFFFF0] =	vst v46;
	v46 =	vand.u32 $0x7F, v53  }
0x217: {  	v45 =	vmul.f32 v47, v45;
	[tilespmem:s15+$0xFFFFFF80] =	vst v49;
	v49 =	vmul.f32 v47, v52;
	v46 =	vor.u32 v41, v46  }
0x218: {  	[tilespmem:s15+$0xFFFFFFA0] =	vst v50;
	v47 =	vbroadcast v46, $0x0  }
0x219: {  	[tilespmem:s15+$0xFFFFFFB0] =	vst v44  }
.Ltmp7:
0x21a: {  	[tilespmem:s15+$0xFFFFFFD0] =	vst v45;
	(pc) =	sbr.rel @p0 .LBB2_18-.Ltmp7, $4  }
0x21b: {  	[tilespmem:s15+$0xFFFFFF90] =	vst v51  }
0x21c: {  	[tilespmem:s15+$0xFFFFFFE0] =	vst v48;
	v46 =	vld [tilespmem:s15+$0x20]  }
0x21d: {  	[tilespmem:s15+$0xFFFFFFC0] =	vst v49;
	v45 =	vld [tilespmem:s15+$0x50]  }
0x21e: {  	v44 =	vld.idx.msk [tilespmem:v47+s18+$0x0], $0xffff  }
0x21f: {  	_ =	sdelay $0x2  }
0x220: {  	v41 =	vld [tilespmem:s12+$0x70]  }
0x221: {  	v47 =	vld [tilespmem:s12+$0x30];
	v42 =	vmul.f32 v44, v42  }
0x222: {  	v48 =	vld [tilespmem:s12+$0x60];
	v46 =	vmul.f32 v44, v46  }
0x223: {  	v49 =	vld [tilespmem:s12+$0x40];
	v43 =	vmul.f32 v44, v43;
	[tilespmem:s12+$0x0] =	vst v42  }
0x224: {  	v60 =	vmul.f32 v44, v45;
	[tilespmem:s12+$0x20] =	vst v46  }
0x225: {  	v41 =	vmul.f32 v44, v41;
	[tilespmem:s12+$0x10] =	vst v43  }
0x226: {  	v61 =	vmul.f32 v44, v47;
	[tilespmem:s12+$0x50] =	vst v60  }
0x227: {  	s11 =	smul.u32 $0x600, s11;
	v62 =	vmul.f32 v44, v48;
	[tilespmem:s12+$0x70] =	vst v41  }
0x228: {  	v63 =	vmul.f32 v44, v49;
	[tilespmem:s12+$0x30] =	vst v61  }
0x229: {  	s9 =	sadd.s32 $0x1, s9;
	s11 =	sshra.s32 s11, $0x2;
	[tilespmem:s12+$0x60] =	vst v62  }
0x22a: {  	p0 =	sne.s32 s9, $0x3;
	s11 =	sadd.s32 $0xC80, s11;
	[tilespmem:s12+$0x40] =	vst v63  }
0x22b: {  	[spmem:s2] =	stream.indirect.scatter.add.f32 [tilespmem:s21], [sflag:$0x5], $0x80, s11, s14, $0xb8;
	[tilespmem:$0x1D880] =	vst v63  }
.Ltmp8:
0x22c: {  	_ = 	snop;
	(pc) =	sbr.rel @p0 .LBB2_15-.Ltmp8, $4  }
0x22d: {  	_ =	swait.ge [sflag:s17], $0x4000  }
0x22e: {  	[sflag:s17] =	ssyncset.done $0x0  }
0x22f: {  	s10 =	sadd.s32 $0x1080, s10;
	[sflag:s17] =	ssyncadd.s32 $0xFFFFC000  }
0x230: {  	[tilespmem:s21], [sflag:$0x2] =	stream.indirect.gather [hbm4b:s1+s14], $0x80, s10, s14, $0xb8;
	[tilespmem:$0x1D880] =	vst v63  }
0x231: {  	s8 =	simm.s32 $0x0  }
0x232: {  	v41 =	vmov s8  }
0x233: {  	v41 =	vand.u32 $0x7E, v41  }
0x234: {  	v41 =	vor.u32 $0xA00, v41  }
0x235: {  	v43 =	vbroadcast v41, $0x0;
	_ =	sdelay $0x1  }
0x236: {  	_ =	swait.ge [sflag:s22], $0x4000  }
0x237: {  	[sflag:s22] =	ssyncset.done $0x0  }
0x238: {  	s8 =	simm.s32 $0x1900;
	[sflag:s22] =	ssyncadd.s32 $0xFFFFC000  }
0x239: {  	v45 =	vld [tilespmem:s8+$0xFFFFFFF0]  }
0x23a: {  	v43 =	vld.idx.msk [tilespmem:v43+s18+$0x0], $0xffff  }
0x23b: {  	v46 =	vld [tilespmem:s8+$0xFFFFFF80]  }
0x23c: {  	v47 =	vld [tilespmem:s8+$0xFFFFFFA0]  }
0x23d: {  	v48 =	vld [tilespmem:s8+$0xFFFFFFB0]  }
0x23e: {  	v44 =	vld [tilespmem:s8+$0xFFFFFFD0]  }
0x23f: {  	s9 =	simm.s32 $0x1;
	v50 =	vld [tilespmem:s8+$0xFFFFFF90];
	v45 =	vmul.f32 v43, v45  }
0x240: {  	v52 =	vmov s9;
	v49 =	vld [tilespmem:s8+$0xFFFFFFE0];
	v46 =	vmul.f32 v43, v46  }
0x241: {  	v60 =	vand.u32 $0x7F, v52;
	v51 =	vld [tilespmem:s8+$0xFFFFFFC0];
	v47 =	vmul.f32 v43, v47;
	[tilespmem:s8+$0xFFFFFFF0] =	vst v45  }
0x242: {  	v48 =	vmul.f32 v43, v48;
	[tilespmem:s8+$0xFFFFFF80] =	vst v46;
	v45 =	vor.u32 $0xA00, v60  }
0x243: {  	v44 =	vmul.f32 v43, v44;
	[tilespmem:s8+$0xFFFFFFA0] =	vst v47;
	v61 =	vbroadcast v45, $0x0  }
0x244: {  	v62 =	vmul.f32 v43, v50;
	[tilespmem:s8+$0xFFFFFFB0] =	vst v48  }
0x245: {  	v42 =	vld [tilespmem:s8+$0x10];
	v63 =	vmul.f32 v43, v49;
	[tilespmem:s8+$0xFFFFFFD0] =	vst v44  }
0x246: {  	v41 =	vld [tilespmem:s8+$0x0];
	v43 =	vmul.f32 v43, v51;
	[tilespmem:s8+$0xFFFFFF90] =	vst v62  }
0x247: {  	[tilespmem:s8+$0xFFFFFFE0] =	vst v63;
	v44 =	vld [tilespmem:s8+$0x50]  }
0x248: {  	[tilespmem:s8+$0xFFFFFFC0] =	vst v43;
	v45 =	vld [tilespmem:s8+$0x20]  }
0x249: {  	s10 =	simm.s32 $0x1900;
	s9 =	simm.s32 $0x2;
	v43 =	vld.idx.msk [tilespmem:v61+s18+$0x0], $0xffff  }
.LBB2_21:
0x24a: {  	p0 =	sne.s32 s9, $0x7E  }
0x24b: {  	v46 =	vld [tilespmem:s8+$0x70];
	s10 =	sadd.s32 $0x100, s10;
	s11 =	smov.u32 s9;
	s9 =	sadd.s32 $0x2, s9  }
0x24c: {  	v47 =	vld [tilespmem:s8+$0x30]  }
0x24d: {  	v48 =	vld [tilespmem:s8+$0x40]  }
0x24e: {  	v49 =	vld [tilespmem:s8+$0x60];
	_ =	sdelay $0x1  }
0x24f: {  	v41 =	vmul.f32 v43, v41;
	v42 =	vmul.f32 v43, v42  }
0x250: {  	v50 =	vmov s11;
	v45 =	vmul.f32 v43, v45;
	v47 =	vmul.f32 v43, v47  }
0x251: {  	v50 =	vand.u32 $0x7E, v50;
	v44 =	vmul.f32 v43, v44;
	[tilespmem:s8+$0x0] =	vst v41;
	v48 =	vmul.f32 v43, v48  }
0x252: {  	v50 =	vor.u32 $0xA00, v50;
	v41 =	vld [tilespmem:s10+$0x0];
	[tilespmem:s8+$0x20] =	vst v45;
	v45 =	vmul.f32 v43, v49;
	v43 =	vmul.f32 v43, v46  }
0x253: {  	v46 =	vbroadcast v50, $0x0;
	[tilespmem:s8+$0x10] =	vst v42  }
0x254: {  	v42 =	vld [tilespmem:s10+$0x10];
	[tilespmem:s8+$0x50] =	vst v44  }
0x255: {  	v44 =	vld [tilespmem:s10+$0xFFFFFFD0];
	[tilespmem:s8+$0x70] =	vst v43  }
0x256: {  	v43 =	vld [tilespmem:s10+$0xFFFFFFB0];
	[tilespmem:s8+$0x30] =	vst v47  }
0x257: {  	v47 =	vld [tilespmem:s10+$0xFFFFFFE0];
	[tilespmem:s8+$0x60] =	vst v45  }
0x258: {  	v45 =	vld [tilespmem:s10+$0xFFFFFFF0];
	[tilespmem:s8+$0x40] =	vst v48;
	s8 =	smov.u32 s10  }
0x259: {  	v46 =	vld.idx.msk [tilespmem:v46+s18+$0x0], $0xffff  }
0x25a: {  	v48 =	vld [tilespmem:s10+$0xFFFFFF80]  }
0x25b: {  	v49 =	vld [tilespmem:s10+$0xFFFFFFA0]  }
0x25c: {  	v50 =	vld [tilespmem:s10+$0xFFFFFF90]  }
0x25d: {  	v51 =	vld [tilespmem:s10+$0xFFFFFFC0];
	_ =	sdelay $0x1  }
0x25e: {  	s11 =	sadd.s32 $0x1, s11;
	v45 =	vmul.f32 v46, v45;
	v48 =	vmul.f32 v46, v48  }
0x25f: {  	v52 =	vmov s11;
	v47 =	vmul.f32 v46, v47;
	v49 =	vmul.f32 v46, v49  }
0x260: {  	v43 =	vmul.f32 v46, v43;
	v50 =	vmul.f32 v46, v50;
	[tilespmem:s10+$0xFFFFFFF0] =	vst v45;
	v45 =	vand.u32 $0x7F, v52  }
0x261: {  	v44 =	vmul.f32 v46, v44;
	[tilespmem:s10+$0xFFFFFF80] =	vst v48;
	v48 =	vmul.f32 v46, v51;
	v45 =	vor.u32 $0xA00, v45  }
0x262: {  	[tilespmem:s10+$0xFFFFFFA0] =	vst v49;
	v46 =	vbroadcast v45, $0x0  }
0x263: {  	[tilespmem:s10+$0xFFFFFFB0] =	vst v43  }
.Ltmp9:
0x264: {  	[tilespmem:s10+$0xFFFFFFD0] =	vst v44;
	(pc) =	sbr.rel @p0 .LBB2_21-.Ltmp9, $4  }
0x265: {  	[tilespmem:s10+$0xFFFFFF90] =	vst v50  }
0x266: {  	[tilespmem:s10+$0xFFFFFFE0] =	vst v47;
	v45 =	vld [tilespmem:s10+$0x20]  }
0x267: {  	[tilespmem:s10+$0xFFFFFFC0] =	vst v48;
	v44 =	vld [tilespmem:s10+$0x50]  }
0x268: {  	v43 =	vld.idx.msk [tilespmem:v46+s18+$0x0], $0xffff  }
0x269: {  	_ =	sdelay $0x2  }
0x26a: {  	v46 =	vld [tilespmem:s8+$0x70]  }
0x26b: {  	v47 =	vld [tilespmem:s8+$0x30];
	v41 =	vmul.f32 v43, v41  }
0x26c: {  	v48 =	vld [tilespmem:s8+$0x60];
	v45 =	vmul.f32 v43, v45  }
0x26d: {  	v49 =	vld [tilespmem:s8+$0x40];
	v42 =	vmul.f32 v43, v42;
	[tilespmem:s8+$0x0] =	vst v41  }
0x26e: {  	v56 =	vmul.f32 v43, v44;
	[tilespmem:s8+$0x20] =	vst v45  }
0x26f: {  	v57 =	vmul.f32 v43, v46;
	[tilespmem:s8+$0x10] =	vst v42  }
0x270: {  	v58 =	vmul.f32 v43, v47;
	[tilespmem:s8+$0x50] =	vst v56  }
0x271: {  	v59 =	vmul.f32 v43, v48;
	[tilespmem:s8+$0x70] =	vst v57  }
0x272: {  	v60 =	vmul.f32 v43, v49;
	[tilespmem:s8+$0x30] =	vst v58  }
0x273: {  	s31 =	simm.s32 $0x0;
	[tilespmem:s8+$0x60] =	vst v59  }
0x274: {  	v61 =	vmov s31;
	[tilespmem:s8+$0x40] =	vst v60  }
0x275: {  	v41 =	vand.u32 $0x7E, v61;
	[spmem:s2] =	stream.indirect.scatter.add.f32 [tilespmem:s16], [sflag:$0x5], $0x80, s29, s14, $0xb8;
	[tilespmem:$0x1D880] =	vst v63  }
0x276: {  	v41 =	vor.u32 $0xB80, v41;
	_ =	swait.ge [sflag:s17], $0x4000  }
0x277: {  	v62 =	vbroadcast v41, $0x0;
	[sflag:s17] =	ssyncset.done $0x0  }
0x278: {  	[sflag:s17] =	ssyncadd.s32 $0xFFFFC000  }
0x279: {  	_ =	swait.ge [sflag:s23], $0x4000  }
0x27a: {  	[sflag:s23] =	ssyncset.done $0x0  }
0x27b: {  	s8 =	simm.s32 $0x5900;
	[sflag:s23] =	ssyncadd.s32 $0xFFFFC000  }
0x27c: {  	v55 =	vld [tilespmem:s8+$0xFFFFFFF0]  }
0x27d: {  	v43 =	vld.idx.msk [tilespmem:v62+s18+$0x0], $0xffff  }
0x27e: {  	v56 =	vld [tilespmem:s8+$0xFFFFFF80]  }
0x27f: {  	v57 =	vld [tilespmem:s8+$0xFFFFFFA0]  }
0x280: {  	v58 =	vld [tilespmem:s8+$0xFFFFFFB0]  }
0x281: {  	v63 =	vld [tilespmem:s8+$0xFFFFFFD0]  }
0x282: {  	s9 =	simm.s32 $0x1;
	v50 =	vld [tilespmem:s8+$0xFFFFFF90];
	v45 =	vmul.f32 v43, v55  }
0x283: {  	v52 =	vmov s9;
	v59 =	vld [tilespmem:s8+$0xFFFFFFE0];
	v46 =	vmul.f32 v43, v56  }
0x284: {  	v60 =	vand.u32 $0x7F, v52;
	v51 =	vld [tilespmem:s8+$0xFFFFFFC0];
	v47 =	vmul.f32 v43, v57;
	[tilespmem:s8+$0xFFFFFFF0] =	vst v45  }
0x285: {  	v48 =	vmul.f32 v43, v58;
	[tilespmem:s8+$0xFFFFFF80] =	vst v46;
	v45 =	vor.u32 $0xB80, v60  }
0x286: {  	v44 =	vmul.f32 v43, v63;
	[tilespmem:s8+$0xFFFFFFA0] =	vst v47;
	v61 =	vbroadcast v45, $0x0  }
0x287: {  	v62 =	vmul.f32 v43, v50;
	[tilespmem:s8+$0xFFFFFFB0] =	vst v48  }
0x288: {  	v41 =	vld [tilespmem:s8+$0x0];
	v63 =	vmul.f32 v43, v59;
	[tilespmem:s8+$0xFFFFFFD0] =	vst v44  }
0x289: {  	v42 =	vld [tilespmem:s8+$0x10];
	v43 =	vmul.f32 v43, v51;
	[tilespmem:s8+$0xFFFFFF90] =	vst v62  }
0x28a: {  	[tilespmem:s8+$0xFFFFFFE0] =	vst v63;
	v44 =	vld [tilespmem:s8+$0x50]  }
0x28b: {  	[tilespmem:s8+$0xFFFFFFC0] =	vst v43;
	v45 =	vld [tilespmem:s8+$0x20]  }
0x28c: {  	s10 =	simm.s32 $0x5900;
	s9 =	simm.s32 $0x2;
	v43 =	vld.idx.msk [tilespmem:v61+s18+$0x0], $0xffff  }
.LBB2_23:
0x28d: {  	p0 =	sne.s32 s9, $0x7E  }
0x28e: {  	v46 =	vld [tilespmem:s8+$0x70];
	s10 =	sadd.s32 $0x100, s10;
	s11 =	smov.u32 s9;
	s9 =	sadd.s32 $0x2, s9  }
0x28f: {  	v47 =	vld [tilespmem:s8+$0x30]  }
0x290: {  	v48 =	vld [tilespmem:s8+$0x40]  }
0x291: {  	v49 =	vld [tilespmem:s8+$0x60];
	_ =	sdelay $0x1  }
0x292: {  	v41 =	vmul.f32 v43, v41;
	v42 =	vmul.f32 v43, v42  }
0x293: {  	v50 =	vmov s11;
	v45 =	vmul.f32 v43, v45;
	v47 =	vmul.f32 v43, v47  }
0x294: {  	v50 =	vand.u32 $0x7E, v50;
	v44 =	vmul.f32 v43, v44;
	[tilespmem:s8+$0x0] =	vst v41;
	v48 =	vmul.f32 v43, v48  }
0x295: {  	v50 =	vor.u32 $0xB80, v50;
	v41 =	vld [tilespmem:s10+$0x0];
	[tilespmem:s8+$0x20] =	vst v45;
	v45 =	vmul.f32 v43, v49;
	v43 =	vmul.f32 v43, v46  }
0x296: {  	v46 =	vbroadcast v50, $0x0;
	[tilespmem:s8+$0x10] =	vst v42  }
0x297: {  	v42 =	vld [tilespmem:s10+$0x10];
	[tilespmem:s8+$0x50] =	vst v44  }
0x298: {  	v44 =	vld [tilespmem:s10+$0xFFFFFFD0];
	[tilespmem:s8+$0x70] =	vst v43  }
0x299: {  	v43 =	vld [tilespmem:s10+$0xFFFFFFB0];
	[tilespmem:s8+$0x30] =	vst v47  }
0x29a: {  	v47 =	vld [tilespmem:s10+$0xFFFFFFE0];
	[tilespmem:s8+$0x60] =	vst v45  }
0x29b: {  	v45 =	vld [tilespmem:s10+$0xFFFFFFF0];
	[tilespmem:s8+$0x40] =	vst v48;
	s8 =	smov.u32 s10  }
0x29c: {  	v46 =	vld.idx.msk [tilespmem:v46+s18+$0x0], $0xffff  }
0x29d: {  	v48 =	vld [tilespmem:s10+$0xFFFFFF80]  }
0x29e: {  	v49 =	vld [tilespmem:s10+$0xFFFFFFA0]  }
0x29f: {  	v50 =	vld [tilespmem:s10+$0xFFFFFF90]  }
0x2a0: {  	v51 =	vld [tilespmem:s10+$0xFFFFFFC0];
	_ =	sdelay $0x1  }
0x2a1: {  	s11 =	sadd.s32 $0x1, s11;
	v45 =	vmul.f32 v46, v45;
	v48 =	vmul.f32 v46, v48  }
0x2a2: {  	v52 =	vmov s11;
	v47 =	vmul.f32 v46, v47;
	v49 =	vmul.f32 v46, v49  }
0x2a3: {  	v43 =	vmul.f32 v46, v43;
	v50 =	vmul.f32 v46, v50;
	[tilespmem:s10+$0xFFFFFFF0] =	vst v45;
	v45 =	vand.u32 $0x7F, v52  }
0x2a4: {  	v44 =	vmul.f32 v46, v44;
	[tilespmem:s10+$0xFFFFFF80] =	vst v48;
	v48 =	vmul.f32 v46, v51;
	v45 =	vor.u32 $0xB80, v45  }
0x2a5: {  	[tilespmem:s10+$0xFFFFFFA0] =	vst v49;
	v46 =	vbroadcast v45, $0x0  }
0x2a6: {  	[tilespmem:s10+$0xFFFFFFB0] =	vst v43  }
.Ltmp10:
0x2a7: {  	[tilespmem:s10+$0xFFFFFFD0] =	vst v44;
	(pc) =	sbr.rel @p0 .LBB2_23-.Ltmp10, $4  }
0x2a8: {  	[tilespmem:s10+$0xFFFFFF90] =	vst v50  }
0x2a9: {  	[tilespmem:s10+$0xFFFFFFE0] =	vst v47;
	v45 =	vld [tilespmem:s10+$0x20]  }
0x2aa: {  	[tilespmem:s10+$0xFFFFFFC0] =	vst v48;
	v44 =	vld [tilespmem:s10+$0x50]  }
0x2ab: {  	v43 =	vld.idx.msk [tilespmem:v46+s18+$0x0], $0xffff  }
0x2ac: {  	_ =	sdelay $0x2  }
0x2ad: {  	v46 =	vld [tilespmem:s8+$0x70]  }
0x2ae: {  	v47 =	vld [tilespmem:s8+$0x30];
	v41 =	vmul.f32 v43, v41  }
0x2af: {  	v48 =	vld [tilespmem:s8+$0x60];
	v45 =	vmul.f32 v43, v45  }
0x2b0: {  	v49 =	vld [tilespmem:s8+$0x40];
	v42 =	vmul.f32 v43, v42;
	[tilespmem:s8+$0x0] =	vst v41  }
0x2b1: {  	v59 =	vmul.f32 v43, v44;
	[tilespmem:s8+$0x20] =	vst v45  }
0x2b2: {  	v60 =	vmul.f32 v43, v46;
	[tilespmem:s8+$0x10] =	vst v42  }
0x2b3: {  	v61 =	vmul.f32 v43, v47;
	[tilespmem:s8+$0x50] =	vst v59  }
0x2b4: {  	v62 =	vmul.f32 v43, v48;
	[tilespmem:s8+$0x70] =	vst v60  }
0x2b5: {  	s3 =	sadd.s32 $0x1, s3;
	v63 =	vmul.f32 v43, v49;
	[tilespmem:s8+$0x30] =	vst v61  }
0x2b6: {  	p0 =	sne.s32 s3, s7;
	[tilespmem:s8+$0x60] =	vst v62  }
.Ltmp11:
0x2b7: {  	[tilespmem:s8+$0x40] =	vst v63;
	(pc) =	sbr.rel @p0 .LBB2_4-.Ltmp11, $4  }
0x2b8: {  	[spmem:s2] =	stream.indirect.scatter.add.f32 [tilespmem:s21], [sflag:$0x5], $0x80, s30, s14, $0xb8;
	[tilespmem:$0x1D880] =	vst v63  }
0x2b9: {  	_ =	swait.ge [sflag:s17], $0x4000  }
0x2ba: {  	[sflag:s17] =	ssyncset.done $0x0  }
0x2bb: {  	[sflag:s17] =	ssyncadd.s32 $0xFFFFC000  }
0x2bc: {  	[bflag:$0x0] =	sbarrier.arrive $0xFFFF  }
0x2bd: {  	[tilespmem:$0x1800] =	vst v25  }
0x2be: {  	[tilespmem:$0x1810] =	vst v1  }
0x2bf: {  	[tilespmem:$0x1820] =	vst v2  }
0x2c0: {  	[tilespmem:$0x1830] =	vst v3  }
0x2c1: {  	[tilespmem:$0x1840] =	vst v4  }
0x2c2: {  	[tilespmem:$0x1850] =	vst v5  }
0x2c3: {  	[tilespmem:$0x1860] =	vst v6  }
0x2c4: {  	s3 =	simm.s32 $0x1800;
	[tilespmem:$0x1870] =	vst v7  }
0x2c5: {  	[tilespmem:s16], [sflag:$0x5] =	stream.indirect.gather [spmem:s2], $0x80, s3, s14, $0xb8;
	[tilespmem:$0x1D880] =	vst v63  }
0x2c6: {  	_ =	swait.ge [sflag:s17], $0x4000  }
0x2c7: {  	[sflag:s17] =	ssyncset.done $0x0  }
0x2c8: {  	s0 =	rddreg [dreg:$0x4];
	[sflag:s17] =	ssyncadd.s32 $0xFFFFC000  }
0x2c9: {  	[hbm4b:s0+s4] =	stream.linear.scatter [tilespmem:s16], [sflag:$0x1], $0x4000, $0x38;
	[tilespmem:$0x1D880] =	vst v63  }
0x2ca: {  	[tilespmem:$0x1800] =	vst v8  }
0x2cb: {  	[tilespmem:$0x1810] =	vst v9  }
0x2cc: {  	[tilespmem:$0x1820] =	vst v10  }
0x2cd: {  	[tilespmem:$0x1830] =	vst v11  }
0x2ce: {  	[tilespmem:$0x1840] =	vst v12  }
0x2cf: {  	[tilespmem:$0x1850] =	vst v13  }
0x2d0: {  	[tilespmem:$0x1860] =	vst v14  }
0x2d1: {  	[tilespmem:$0x1870] =	vst v15  }
0x2d2: {  	[tilespmem:s21], [sflag:$0x5] =	stream.indirect.gather [spmem:s2], $0x80, s3, s14, $0xb8;
	[tilespmem:$0x1D880] =	vst v63  }
0x2d3: {  	_ =	swait.ge [sflag:s17], $0x4000  }
0x2d4: {  	[sflag:s17] =	ssyncset.done $0x0  }
0x2d5: {  	s10 =	rddreg [dreg:$0x5];
	[sflag:s17] =	ssyncadd.s32 $0xFFFFC000  }
0x2d6: {  	[hbm4b:s10+s4] =	stream.linear.scatter [tilespmem:s21], [sflag:$0x2], $0x4000, $0x38;
	[tilespmem:$0x1D880] =	vst v63  }
0x2d7: {  	_ =	swait.ge [sflag:s22], $0x4000  }
0x2d8: {  	[sflag:s22] =	ssyncset.done $0x0  }
0x2d9: {  	[sflag:s22] =	ssyncadd.s32 $0xFFFFC000  }
0x2da: {  	[tilespmem:$0x1800] =	vst v16  }
0x2db: {  	[tilespmem:$0x1810] =	vst v17  }
0x2dc: {  	[tilespmem:$0x1820] =	vst v18  }
0x2dd: {  	[tilespmem:$0x1830] =	vst v19  }
0x2de: {  	[tilespmem:$0x1840] =	vst v20  }
0x2df: {  	[tilespmem:$0x1850] =	vst v21  }
0x2e0: {  	[tilespmem:$0x1860] =	vst v22  }
0x2e1: {  	[tilespmem:$0x1870] =	vst v23  }
0x2e2: {  	[tilespmem:s16], [sflag:$0x5] =	stream.indirect.gather [spmem:s2], $0x80, s3, s14, $0xb8;
	[tilespmem:$0x1D880] =	vst v63  }
0x2e3: {  	_ =	swait.ge [sflag:s17], $0x4000  }
0x2e4: {  	[sflag:s17] =	ssyncset.done $0x0  }
0x2e5: {  	s11 =	rddreg [dreg:$0x6];
	[sflag:s17] =	ssyncadd.s32 $0xFFFFC000  }
0x2e6: {  	[hbm4b:s11+s4] =	stream.linear.scatter [tilespmem:s16], [sflag:$0x1], $0x4000, $0x38;
	[tilespmem:$0x1D880] =	vst v63  }
0x2e7: {  	_ =	swait.ge [sflag:s23], $0x4000  }
0x2e8: {  	[sflag:s23] =	ssyncset.done $0x0  }
0x2e9: {  	[sflag:s23] =	ssyncadd.s32 $0xFFFFC000  }
0x2ea: {  	[tilespmem:$0x1800] =	vst v24  }
0x2eb: {  	[tilespmem:$0x1810] =	vst v26  }
0x2ec: {  	[tilespmem:$0x1820] =	vst v27  }
0x2ed: {  	[tilespmem:$0x1830] =	vst v28  }
0x2ee: {  	[tilespmem:$0x1840] =	vst v29  }
0x2ef: {  	[tilespmem:$0x1850] =	vst v30  }
0x2f0: {  	[tilespmem:$0x1860] =	vst v31  }
0x2f1: {  	[tilespmem:$0x1870] =	vst v32  }
0x2f2: {  	[tilespmem:s21], [sflag:$0x5] =	stream.indirect.gather [spmem:s2], $0x80, s3, s14, $0xb8;
	[tilespmem:$0x1D880] =	vst v63  }
0x2f3: {  	_ =	swait.ge [sflag:s17], $0x4000  }
0x2f4: {  	[sflag:s17] =	ssyncset.done $0x0  }
0x2f5: {  	s12 =	rddreg [dreg:$0x7];
	[sflag:s17] =	ssyncadd.s32 $0xFFFFC000  }
0x2f6: {  	[hbm4b:s12+s4] =	stream.linear.scatter [tilespmem:s21], [sflag:$0x2], $0x4000, $0x38;
	[tilespmem:$0x1D880] =	vst v63  }
0x2f7: {  	_ =	swait.ge [sflag:s22], $0x4000  }
0x2f8: {  	[sflag:s22] =	ssyncset.done $0x0  }
0x2f9: {  	[sflag:s22] =	ssyncadd.s32 $0xFFFFC000  }
0x2fa: {  	[tilespmem:$0x1800] =	vst v0  }
0x2fb: {  	[tilespmem:$0x1810] =	vst v33  }
0x2fc: {  	[tilespmem:$0x1820] =	vst v34  }
0x2fd: {  	[tilespmem:$0x1830] =	vst v35  }
0x2fe: {  	[tilespmem:$0x1840] =	vst v36  }
0x2ff: {  	[tilespmem:$0x1850] =	vst v37  }
0x300: {  	[tilespmem:$0x1860] =	vst v38  }
0x301: {  	[tilespmem:$0x1870] =	vst v39  }
0x302: {  	[tilespmem:s16], [sflag:$0x5] =	stream.indirect.gather [spmem:s2], $0x80, s3, s14, $0xb8;
	[tilespmem:$0x1D880] =	vst v63  }
0x303: {  	_ =	swait.ge [sflag:s17], $0x4000  }
0x304: {  	[sflag:s17] =	ssyncset.done $0x0  }
0x305: {  	s13 =	rddreg [dreg:$0x8];
	[sflag:s17] =	ssyncadd.s32 $0xFFFFC000  }
0x306: {  	[hbm4b:s13+s4] =	stream.linear.scatter [tilespmem:s16], [sflag:$0x1], $0x4000, $0x38;
	[tilespmem:$0x1D880] =	vst v63  }
0x307: {  	_ =	swait.ge [sflag:s23], $0x4000  }
0x308: {  	[sflag:s23] =	ssyncset.done $0x0  }
0x309: {  	[sflag:s23] =	ssyncadd.s32 $0xFFFFC000  }
0x30a: {  	_ =	swait.ge [sflag:s22], $0x4000  }
0x30b: {  	s15 =	rddreg [dreg:$0xa]  }
0x30c: {  	s31 =	rddreg [dreg:$0x9];
	s3 =	sadd.s32 $0x1, s15  }
0x30d: {  	p0 =	sne.s32 s3, s31  }
.Ltmp12:
0x30e: {  	_ = 	snop;
	(pc) =	sbr.rel @p0 .LBB2_1-.Ltmp12, $3  }
0x30f: {  	_ =	sdelay $0x1  }
0x310: {  	[sflag:s22] =	ssyncset.done $0x0  }
0x311: {  	[sflag:s22] =	ssyncadd.s32 $0xFFFFC000  }
0x312: {  	_ =	sfence.sel $0x180000  }
0x313: {  	[bflag:$0x0] =	sbarrier.arrive $0xFFFF  }
0x314: {  	_ =	strace $0x9000004A  }
0x315: {  	s0 =	stileid.u32;
	[bflag:$0x2] =	sbarrier.arrive $0xFFFF  }
0x316: {  	p0 =	sne.s32 s0, $0x0;
	s0 =	rddreg [dreg:$0x3]  }
0x317: {  	s0 =	sadd.s32 @!p0 $0x100000, s0  }
0x318: {  	[sflag:s0] =	ssyncadd.tile.s32 @!p0 $0x1;
	_ =	shalt  }
.Lfunc_end2:
_tile_overlayer_lowered:
.L_overlay_start_2:
0x319: {  	(tag) =	ssettag $0x2  }
0x31a: {  	s0 =	rddreg [dreg:$0x0];
	s2 =	stileid.u32  }
0x31b: {  	s1 =	rddreg [dreg:$0x1];
	p0 =	sne.s32 s2, $0x0  }
0x31c: {  	s3 =	rddreg [dreg:$0x2];
	[bflag:$0x3] =	sbarrier.arrive $0xFFFF;
	s2 =	simm.s32 @!p0 $0x1C05  }
0x31d: {  	[timem:s3], [sflag:s2] =	dma.local @!p0 [hbm:s0], s1  }
0x31e: {  	s0 =	simm.s32 @!p0 $0x5  }
0x31f: {  	_ =	swait.ge @!p0 [sflag:s0], s1  }
0x320: {  	s1 =	ssub.s32 @!p0 $0x0, s1;
	[sflag:s0] =	ssyncset.done @!p0 $0x0  }
0x321: {  	[sflag:s0] =	ssyncadd.s32 @!p0 s1  }
0x322: {  	[bflag:$0x3] =	sbarrier.arrive $0xFFFF  }
0x323: {  	_ =	shalt  }

</sc_bundles>
